<compile_context>
chip_gen: v7x
topology: tpu7x:2x2x1
jax: 0.10.2.dev20260603
libtpu: 0.0.44.dev20260713+nightly
codegen_flags: <defaults>
</compile_context>

<pallas_src>
import functools

import jax
import jax.numpy as jnp
from jax import lax
from jax.experimental import pallas as pl
from jax.experimental.pallas import tpu as pltpu
from jax.experimental.pallas import tpu_sc as plsc

_K = 10
_TR = 1024
_TE = 512


def _pcall(*args, **kwargs):
    return pl.pallas_call(*args, **kwargs)



def _topk_body(x_ref, xall_ref, idx_ref, *, n, k):
    b = pl.program_id(0)
    xr = x_ref[0]
    xa = xall_ref[0]
    d2r = jnp.sum(xr * xr, axis=1, keepdims=True)
    d2a = jnp.sum(xa * xa, axis=1)
    cross = lax.dot_general(
        xr.astype(jnp.bfloat16), xa.astype(jnp.bfloat16),
        dimension_numbers=(((1,), (1,)), ((), ())),
        preferred_element_type=jnp.float32)
    dist = d2r + d2a[None, :] - 2.0 * cross
    iota = lax.broadcasted_iota(jnp.int32, dist.shape, 1)
    cols = []
    for _ in range(k):
        m = jnp.min(dist, axis=1, keepdims=True)
        am = jnp.min(jnp.where(dist == m, iota, n), axis=1, keepdims=True)
        cols.append(am)
        dist = jnp.where(iota == am, jnp.inf, dist)
    idx_ref[0] = jnp.concatenate(cols, axis=1) + b * n


def _topk(h, k):
    B, N, dp = h.shape
    return _pcall(
        functools.partial(_topk_body, n=N, k=k),
        grid=(B, N // _TR),
        in_specs=[
            pl.BlockSpec((1, _TR, dp), lambda b, t: (b, t, 0)),
            pl.BlockSpec((1, N, dp), lambda b, t: (b, 0, 0)),
        ],
        out_specs=pl.BlockSpec((1, _TR, k), lambda b, t: (b, t, 0)),
        out_shape=jax.ShapeDtypeStruct((B, N, k), jnp.int32),
    )(h, h)



def _sc_gather(idx_flat, x2d):
    E = idx_flat.shape[0]
    BN, dp = x2d.shape
    info = plsc.get_sparse_core_info()
    nc = info.num_cores
    nw = nc * info.num_subcores
    PE = E // nw
    NB = 4 if dp <= 128 else 2
    G = 128
    while NB * G * dp * 4 + PE * 4 > 480 * 1024:
        G //= 2
    NQ = PE // (NB * G)
    mesh = plsc.VectorSubcoreMesh(core_axis_name="c", subcore_axis_name="s")

    @functools.partial(
        pl.kernel, mesh=mesh,
        out_type=jax.ShapeDtypeStruct((E, dp), jnp.float32),
        scratch_types=[
            pltpu.VMEM((PE,), jnp.int32),
        ] + [pltpu.VMEM((G, dp), jnp.float32) for _ in range(NB)]
          + [pltpu.SemaphoreType.DMA for _ in range(NB)],
    )
    def run(idx_hbm, x_hbm, out_hbm, idx_v, *bufsem):
        bufs = bufsem[:NB]
        sems = bufsem[NB:]
        wid = lax.axis_index("s") * nc + lax.axis_index("c")
        base = wid * PE
        pltpu.sync_copy(idx_hbm.at[pl.ds(base, PE)], idx_v)
        for s in range(NB - 1):
            pltpu.async_copy(
                x_hbm.at[idx_v.at[pl.ds(s * G, G)]], bufs[s], sems[s])

        def ring(q, carry):
            o0 = q * (NB * G)
            pltpu.async_copy(
                x_hbm.at[idx_v.at[pl.ds(o0 + (NB - 1) * G, G)]],
                bufs[NB - 1], sems[NB - 1])
            for s in range(NB):
                o = o0 + s * G
                pltpu.make_async_copy(
                    x_hbm.at[idx_v.at[pl.ds(o, G)]], bufs[s], sems[s]).wait()
                pltpu.sync_copy(bufs[s], out_hbm.at[pl.ds(base + o, G)])
                if s < NB - 1:
                    @pl.when(q + 1 < NQ)
                    def _():
                        pltpu.async_copy(
                            x_hbm.at[idx_v.at[pl.ds(o + NB * G, G)]],
                            bufs[s], sems[s])
            return carry

        lax.fori_loop(0, NQ, ring, 0)

    return run(idx_flat, x2d)



def _edge_body(xg_ref, x_ref, w_ref, bias_ref, out_ref, *, k, d, dout, dpo):
    xr_b = x_ref[:, :d].astype(jnp.bfloat16)
    acc = None
    for j in range(k):
        diff = (xg_ref[j][:, :d] - x_ref[:, :d]).astype(jnp.bfloat16)
        msg = jnp.concatenate([xr_b, diff], axis=1)
        e = jnp.dot(msg, w_ref[...], preferred_element_type=jnp.float32)
        e = e + bias_ref[...]
        e = jnp.maximum(e, 0.2 * e)
        acc = e if acc is None else jnp.maximum(acc, e)
    if dpo != dout:
        acc = jnp.concatenate(
            [acc, jnp.zeros((acc.shape[0], dpo - dout), jnp.float32)], axis=1)
    out_ref[...] = acc


def _edge_mlp(xg, x2d, w, bias, k, dout):
    E, dp = xg.shape
    BN = x2d.shape[0]
    d = w.shape[0] // 2
    dpo = max(dout, 128)
    out = _pcall(
        functools.partial(_edge_body, k=k, d=d, dout=dout, dpo=dpo),
        grid=(BN // _TE,),
        in_specs=[
            pl.BlockSpec((k, _TE, dp), lambda t: (0, t, 0)),
            pl.BlockSpec((_TE, dp), lambda t: (t, 0)),
            pl.BlockSpec((2 * d, dout), lambda t: (0, 0)),
            pl.BlockSpec((1, dout), lambda t: (0, 0)),
        ],
        out_specs=pl.BlockSpec((_TE, dpo), lambda t: (t, 0)),
        out_shape=jax.ShapeDtypeStruct((BN, dpo), jnp.float32),
    )(xg.reshape(k, BN, dp), x2d, w, bias)
    return out



def _final_body(h_ref, m0_ref, m1_ref, m2_ref, c0_ref, c1_ref, c2_ref,
                out_ref):
    hm = jnp.max(h_ref[0], axis=0, keepdims=True)
    o = jnp.dot(hm.astype(jnp.bfloat16), m0_ref[...],
                preferred_element_type=jnp.float32) + c0_ref[...]
    o = jnp.dot(o.astype(jnp.bfloat16), m1_ref[...],
                preferred_element_type=jnp.float32) + c1_ref[...]
    o = jnp.dot(o.astype(jnp.bfloat16), m2_ref[...],
                preferred_element_type=jnp.float32) + c2_ref[...]
    out_ref[0] = o


def _final(h, m0, m1, m2, c0, c1, c2):
    B, N, dh = h.shape
    f0, f1, f2 = m0.shape[1], m1.shape[1], m2.shape[1]
    out = _pcall(
        _final_body,
        grid=(B,),
        in_specs=[
            pl.BlockSpec((1, N, dh), lambda b: (b, 0, 0)),
            pl.BlockSpec((dh, f0), lambda b: (0, 0)),
            pl.BlockSpec((f0, f1), lambda b: (0, 0)),
            pl.BlockSpec((f1, f2), lambda b: (0, 0)),
            pl.BlockSpec((1, f0), lambda b: (0, 0)),
            pl.BlockSpec((1, f1), lambda b: (0, 0)),
            pl.BlockSpec((1, f2), lambda b: (0, 0)),
        ],
        out_specs=pl.BlockSpec((1, 1, f2), lambda b: (b, 0, 0)),
        out_shape=jax.ShapeDtypeStruct((B, 1, f2), jnp.float32),
    )(h, m0, m1, m2, c0, c1, c2)
    return out.reshape(B, f2)



def kernel(x, W0, b0, W1, b1, W2, b2, W3, b3, W4, b4,
           M0, c0, M1, c1, M2, c2):
    B, N, d0 = x.shape
    BN = B * N
    h = jnp.pad(x, ((0, 0), (0, 0), (0, 128 - d0)))
    for W, b in [(W0, b0), (W1, b1), (W2, b2), (W3, b3), (W4, b4)]:
        dp = h.shape[-1]
        d = W.shape[1] // 2
        dout = W.shape[0]
        wf = jnp.zeros((2 * dp, dout), jnp.float32)
        wf = wf.at[:d].set(W[:, :d].T).at[dp:dp + d].set(W[:, d:].T)
        wf = wf.astype(jnp.bfloat16)
        idx = _topk(h, _K)
        idx_t = idx.reshape(BN, _K).T.reshape(BN * _K)
        xg = _sc_gather(idx_t, h.reshape(BN, dp))
        hw = _edge_mlp(xg, h.reshape(BN, dp),
                       wf, b.reshape(1, -1), _K, dout)
        h = hw.reshape(B, N, hw.shape[-1])
    return _final(h[..., :M0.shape[1]],
                  M0.T.astype(jnp.bfloat16), M1.T.astype(jnp.bfloat16),
                  M2.T.astype(jnp.bfloat16),
                  c0.reshape(1, -1), c1.reshape(1, -1), c2.reshape(1, -1))

# --- scband reference (transcript-rebuilt; emitter-appended) ---
"""Pipeline reference for scband-dynamic-edge-discriminator-14809047236960 (READ-ONLY COPY).

The authoritative reference and input builder live on the scoring server;
editing this copy changes nothing except your own understanding.
"""

import jax, jax.numpy as jnp
import numpy as np

FEATS = [3, 64, 128, 256, 512, 1024]
MLP_FEATS = [1024, 128, 64, 1]
K_NN = 10
B = 4
N = 2048


def setup_inputs(seed: int = 0) -> dict:
    key = jax.random.key(seed)
    keys = jax.random.split(key, 16)
    inp = {"x": jax.random.normal(keys[0], (B, N, 3), dtype=jnp.float32)}
    ki = 1
    for i in range(5):
        fin, fout = 2 * FEATS[i], FEATS[i + 1]
        inp[f"W{i}"] = jax.random.normal(keys[ki], (fout, fin), dtype=jnp.float32) / np.sqrt(fin)
        inp[f"b{i}"] = jnp.zeros((fout,), dtype=jnp.float32)
        ki += 1
    for i in range(3):
        fin, fout = MLP_FEATS[i], MLP_FEATS[i + 1]
        inp[f"M{i}"] = jax.random.normal(keys[ki], (fout, fin), dtype=jnp.float32) / np.sqrt(fin)
        inp[f"c{i}"] = jnp.zeros((fout,), dtype=jnp.float32)
        ki += 1
    return inp


def _knn_idx(x, k):
    # per-cloud kNN: x [B, N, d]; includes self like torch_cluster.knn(x, x, k)
    d2 = jnp.sum(x * x, axis=-1)
    dist = d2[:, :, None] + d2[:, None, :] - 2.0 * jnp.einsum('bnd,bmd->bnm', x, x)
    _, idx = jax.lax.top_k(-dist, k)  # [B, N, k]
    return jax.lax.stop_gradient(idx)


def _edge_conv(x, W, b, k):
    # DynamicEdgeConv: h_i = max_j LeakyReLU(Linear([x_i, x_j - x_i]))
    idx = _knn_idx(x, k)
    xj = jax.vmap(lambda xb, ib: xb[ib])(x, idx)  # gather neighbors [B, N, k, d]
    xi = jnp.broadcast_to(x[:, :, None, :], xj.shape)
    msg = jnp.concatenate([xi, xj - xi], axis=-1)  # [B, N, k, 2d]
    h = msg @ W.T + b
    h = jax.nn.leaky_relu(h, negative_slope=0.2)
    return jnp.max(h, axis=2)  # max aggregation over k neighbors


def reference(x, W0, b0, W1, b1, W2, b2, W3, b3, W4, b4, M0, c0, M1, c1, M2, c2):
    h = x
    for W, b in [(W0, b0), (W1, b1), (W2, b2), (W3, b3), (W4, b4)]:
        h = _edge_conv(h, W, b, K_NN)
    # h: [B, N, 1024]; MaxPool1d(kernel_size=2048) over the point dim -> [B, 1024]
    out = jnp.max(h, axis=1)
    for M, c in [(M0, c0), (M1, c1), (M2, c2)]:
        out = out @ M.T + c
    return out  # [B, 1]

if __name__ == "__main__":
    import jax
    _d = setup_inputs()
    print(jax.jit(kernel)(*tuple(_d.values())))

</pallas_src>

<mosaic_0001>
#map = affine_map<(d0, d1) -> (0)>
#map1 = affine_map<(d0, d1) -> (0, 0)>
module attributes {stable_mosaic.version = 14 : i64} {
  func.func @run(%arg0: i32, %arg1: i32, %arg2: memref<81920xi32, #tpu.memory_space<hbm>>, %arg3: memref<8192x128xf32, #tpu.memory_space<hbm>>, %arg4: memref<81920x128xf32, #tpu.memory_space<hbm>>, %arg5: memref<2560xi32, #tpu.memory_space<vmem>>, %arg6: memref<128x128xf32, #tpu.memory_space<vmem>>, %arg7: memref<128x128xf32, #tpu.memory_space<vmem>>, %arg8: memref<128x128xf32, #tpu.memory_space<vmem>>, %arg9: memref<128x128xf32, #tpu.memory_space<vmem>>, %arg10: memref<!tpu.dma_semaphore, #tpu.memory_space<semaphore_mem>>, %arg11: memref<!tpu.dma_semaphore, #tpu.memory_space<semaphore_mem>>, %arg12: memref<!tpu.dma_semaphore, #tpu.memory_space<semaphore_mem>>, %arg13: memref<!tpu.dma_semaphore, #tpu.memory_space<semaphore_mem>>) attributes {dimension_semantics = [#tpu.dimension_semantics<core_parallel>, #tpu.dimension_semantics<subcore_parallel>], iteration_bounds = array<i64: 2, 16>, scalar_prefetch = 0 : i64, scratch_operands = 9 : i64, tpu.core_type = #tpu.core_type<sc_vector_subcore>, window_params = [{transform_indices = #map}, {transform_indices = #map1}, {transform_indices = #map1}]} {
    %mul3A = arith.constant 2 : i32
    %mul3A_0 = arith.muli %arg1, %mul3A : i32
    %add3A = arith.addi %mul3A_0, %arg0 : i32
    %mul3A_1 = arith.constant 2560 : i32
    %mul3A_2 = arith.muli %add3A, %mul3A_1 : i32
    "tpu.region"() ({
      %run_scoped3A = tpu.sem_alloc : memref<!tpu.dma_semaphore, #tpu.memory_space<semaphore_mem>>
      %dma_start3A_22 = tpu.memref_slice %arg2[%mul3A_2] : memref<81920xi32, #tpu.memory_space<hbm>> -> memref<2560xi32, #tpu.memory_space<hbm>>
      %dma_start3A_23 = tpu.memref_slice %arg2[%mul3A_2] : memref<81920xi32, #tpu.memory_space<hbm>> -> memref<2560xi32, #tpu.memory_space<hbm>>
      tpu.enqueue_dma source(%dma_start3A_23 : memref<2560xi32, #tpu.memory_space<hbm>>) target(%arg5 : memref<2560xi32, #tpu.memory_space<vmem>>) target_semaphore(%run_scoped3A : memref<!tpu.dma_semaphore, #tpu.memory_space<semaphore_mem>>)
      %dma_wait3A = tpu.memref_slice %arg2[%mul3A_2] : memref<81920xi32, #tpu.memory_space<hbm>> -> memref<2560xi32, #tpu.memory_space<hbm>>
      %dma_wait3A_24 = tpu.memref_slice %arg2[%mul3A_2] : memref<81920xi32, #tpu.memory_space<hbm>> -> memref<2560xi32, #tpu.memory_space<hbm>>
      tpu.wait_dma2 semaphore(%run_scoped3A : memref<!tpu.dma_semaphore, #tpu.memory_space<semaphore_mem>>) src(%dma_wait3A_24 : memref<2560xi32, #tpu.memory_space<hbm>>) dst(%arg5 : memref<2560xi32, #tpu.memory_space<vmem>>)
      tpu.yield
    }) : () -> ()
    %dma_start3A = arith.constant 0 : i32
    %dma_start3A_3 = tpu.memref_slice %arg5[%dma_start3A] : memref<2560xi32, #tpu.memory_space<vmem>> -> memref<128xi32, #tpu.memory_space<vmem>>
    %dma_start3A_4 = arith.constant 0 : i32
    %dma_start3A_5 = arith.constant 0 : i32
    %dma_start3A_6 = tpu.memref_slice %arg3[%dma_start3A_4, %dma_start3A_5] : memref<8192x128xf32, #tpu.memory_space<hbm>> -> memref<8192x128xf32, #tpu.memory_space<hbm>>
    tpu.enqueue_indirect_dma source(%dma_start3A_6 : memref<8192x128xf32, #tpu.memory_space<hbm>>) target(%arg6 : memref<128x128xf32, #tpu.memory_space<vmem>>) offsets(%dma_start3A_3 : memref<128xi32, #tpu.memory_space<vmem>>) semaphore(%arg10 : memref<!tpu.dma_semaphore, #tpu.memory_space<semaphore_mem>>)
    %dma_start3A_7 = arith.constant 128 : i32
    %dma_start3A_8 = tpu.memref_slice %arg5[%dma_start3A_7] : memref<2560xi32, #tpu.memory_space<vmem>> -> memref<128xi32, #tpu.memory_space<vmem>>
    %dma_start3A_9 = arith.constant 0 : i32
    %dma_start3A_10 = arith.constant 0 : i32
    %dma_start3A_11 = tpu.memref_slice %arg3[%dma_start3A_9, %dma_start3A_10] : memref<8192x128xf32, #tpu.memory_space<hbm>> -> memref<8192x128xf32, #tpu.memory_space<hbm>>
    tpu.enqueue_indirect_dma source(%dma_start3A_11 : memref<8192x128xf32, #tpu.memory_space<hbm>>) target(%arg7 : memref<128x128xf32, #tpu.memory_space<vmem>>) offsets(%dma_start3A_8 : memref<128xi32, #tpu.memory_space<vmem>>) semaphore(%arg11 : memref<!tpu.dma_semaphore, #tpu.memory_space<semaphore_mem>>)
    %dma_start3A_12 = arith.constant 256 : i32
    %dma_start3A_13 = tpu.memref_slice %arg5[%dma_start3A_12] : memref<2560xi32, #tpu.memory_space<vmem>> -> memref<128xi32, #tpu.memory_space<vmem>>
    %dma_start3A_14 = arith.constant 0 : i32
    %dma_start3A_15 = arith.constant 0 : i32
    %dma_start3A_16 = tpu.memref_slice %arg3[%dma_start3A_14, %dma_start3A_15] : memref<8192x128xf32, #tpu.memory_space<hbm>> -> memref<8192x128xf32, #tpu.memory_space<hbm>>
    tpu.enqueue_indirect_dma source(%dma_start3A_16 : memref<8192x128xf32, #tpu.memory_space<hbm>>) target(%arg8 : memref<128x128xf32, #tpu.memory_space<vmem>>) offsets(%dma_start3A_13 : memref<128xi32, #tpu.memory_space<vmem>>) semaphore(%arg12 : memref<!tpu.dma_semaphore, #tpu.memory_space<semaphore_mem>>)
    %scan3A = arith.constant 0 : i32
    %scan3A_17 = arith.constant 0 : i32
    %scan3A_18 = arith.constant 5 : i32
    %scan3A_19 = arith.addi %scan3A_17, %scan3A_18 : i32
    %scan3A_20 = arith.constant 1 : i32
    scf.for %scan3A_22 = %scan3A_17 to %scan3A_19 step %scan3A_20  : i32 {
      %mul3A_23 = arith.constant 512 : i32
      %mul3A_24 = arith.muli %scan3A_22, %mul3A_23 : i32
      %add3A_25 = arith.constant 384 : i32
      %add3A_26 = arith.addi %mul3A_24, %add3A_25 : i32
      %dma_start3A_27 = tpu.memref_slice %arg5[%add3A_26] : memref<2560xi32, #tpu.memory_space<vmem>> -> memref<128xi32, #tpu.memory_space<vmem>>
      %dma_start3A_28 = arith.constant 0 : i32
      %dma_start3A_29 = arith.constant 0 : i32
      %dma_start3A_30 = tpu.memref_slice %arg3[%dma_start3A_28, %dma_start3A_29] : memref<8192x128xf32, #tpu.memory_space<hbm>> -> memref<8192x128xf32, #tpu.memory_space<hbm>>
      tpu.enqueue_indirect_dma source(%dma_start3A_30 : memref<8192x128xf32, #tpu.memory_space<hbm>>) target(%arg9 : memref<128x128xf32, #tpu.memory_space<vmem>>) offsets(%dma_start3A_27 : memref<128xi32, #tpu.memory_space<vmem>>) semaphore(%arg13 : memref<!tpu.dma_semaphore, #tpu.memory_space<semaphore_mem>>)
      %add3A_31 = arith.constant 0 : i32
      %add3A_32 = arith.addi %mul3A_24, %add3A_31 : i32
      %dma_wait3A = tpu.memref_slice %arg5[%add3A_32] : memref<2560xi32, #tpu.memory_space<vmem>> -> memref<128xi32, #tpu.memory_space<vmem>>
      %dma_wait3A_33 = arith.constant 0 : i32
      %dma_wait3A_34 = arith.constant 0 : i32
      %dma_wait3A_35 = tpu.memref_slice %arg3[%dma_wait3A_33, %dma_wait3A_34] : memref<8192x128xf32, #tpu.memory_space<hbm>> -> memref<8192x128xf32, #tpu.memory_space<hbm>>
      tpu.wait_indirect_dma semaphore(%arg10 : memref<!tpu.dma_semaphore, #tpu.memory_space<semaphore_mem>>) src(%dma_wait3A_35 : memref<8192x128xf32, #tpu.memory_space<hbm>>) dst(%arg6 : memref<128x128xf32, #tpu.memory_space<vmem>>)
      %add3A_36 = arith.addi %mul3A_2, %add3A_32 : i32
      "tpu.region"() ({
        %run_scoped3A = tpu.sem_alloc : memref<!tpu.dma_semaphore, #tpu.memory_space<semaphore_mem>>
        %dma_start3A_76 = arith.constant 0 : i32
        %dma_start3A_77 = tpu.memref_slice %arg4[%add3A_36, %dma_start3A_76] : memref<81920x128xf32, #tpu.memory_space<hbm>> -> memref<128x128xf32, #tpu.memory_space<hbm>>
        %dma_start3A_78 = arith.constant 0 : i32
        %dma_start3A_79 = tpu.memref_slice %arg4[%add3A_36, %dma_start3A_78] : memref<81920x128xf32, #tpu.memory_space<hbm>> -> memref<128x128xf32, #tpu.memory_space<hbm>>
        tpu.enqueue_dma source(%arg6 : memref<128x128xf32, #tpu.memory_space<vmem>>) target(%dma_start3A_79 : memref<128x128xf32, #tpu.memory_space<hbm>>) target_semaphore(%run_scoped3A : memref<!tpu.dma_semaphore, #tpu.memory_space<semaphore_mem>>)
        %dma_wait3A_80 = arith.constant 0 : i32
        %dma_wait3A_81 = tpu.memref_slice %arg4[%add3A_36, %dma_wait3A_80] : memref<81920x128xf32, #tpu.memory_space<hbm>> -> memref<128x128xf32, #tpu.memory_space<hbm>>
        %dma_wait3A_82 = arith.constant 0 : i32
        %dma_wait3A_83 = tpu.memref_slice %arg4[%add3A_36, %dma_wait3A_82] : memref<81920x128xf32, #tpu.memory_space<hbm>> -> memref<128x128xf32, #tpu.memory_space<hbm>>
        tpu.wait_dma2 semaphore(%run_scoped3A : memref<!tpu.dma_semaphore, #tpu.memory_space<semaphore_mem>>) src(%arg6 : memref<128x128xf32, #tpu.memory_space<vmem>>) dst(%dma_wait3A_83 : memref<128x128xf32, #tpu.memory_space<hbm>>)
        tpu.yield
      }) : () -> ()
      %add3A_37 = arith.constant 1 : i32
      %add3A_38 = arith.addi %scan3A_22, %add3A_37 : i32
      %lt3A = arith.constant 5 : i32
      %lt3A_39 = arith.cmpi slt, %add3A_38, %lt3A : i32
      %convert_element_type3A = arith.extui %lt3A_39 : i1 to i32
      %cond3A = arith.constant 0 : i32
      %cond3A_40 = arith.cmpi ne, %convert_element_type3A, %cond3A : i32
      scf.if %cond3A_40 {
        %add3A_76 = arith.constant 512 : i32
        %add3A_77 = arith.addi %add3A_32, %add3A_76 : i32
        %dma_start3A_78 = tpu.memref_slice %arg5[%add3A_77] : memref<2560xi32, #tpu.memory_space<vmem>> -> memref<128xi32, #tpu.memory_space<vmem>>
        %dma_start3A_79 = arith.constant 0 : i32
        %dma_start3A_80 = arith.constant 0 : i32
        %dma_start3A_81 = tpu.memref_slice %arg3[%dma_start3A_79, %dma_start3A_80] : memref<8192x128xf32, #tpu.memory_space<hbm>> -> memref<8192x128xf32, #tpu.memory_space<hbm>>
        tpu.enqueue_indirect_dma source(%dma_start3A_81 : memref<8192x128xf32, #tpu.memory_space<hbm>>) target(%arg6 : memref<128x128xf32, #tpu.memory_space<vmem>>) offsets(%dma_start3A_78 : memref<128xi32, #tpu.memory_space<vmem>>) semaphore(%arg10 : memref<!tpu.dma_semaphore, #tpu.memory_space<semaphore_mem>>)
      } else {
      }
      %add3A_41 = arith.constant 128 : i32
      %add3A_42 = arith.addi %mul3A_24, %add3A_41 : i32
      %dma_wait3A_43 = tpu.memref_slice %arg5[%add3A_42] : memref<2560xi32, #tpu.memory_space<vmem>> -> memref<128xi32, #tpu.memory_space<vmem>>
      %dma_wait3A_44 = arith.constant 0 : i32
      %dma_wait3A_45 = arith.constant 0 : i32
      %dma_wait3A_46 = tpu.memref_slice %arg3[%dma_wait3A_44, %dma_wait3A_45] : memref<8192x128xf32, #tpu.memory_space<hbm>> -> memref<8192x128xf32, #tpu.memory_space<hbm>>
      tpu.wait_indirect_dma semaphore(%arg11 : memref<!tpu.dma_semaphore, #tpu.memory_space<semaphore_mem>>) src(%dma_wait3A_46 : memref<8192x128xf32, #tpu.memory_space<hbm>>) dst(%arg7 : memref<128x128xf32, #tpu.memory_space<vmem>>)
      %add3A_47 = arith.addi %mul3A_2, %add3A_42 : i32
      "tpu.region"() ({
        %run_scoped3A = tpu.sem_alloc : memref<!tpu.dma_semaphore, #tpu.memory_space<semaphore_mem>>
        %dma_start3A_76 = arith.constant 0 : i32
        %dma_start3A_77 = tpu.memref_slice %arg4[%add3A_47, %dma_start3A_76] : memref<81920x128xf32, #tpu.memory_space<hbm>> -> memref<128x128xf32, #tpu.memory_space<hbm>>
        %dma_start3A_78 = arith.constant 0 : i32
        %dma_start3A_79 = tpu.memref_slice %arg4[%add3A_47, %dma_start3A_78] : memref<81920x128xf32, #tpu.memory_space<hbm>> -> memref<128x128xf32, #tpu.memory_space<hbm>>
        tpu.enqueue_dma source(%arg7 : memref<128x128xf32, #tpu.memory_space<vmem>>) target(%dma_start3A_79 : memref<128x128xf32, #tpu.memory_space<hbm>>) target_semaphore(%run_scoped3A : memref<!tpu.dma_semaphore, #tpu.memory_space<semaphore_mem>>)
        %dma_wait3A_80 = arith.constant 0 : i32
        %dma_wait3A_81 = tpu.memref_slice %arg4[%add3A_47, %dma_wait3A_80] : memref<81920x128xf32, #tpu.memory_space<hbm>> -> memref<128x128xf32, #tpu.memory_space<hbm>>
        %dma_wait3A_82 = arith.constant 0 : i32
        %dma_wait3A_83 = tpu.memref_slice %arg4[%add3A_47, %dma_wait3A_82] : memref<81920x128xf32, #tpu.memory_space<hbm>> -> memref<128x128xf32, #tpu.memory_space<hbm>>
        tpu.wait_dma2 semaphore(%run_scoped3A : memref<!tpu.dma_semaphore, #tpu.memory_space<semaphore_mem>>) src(%arg7 : memref<128x128xf32, #tpu.memory_space<vmem>>) dst(%dma_wait3A_83 : memref<128x128xf32, #tpu.memory_space<hbm>>)
        tpu.yield
      }) : () -> ()
      %add3A_48 = arith.constant 1 : i32
      %add3A_49 = arith.addi %scan3A_22, %add3A_48 : i32
      %lt3A_50 = arith.constant 5 : i32
      %lt3A_51 = arith.cmpi slt, %add3A_49, %lt3A_50 : i32
      %convert_element_type3A_52 = arith.extui %lt3A_51 : i1 to i32
      %cond3A_53 = arith.constant 0 : i32
      %cond3A_54 = arith.cmpi ne, %convert_element_type3A_52, %cond3A_53 : i32
      scf.if %cond3A_54 {
        %add3A_76 = arith.constant 512 : i32
        %add3A_77 = arith.addi %add3A_42, %add3A_76 : i32
        %dma_start3A_78 = tpu.memref_slice %arg5[%add3A_77] : memref<2560xi32, #tpu.memory_space<vmem>> -> memref<128xi32, #tpu.memory_space<vmem>>
        %dma_start3A_79 = arith.constant 0 : i32
        %dma_start3A_80 = arith.constant 0 : i32
        %dma_start3A_81 = tpu.memref_slice %arg3[%dma_start3A_79, %dma_start3A_80] : memref<8192x128xf32, #tpu.memory_space<hbm>> -> memref<8192x128xf32, #tpu.memory_space<hbm>>
        tpu.enqueue_indirect_dma source(%dma_start3A_81 : memref<8192x128xf32, #tpu.memory_space<hbm>>) target(%arg7 : memref<128x128xf32, #tpu.memory_space<vmem>>) offsets(%dma_start3A_78 : memref<128xi32, #tpu.memory_space<vmem>>) semaphore(%arg11 : memref<!tpu.dma_semaphore, #tpu.memory_space<semaphore_mem>>)
      } else {
      }
      %add3A_55 = arith.constant 256 : i32
      %add3A_56 = arith.addi %mul3A_24, %add3A_55 : i32
      %dma_wait3A_57 = tpu.memref_slice %arg5[%add3A_56] : memref<2560xi32, #tpu.memory_space<vmem>> -> memref<128xi32, #tpu.memory_space<vmem>>
      %dma_wait3A_58 = arith.constant 0 : i32
      %dma_wait3A_59 = arith.constant 0 : i32
      %dma_wait3A_60 = tpu.memref_slice %arg3[%dma_wait3A_58, %dma_wait3A_59] : memref<8192x128xf32, #tpu.memory_space<hbm>> -> memref<8192x128xf32, #tpu.memory_space<hbm>>
      tpu.wait_indirect_dma semaphore(%arg12 : memref<!tpu.dma_semaphore, #tpu.memory_space<semaphore_mem>>) src(%dma_wait3A_60 : memref<8192x128xf32, #tpu.memory_space<hbm>>) dst(%arg8 : memref<128x128xf32, #tpu.memory_space<vmem>>)
      %add3A_61 = arith.addi %mul3A_2, %add3A_56 : i32
      "tpu.region"() ({
        %run_scoped3A = tpu.sem_alloc : memref<!tpu.dma_semaphore, #tpu.memory_space<semaphore_mem>>
        %dma_start3A_76 = arith.constant 0 : i32
        %dma_start3A_77 = tpu.memref_slice %arg4[%add3A_61, %dma_start3A_76] : memref<81920x128xf32, #tpu.memory_space<hbm>> -> memref<128x128xf32, #tpu.memory_space<hbm>>
        %dma_start3A_78 = arith.constant 0 : i32
        %dma_start3A_79 = tpu.memref_slice %arg4[%add3A_61, %dma_start3A_78] : memref<81920x128xf32, #tpu.memory_space<hbm>> -> memref<128x128xf32, #tpu.memory_space<hbm>>
        tpu.enqueue_dma source(%arg8 : memref<128x128xf32, #tpu.memory_space<vmem>>) target(%dma_start3A_79 : memref<128x128xf32, #tpu.memory_space<hbm>>) target_semaphore(%run_scoped3A : memref<!tpu.dma_semaphore, #tpu.memory_space<semaphore_mem>>)
        %dma_wait3A_80 = arith.constant 0 : i32
        %dma_wait3A_81 = tpu.memref_slice %arg4[%add3A_61, %dma_wait3A_80] : memref<81920x128xf32, #tpu.memory_space<hbm>> -> memref<128x128xf32, #tpu.memory_space<hbm>>
        %dma_wait3A_82 = arith.constant 0 : i32
        %dma_wait3A_83 = tpu.memref_slice %arg4[%add3A_61, %dma_wait3A_82] : memref<81920x128xf32, #tpu.memory_space<hbm>> -> memref<128x128xf32, #tpu.memory_space<hbm>>
        tpu.wait_dma2 semaphore(%run_scoped3A : memref<!tpu.dma_semaphore, #tpu.memory_space<semaphore_mem>>) src(%arg8 : memref<128x128xf32, #tpu.memory_space<vmem>>) dst(%dma_wait3A_83 : memref<128x128xf32, #tpu.memory_space<hbm>>)
        tpu.yield
      }) : () -> ()
      %add3A_62 = arith.constant 1 : i32
      %add3A_63 = arith.addi %scan3A_22, %add3A_62 : i32
      %lt3A_64 = arith.constant 5 : i32
      %lt3A_65 = arith.cmpi slt, %add3A_63, %lt3A_64 : i32
      %convert_element_type3A_66 = arith.extui %lt3A_65 : i1 to i32
      %cond3A_67 = arith.constant 0 : i32
      %cond3A_68 = arith.cmpi ne, %convert_element_type3A_66, %cond3A_67 : i32
      scf.if %cond3A_68 {
        %add3A_76 = arith.constant 512 : i32
        %add3A_77 = arith.addi %add3A_56, %add3A_76 : i32
        %dma_start3A_78 = tpu.memref_slice %arg5[%add3A_77] : memref<2560xi32, #tpu.memory_space<vmem>> -> memref<128xi32, #tpu.memory_space<vmem>>
        %dma_start3A_79 = arith.constant 0 : i32
        %dma_start3A_80 = arith.constant 0 : i32
        %dma_start3A_81 = tpu.memref_slice %arg3[%dma_start3A_79, %dma_start3A_80] : memref<8192x128xf32, #tpu.memory_space<hbm>> -> memref<8192x128xf32, #tpu.memory_space<hbm>>
        tpu.enqueue_indirect_dma source(%dma_start3A_81 : memref<8192x128xf32, #tpu.memory_space<hbm>>) target(%arg8 : memref<128x128xf32, #tpu.memory_space<vmem>>) offsets(%dma_start3A_78 : memref<128xi32, #tpu.memory_space<vmem>>) semaphore(%arg12 : memref<!tpu.dma_semaphore, #tpu.memory_space<semaphore_mem>>)
      } else {
      }
      %add3A_69 = arith.constant 384 : i32
      %add3A_70 = arith.addi %mul3A_24, %add3A_69 : i32
      %dma_wait3A_71 = tpu.memref_slice %arg5[%add3A_70] : memref<2560xi32, #tpu.memory_space<vmem>> -> memref<128xi32, #tpu.memory_space<vmem>>
      %dma_wait3A_72 = arith.constant 0 : i32
      %dma_wait3A_73 = arith.constant 0 : i32
      %dma_wait3A_74 = tpu.memref_slice %arg3[%dma_wait3A_72, %dma_wait3A_73] : memref<8192x128xf32, #tpu.memory_space<hbm>> -> memref<8192x128xf32, #tpu.memory_space<hbm>>
      tpu.wait_indirect_dma semaphore(%arg13 : memref<!tpu.dma_semaphore, #tpu.memory_space<semaphore_mem>>) src(%dma_wait3A_74 : memref<8192x128xf32, #tpu.memory_space<hbm>>) dst(%arg9 : memref<128x128xf32, #tpu.memory_space<vmem>>)
      %add3A_75 = arith.addi %mul3A_2, %add3A_70 : i32
      "tpu.region"() ({
        %run_scoped3A = tpu.sem_alloc : memref<!tpu.dma_semaphore, #tpu.memory_space<semaphore_mem>>
        %dma_start3A_76 = arith.constant 0 : i32
        %dma_start3A_77 = tpu.memref_slice %arg4[%add3A_75, %dma_start3A_76] : memref<81920x128xf32, #tpu.memory_space<hbm>> -> memref<128x128xf32, #tpu.memory_space<hbm>>
        %dma_start3A_78 = arith.constant 0 : i32
        %dma_start3A_79 = tpu.memref_slice %arg4[%add3A_75, %dma_start3A_78] : memref<81920x128xf32, #tpu.memory_space<hbm>> -> memref<128x128xf32, #tpu.memory_space<hbm>>
        tpu.enqueue_dma source(%arg9 : memref<128x128xf32, #tpu.memory_space<vmem>>) target(%dma_start3A_79 : memref<128x128xf32, #tpu.memory_space<hbm>>) target_semaphore(%run_scoped3A : memref<!tpu.dma_semaphore, #tpu.memory_space<semaphore_mem>>)
        %dma_wait3A_80 = arith.constant 0 : i32
        %dma_wait3A_81 = tpu.memref_slice %arg4[%add3A_75, %dma_wait3A_80] : memref<81920x128xf32, #tpu.memory_space<hbm>> -> memref<128x128xf32, #tpu.memory_space<hbm>>
        %dma_wait3A_82 = arith.constant 0 : i32
        %dma_wait3A_83 = tpu.memref_slice %arg4[%add3A_75, %dma_wait3A_82] : memref<81920x128xf32, #tpu.memory_space<hbm>> -> memref<128x128xf32, #tpu.memory_space<hbm>>
        tpu.wait_dma2 semaphore(%run_scoped3A : memref<!tpu.dma_semaphore, #tpu.memory_space<semaphore_mem>>) src(%arg9 : memref<128x128xf32, #tpu.memory_space<vmem>>) dst(%dma_wait3A_83 : memref<128x128xf32, #tpu.memory_space<hbm>>)
        tpu.yield
      }) : () -> ()
    }
    %scan3A_21 = arith.constant 5 : i32
    return
  }
}

#map = affine_map<(d0, d1) -> (0)>
#map1 = affine_map<(d0, d1) -> (0, 0)>
module attributes {stable_mosaic.version = 14 : i64} {
  func.func @run(%arg0: i32, %arg1: i32, %arg2: memref<81920xi32, #tpu.memory_space<hbm>>, %arg3: memref<8192x128xf32, #tpu.memory_space<hbm>>, %arg4: memref<81920x128xf32, #tpu.memory_space<hbm>>, %arg5: memref<2560xi32, #tpu.memory_space<vmem>>, %arg6: memref<128x128xf32, #tpu.memory_space<vmem>>, %arg7: memref<128x128xf32, #tpu.memory_space<vmem>>, %arg8: memref<128x128xf32, #tpu.memory_space<vmem>>, %arg9: memref<128x128xf32, #tpu.memory_space<vmem>>, %arg10: memref<!tpu.dma_semaphore, #tpu.memory_space<semaphore_mem>>, %arg11: memref<!tpu.dma_semaphore, #tpu.memory_space<semaphore_mem>>, %arg12: memref<!tpu.dma_semaphore, #tpu.memory_space<semaphore_mem>>, %arg13: memref<!tpu.dma_semaphore, #tpu.memory_space<semaphore_mem>>) attributes {dimension_semantics = [#tpu.dimension_semantics<core_parallel>, #tpu.dimension_semantics<subcore_parallel>], iteration_bounds = array<i64: 2, 16>, scalar_prefetch = 0 : i64, scratch_operands = 9 : i64, tpu.core_type = #tpu.core_type<sc_vector_subcore>, window_params = [{transform_indices = #map}, {transform_indices = #map1}, {transform_indices = #map1}]} {
    %mul3A = arith.constant 2 : i32
    %mul3A_0 = arith.muli %arg1, %mul3A : i32
    %add3A = arith.addi %mul3A_0, %arg0 : i32
    %mul3A_1 = arith.constant 2560 : i32
    %mul3A_2 = arith.muli %add3A, %mul3A_1 : i32
    "tpu.region"() ({
      %run_scoped3A = tpu.sem_alloc : memref<!tpu.dma_semaphore, #tpu.memory_space<semaphore_mem>>
      %dma_start3A_22 = tpu.memref_slice %arg2[%mul3A_2] : memref<81920xi32, #tpu.memory_space<hbm>> -> memref<2560xi32, #tpu.memory_space<hbm>>
      %dma_start3A_23 = tpu.memref_slice %arg2[%mul3A_2] : memref<81920xi32, #tpu.memory_space<hbm>> -> memref<2560xi32, #tpu.memory_space<hbm>>
      tpu.enqueue_dma source(%dma_start3A_23 : memref<2560xi32, #tpu.memory_space<hbm>>) target(%arg5 : memref<2560xi32, #tpu.memory_space<vmem>>) target_semaphore(%run_scoped3A : memref<!tpu.dma_semaphore, #tpu.memory_space<semaphore_mem>>)
      %dma_wait3A = tpu.memref_slice %arg2[%mul3A_2] : memref<81920xi32, #tpu.memory_space<hbm>> -> memref<2560xi32, #tpu.memory_space<hbm>>
      %dma_wait3A_24 = tpu.memref_slice %arg2[%mul3A_2] : memref<81920xi32, #tpu.memory_space<hbm>> -> memref<2560xi32, #tpu.memory_space<hbm>>
      tpu.wait_dma2 semaphore(%run_scoped3A : memref<!tpu.dma_semaphore, #tpu.memory_space<semaphore_mem>>) src(%dma_wait3A_24 : memref<2560xi32, #tpu.memory_space<hbm>>) dst(%arg5 : memref<2560xi32, #tpu.memory_space<vmem>>)
      tpu.yield
    }) : () -> ()
    %dma_start3A = arith.constant 0 : i32
    %dma_start3A_3 = tpu.memref_slice %arg5[%dma_start3A] : memref<2560xi32, #tpu.memory_space<vmem>> -> memref<128xi32, #tpu.memory_space<vmem>>
    %dma_start3A_4 = arith.constant 0 : i32
    %dma_start3A_5 = arith.constant 0 : i32
    %dma_start3A_6 = tpu.memref_slice %arg3[%dma_start3A_4, %dma_start3A_5] : memref<8192x128xf32, #tpu.memory_space<hbm>> -> memref<8192x128xf32, #tpu.memory_space<hbm>>
    tpu.enqueue_indirect_dma source(%dma_start3A_6 : memref<8192x128xf32, #tpu.memory_space<hbm>>) target(%arg6 : memref<128x128xf32, #tpu.memory_space<vmem>>) offsets(%dma_start3A_3 : memref<128xi32, #tpu.memory_space<vmem>>) semaphore(%arg10 : memref<!tpu.dma_semaphore, #tpu.memory_space<semaphore_mem>>)
    %dma_start3A_7 = arith.constant 128 : i32
    %dma_start3A_8 = tpu.memref_slice %arg5[%dma_start3A_7] : memref<2560xi32, #tpu.memory_space<vmem>> -> memref<128xi32, #tpu.memory_space<vmem>>
    %dma_start3A_9 = arith.constant 0 : i32
    %dma_start3A_10 = arith.constant 0 : i32
    %dma_start3A_11 = tpu.memref_slice %arg3[%dma_start3A_9, %dma_start3A_10] : memref<8192x128xf32, #tpu.memory_space<hbm>> -> memref<8192x128xf32, #tpu.memory_space<hbm>>
    tpu.enqueue_indirect_dma source(%dma_start3A_11 : memref<8192x128xf32, #tpu.memory_space<hbm>>) target(%arg7 : memref<128x128xf32, #tpu.memory_space<vmem>>) offsets(%dma_start3A_8 : memref<128xi32, #tpu.memory_space<vmem>>) semaphore(%arg11 : memref<!tpu.dma_semaphore, #tpu.memory_space<semaphore_mem>>)
    %dma_start3A_12 = arith.constant 256 : i32
    %dma_start3A_13 = tpu.memref_slice %arg5[%dma_start3A_12] : memref<2560xi32, #tpu.memory_space<vmem>> -> memref<128xi32, #tpu.memory_space<vmem>>
    %dma_start3A_14 = arith.constant 0 : i32
    %dma_start3A_15 = arith.constant 0 : i32
    %dma_start3A_16 = tpu.memref_slice %arg3[%dma_start3A_14, %dma_start3A_15] : memref<8192x128xf32, #tpu.memory_space<hbm>> -> memref<8192x128xf32, #tpu.memory_space<hbm>>
    tpu.enqueue_indirect_dma source(%dma_start3A_16 : memref<8192x128xf32, #tpu.memory_space<hbm>>) target(%arg8 : memref<128x128xf32, #tpu.memory_space<vmem>>) offsets(%dma_start3A_13 : memref<128xi32, #tpu.memory_space<vmem>>) semaphore(%arg12 : memref<!tpu.dma_semaphore, #tpu.memory_space<semaphore_mem>>)
    %scan3A = arith.constant 0 : i32
    %scan3A_17 = arith.constant 0 : i32
    %scan3A_18 = arith.constant 5 : i32
    %scan3A_19 = arith.addi %scan3A_17, %scan3A_18 : i32
    %scan3A_20 = arith.constant 1 : i32
    scf.for %scan3A_22 = %scan3A_17 to %scan3A_19 step %scan3A_20  : i32 {
      %mul3A_23 = arith.constant 512 : i32
      %mul3A_24 = arith.muli %scan3A_22, %mul3A_23 : i32
      %add3A_25 = arith.constant 384 : i32
      %add3A_26 = arith.addi %mul3A_24, %add3A_25 : i32
      %dma_start3A_27 = tpu.memref_slice %arg5[%add3A_26] : memref<2560xi32, #tpu.memory_space<vmem>> -> memref<128xi32, #tpu.memory_space<vmem>>
      %dma_start3A_28 = arith.constant 0 : i32
      %dma_start3A_29 = arith.constant 0 : i32
      %dma_start3A_30 = tpu.memref_slice %arg3[%dma_start3A_28, %dma_start3A_29] : memref<8192x128xf32, #tpu.memory_space<hbm>> -> memref<8192x128xf32, #tpu.memory_space<hbm>>
      tpu.enqueue_indirect_dma source(%dma_start3A_30 : memref<8192x128xf32, #tpu.memory_space<hbm>>) target(%arg9 : memref<128x128xf32, #tpu.memory_space<vmem>>) offsets(%dma_start3A_27 : memref<128xi32, #tpu.memory_space<vmem>>) semaphore(%arg13 : memref<!tpu.dma_semaphore, #tpu.memory_space<semaphore_mem>>)
      %add3A_31 = arith.constant 0 : i32
      %add3A_32 = arith.addi %mul3A_24, %add3A_31 : i32
      %dma_wait3A = tpu.memref_slice %arg5[%add3A_32] : memref<2560xi32, #tpu.memory_space<vmem>> -> memref<128xi32, #tpu.memory_space<vmem>>
      %dma_wait3A_33 = arith.constant 0 : i32
      %dma_wait3A_34 = arith.constant 0 : i32
      %dma_wait3A_35 = tpu.memref_slice %arg3[%dma_wait3A_33, %dma_wait3A_34] : memref<8192x128xf32, #tpu.memory_space<hbm>> -> memref<8192x128xf32, #tpu.memory_space<hbm>>
      tpu.wait_indirect_dma semaphore(%arg10 : memref<!tpu.dma_semaphore, #tpu.memory_space<semaphore_mem>>) src(%dma_wait3A_35 : memref<8192x128xf32, #tpu.memory_space<hbm>>) dst(%arg6 : memref<128x128xf32, #tpu.memory_space<vmem>>)
      %add3A_36 = arith.addi %mul3A_2, %add3A_32 : i32
      "tpu.region"() ({
        %run_scoped3A = tpu.sem_alloc : memref<!tpu.dma_semaphore, #tpu.memory_space<semaphore_mem>>
        %dma_start3A_76 = arith.constant 0 : i32
        %dma_start3A_77 = tpu.memref_slice %arg4[%add3A_36, %dma_start3A_76] : memref<81920x128xf32, #tpu.memory_space<hbm>> -> memref<128x128xf32, #tpu.memory_space<hbm>>
        %dma_start3A_78 = arith.constant 0 : i32
        %dma_start3A_79 = tpu.memref_slice %arg4[%add3A_36, %dma_start3A_78] : memref<81920x128xf32, #tpu.memory_space<hbm>> -> memref<128x128xf32, #tpu.memory_space<hbm>>
        tpu.enqueue_dma source(%arg6 : memref<128x128xf32, #tpu.memory_space<vmem>>) target(%dma_start3A_79 : memref<128x128xf32, #tpu.memory_space<hbm>>) target_semaphore(%run_scoped3A : memref<!tpu.dma_semaphore, #tpu.memory_space<semaphore_mem>>)
        %dma_wait3A_80 = arith.constant 0 : i32
        %dma_wait3A_81 = tpu.memref_slice %arg4[%add3A_36, %dma_wait3A_80] : memref<81920x128xf32, #tpu.memory_space<hbm>> -> memref<128x128xf32, #tpu.memory_space<hbm>>
        %dma_wait3A_82 = arith.constant 0 : i32
        %dma_wait3A_83 = tpu.memref_slice %arg4[%add3A_36, %dma_wait3A_82] : memref<81920x128xf32, #tpu.memory_space<hbm>> -> memref<128x128xf32, #tpu.memory_space<hbm>>
        tpu.wait_dma2 semaphore(%run_scoped3A : memref<!tpu.dma_semaphore, #tpu.memory_space<semaphore_mem>>) src(%arg6 : memref<128x128xf32, #tpu.memory_space<vmem>>) dst(%dma_wait3A_83 : memref<128x128xf32, #tpu.memory_space<hbm>>)
        tpu.yield
      }) : () -> ()
      %add3A_37 = arith.constant 1 : i32
      %add3A_38 = arith.addi %scan3A_22, %add3A_37 : i32
      %lt3A = arith.constant 5 : i32
      %lt3A_39 = arith.cmpi slt, %add3A_38, %lt3A : i32
      %convert_element_type3A = arith.extui %lt3A_39 : i1 to i32
      %cond3A = arith.constant 0 : i32
      %cond3A_40 = arith.cmpi ne, %convert_element_type3A, %cond3A : i32
      scf.if %cond3A_40 {
        %add3A_76 = arith.constant 512 : i32
        %add3A_77 = arith.addi %add3A_32, %add3A_76 : i32
        %dma_start3A_78 = tpu.memref_slice %arg5[%add3A_77] : memref<2560xi32, #tpu.memory_space<vmem>> -> memref<128xi32, #tpu.memory_space<vmem>>
        %dma_start3A_79 = arith.constant 0 : i32
        %dma_start3A_80 = arith.constant 0 : i32
        %dma_start3A_81 = tpu.memref_slice %arg3[%dma_start3A_79, %dma_start3A_80] : memref<8192x128xf32, #tpu.memory_space<hbm>> -> memref<8192x128xf32, #tpu.memory_space<hbm>>
        tpu.enqueue_indirect_dma source(%dma_start3A_81 : memref<8192x128xf32, #tpu.memory_space<hbm>>) target(%arg6 : memref<128x128xf32, #tpu.memory_space<vmem>>) offsets(%dma_start3A_78 : memref<128xi32, #tpu.memory_space<vmem>>) semaphore(%arg10 : memref<!tpu.dma_semaphore, #tpu.memory_space<semaphore_mem>>)
      } else {
      }
      %add3A_41 = arith.constant 128 : i32
      %add3A_42 = arith.addi %mul3A_24, %add3A_41 : i32
      %dma_wait3A_43 = tpu.memref_slice %arg5[%add3A_42] : memref<2560xi32, #tpu.memory_space<vmem>> -> memref<128xi32, #tpu.memory_space<vmem>>
      %dma_wait3A_44 = arith.constant 0 : i32
      %dma_wait3A_45 = arith.constant 0 : i32
      %dma_wait3A_46 = tpu.memref_slice %arg3[%dma_wait3A_44, %dma_wait3A_45] : memref<8192x128xf32, #tpu.memory_space<hbm>> -> memref<8192x128xf32, #tpu.memory_space<hbm>>
      tpu.wait_indirect_dma semaphore(%arg11 : memref<!tpu.dma_semaphore, #tpu.memory_space<semaphore_mem>>) src(%dma_wait3A_46 : memref<8192x128xf32, #tpu.memory_space<hbm>>) dst(%arg7 : memref<128x128xf32, #tpu.memory_space<vmem>>)
      %add3A_47 = arith.addi %mul3A_2, %add3A_42 : i32
      "tpu.region"() ({
        %run_scoped3A = tpu.sem_alloc : memref<!tpu.dma_semaphore, #tpu.memory_space<semaphore_mem>>
        %dma_start3A_76 = arith.constant 0 : i32
        %dma_start3A_77 = tpu.memref_slice %arg4[%add3A_47, %dma_start3A_76] : memref<81920x128xf32, #tpu.memory_space<hbm>> -> memref<128x128xf32, #tpu.memory_space<hbm>>
        %dma_start3A_78 = arith.constant 0 : i32
        %dma_start3A_79 = tpu.memref_slice %arg4[%add3A_47, %dma_start3A_78] : memref<81920x128xf32, #tpu.memory_space<hbm>> -> memref<128x128xf32, #tpu.memory_space<hbm>>
        tpu.enqueue_dma source(%arg7 : memref<128x128xf32, #tpu.memory_space<vmem>>) target(%dma_start3A_79 : memref<128x128xf32, #tpu.memory_space<hbm>>) target_semaphore(%run_scoped3A : memref<!tpu.dma_semaphore, #tpu.memory_space<semaphore_mem>>)
        %dma_wait3A_80 = arith.constant 0 : i32
        %dma_wait3A_81 = tpu.memref_slice %arg4[%add3A_47, %dma_wait3A_80] : memref<81920x128xf32, #tpu.memory_space<hbm>> -> memref<128x128xf32, #tpu.memory_space<hbm>>
        %dma_wait3A_82 = arith.constant 0 : i32
        %dma_wait3A_83 = tpu.memref_slice %arg4[%add3A_47, %dma_wait3A_82] : memref<81920x128xf32, #tpu.memory_space<hbm>> -> memref<128x128xf32, #tpu.memory_space<hbm>>
        tpu.wait_dma2 semaphore(%run_scoped3A : memref<!tpu.dma_semaphore, #tpu.memory_space<semaphore_mem>>) src(%arg7 : memref<128x128xf32, #tpu.memory_space<vmem>>) dst(%dma_wait3A_83 : memref<128x128xf32, #tpu.memory_space<hbm>>)
        tpu.yield
      }) : () -> ()
      %add3A_48 = arith.constant 1 : i32
      %add3A_49 = arith.addi %scan3A_22, %add3A_48 : i32
      %lt3A_50 = arith.constant 5 : i32
      %lt3A_51 = arith.cmpi slt, %add3A_49, %lt3A_50 : i32
      %convert_element_type3A_52 = arith.extui %lt3A_51 : i1 to i32
      %cond3A_53 = arith.constant 0 : i32
      %cond3A_54 = arith.cmpi ne, %convert_element_type3A_52, %cond3A_53 : i32
      scf.if %cond3A_54 {
        %add3A_76 = arith.constant 512 : i32
        %add3A_77 = arith.addi %add3A_42, %add3A_76 : i32
        %dma_start3A_78 = tpu.memref_slice %arg5[%add3A_77] : memref<2560xi32, #tpu.memory_space<vmem>> -> memref<128xi32, #tpu.memory_space<vmem>>
        %dma_start3A_79 = arith.constant 0 : i32
        %dma_start3A_80 = arith.constant 0 : i32
        %dma_start3A_81 = tpu.memref_slice %arg3[%dma_start3A_79, %dma_start3A_80] : memref<8192x128xf32, #tpu.memory_space<hbm>> -> memref<8192x128xf32, #tpu.memory_space<hbm>>
        tpu.enqueue_indirect_dma source(%dma_start3A_81 : memref<8192x128xf32, #tpu.memory_space<hbm>>) target(%arg7 : memref<128x128xf32, #tpu.memory_space<vmem>>) offsets(%dma_start3A_78 : memref<128xi32, #tpu.memory_space<vmem>>) semaphore(%arg11 : memref<!tpu.dma_semaphore, #tpu.memory_space<semaphore_mem>>)
      } else {
      }
      %add3A_55 = arith.constant 256 : i32
      %add3A_56 = arith.addi %mul3A_24, %add3A_55 : i32
      %dma_wait3A_57 = tpu.memref_slice %arg5[%add3A_56] : memref<2560xi32, #tpu.memory_space<vmem>> -> memref<128xi32, #tpu.memory_space<vmem>>
      %dma_wait3A_58 = arith.constant 0 : i32
      %dma_wait3A_59 = arith.constant 0 : i32
      %dma_wait3A_60 = tpu.memref_slice %arg3[%dma_wait3A_58, %dma_wait3A_59] : memref<8192x128xf32, #tpu.memory_space<hbm>> -> memref<8192x128xf32, #tpu.memory_space<hbm>>
      tpu.wait_indirect_dma semaphore(%arg12 : memref<!tpu.dma_semaphore, #tpu.memory_space<semaphore_mem>>) src(%dma_wait3A_60 : memref<8192x128xf32, #tpu.memory_space<hbm>>) dst(%arg8 : memref<128x128xf32, #tpu.memory_space<vmem>>)
      %add3A_61 = arith.addi %mul3A_2, %add3A_56 : i32
      "tpu.region"() ({
        %run_scoped3A = tpu.sem_alloc : memref<!tpu.dma_semaphore, #tpu.memory_space<semaphore_mem>>
        %dma_start3A_76 = arith.constant 0 : i32
        %dma_start3A_77 = tpu.memref_slice %arg4[%add3A_61, %dma_start3A_76] : memref<81920x128xf32, #tpu.memory_space<hbm>> -> memref<128x128xf32, #tpu.memory_space<hbm>>
        %dma_start3A_78 = arith.constant 0 : i32
        %dma_start3A_79 = tpu.memref_slice %arg4[%add3A_61, %dma_start3A_78] : memref<81920x128xf32, #tpu.memory_space<hbm>> -> memref<128x128xf32, #tpu.memory_space<hbm>>
        tpu.enqueue_dma source(%arg8 : memref<128x128xf32, #tpu.memory_space<vmem>>) target(%dma_start3A_79 : memref<128x128xf32, #tpu.memory_space<hbm>>) target_semaphore(%run_scoped3A : memref<!tpu.dma_semaphore, #tpu.memory_space<semaphore_mem>>)
        %dma_wait3A_80 = arith.constant 0 : i32
        %dma_wait3A_81 = tpu.memref_slice %arg4[%add3A_61, %dma_wait3A_80] : memref<81920x128xf32, #tpu.memory_space<hbm>> -> memref<128x128xf32, #tpu.memory_space<hbm>>
        %dma_wait3A_82 = arith.constant 0 : i32
        %dma_wait3A_83 = tpu.memref_slice %arg4[%add3A_61, %dma_wait3A_82] : memref<81920x128xf32, #tpu.memory_space<hbm>> -> memref<128x128xf32, #tpu.memory_space<hbm>>
        tpu.wait_dma2 semaphore(%run_scoped3A : memref<!tpu.dma_semaphore, #tpu.memory_space<semaphore_mem>>) src(%arg8 : memref<128x128xf32, #tpu.memory_space<vmem>>) dst(%dma_wait3A_83 : memref<128x128xf32, #tpu.memory_space<hbm>>)
        tpu.yield
      }) : () -> ()
      %add3A_62 = arith.constant 1 : i32
      %add3A_63 = arith.addi %scan3A_22, %add3A_62 : i32
      %lt3A_64 = arith.constant 5 : i32
      %lt3A_65 = arith.cmpi slt, %add3A_63, %lt3A_64 : i32
      %convert_element_type3A_66 = arith.extui %lt3A_65 : i1 to i32
      %cond3A_67 = arith.constant 0 : i32
      %cond3A_68 = arith.cmpi ne, %convert_element_type3A_66, %cond3A_67 : i32
      scf.if %cond3A_68 {
        %add3A_76 = arith.constant 512 : i32
        %add3A_77 = arith.addi %add3A_56, %add3A_76 : i32
        %dma_start3A_78 = tpu.memref_slice %arg5[%add3A_77] : memref<2560xi32, #tpu.memory_space<vmem>> -> memref<128xi32, #tpu.memory_space<vmem>>
        %dma_start3A_79 = arith.constant 0 : i32
        %dma_start3A_80 = arith.constant 0 : i32
        %dma_start3A_81 = tpu.memref_slice %arg3[%dma_start3A_79, %dma_start3A_80] : memref<8192x128xf32, #tpu.memory_space<hbm>> -> memref<8192x128xf32, #tpu.memory_space<hbm>>
        tpu.enqueue_indirect_dma source(%dma_start3A_81 : memref<8192x128xf32, #tpu.memory_space<hbm>>) target(%arg8 : memref<128x128xf32, #tpu.memory_space<vmem>>) offsets(%dma_start3A_78 : memref<128xi32, #tpu.memory_space<vmem>>) semaphore(%arg12 : memref<!tpu.dma_semaphore, #tpu.memory_space<semaphore_mem>>)
      } else {
      }
      %add3A_69 = arith.constant 384 : i32
      %add3A_70 = arith.addi %mul3A_24, %add3A_69 : i32
      %dma_wait3A_71 = tpu.memref_slice %arg5[%add3A_70] : memref<2560xi32, #tpu.memory_space<vmem>> -> memref<128xi32, #tpu.memory_space<vmem>>
      %dma_wait3A_72 = arith.constant 0 : i32
      %dma_wait3A_73 = arith.constant 0 : i32
      %dma_wait3A_74 = tpu.memref_slice %arg3[%dma_wait3A_72, %dma_wait3A_73] : memref<8192x128xf32, #tpu.memory_space<hbm>> -> memref<8192x128xf32, #tpu.memory_space<hbm>>
      tpu.wait_indirect_dma semaphore(%arg13 : memref<!tpu.dma_semaphore, #tpu.memory_space<semaphore_mem>>) src(%dma_wait3A_74 : memref<8192x128xf32, #tpu.memory_space<hbm>>) dst(%arg9 : memref<128x128xf32, #tpu.memory_space<vmem>>)
      %add3A_75 = arith.addi %mul3A_2, %add3A_70 : i32
      "tpu.region"() ({
        %run_scoped3A = tpu.sem_alloc : memref<!tpu.dma_semaphore, #tpu.memory_space<semaphore_mem>>
        %dma_start3A_76 = arith.constant 0 : i32
        %dma_start3A_77 = tpu.memref_slice %arg4[%add3A_75, %dma_start3A_76] : memref<81920x128xf32, #tpu.memory_space<hbm>> -> memref<128x128xf32, #tpu.memory_space<hbm>>
        %dma_start3A_78 = arith.constant 0 : i32
        %dma_start3A_79 = tpu.memref_slice %arg4[%add3A_75, %dma_start3A_78] : memref<81920x128xf32, #tpu.memory_space<hbm>> -> memref<128x128xf32, #tpu.memory_space<hbm>>
        tpu.enqueue_dma source(%arg9 : memref<128x128xf32, #tpu.memory_space<vmem>>) target(%dma_start3A_79 : memref<128x128xf32, #tpu.memory_space<hbm>>) target_semaphore(%run_scoped3A : memref<!tpu.dma_semaphore, #tpu.memory_space<semaphore_mem>>)
        %dma_wait3A_80 = arith.constant 0 : i32
        %dma_wait3A_81 = tpu.memref_slice %arg4[%add3A_75, %dma_wait3A_80] : memref<81920x128xf32, #tpu.memory_space<hbm>> -> memref<128x128xf32, #tpu.memory_space<hbm>>
        %dma_wait3A_82 = arith.constant 0 : i32
        %dma_wait3A_83 = tpu.memref_slice %arg4[%add3A_75, %dma_wait3A_82] : memref<81920x128xf32, #tpu.memory_space<hbm>> -> memref<128x128xf32, #tpu.memory_space<hbm>>
        tpu.wait_dma2 semaphore(%run_scoped3A : memref<!tpu.dma_semaphore, #tpu.memory_space<semaphore_mem>>) src(%arg9 : memref<128x128xf32, #tpu.memory_space<vmem>>) dst(%dma_wait3A_83 : memref<128x128xf32, #tpu.memory_space<hbm>>)
        tpu.yield
      }) : () -> ()
    }
    %scan3A_21 = arith.constant 5 : i32
    return
  }
}

#map = affine_map<(d0, d1) -> (0)>
#map1 = affine_map<(d0, d1) -> (0, 0)>
module attributes {stable_mosaic.version = 14 : i64} {
  func.func @run(%arg0: i32, %arg1: i32, %arg2: memref<81920xi32, #tpu.memory_space<hbm>>, %arg3: memref<8192x128xf32, #tpu.memory_space<hbm>>, %arg4: memref<81920x128xf32, #tpu.memory_space<hbm>>, %arg5: memref<2560xi32, #tpu.memory_space<vmem>>, %arg6: memref<128x128xf32, #tpu.memory_space<vmem>>, %arg7: memref<128x128xf32, #tpu.memory_space<vmem>>, %arg8: memref<128x128xf32, #tpu.memory_space<vmem>>, %arg9: memref<128x128xf32, #tpu.memory_space<vmem>>, %arg10: memref<!tpu.dma_semaphore, #tpu.memory_space<semaphore_mem>>, %arg11: memref<!tpu.dma_semaphore, #tpu.memory_space<semaphore_mem>>, %arg12: memref<!tpu.dma_semaphore, #tpu.memory_space<semaphore_mem>>, %arg13: memref<!tpu.dma_semaphore, #tpu.memory_space<semaphore_mem>>) attributes {dimension_semantics = [#tpu.dimension_semantics<core_parallel>, #tpu.dimension_semantics<subcore_parallel>], iteration_bounds = array<i64: 2, 16>, scalar_prefetch = 0 : i64, scratch_operands = 9 : i64, tpu.core_type = #tpu.core_type<sc_vector_subcore>, window_params = [{transform_indices = #map}, {transform_indices = #map1}, {transform_indices = #map1}]} {
    %mul3A = arith.constant 2 : i32
    %mul3A_0 = arith.muli %arg1, %mul3A : i32
    %add3A = arith.addi %mul3A_0, %arg0 : i32
    %mul3A_1 = arith.constant 2560 : i32
    %mul3A_2 = arith.muli %add3A, %mul3A_1 : i32
    "tpu.region"() ({
      %run_scoped3A = tpu.sem_alloc : memref<!tpu.dma_semaphore, #tpu.memory_space<semaphore_mem>>
      %dma_start3A_22 = tpu.memref_slice %arg2[%mul3A_2] : memref<81920xi32, #tpu.memory_space<hbm>> -> memref<2560xi32, #tpu.memory_space<hbm>>
      %dma_start3A_23 = tpu.memref_slice %arg2[%mul3A_2] : memref<81920xi32, #tpu.memory_space<hbm>> -> memref<2560xi32, #tpu.memory_space<hbm>>
      tpu.enqueue_dma source(%dma_start3A_23 : memref<2560xi32, #tpu.memory_space<hbm>>) target(%arg5 : memref<2560xi32, #tpu.memory_space<vmem>>) target_semaphore(%run_scoped3A : memref<!tpu.dma_semaphore, #tpu.memory_space<semaphore_mem>>)
      %dma_wait3A = tpu.memref_slice %arg2[%mul3A_2] : memref<81920xi32, #tpu.memory_space<hbm>> -> memref<2560xi32, #tpu.memory_space<hbm>>
      %dma_wait3A_24 = tpu.memref_slice %arg2[%mul3A_2] : memref<81920xi32, #tpu.memory_space<hbm>> -> memref<2560xi32, #tpu.memory_space<hbm>>
      tpu.wait_dma2 semaphore(%run_scoped3A : memref<!tpu.dma_semaphore, #tpu.memory_space<semaphore_mem>>) src(%dma_wait3A_24 : memref<2560xi32, #tpu.memory_space<hbm>>) dst(%arg5 : memref<2560xi32, #tpu.memory_space<vmem>>)
      tpu.yield
    }) : () -> ()
    %dma_start3A = arith.constant 0 : i32
    %dma_start3A_3 = tpu.memref_slice %arg5[%dma_start3A] : memref<2560xi32, #tpu.memory_space<vmem>> -> memref<128xi32, #tpu.memory_space<vmem>>
    %dma_start3A_4 = arith.constant 0 : i32
    %dma_start3A_5 = arith.constant 0 : i32
    %dma_start3A_6 = tpu.memref_slice %arg3[%dma_start3A_4, %dma_start3A_5] : memref<8192x128xf32, #tpu.memory_space<hbm>> -> memref<8192x128xf32, #tpu.memory_space<hbm>>
    tpu.enqueue_indirect_dma source(%dma_start3A_6 : memref<8192x128xf32, #tpu.memory_space<hbm>>) target(%arg6 : memref<128x128xf32, #tpu.memory_space<vmem>>) offsets(%dma_start3A_3 : memref<128xi32, #tpu.memory_space<vmem>>) semaphore(%arg10 : memref<!tpu.dma_semaphore, #tpu.memory_space<semaphore_mem>>)
    %dma_start3A_7 = arith.constant 128 : i32
    %dma_start3A_8 = tpu.memref_slice %arg5[%dma_start3A_7] : memref<2560xi32, #tpu.memory_space<vmem>> -> memref<128xi32, #tpu.memory_space<vmem>>
    %dma_start3A_9 = arith.constant 0 : i32
    %dma_start3A_10 = arith.constant 0 : i32
    %dma_start3A_11 = tpu.memref_slice %arg3[%dma_start3A_9, %dma_start3A_10] : memref<8192x128xf32, #tpu.memory_space<hbm>> -> memref<8192x128xf32, #tpu.memory_space<hbm>>
    tpu.enqueue_indirect_dma source(%dma_start3A_11 : memref<8192x128xf32, #tpu.memory_space<hbm>>) target(%arg7 : memref<128x128xf32, #tpu.memory_space<vmem>>) offsets(%dma_start3A_8 : memref<128xi32, #tpu.memory_space<vmem>>) semaphore(%arg11 : memref<!tpu.dma_semaphore, #tpu.memory_space<semaphore_mem>>)
    %dma_start3A_12 = arith.constant 256 : i32
    %dma_start3A_13 = tpu.memref_slice %arg5[%dma_start3A_12] : memref<2560xi32, #tpu.memory_space<vmem>> -> memref<128xi32, #tpu.memory_space<vmem>>
    %dma_start3A_14 = arith.constant 0 : i32
    %dma_start3A_15 = arith.constant 0 : i32
    %dma_start3A_16 = tpu.memref_slice %arg3[%dma_start3A_14, %dma_start3A_15] : memref<8192x128xf32, #tpu.memory_space<hbm>> -> memref<8192x128xf32, #tpu.memory_space<hbm>>
    tpu.enqueue_indirect_dma source(%dma_start3A_16 : memref<8192x128xf32, #tpu.memory_space<hbm>>) target(%arg8 : memref<128x128xf32, #tpu.memory_space<vmem>>) offsets(%dma_start3A_13 : memref<128xi32, #tpu.memory_space<vmem>>) semaphore(%arg12 : memref<!tpu.dma_semaphore, #tpu.memory_space<semaphore_mem>>)
    %scan3A = arith.constant 0 : i32
    %scan3A_17 = arith.constant 0 : i32
    %scan3A_18 = arith.constant 5 : i32
    %scan3A_19 = arith.addi %scan3A_17, %scan3A_18 : i32
    %scan3A_20 = arith.constant 1 : i32
    scf.for %scan3A_22 = %scan3A_17 to %scan3A_19 step %scan3A_20  : i32 {
      %mul3A_23 = arith.constant 512 : i32
      %mul3A_24 = arith.muli %scan3A_22, %mul3A_23 : i32
      %add3A_25 = arith.constant 384 : i32
      %add3A_26 = arith.addi %mul3A_24, %add3A_25 : i32
      %dma_start3A_27 = tpu.memref_slice %arg5[%add3A_26] : memref<2560xi32, #tpu.memory_space<vmem>> -> memref<128xi32, #tpu.memory_space<vmem>>
      %dma_start3A_28 = arith.constant 0 : i32
      %dma_start3A_29 = arith.constant 0 : i32
      %dma_start3A_30 = tpu.memref_slice %arg3[%dma_start3A_28, %dma_start3A_29] : memref<8192x128xf32, #tpu.memory_space<hbm>> -> memref<8192x128xf32, #tpu.memory_space<hbm>>
      tpu.enqueue_indirect_dma source(%dma_start3A_30 : memref<8192x128xf32, #tpu.memory_space<hbm>>) target(%arg9 : memref<128x128xf32, #tpu.memory_space<vmem>>) offsets(%dma_start3A_27 : memref<128xi32, #tpu.memory_space<vmem>>) semaphore(%arg13 : memref<!tpu.dma_semaphore, #tpu.memory_space<semaphore_mem>>)
      %add3A_31 = arith.constant 0 : i32
      %add3A_32 = arith.addi %mul3A_24, %add3A_31 : i32
      %dma_wait3A = tpu.memref_slice %arg5[%add3A_32] : memref<2560xi32, #tpu.memory_space<vmem>> -> memref<128xi32, #tpu.memory_space<vmem>>
      %dma_wait3A_33 = arith.constant 0 : i32
      %dma_wait3A_34 = arith.constant 0 : i32
      %dma_wait3A_35 = tpu.memref_slice %arg3[%dma_wait3A_33, %dma_wait3A_34] : memref<8192x128xf32, #tpu.memory_space<hbm>> -> memref<8192x128xf32, #tpu.memory_space<hbm>>
      tpu.wait_indirect_dma semaphore(%arg10 : memref<!tpu.dma_semaphore, #tpu.memory_space<semaphore_mem>>) src(%dma_wait3A_35 : memref<8192x128xf32, #tpu.memory_space<hbm>>) dst(%arg6 : memref<128x128xf32, #tpu.memory_space<vmem>>)
      %add3A_36 = arith.addi %mul3A_2, %add3A_32 : i32
      "tpu.region"() ({
        %run_scoped3A = tpu.sem_alloc : memref<!tpu.dma_semaphore, #tpu.memory_space<semaphore_mem>>
        %dma_start3A_76 = arith.constant 0 : i32
        %dma_start3A_77 = tpu.memref_slice %arg4[%add3A_36, %dma_start3A_76] : memref<81920x128xf32, #tpu.memory_space<hbm>> -> memref<128x128xf32, #tpu.memory_space<hbm>>
        %dma_start3A_78 = arith.constant 0 : i32
        %dma_start3A_79 = tpu.memref_slice %arg4[%add3A_36, %dma_start3A_78] : memref<81920x128xf32, #tpu.memory_space<hbm>> -> memref<128x128xf32, #tpu.memory_space<hbm>>
        tpu.enqueue_dma source(%arg6 : memref<128x128xf32, #tpu.memory_space<vmem>>) target(%dma_start3A_79 : memref<128x128xf32, #tpu.memory_space<hbm>>) target_semaphore(%run_scoped3A : memref<!tpu.dma_semaphore, #tpu.memory_space<semaphore_mem>>)
        %dma_wait3A_80 = arith.constant 0 : i32
        %dma_wait3A_81 = tpu.memref_slice %arg4[%add3A_36, %dma_wait3A_80] : memref<81920x128xf32, #tpu.memory_space<hbm>> -> memref<128x128xf32, #tpu.memory_space<hbm>>
        %dma_wait3A_82 = arith.constant 0 : i32
        %dma_wait3A_83 = tpu.memref_slice %arg4[%add3A_36, %dma_wait3A_82] : memref<81920x128xf32, #tpu.memory_space<hbm>> -> memref<128x128xf32, #tpu.memory_space<hbm>>
        tpu.wait_dma2 semaphore(%run_scoped3A : memref<!tpu.dma_semaphore, #tpu.memory_space<semaphore_mem>>) src(%arg6 : memref<128x128xf32, #tpu.memory_space<vmem>>) dst(%dma_wait3A_83 : memref<128x128xf32, #tpu.memory_space<hbm>>)
        tpu.yield
      }) : () -> ()
      %add3A_37 = arith.constant 1 : i32
      %add3A_38 = arith.addi %scan3A_22, %add3A_37 : i32
      %lt3A = arith.constant 5 : i32
      %lt3A_39 = arith.cmpi slt, %add3A_38, %lt3A : i32
      %convert_element_type3A = arith.extui %lt3A_39 : i1 to i32
      %cond3A = arith.constant 0 : i32
      %cond3A_40 = arith.cmpi ne, %convert_element_type3A, %cond3A : i32
      scf.if %cond3A_40 {
        %add3A_76 = arith.constant 512 : i32
        %add3A_77 = arith.addi %add3A_32, %add3A_76 : i32
        %dma_start3A_78 = tpu.memref_slice %arg5[%add3A_77] : memref<2560xi32, #tpu.memory_space<vmem>> -> memref<128xi32, #tpu.memory_space<vmem>>
        %dma_start3A_79 = arith.constant 0 : i32
        %dma_start3A_80 = arith.constant 0 : i32
        %dma_start3A_81 = tpu.memref_slice %arg3[%dma_start3A_79, %dma_start3A_80] : memref<8192x128xf32, #tpu.memory_space<hbm>> -> memref<8192x128xf32, #tpu.memory_space<hbm>>
        tpu.enqueue_indirect_dma source(%dma_start3A_81 : memref<8192x128xf32, #tpu.memory_space<hbm>>) target(%arg6 : memref<128x128xf32, #tpu.memory_space<vmem>>) offsets(%dma_start3A_78 : memref<128xi32, #tpu.memory_space<vmem>>) semaphore(%arg10 : memref<!tpu.dma_semaphore, #tpu.memory_space<semaphore_mem>>)
      } else {
      }
      %add3A_41 = arith.constant 128 : i32
      %add3A_42 = arith.addi %mul3A_24, %add3A_41 : i32
      %dma_wait3A_43 = tpu.memref_slice %arg5[%add3A_42] : memref<2560xi32, #tpu.memory_space<vmem>> -> memref<128xi32, #tpu.memory_space<vmem>>
      %dma_wait3A_44 = arith.constant 0 : i32
      %dma_wait3A_45 = arith.constant 0 : i32
      %dma_wait3A_46 = tpu.memref_slice %arg3[%dma_wait3A_44, %dma_wait3A_45] : memref<8192x128xf32, #tpu.memory_space<hbm>> -> memref<8192x128xf32, #tpu.memory_space<hbm>>
      tpu.wait_indirect_dma semaphore(%arg11 : memref<!tpu.dma_semaphore, #tpu.memory_space<semaphore_mem>>) src(%dma_wait3A_46 : memref<8192x128xf32, #tpu.memory_space<hbm>>) dst(%arg7 : memref<128x128xf32, #tpu.memory_space<vmem>>)
      %add3A_47 = arith.addi %mul3A_2, %add3A_42 : i32
      "tpu.region"() ({
        %run_scoped3A = tpu.sem_alloc : memref<!tpu.dma_semaphore, #tpu.memory_space<semaphore_mem>>
        %dma_start3A_76 = arith.constant 0 : i32
        %dma_start3A_77 = tpu.memref_slice %arg4[%add3A_47, %dma_start3A_76] : memref<81920x128xf32, #tpu.memory_space<hbm>> -> memref<128x128xf32, #tpu.memory_space<hbm>>
        %dma_start3A_78 = arith.constant 0 : i32
        %dma_start3A_79 = tpu.memref_slice %arg4[%add3A_47, %dma_start3A_78] : memref<81920x128xf32, #tpu.memory_space<hbm>> -> memref<128x128xf32, #tpu.memory_space<hbm>>
        tpu.enqueue_dma source(%arg7 : memref<128x128xf32, #tpu.memory_space<vmem>>) target(%dma_start3A_79 : memref<128x128xf32, #tpu.memory_space<hbm>>) target_semaphore(%run_scoped3A : memref<!tpu.dma_semaphore, #tpu.memory_space<semaphore_mem>>)
        %dma_wait3A_80 = arith.constant 0 : i32
        %dma_wait3A_81 = tpu.memref_slice %arg4[%add3A_47, %dma_wait3A_80] : memref<81920x128xf32, #tpu.memory_space<hbm>> -> memref<128x128xf32, #tpu.memory_space<hbm>>
        %dma_wait3A_82 = arith.constant 0 : i32
        %dma_wait3A_83 = tpu.memref_slice %arg4[%add3A_47, %dma_wait3A_82] : memref<81920x128xf32, #tpu.memory_space<hbm>> -> memref<128x128xf32, #tpu.memory_space<hbm>>
        tpu.wait_dma2 semaphore(%run_scoped3A : memref<!tpu.dma_semaphore, #tpu.memory_space<semaphore_mem>>) src(%arg7 : memref<128x128xf32, #tpu.memory_space<vmem>>) dst(%dma_wait3A_83 : memref<128x128xf32, #tpu.memory_space<hbm>>)
        tpu.yield
      }) : () -> ()
      %add3A_48 = arith.constant 1 : i32
      %add3A_49 = arith.addi %scan3A_22, %add3A_48 : i32
      %lt3A_50 = arith.constant 5 : i32
      %lt3A_51 = arith.cmpi slt, %add3A_49, %lt3A_50 : i32
      %convert_element_type3A_52 = arith.extui %lt3A_51 : i1 to i32
      %cond3A_53 = arith.constant 0 : i32
      %cond3A_54 = arith.cmpi ne, %convert_element_type3A_52, %cond3A_53 : i32
      scf.if %cond3A_54 {
        %add3A_76 = arith.constant 512 : i32
        %add3A_77 = arith.addi %add3A_42, %add3A_76 : i32
        %dma_start3A_78 = tpu.memref_slice %arg5[%add3A_77] : memref<2560xi32, #tpu.memory_space<vmem>> -> memref<128xi32, #tpu.memory_space<vmem>>
        %dma_start3A_79 = arith.constant 0 : i32
        %dma_start3A_80 = arith.constant 0 : i32
        %dma_start3A_81 = tpu.memref_slice %arg3[%dma_start3A_79, %dma_start3A_80] : memref<8192x128xf32, #tpu.memory_space<hbm>> -> memref<8192x128xf32, #tpu.memory_space<hbm>>
        tpu.enqueue_indirect_dma source(%dma_start3A_81 : memref<8192x128xf32, #tpu.memory_space<hbm>>) target(%arg7 : memref<128x128xf32, #tpu.memory_space<vmem>>) offsets(%dma_start3A_78 : memref<128xi32, #tpu.memory_space<vmem>>) semaphore(%arg11 : memref<!tpu.dma_semaphore, #tpu.memory_space<semaphore_mem>>)
      } else {
      }
      %add3A_55 = arith.constant 256 : i32
      %add3A_56 = arith.addi %mul3A_24, %add3A_55 : i32
      %dma_wait3A_57 = tpu.memref_slice %arg5[%add3A_56] : memref<2560xi32, #tpu.memory_space<vmem>> -> memref<128xi32, #tpu.memory_space<vmem>>
      %dma_wait3A_58 = arith.constant 0 : i32
      %dma_wait3A_59 = arith.constant 0 : i32
      %dma_wait3A_60 = tpu.memref_slice %arg3[%dma_wait3A_58, %dma_wait3A_59] : memref<8192x128xf32, #tpu.memory_space<hbm>> -> memref<8192x128xf32, #tpu.memory_space<hbm>>
      tpu.wait_indirect_dma semaphore(%arg12 : memref<!tpu.dma_semaphore, #tpu.memory_space<semaphore_mem>>) src(%dma_wait3A_60 : memref<8192x128xf32, #tpu.memory_space<hbm>>) dst(%arg8 : memref<128x128xf32, #tpu.memory_space<vmem>>)
      %add3A_61 = arith.addi %mul3A_2, %add3A_56 : i32
      "tpu.region"() ({
        %run_scoped3A = tpu.sem_alloc : memref<!tpu.dma_semaphore, #tpu.memory_space<semaphore_mem>>
        %dma_start3A_76 = arith.constant 0 : i32
        %dma_start3A_77 = tpu.memref_slice %arg4[%add3A_61, %dma_start3A_76] : memref<81920x128xf32, #tpu.memory_space<hbm>> -> memref<128x128xf32, #tpu.memory_space<hbm>>
        %dma_start3A_78 = arith.constant 0 : i32
        %dma_start3A_79 = tpu.memref_slice %arg4[%add3A_61, %dma_start3A_78] : memref<81920x128xf32, #tpu.memory_space<hbm>> -> memref<128x128xf32, #tpu.memory_space<hbm>>
        tpu.enqueue_dma source(%arg8 : memref<128x128xf32, #tpu.memory_space<vmem>>) target(%dma_start3A_79 : memref<128x128xf32, #tpu.memory_space<hbm>>) target_semaphore(%run_scoped3A : memref<!tpu.dma_semaphore, #tpu.memory_space<semaphore_mem>>)
        %dma_wait3A_80 = arith.constant 0 : i32
        %dma_wait3A_81 = tpu.memref_slice %arg4[%add3A_61, %dma_wait3A_80] : memref<81920x128xf32, #tpu.memory_space<hbm>> -> memref<128x128xf32, #tpu.memory_space<hbm>>
        %dma_wait3A_82 = arith.constant 0 : i32
        %dma_wait3A_83 = tpu.memref_slice %arg4[%add3A_61, %dma_wait3A_82] : memref<81920x128xf32, #tpu.memory_space<hbm>> -> memref<128x128xf32, #tpu.memory_space<hbm>>
        tpu.wait_dma2 semaphore(%run_scoped3A : memref<!tpu.dma_semaphore, #tpu.memory_space<semaphore_mem>>) src(%arg8 : memref<128x128xf32, #tpu.memory_space<vmem>>) dst(%dma_wait3A_83 : memref<128x128xf32, #tpu.memory_space<hbm>>)
        tpu.yield
      }) : () -> ()
      %add3A_62 = arith.constant 1 : i32
      %add3A_63 = arith.addi %scan3A_22, %add3A_62 : i32
      %lt3A_64 = arith.constant 5 : i32
      %lt3A_65 = arith.cmpi slt, %add3A_63, %lt3A_64 : i32
      %convert_element_type3A_66 = arith.extui %lt3A_65 : i1 to i32
      %cond3A_67 = arith.constant 0 : i32
      %cond3A_68 = arith.cmpi ne, %convert_element_type3A_66, %cond3A_67 : i32
      scf.if %cond3A_68 {
        %add3A_76 = arith.constant 512 : i32
        %add3A_77 = arith.addi %add3A_56, %add3A_76 : i32
        %dma_start3A_78 = tpu.memref_slice %arg5[%add3A_77] : memref<2560xi32, #tpu.memory_space<vmem>> -> memref<128xi32, #tpu.memory_space<vmem>>
        %dma_start3A_79 = arith.constant 0 : i32
        %dma_start3A_80 = arith.constant 0 : i32
        %dma_start3A_81 = tpu.memref_slice %arg3[%dma_start3A_79, %dma_start3A_80] : memref<8192x128xf32, #tpu.memory_space<hbm>> -> memref<8192x128xf32, #tpu.memory_space<hbm>>
        tpu.enqueue_indirect_dma source(%dma_start3A_81 : memref<8192x128xf32, #tpu.memory_space<hbm>>) target(%arg8 : memref<128x128xf32, #tpu.memory_space<vmem>>) offsets(%dma_start3A_78 : memref<128xi32, #tpu.memory_space<vmem>>) semaphore(%arg12 : memref<!tpu.dma_semaphore, #tpu.memory_space<semaphore_mem>>)
      } else {
      }
      %add3A_69 = arith.constant 384 : i32
      %add3A_70 = arith.addi %mul3A_24, %add3A_69 : i32
      %dma_wait3A_71 = tpu.memref_slice %arg5[%add3A_70] : memref<2560xi32, #tpu.memory_space<vmem>> -> memref<128xi32, #tpu.memory_space<vmem>>
      %dma_wait3A_72 = arith.constant 0 : i32
      %dma_wait3A_73 = arith.constant 0 : i32
      %dma_wait3A_74 = tpu.memref_slice %arg3[%dma_wait3A_72, %dma_wait3A_73] : memref<8192x128xf32, #tpu.memory_space<hbm>> -> memref<8192x128xf32, #tpu.memory_space<hbm>>
      tpu.wait_indirect_dma semaphore(%arg13 : memref<!tpu.dma_semaphore, #tpu.memory_space<semaphore_mem>>) src(%dma_wait3A_74 : memref<8192x128xf32, #tpu.memory_space<hbm>>) dst(%arg9 : memref<128x128xf32, #tpu.memory_space<vmem>>)
      %add3A_75 = arith.addi %mul3A_2, %add3A_70 : i32
      "tpu.region"() ({
        %run_scoped3A = tpu.sem_alloc : memref<!tpu.dma_semaphore, #tpu.memory_space<semaphore_mem>>
        %dma_start3A_76 = arith.constant 0 : i32
        %dma_start3A_77 = tpu.memref_slice %arg4[%add3A_75, %dma_start3A_76] : memref<81920x128xf32, #tpu.memory_space<hbm>> -> memref<128x128xf32, #tpu.memory_space<hbm>>
        %dma_start3A_78 = arith.constant 0 : i32
        %dma_start3A_79 = tpu.memref_slice %arg4[%add3A_75, %dma_start3A_78] : memref<81920x128xf32, #tpu.memory_space<hbm>> -> memref<128x128xf32, #tpu.memory_space<hbm>>
        tpu.enqueue_dma source(%arg9 : memref<128x128xf32, #tpu.memory_space<vmem>>) target(%dma_start3A_79 : memref<128x128xf32, #tpu.memory_space<hbm>>) target_semaphore(%run_scoped3A : memref<!tpu.dma_semaphore, #tpu.memory_space<semaphore_mem>>)
        %dma_wait3A_80 = arith.constant 0 : i32
        %dma_wait3A_81 = tpu.memref_slice %arg4[%add3A_75, %dma_wait3A_80] : memref<81920x128xf32, #tpu.memory_space<hbm>> -> memref<128x128xf32, #tpu.memory_space<hbm>>
        %dma_wait3A_82 = arith.constant 0 : i32
        %dma_wait3A_83 = tpu.memref_slice %arg4[%add3A_75, %dma_wait3A_82] : memref<81920x128xf32, #tpu.memory_space<hbm>> -> memref<128x128xf32, #tpu.memory_space<hbm>>
        tpu.wait_dma2 semaphore(%run_scoped3A : memref<!tpu.dma_semaphore, #tpu.memory_space<semaphore_mem>>) src(%arg9 : memref<128x128xf32, #tpu.memory_space<vmem>>) dst(%dma_wait3A_83 : memref<128x128xf32, #tpu.memory_space<hbm>>)
        tpu.yield
      }) : () -> ()
    }
    %scan3A_21 = arith.constant 5 : i32
    return
  }
}

#map = affine_map<(d0, d1) -> (0)>
#map1 = affine_map<(d0, d1) -> (0, 0)>
module attributes {stable_mosaic.version = 14 : i64} {
  func.func @run(%arg0: i32, %arg1: i32, %arg2: memref<81920xi32, #tpu.memory_space<hbm>>, %arg3: memref<8192x256xf32, #tpu.memory_space<hbm>>, %arg4: memref<81920x256xf32, #tpu.memory_space<hbm>>, %arg5: memref<2560xi32, #tpu.memory_space<vmem>>, %arg6: memref<128x256xf32, #tpu.memory_space<vmem>>, %arg7: memref<128x256xf32, #tpu.memory_space<vmem>>, %arg8: memref<!tpu.dma_semaphore, #tpu.memory_space<semaphore_mem>>, %arg9: memref<!tpu.dma_semaphore, #tpu.memory_space<semaphore_mem>>) attributes {dimension_semantics = [#tpu.dimension_semantics<core_parallel>, #tpu.dimension_semantics<subcore_parallel>], iteration_bounds = array<i64: 2, 16>, scalar_prefetch = 0 : i64, scratch_operands = 5 : i64, tpu.core_type = #tpu.core_type<sc_vector_subcore>, window_params = [{transform_indices = #map}, {transform_indices = #map1}, {transform_indices = #map1}]} {
    %mul3A = arith.constant 2 : i32
    %mul3A_0 = arith.muli %arg1, %mul3A : i32
    %add3A = arith.addi %mul3A_0, %arg0 : i32
    %mul3A_1 = arith.constant 2560 : i32
    %mul3A_2 = arith.muli %add3A, %mul3A_1 : i32
    "tpu.region"() ({
      %run_scoped3A = tpu.sem_alloc : memref<!tpu.dma_semaphore, #tpu.memory_space<semaphore_mem>>
      %dma_start3A_12 = tpu.memref_slice %arg2[%mul3A_2] : memref<81920xi32, #tpu.memory_space<hbm>> -> memref<2560xi32, #tpu.memory_space<hbm>>
      %dma_start3A_13 = tpu.memref_slice %arg2[%mul3A_2] : memref<81920xi32, #tpu.memory_space<hbm>> -> memref<2560xi32, #tpu.memory_space<hbm>>
      tpu.enqueue_dma source(%dma_start3A_13 : memref<2560xi32, #tpu.memory_space<hbm>>) target(%arg5 : memref<2560xi32, #tpu.memory_space<vmem>>) target_semaphore(%run_scoped3A : memref<!tpu.dma_semaphore, #tpu.memory_space<semaphore_mem>>)
      %dma_wait3A = tpu.memref_slice %arg2[%mul3A_2] : memref<81920xi32, #tpu.memory_space<hbm>> -> memref<2560xi32, #tpu.memory_space<hbm>>
      %dma_wait3A_14 = tpu.memref_slice %arg2[%mul3A_2] : memref<81920xi32, #tpu.memory_space<hbm>> -> memref<2560xi32, #tpu.memory_space<hbm>>
      tpu.wait_dma2 semaphore(%run_scoped3A : memref<!tpu.dma_semaphore, #tpu.memory_space<semaphore_mem>>) src(%dma_wait3A_14 : memref<2560xi32, #tpu.memory_space<hbm>>) dst(%arg5 : memref<2560xi32, #tpu.memory_space<vmem>>)
      tpu.yield
    }) : () -> ()
    %dma_start3A = arith.constant 0 : i32
    %dma_start3A_3 = tpu.memref_slice %arg5[%dma_start3A] : memref<2560xi32, #tpu.memory_space<vmem>> -> memref<128xi32, #tpu.memory_space<vmem>>
    %dma_start3A_4 = arith.constant 0 : i32
    %dma_start3A_5 = arith.constant 0 : i32
    %dma_start3A_6 = tpu.memref_slice %arg3[%dma_start3A_4, %dma_start3A_5] : memref<8192x256xf32, #tpu.memory_space<hbm>> -> memref<8192x256xf32, #tpu.memory_space<hbm>>
    tpu.enqueue_indirect_dma source(%dma_start3A_6 : memref<8192x256xf32, #tpu.memory_space<hbm>>) target(%arg6 : memref<128x256xf32, #tpu.memory_space<vmem>>) offsets(%dma_start3A_3 : memref<128xi32, #tpu.memory_space<vmem>>) semaphore(%arg8 : memref<!tpu.dma_semaphore, #tpu.memory_space<semaphore_mem>>)
    %scan3A = arith.constant 0 : i32
    %scan3A_7 = arith.constant 0 : i32
    %scan3A_8 = arith.constant 10 : i32
    %scan3A_9 = arith.addi %scan3A_7, %scan3A_8 : i32
    %scan3A_10 = arith.constant 1 : i32
    scf.for %scan3A_12 = %scan3A_7 to %scan3A_9 step %scan3A_10  : i32 {
      %mul3A_13 = arith.constant 256 : i32
      %mul3A_14 = arith.muli %scan3A_12, %mul3A_13 : i32
      %add3A_15 = arith.constant 128 : i32
      %add3A_16 = arith.addi %mul3A_14, %add3A_15 : i32
      %dma_start3A_17 = tpu.memref_slice %arg5[%add3A_16] : memref<2560xi32, #tpu.memory_space<vmem>> -> memref<128xi32, #tpu.memory_space<vmem>>
      %dma_start3A_18 = arith.constant 0 : i32
      %dma_start3A_19 = arith.constant 0 : i32
      %dma_start3A_20 = tpu.memref_slice %arg3[%dma_start3A_18, %dma_start3A_19] : memref<8192x256xf32, #tpu.memory_space<hbm>> -> memref<8192x256xf32, #tpu.memory_space<hbm>>
      tpu.enqueue_indirect_dma source(%dma_start3A_20 : memref<8192x256xf32, #tpu.memory_space<hbm>>) target(%arg7 : memref<128x256xf32, #tpu.memory_space<vmem>>) offsets(%dma_start3A_17 : memref<128xi32, #tpu.memory_space<vmem>>) semaphore(%arg9 : memref<!tpu.dma_semaphore, #tpu.memory_space<semaphore_mem>>)
      %add3A_21 = arith.constant 0 : i32
      %add3A_22 = arith.addi %mul3A_14, %add3A_21 : i32
      %dma_wait3A = tpu.memref_slice %arg5[%add3A_22] : memref<2560xi32, #tpu.memory_space<vmem>> -> memref<128xi32, #tpu.memory_space<vmem>>
      %dma_wait3A_23 = arith.constant 0 : i32
      %dma_wait3A_24 = arith.constant 0 : i32
      %dma_wait3A_25 = tpu.memref_slice %arg3[%dma_wait3A_23, %dma_wait3A_24] : memref<8192x256xf32, #tpu.memory_space<hbm>> -> memref<8192x256xf32, #tpu.memory_space<hbm>>
      tpu.wait_indirect_dma semaphore(%arg8 : memref<!tpu.dma_semaphore, #tpu.memory_space<semaphore_mem>>) src(%dma_wait3A_25 : memref<8192x256xf32, #tpu.memory_space<hbm>>) dst(%arg6 : memref<128x256xf32, #tpu.memory_space<vmem>>)
      %add3A_26 = arith.addi %mul3A_2, %add3A_22 : i32
      "tpu.region"() ({
        %run_scoped3A = tpu.sem_alloc : memref<!tpu.dma_semaphore, #tpu.memory_space<semaphore_mem>>
        %dma_start3A_38 = arith.constant 0 : i32
        %dma_start3A_39 = tpu.memref_slice %arg4[%add3A_26, %dma_start3A_38] : memref<81920x256xf32, #tpu.memory_space<hbm>> -> memref<128x256xf32, #tpu.memory_space<hbm>>
        %dma_start3A_40 = arith.constant 0 : i32
        %dma_start3A_41 = tpu.memref_slice %arg4[%add3A_26, %dma_start3A_40] : memref<81920x256xf32, #tpu.memory_space<hbm>> -> memref<128x256xf32, #tpu.memory_space<hbm>>
        tpu.enqueue_dma source(%arg6 : memref<128x256xf32, #tpu.memory_space<vmem>>) target(%dma_start3A_41 : memref<128x256xf32, #tpu.memory_space<hbm>>) target_semaphore(%run_scoped3A : memref<!tpu.dma_semaphore, #tpu.memory_space<semaphore_mem>>)
        %dma_wait3A_42 = arith.constant 0 : i32
        %dma_wait3A_43 = tpu.memref_slice %arg4[%add3A_26, %dma_wait3A_42] : memref<81920x256xf32, #tpu.memory_space<hbm>> -> memref<128x256xf32, #tpu.memory_space<hbm>>
        %dma_wait3A_44 = arith.constant 0 : i32
        %dma_wait3A_45 = tpu.memref_slice %arg4[%add3A_26, %dma_wait3A_44] : memref<81920x256xf32, #tpu.memory_space<hbm>> -> memref<128x256xf32, #tpu.memory_space<hbm>>
        tpu.wait_dma2 semaphore(%run_scoped3A : memref<!tpu.dma_semaphore, #tpu.memory_space<semaphore_mem>>) src(%arg6 : memref<128x256xf32, #tpu.memory_space<vmem>>) dst(%dma_wait3A_45 : memref<128x256xf32, #tpu.memory_space<hbm>>)
        tpu.yield
      }) : () -> ()
      %add3A_27 = arith.constant 1 : i32
      %add3A_28 = arith.addi %scan3A_12, %add3A_27 : i32
      %lt3A = arith.constant 10 : i32
      %lt3A_29 = arith.cmpi slt, %add3A_28, %lt3A : i32
      %convert_element_type3A = arith.extui %lt3A_29 : i1 to i32
      %cond3A = arith.constant 0 : i32
      %cond3A_30 = arith.cmpi ne, %convert_element_type3A, %cond3A : i32
      scf.if %cond3A_30 {
        %add3A_38 = arith.constant 256 : i32
        %add3A_39 = arith.addi %add3A_22, %add3A_38 : i32
        %dma_start3A_40 = tpu.memref_slice %arg5[%add3A_39] : memref<2560xi32, #tpu.memory_space<vmem>> -> memref<128xi32, #tpu.memory_space<vmem>>
        %dma_start3A_41 = arith.constant 0 : i32
        %dma_start3A_42 = arith.constant 0 : i32
        %dma_start3A_43 = tpu.memref_slice %arg3[%dma_start3A_41, %dma_start3A_42] : memref<8192x256xf32, #tpu.memory_space<hbm>> -> memref<8192x256xf32, #tpu.memory_space<hbm>>
        tpu.enqueue_indirect_dma source(%dma_start3A_43 : memref<8192x256xf32, #tpu.memory_space<hbm>>) target(%arg6 : memref<128x256xf32, #tpu.memory_space<vmem>>) offsets(%dma_start3A_40 : memref<128xi32, #tpu.memory_space<vmem>>) semaphore(%arg8 : memref<!tpu.dma_semaphore, #tpu.memory_space<semaphore_mem>>)
      } else {
      }
      %add3A_31 = arith.constant 128 : i32
      %add3A_32 = arith.addi %mul3A_14, %add3A_31 : i32
      %dma_wait3A_33 = tpu.memref_slice %arg5[%add3A_32] : memref<2560xi32, #tpu.memory_space<vmem>> -> memref<128xi32, #tpu.memory_space<vmem>>
      %dma_wait3A_34 = arith.constant 0 : i32
      %dma_wait3A_35 = arith.constant 0 : i32
      %dma_wait3A_36 = tpu.memref_slice %arg3[%dma_wait3A_34, %dma_wait3A_35] : memref<8192x256xf32, #tpu.memory_space<hbm>> -> memref<8192x256xf32, #tpu.memory_space<hbm>>
      tpu.wait_indirect_dma semaphore(%arg9 : memref<!tpu.dma_semaphore, #tpu.memory_space<semaphore_mem>>) src(%dma_wait3A_36 : memref<8192x256xf32, #tpu.memory_space<hbm>>) dst(%arg7 : memref<128x256xf32, #tpu.memory_space<vmem>>)
      %add3A_37 = arith.addi %mul3A_2, %add3A_32 : i32
      "tpu.region"() ({
        %run_scoped3A = tpu.sem_alloc : memref<!tpu.dma_semaphore, #tpu.memory_space<semaphore_mem>>
        %dma_start3A_38 = arith.constant 0 : i32
        %dma_start3A_39 = tpu.memref_slice %arg4[%add3A_37, %dma_start3A_38] : memref<81920x256xf32, #tpu.memory_space<hbm>> -> memref<128x256xf32, #tpu.memory_space<hbm>>
        %dma_start3A_40 = arith.constant 0 : i32
        %dma_start3A_41 = tpu.memref_slice %arg4[%add3A_37, %dma_start3A_40] : memref<81920x256xf32, #tpu.memory_space<hbm>> -> memref<128x256xf32, #tpu.memory_space<hbm>>
        tpu.enqueue_dma source(%arg7 : memref<128x256xf32, #tpu.memory_space<vmem>>) target(%dma_start3A_41 : memref<128x256xf32, #tpu.memory_space<hbm>>) target_semaphore(%run_scoped3A : memref<!tpu.dma_semaphore, #tpu.memory_space<semaphore_mem>>)
        %dma_wait3A_42 = arith.constant 0 : i32
        %dma_wait3A_43 = tpu.memref_slice %arg4[%add3A_37, %dma_wait3A_42] : memref<81920x256xf32, #tpu.memory_space<hbm>> -> memref<128x256xf32, #tpu.memory_space<hbm>>
        %dma_wait3A_44 = arith.constant 0 : i32
        %dma_wait3A_45 = tpu.memref_slice %arg4[%add3A_37, %dma_wait3A_44] : memref<81920x256xf32, #tpu.memory_space<hbm>> -> memref<128x256xf32, #tpu.memory_space<hbm>>
        tpu.wait_dma2 semaphore(%run_scoped3A : memref<!tpu.dma_semaphore, #tpu.memory_space<semaphore_mem>>) src(%arg7 : memref<128x256xf32, #tpu.memory_space<vmem>>) dst(%dma_wait3A_45 : memref<128x256xf32, #tpu.memory_space<hbm>>)
        tpu.yield
      }) : () -> ()
    }
    %scan3A_11 = arith.constant 10 : i32
    return
  }
}

#map = affine_map<(d0, d1) -> (0)>
#map1 = affine_map<(d0, d1) -> (0, 0)>
module attributes {stable_mosaic.version = 14 : i64} {
  func.func @run(%arg0: i32, %arg1: i32, %arg2: memref<81920xi32, #tpu.memory_space<hbm>>, %arg3: memref<8192x512xf32, #tpu.memory_space<hbm>>, %arg4: memref<81920x512xf32, #tpu.memory_space<hbm>>, %arg5: memref<2560xi32, #tpu.memory_space<vmem>>, %arg6: memref<64x512xf32, #tpu.memory_space<vmem>>, %arg7: memref<64x512xf32, #tpu.memory_space<vmem>>, %arg8: memref<!tpu.dma_semaphore, #tpu.memory_space<semaphore_mem>>, %arg9: memref<!tpu.dma_semaphore, #tpu.memory_space<semaphore_mem>>) attributes {dimension_semantics = [#tpu.dimension_semantics<core_parallel>, #tpu.dimension_semantics<subcore_parallel>], iteration_bounds = array<i64: 2, 16>, scalar_prefetch = 0 : i64, scratch_operands = 5 : i64, tpu.core_type = #tpu.core_type<sc_vector_subcore>, window_params = [{transform_indices = #map}, {transform_indices = #map1}, {transform_indices = #map1}]} {
    %mul3A = arith.constant 2 : i32
    %mul3A_0 = arith.muli %arg1, %mul3A : i32
    %add3A = arith.addi %mul3A_0, %arg0 : i32
    %mul3A_1 = arith.constant 2560 : i32
    %mul3A_2 = arith.muli %add3A, %mul3A_1 : i32
    "tpu.region"() ({
      %run_scoped3A = tpu.sem_alloc : memref<!tpu.dma_semaphore, #tpu.memory_space<semaphore_mem>>
      %dma_start3A_12 = tpu.memref_slice %arg2[%mul3A_2] : memref<81920xi32, #tpu.memory_space<hbm>> -> memref<2560xi32, #tpu.memory_space<hbm>>
      %dma_start3A_13 = tpu.memref_slice %arg2[%mul3A_2] : memref<81920xi32, #tpu.memory_space<hbm>> -> memref<2560xi32, #tpu.memory_space<hbm>>
      tpu.enqueue_dma source(%dma_start3A_13 : memref<2560xi32, #tpu.memory_space<hbm>>) target(%arg5 : memref<2560xi32, #tpu.memory_space<vmem>>) target_semaphore(%run_scoped3A : memref<!tpu.dma_semaphore, #tpu.memory_space<semaphore_mem>>)
      %dma_wait3A = tpu.memref_slice %arg2[%mul3A_2] : memref<81920xi32, #tpu.memory_space<hbm>> -> memref<2560xi32, #tpu.memory_space<hbm>>
      %dma_wait3A_14 = tpu.memref_slice %arg2[%mul3A_2] : memref<81920xi32, #tpu.memory_space<hbm>> -> memref<2560xi32, #tpu.memory_space<hbm>>
      tpu.wait_dma2 semaphore(%run_scoped3A : memref<!tpu.dma_semaphore, #tpu.memory_space<semaphore_mem>>) src(%dma_wait3A_14 : memref<2560xi32, #tpu.memory_space<hbm>>) dst(%arg5 : memref<2560xi32, #tpu.memory_space<vmem>>)
      tpu.yield
    }) : () -> ()
    %dma_start3A = arith.constant 0 : i32
    %dma_start3A_3 = tpu.memref_slice %arg5[%dma_start3A] : memref<2560xi32, #tpu.memory_space<vmem>> -> memref<64xi32, #tpu.memory_space<vmem>>
    %dma_start3A_4 = arith.constant 0 : i32
    %dma_start3A_5 = arith.constant 0 : i32
    %dma_start3A_6 = tpu.memref_slice %arg3[%dma_start3A_4, %dma_start3A_5] : memref<8192x512xf32, #tpu.memory_space<hbm>> -> memref<8192x512xf32, #tpu.memory_space<hbm>>
    tpu.enqueue_indirect_dma source(%dma_start3A_6 : memref<8192x512xf32, #tpu.memory_space<hbm>>) target(%arg6 : memref<64x512xf32, #tpu.memory_space<vmem>>) offsets(%dma_start3A_3 : memref<64xi32, #tpu.memory_space<vmem>>) semaphore(%arg8 : memref<!tpu.dma_semaphore, #tpu.memory_space<semaphore_mem>>)
    %scan3A = arith.constant 0 : i32
    %scan3A_7 = arith.constant 0 : i32
    %scan3A_8 = arith.constant 20 : i32
    %scan3A_9 = arith.addi %scan3A_7, %scan3A_8 : i32
    %scan3A_10 = arith.constant 1 : i32
    scf.for %scan3A_12 = %scan3A_7 to %scan3A_9 step %scan3A_10  : i32 {
      %mul3A_13 = arith.constant 128 : i32
      %mul3A_14 = arith.muli %scan3A_12, %mul3A_13 : i32
      %add3A_15 = arith.constant 64 : i32
      %add3A_16 = arith.addi %mul3A_14, %add3A_15 : i32
      %dma_start3A_17 = tpu.memref_slice %arg5[%add3A_16] : memref<2560xi32, #tpu.memory_space<vmem>> -> memref<64xi32, #tpu.memory_space<vmem>>
      %dma_start3A_18 = arith.constant 0 : i32
      %dma_start3A_19 = arith.constant 0 : i32
      %dma_start3A_20 = tpu.memref_slice %arg3[%dma_start3A_18, %dma_start3A_19] : memref<8192x512xf32, #tpu.memory_space<hbm>> -> memref<8192x512xf32, #tpu.memory_space<hbm>>
      tpu.enqueue_indirect_dma source(%dma_start3A_20 : memref<8192x512xf32, #tpu.memory_space<hbm>>) target(%arg7 : memref<64x512xf32, #tpu.memory_space<vmem>>) offsets(%dma_start3A_17 : memref<64xi32, #tpu.memory_space<vmem>>) semaphore(%arg9 : memref<!tpu.dma_semaphore, #tpu.memory_space<semaphore_mem>>)
      %add3A_21 = arith.constant 0 : i32
      %add3A_22 = arith.addi %mul3A_14, %add3A_21 : i32
      %dma_wait3A = tpu.memref_slice %arg5[%add3A_22] : memref<2560xi32, #tpu.memory_space<vmem>> -> memref<64xi32, #tpu.memory_space<vmem>>
      %dma_wait3A_23 = arith.constant 0 : i32
      %dma_wait3A_24 = arith.constant 0 : i32
      %dma_wait3A_25 = tpu.memref_slice %arg3[%dma_wait3A_23, %dma_wait3A_24] : memref<8192x512xf32, #tpu.memory_space<hbm>> -> memref<8192x512xf32, #tpu.memory_space<hbm>>
      tpu.wait_indirect_dma semaphore(%arg8 : memref<!tpu.dma_semaphore, #tpu.memory_space<semaphore_mem>>) src(%dma_wait3A_25 : memref<8192x512xf32, #tpu.memory_space<hbm>>) dst(%arg6 : memref<64x512xf32, #tpu.memory_space<vmem>>)
      %add3A_26 = arith.addi %mul3A_2, %add3A_22 : i32
      "tpu.region"() ({
        %run_scoped3A = tpu.sem_alloc : memref<!tpu.dma_semaphore, #tpu.memory_space<semaphore_mem>>
        %dma_start3A_38 = arith.constant 0 : i32
        %dma_start3A_39 = tpu.memref_slice %arg4[%add3A_26, %dma_start3A_38] : memref<81920x512xf32, #tpu.memory_space<hbm>> -> memref<64x512xf32, #tpu.memory_space<hbm>>
        %dma_start3A_40 = arith.constant 0 : i32
        %dma_start3A_41 = tpu.memref_slice %arg4[%add3A_26, %dma_start3A_40] : memref<81920x512xf32, #tpu.memory_space<hbm>> -> memref<64x512xf32, #tpu.memory_space<hbm>>
        tpu.enqueue_dma source(%arg6 : memref<64x512xf32, #tpu.memory_space<vmem>>) target(%dma_start3A_41 : memref<64x512xf32, #tpu.memory_space<hbm>>) target_semaphore(%run_scoped3A : memref<!tpu.dma_semaphore, #tpu.memory_space<semaphore_mem>>)
        %dma_wait3A_42 = arith.constant 0 : i32
        %dma_wait3A_43 = tpu.memref_slice %arg4[%add3A_26, %dma_wait3A_42] : memref<81920x512xf32, #tpu.memory_space<hbm>> -> memref<64x512xf32, #tpu.memory_space<hbm>>
        %dma_wait3A_44 = arith.constant 0 : i32
        %dma_wait3A_45 = tpu.memref_slice %arg4[%add3A_26, %dma_wait3A_44] : memref<81920x512xf32, #tpu.memory_space<hbm>> -> memref<64x512xf32, #tpu.memory_space<hbm>>
        tpu.wait_dma2 semaphore(%run_scoped3A : memref<!tpu.dma_semaphore, #tpu.memory_space<semaphore_mem>>) src(%arg6 : memref<64x512xf32, #tpu.memory_space<vmem>>) dst(%dma_wait3A_45 : memref<64x512xf32, #tpu.memory_space<hbm>>)
        tpu.yield
      }) : () -> ()
      %add3A_27 = arith.constant 1 : i32
      %add3A_28 = arith.addi %scan3A_12, %add3A_27 : i32
      %lt3A = arith.constant 20 : i32
      %lt3A_29 = arith.cmpi slt, %add3A_28, %lt3A : i32
      %convert_element_type3A = arith.extui %lt3A_29 : i1 to i32
      %cond3A = arith.constant 0 : i32
      %cond3A_30 = arith.cmpi ne, %convert_element_type3A, %cond3A : i32
      scf.if %cond3A_30 {
        %add3A_38 = arith.constant 128 : i32
        %add3A_39 = arith.addi %add3A_22, %add3A_38 : i32
        %dma_start3A_40 = tpu.memref_slice %arg5[%add3A_39] : memref<2560xi32, #tpu.memory_space<vmem>> -> memref<64xi32, #tpu.memory_space<vmem>>
        %dma_start3A_41 = arith.constant 0 : i32
        %dma_start3A_42 = arith.constant 0 : i32
        %dma_start3A_43 = tpu.memref_slice %arg3[%dma_start3A_41, %dma_start3A_42] : memref<8192x512xf32, #tpu.memory_space<hbm>> -> memref<8192x512xf32, #tpu.memory_space<hbm>>
        tpu.enqueue_indirect_dma source(%dma_start3A_43 : memref<8192x512xf32, #tpu.memory_space<hbm>>) target(%arg6 : memref<64x512xf32, #tpu.memory_space<vmem>>) offsets(%dma_start3A_40 : memref<64xi32, #tpu.memory_space<vmem>>) semaphore(%arg8 : memref<!tpu.dma_semaphore, #tpu.memory_space<semaphore_mem>>)
      } else {
      }
      %add3A_31 = arith.constant 64 : i32
      %add3A_32 = arith.addi %mul3A_14, %add3A_31 : i32
      %dma_wait3A_33 = tpu.memref_slice %arg5[%add3A_32] : memref<2560xi32, #tpu.memory_space<vmem>> -> memref<64xi32, #tpu.memory_space<vmem>>
      %dma_wait3A_34 = arith.constant 0 : i32
      %dma_wait3A_35 = arith.constant 0 : i32
      %dma_wait3A_36 = tpu.memref_slice %arg3[%dma_wait3A_34, %dma_wait3A_35] : memref<8192x512xf32, #tpu.memory_space<hbm>> -> memref<8192x512xf32, #tpu.memory_space<hbm>>
      tpu.wait_indirect_dma semaphore(%arg9 : memref<!tpu.dma_semaphore, #tpu.memory_space<semaphore_mem>>) src(%dma_wait3A_36 : memref<8192x512xf32, #tpu.memory_space<hbm>>) dst(%arg7 : memref<64x512xf32, #tpu.memory_space<vmem>>)
      %add3A_37 = arith.addi %mul3A_2, %add3A_32 : i32
      "tpu.region"() ({
        %run_scoped3A = tpu.sem_alloc : memref<!tpu.dma_semaphore, #tpu.memory_space<semaphore_mem>>
        %dma_start3A_38 = arith.constant 0 : i32
        %dma_start3A_39 = tpu.memref_slice %arg4[%add3A_37, %dma_start3A_38] : memref<81920x512xf32, #tpu.memory_space<hbm>> -> memref<64x512xf32, #tpu.memory_space<hbm>>
        %dma_start3A_40 = arith.constant 0 : i32
        %dma_start3A_41 = tpu.memref_slice %arg4[%add3A_37, %dma_start3A_40] : memref<81920x512xf32, #tpu.memory_space<hbm>> -> memref<64x512xf32, #tpu.memory_space<hbm>>
        tpu.enqueue_dma source(%arg7 : memref<64x512xf32, #tpu.memory_space<vmem>>) target(%dma_start3A_41 : memref<64x512xf32, #tpu.memory_space<hbm>>) target_semaphore(%run_scoped3A : memref<!tpu.dma_semaphore, #tpu.memory_space<semaphore_mem>>)
        %dma_wait3A_42 = arith.constant 0 : i32
        %dma_wait3A_43 = tpu.memref_slice %arg4[%add3A_37, %dma_wait3A_42] : memref<81920x512xf32, #tpu.memory_space<hbm>> -> memref<64x512xf32, #tpu.memory_space<hbm>>
        %dma_wait3A_44 = arith.constant 0 : i32
        %dma_wait3A_45 = tpu.memref_slice %arg4[%add3A_37, %dma_wait3A_44] : memref<81920x512xf32, #tpu.memory_space<hbm>> -> memref<64x512xf32, #tpu.memory_space<hbm>>
        tpu.wait_dma2 semaphore(%run_scoped3A : memref<!tpu.dma_semaphore, #tpu.memory_space<semaphore_mem>>) src(%arg7 : memref<64x512xf32, #tpu.memory_space<vmem>>) dst(%dma_wait3A_45 : memref<64x512xf32, #tpu.memory_space<hbm>>)
        tpu.yield
      }) : () -> ()
    }
    %scan3A_11 = arith.constant 20 : i32
    return
  }
}

module attributes {stable_mosaic.version = 14 : i64} {
  func.func @_topk_body(%arg0: i32, %arg1: i32, %arg2: memref<1x1024x128xf32, #tpu.memory_space<vmem>>, %arg3: memref<1x2048x128xf32, #tpu.memory_space<vmem>>, %arg4: memref<1x1024x10xi32, #tpu.memory_space<vmem>>) attributes {dimension_semantics = [#tpu.dimension_semantics<arbitrary>, #tpu.dimension_semantics<arbitrary>], iteration_bounds = array<i64: 4, 2>, scalar_prefetch = 0 : i64, scratch_operands = 0 : i64, tpu.core_type = #tpu.core_type<tc>, window_params = [{transform_indices = @transform_0, window_bounds = array<i64: 1, 1024, 128>}, {transform_indices = @transform_1, window_bounds = array<i64: 1, 2048, 128>}, {transform_indices = @transform_2, window_bounds = array<i64: 1, 1024, 10>}]} {
    %get3A = arith.constant 0 : index
    %get3A_0 = arith.constant 0 : index
    %get3A_1 = arith.constant 0 : index
    %get3A_2 = vector.load %arg2[%get3A, %get3A_0, %get3A_1] : memref<1x1024x128xf32, #tpu.memory_space<vmem>>, vector<1x1024x128xf32>
    %get3A_3 = vector.shape_cast %get3A_2 : vector<1x1024x128xf32> to vector<1024x128xf32>
    %get3A_4 = arith.constant 0 : index
    %get3A_5 = arith.constant 0 : index
    %get3A_6 = arith.constant 0 : index
    %get3A_7 = vector.load %arg3[%get3A_4, %get3A_5, %get3A_6] : memref<1x2048x128xf32, #tpu.memory_space<vmem>>, vector<1x2048x128xf32>
    %get3A_8 = vector.shape_cast %get3A_7 : vector<1x2048x128xf32> to vector<2048x128xf32>
    %mul3A = arith.mulf %get3A_3, %get3A_3 : vector<1024x128xf32>
    %reduce_sum3A = arith.constant dense<0.000000e+00> : vector<1024xf32>
    %reduce_sum3A_9 = vector.multi_reduction <add>, %mul3A, %reduce_sum3A [1] : vector<1024x128xf32> to vector<1024xf32>
    %broadcast_in_dim3A = vector.shape_cast %reduce_sum3A_9 : vector<1024xf32> to vector<1024x1xf32>
    %mul3A_10 = arith.mulf %get3A_8, %get3A_8 : vector<2048x128xf32>
    %reduce_sum3A_11 = arith.constant dense<0.000000e+00> : vector<2048xf32>
    %reduce_sum3A_12 = vector.multi_reduction <add>, %mul3A_10, %reduce_sum3A_11 [1] : vector<2048x128xf32> to vector<2048xf32>
    %convert_element_type3A = arith.truncf %get3A_3 : vector<1024x128xf32> to vector<1024x128xbf16>
    %convert_element_type3A_13 = arith.truncf %get3A_8 : vector<2048x128xf32> to vector<2048x128xbf16>
    %dot_general3A = arith.constant dense<0.000000e+00> : vector<1024x2048xf32>
    %dot_general3A_14 = tpu.matmul %convert_element_type3A, %convert_element_type3A_13, %dot_general3A {dimension_numbers = #tpu.dot_dimension_numbers<[1], [1], [0], [0], [0, 0, 1, 0], [], []>, transpose_lhs_hint = false} : vector<1024x128xbf16>, vector<2048x128xbf16>, vector<1024x2048xf32> -> vector<1024x2048xf32>
    %broadcast_in_dim3A_15 = vector.shape_cast %reduce_sum3A_12 : vector<2048xf32> to vector<1x2048xf32>
    %add3A = vector.broadcast %broadcast_in_dim3A : vector<1024x1xf32> to vector<1024x2048xf32>
    %add3A_16 = vector.broadcast %broadcast_in_dim3A_15 : vector<1x2048xf32> to vector<1024x2048xf32>
    %add3A_17 = arith.addf %add3A, %add3A_16 : vector<1024x2048xf32>
    %mul3A_18 = arith.constant 2.000000e+00 : f32
    %mul3A_19 = vector.broadcast %mul3A_18 : f32 to vector<1024x2048xf32>
    %mul3A_20 = arith.mulf %mul3A_19, %dot_general3A_14 : vector<1024x2048xf32>
    %sub3A = arith.subf %add3A_17, %mul3A_20 : vector<1024x2048xf32>
    %iota3A = tpu.iota {dimensions = array<i32: 1>} : vector<1024x2048xi32>
    %reduce_min3A = arith.constant dense<0x7F800000> : vector<1024xf32>
    %reduce_min3A_21 = vector.multi_reduction <minimumf>, %sub3A, %reduce_min3A [1] : vector<1024x2048xf32> to vector<1024xf32>
    %broadcast_in_dim3A_22 = vector.shape_cast %reduce_min3A_21 : vector<1024xf32> to vector<1024x1xf32>
    %eq3A = vector.broadcast %broadcast_in_dim3A_22 : vector<1024x1xf32> to vector<1024x2048xf32>
    %eq3A_23 = arith.cmpf oeq, %sub3A, %eq3A : vector<1024x2048xf32>
    %jit3A = arith.constant 2048 : i32
    %broadcast_in_dim3A_24 = vector.broadcast %jit3A : i32 to vector<1024x2048xi32>
    %select_n3A = arith.select %eq3A_23, %iota3A, %broadcast_in_dim3A_24 : vector<1024x2048xi1>, vector<1024x2048xi32>
    %reduce_min3A_25 = arith.constant dense<2147483647> : vector<1024xi32>
    %reduce_min3A_26 = vector.multi_reduction <minsi>, %select_n3A, %reduce_min3A_25 [1] : vector<1024x2048xi32> to vector<1024xi32>
    %broadcast_in_dim3A_27 = vector.shape_cast %reduce_min3A_26 : vector<1024xi32> to vector<1024x1xi32>
    %eq3A_28 = vector.broadcast %broadcast_in_dim3A_27 : vector<1024x1xi32> to vector<1024x2048xi32>
    %eq3A_29 = arith.cmpi eq, %iota3A, %eq3A_28 : vector<1024x2048xi32>
    %jit3A_30 = arith.constant 0x7F800000 : f32
    %broadcast_in_dim3A_31 = vector.broadcast %jit3A_30 : f32 to vector<1024x2048xf32>
    %select_n3A_32 = arith.select %eq3A_29, %broadcast_in_dim3A_31, %sub3A : vector<1024x2048xi1>, vector<1024x2048xf32>
    %reduce_min3A_33 = arith.constant dense<0x7F800000> : vector<1024xf32>
    %reduce_min3A_34 = vector.multi_reduction <minimumf>, %select_n3A_32, %reduce_min3A_33 [1] : vector<1024x2048xf32> to vector<1024xf32>
    %broadcast_in_dim3A_35 = vector.shape_cast %reduce_min3A_34 : vector<1024xf32> to vector<1024x1xf32>
    %eq3A_36 = vector.broadcast %broadcast_in_dim3A_35 : vector<1024x1xf32> to vector<1024x2048xf32>
    %eq3A_37 = arith.cmpf oeq, %select_n3A_32, %eq3A_36 : vector<1024x2048xf32>
    %jit3A_38 = arith.constant 2048 : i32
    %broadcast_in_dim3A_39 = vector.broadcast %jit3A_38 : i32 to vector<1024x2048xi32>
    %select_n3A_40 = arith.select %eq3A_37, %iota3A, %broadcast_in_dim3A_39 : vector<1024x2048xi1>, vector<1024x2048xi32>
    %reduce_min3A_41 = arith.constant dense<2147483647> : vector<1024xi32>
    %reduce_min3A_42 = vector.multi_reduction <minsi>, %select_n3A_40, %reduce_min3A_41 [1] : vector<1024x2048xi32> to vector<1024xi32>
    %broadcast_in_dim3A_43 = vector.shape_cast %reduce_min3A_42 : vector<1024xi32> to vector<1024x1xi32>
    %eq3A_44 = vector.broadcast %broadcast_in_dim3A_43 : vector<1024x1xi32> to vector<1024x2048xi32>
    %eq3A_45 = arith.cmpi eq, %iota3A, %eq3A_44 : vector<1024x2048xi32>
    %jit3A_46 = arith.constant 0x7F800000 : f32
    %broadcast_in_dim3A_47 = vector.broadcast %jit3A_46 : f32 to vector<1024x2048xf32>
    %select_n3A_48 = arith.select %eq3A_45, %broadcast_in_dim3A_47, %select_n3A_32 : vector<1024x2048xi1>, vector<1024x2048xf32>
    %reduce_min3A_49 = arith.constant dense<0x7F800000> : vector<1024xf32>
    %reduce_min3A_50 = vector.multi_reduction <minimumf>, %select_n3A_48, %reduce_min3A_49 [1] : vector<1024x2048xf32> to vector<1024xf32>
    %broadcast_in_dim3A_51 = vector.shape_cast %reduce_min3A_50 : vector<1024xf32> to vector<1024x1xf32>
    %eq3A_52 = vector.broadcast %broadcast_in_dim3A_51 : vector<1024x1xf32> to vector<1024x2048xf32>
    %eq3A_53 = arith.cmpf oeq, %select_n3A_48, %eq3A_52 : vector<1024x2048xf32>
    %jit3A_54 = arith.constant 2048 : i32
    %broadcast_in_dim3A_55 = vector.broadcast %jit3A_54 : i32 to vector<1024x2048xi32>
    %select_n3A_56 = arith.select %eq3A_53, %iota3A, %broadcast_in_dim3A_55 : vector<1024x2048xi1>, vector<1024x2048xi32>
    %reduce_min3A_57 = arith.constant dense<2147483647> : vector<1024xi32>
    %reduce_min3A_58 = vector.multi_reduction <minsi>, %select_n3A_56, %reduce_min3A_57 [1] : vector<1024x2048xi32> to vector<1024xi32>
    %broadcast_in_dim3A_59 = vector.shape_cast %reduce_min3A_58 : vector<1024xi32> to vector<1024x1xi32>
    %eq3A_60 = vector.broadcast %broadcast_in_dim3A_59 : vector<1024x1xi32> to vector<1024x2048xi32>
    %eq3A_61 = arith.cmpi eq, %iota3A, %eq3A_60 : vector<1024x2048xi32>
    %jit3A_62 = arith.constant 0x7F800000 : f32
    %broadcast_in_dim3A_63 = vector.broadcast %jit3A_62 : f32 to vector<1024x2048xf32>
    %select_n3A_64 = arith.select %eq3A_61, %broadcast_in_dim3A_63, %select_n3A_48 : vector<1024x2048xi1>, vector<1024x2048xf32>
    %reduce_min3A_65 = arith.constant dense<0x7F800000> : vector<1024xf32>
    %reduce_min3A_66 = vector.multi_reduction <minimumf>, %select_n3A_64, %reduce_min3A_65 [1] : vector<1024x2048xf32> to vector<1024xf32>
    %broadcast_in_dim3A_67 = vector.shape_cast %reduce_min3A_66 : vector<1024xf32> to vector<1024x1xf32>
    %eq3A_68 = vector.broadcast %broadcast_in_dim3A_67 : vector<1024x1xf32> to vector<1024x2048xf32>
    %eq3A_69 = arith.cmpf oeq, %select_n3A_64, %eq3A_68 : vector<1024x2048xf32>
    %jit3A_70 = arith.constant 2048 : i32
    %broadcast_in_dim3A_71 = vector.broadcast %jit3A_70 : i32 to vector<1024x2048xi32>
    %select_n3A_72 = arith.select %eq3A_69, %iota3A, %broadcast_in_dim3A_71 : vector<1024x2048xi1>, vector<1024x2048xi32>
    %reduce_min3A_73 = arith.constant dense<2147483647> : vector<1024xi32>
    %reduce_min3A_74 = vector.multi_reduction <minsi>, %select_n3A_72, %reduce_min3A_73 [1] : vector<1024x2048xi32> to vector<1024xi32>
    %broadcast_in_dim3A_75 = vector.shape_cast %reduce_min3A_74 : vector<1024xi32> to vector<1024x1xi32>
    %eq3A_76 = vector.broadcast %broadcast_in_dim3A_75 : vector<1024x1xi32> to vector<1024x2048xi32>
    %eq3A_77 = arith.cmpi eq, %iota3A, %eq3A_76 : vector<1024x2048xi32>
    %jit3A_78 = arith.constant 0x7F800000 : f32
    %broadcast_in_dim3A_79 = vector.broadcast %jit3A_78 : f32 to vector<1024x2048xf32>
    %select_n3A_80 = arith.select %eq3A_77, %broadcast_in_dim3A_79, %select_n3A_64 : vector<1024x2048xi1>, vector<1024x2048xf32>
    %reduce_min3A_81 = arith.constant dense<0x7F800000> : vector<1024xf32>
    %reduce_min3A_82 = vector.multi_reduction <minimumf>, %select_n3A_80, %reduce_min3A_81 [1] : vector<1024x2048xf32> to vector<1024xf32>
    %broadcast_in_dim3A_83 = vector.shape_cast %reduce_min3A_82 : vector<1024xf32> to vector<1024x1xf32>
    %eq3A_84 = vector.broadcast %broadcast_in_dim3A_83 : vector<1024x1xf32> to vector<1024x2048xf32>
    %eq3A_85 = arith.cmpf oeq, %select_n3A_80, %eq3A_84 : vector<1024x2048xf32>
    %jit3A_86 = arith.constant 2048 : i32
    %broadcast_in_dim3A_87 = vector.broadcast %jit3A_86 : i32 to vector<1024x2048xi32>
    %select_n3A_88 = arith.select %eq3A_85, %iota3A, %broadcast_in_dim3A_87 : vector<1024x2048xi1>, vector<1024x2048xi32>
    %reduce_min3A_89 = arith.constant dense<2147483647> : vector<1024xi32>
    %reduce_min3A_90 = vector.multi_reduction <minsi>, %select_n3A_88, %reduce_min3A_89 [1] : vector<1024x2048xi32> to vector<1024xi32>
    %broadcast_in_dim3A_91 = vector.shape_cast %reduce_min3A_90 : vector<1024xi32> to vector<1024x1xi32>
    %eq3A_92 = vector.broadcast %broadcast_in_dim3A_91 : vector<1024x1xi32> to vector<1024x2048xi32>
    %eq3A_93 = arith.cmpi eq, %iota3A, %eq3A_92 : vector<1024x2048xi32>
    %jit3A_94 = arith.constant 0x7F800000 : f32
    %broadcast_in_dim3A_95 = vector.broadcast %jit3A_94 : f32 to vector<1024x2048xf32>
    %select_n3A_96 = arith.select %eq3A_93, %broadcast_in_dim3A_95, %select_n3A_80 : vector<1024x2048xi1>, vector<1024x2048xf32>
    %reduce_min3A_97 = arith.constant dense<0x7F800000> : vector<1024xf32>
    %reduce_min3A_98 = vector.multi_reduction <minimumf>, %select_n3A_96, %reduce_min3A_97 [1] : vector<1024x2048xf32> to vector<1024xf32>
    %broadcast_in_dim3A_99 = vector.shape_cast %reduce_min3A_98 : vector<1024xf32> to vector<1024x1xf32>
    %eq3A_100 = vector.broadcast %broadcast_in_dim3A_99 : vector<1024x1xf32> to vector<1024x2048xf32>
    %eq3A_101 = arith.cmpf oeq, %select_n3A_96, %eq3A_100 : vector<1024x2048xf32>
    %jit3A_102 = arith.constant 2048 : i32
    %broadcast_in_dim3A_103 = vector.broadcast %jit3A_102 : i32 to vector<1024x2048xi32>
    %select_n3A_104 = arith.select %eq3A_101, %iota3A, %broadcast_in_dim3A_103 : vector<1024x2048xi1>, vector<1024x2048xi32>
    %reduce_min3A_105 = arith.constant dense<2147483647> : vector<1024xi32>
    %reduce_min3A_106 = vector.multi_reduction <minsi>, %select_n3A_104, %reduce_min3A_105 [1] : vector<1024x2048xi32> to vector<1024xi32>
    %broadcast_in_dim3A_107 = vector.shape_cast %reduce_min3A_106 : vector<1024xi32> to vector<1024x1xi32>
    %eq3A_108 = vector.broadcast %broadcast_in_dim3A_107 : vector<1024x1xi32> to vector<1024x2048xi32>
    %eq3A_109 = arith.cmpi eq, %iota3A, %eq3A_108 : vector<1024x2048xi32>
    %jit3A_110 = arith.constant 0x7F800000 : f32
    %broadcast_in_dim3A_111 = vector.broadcast %jit3A_110 : f32 to vector<1024x2048xf32>
    %select_n3A_112 = arith.select %eq3A_109, %broadcast_in_dim3A_111, %select_n3A_96 : vector<1024x2048xi1>, vector<1024x2048xf32>
    %reduce_min3A_113 = arith.constant dense<0x7F800000> : vector<1024xf32>
    %reduce_min3A_114 = vector.multi_reduction <minimumf>, %select_n3A_112, %reduce_min3A_113 [1] : vector<1024x2048xf32> to vector<1024xf32>
    %broadcast_in_dim3A_115 = vector.shape_cast %reduce_min3A_114 : vector<1024xf32> to vector<1024x1xf32>
    %eq3A_116 = vector.broadcast %broadcast_in_dim3A_115 : vector<1024x1xf32> to vector<1024x2048xf32>
    %eq3A_117 = arith.cmpf oeq, %select_n3A_112, %eq3A_116 : vector<1024x2048xf32>
    %jit3A_118 = arith.constant 2048 : i32
    %broadcast_in_dim3A_119 = vector.broadcast %jit3A_118 : i32 to vector<1024x2048xi32>
    %select_n3A_120 = arith.select %eq3A_117, %iota3A, %broadcast_in_dim3A_119 : vector<1024x2048xi1>, vector<1024x2048xi32>
    %reduce_min3A_121 = arith.constant dense<2147483647> : vector<1024xi32>
    %reduce_min3A_122 = vector.multi_reduction <minsi>, %select_n3A_120, %reduce_min3A_121 [1] : vector<1024x2048xi32> to vector<1024xi32>
    %broadcast_in_dim3A_123 = vector.shape_cast %reduce_min3A_122 : vector<1024xi32> to vector<1024x1xi32>
    %eq3A_124 = vector.broadcast %broadcast_in_dim3A_123 : vector<1024x1xi32> to vector<1024x2048xi32>
    %eq3A_125 = arith.cmpi eq, %iota3A, %eq3A_124 : vector<1024x2048xi32>
    %jit3A_126 = arith.constant 0x7F800000 : f32
    %broadcast_in_dim3A_127 = vector.broadcast %jit3A_126 : f32 to vector<1024x2048xf32>
    %select_n3A_128 = arith.select %eq3A_125, %broadcast_in_dim3A_127, %select_n3A_112 : vector<1024x2048xi1>, vector<1024x2048xf32>
    %reduce_min3A_129 = arith.constant dense<0x7F800000> : vector<1024xf32>
    %reduce_min3A_130 = vector.multi_reduction <minimumf>, %select_n3A_128, %reduce_min3A_129 [1] : vector<1024x2048xf32> to vector<1024xf32>
    %broadcast_in_dim3A_131 = vector.shape_cast %reduce_min3A_130 : vector<1024xf32> to vector<1024x1xf32>
    %eq3A_132 = vector.broadcast %broadcast_in_dim3A_131 : vector<1024x1xf32> to vector<1024x2048xf32>
    %eq3A_133 = arith.cmpf oeq, %select_n3A_128, %eq3A_132 : vector<1024x2048xf32>
    %jit3A_134 = arith.constant 2048 : i32
    %broadcast_in_dim3A_135 = vector.broadcast %jit3A_134 : i32 to vector<1024x2048xi32>
    %select_n3A_136 = arith.select %eq3A_133, %iota3A, %broadcast_in_dim3A_135 : vector<1024x2048xi1>, vector<1024x2048xi32>
    %reduce_min3A_137 = arith.constant dense<2147483647> : vector<1024xi32>
    %reduce_min3A_138 = vector.multi_reduction <minsi>, %select_n3A_136, %reduce_min3A_137 [1] : vector<1024x2048xi32> to vector<1024xi32>
    %broadcast_in_dim3A_139 = vector.shape_cast %reduce_min3A_138 : vector<1024xi32> to vector<1024x1xi32>
    %eq3A_140 = vector.broadcast %broadcast_in_dim3A_139 : vector<1024x1xi32> to vector<1024x2048xi32>
    %eq3A_141 = arith.cmpi eq, %iota3A, %eq3A_140 : vector<1024x2048xi32>
    %jit3A_142 = arith.constant 0x7F800000 : f32
    %broadcast_in_dim3A_143 = vector.broadcast %jit3A_142 : f32 to vector<1024x2048xf32>
    %select_n3A_144 = arith.select %eq3A_141, %broadcast_in_dim3A_143, %select_n3A_128 : vector<1024x2048xi1>, vector<1024x2048xf32>
    %reduce_min3A_145 = arith.constant dense<0x7F800000> : vector<1024xf32>
    %reduce_min3A_146 = vector.multi_reduction <minimumf>, %select_n3A_144, %reduce_min3A_145 [1] : vector<1024x2048xf32> to vector<1024xf32>
    %broadcast_in_dim3A_147 = vector.shape_cast %reduce_min3A_146 : vector<1024xf32> to vector<1024x1xf32>
    %eq3A_148 = vector.broadcast %broadcast_in_dim3A_147 : vector<1024x1xf32> to vector<1024x2048xf32>
    %eq3A_149 = arith.cmpf oeq, %select_n3A_144, %eq3A_148 : vector<1024x2048xf32>
    %jit3A_150 = arith.constant 2048 : i32
    %broadcast_in_dim3A_151 = vector.broadcast %jit3A_150 : i32 to vector<1024x2048xi32>
    %select_n3A_152 = arith.select %eq3A_149, %iota3A, %broadcast_in_dim3A_151 : vector<1024x2048xi1>, vector<1024x2048xi32>
    %reduce_min3A_153 = arith.constant dense<2147483647> : vector<1024xi32>
    %reduce_min3A_154 = vector.multi_reduction <minsi>, %select_n3A_152, %reduce_min3A_153 [1] : vector<1024x2048xi32> to vector<1024xi32>
    %broadcast_in_dim3A_155 = vector.shape_cast %reduce_min3A_154 : vector<1024xi32> to vector<1024x1xi32>
    %eq3A_156 = vector.broadcast %broadcast_in_dim3A_155 : vector<1024x1xi32> to vector<1024x2048xi32>
    %eq3A_157 = arith.cmpi eq, %iota3A, %eq3A_156 : vector<1024x2048xi32>
    %jit3A_158 = arith.constant 0x7F800000 : f32
    %broadcast_in_dim3A_159 = vector.broadcast %jit3A_158 : f32 to vector<1024x2048xf32>
    %select_n3A_160 = arith.select %eq3A_157, %broadcast_in_dim3A_159, %select_n3A_144 : vector<1024x2048xi1>, vector<1024x2048xf32>
    %reduce_min3A_161 = arith.constant dense<0x7F800000> : vector<1024xf32>
    %reduce_min3A_162 = vector.multi_reduction <minimumf>, %select_n3A_160, %reduce_min3A_161 [1] : vector<1024x2048xf32> to vector<1024xf32>
    %broadcast_in_dim3A_163 = vector.shape_cast %reduce_min3A_162 : vector<1024xf32> to vector<1024x1xf32>
    %eq3A_164 = vector.broadcast %broadcast_in_dim3A_163 : vector<1024x1xf32> to vector<1024x2048xf32>
    %eq3A_165 = arith.cmpf oeq, %select_n3A_160, %eq3A_164 : vector<1024x2048xf32>
    %jit3A_166 = arith.constant 2048 : i32
    %broadcast_in_dim3A_167 = vector.broadcast %jit3A_166 : i32 to vector<1024x2048xi32>
    %select_n3A_168 = arith.select %eq3A_165, %iota3A, %broadcast_in_dim3A_167 : vector<1024x2048xi1>, vector<1024x2048xi32>
    %reduce_min3A_169 = arith.constant dense<2147483647> : vector<1024xi32>
    %reduce_min3A_170 = vector.multi_reduction <minsi>, %select_n3A_168, %reduce_min3A_169 [1] : vector<1024x2048xi32> to vector<1024xi32>
    %broadcast_in_dim3A_171 = vector.shape_cast %reduce_min3A_170 : vector<1024xi32> to vector<1024x1xi32>
    %concatenate3A = tpu.concatenate %broadcast_in_dim3A_27, %broadcast_in_dim3A_43, %broadcast_in_dim3A_59, %broadcast_in_dim3A_75, %broadcast_in_dim3A_91, %broadcast_in_dim3A_107, %broadcast_in_dim3A_123, %broadcast_in_dim3A_139, %broadcast_in_dim3A_155, %broadcast_in_dim3A_171 in 1 : vector<1024x1xi32>, vector<1024x1xi32>, vector<1024x1xi32>, vector<1024x1xi32>, vector<1024x1xi32>, vector<1024x1xi32>, vector<1024x1xi32>, vector<1024x1xi32>, vector<1024x1xi32>, vector<1024x1xi32> -> vector<1024x10xi32>
    %mul3A_172 = arith.constant 2048 : i32
    %mul3A_173 = arith.muli %arg0, %mul3A_172 : i32
    %add3A_174 = vector.broadcast %mul3A_173 : i32 to vector<1024x10xi32>
    %add3A_175 = arith.addi %concatenate3A, %add3A_174 : vector<1024x10xi32>
    %swap3A = arith.constant 0 : index
    %swap3A_176 = arith.constant 0 : index
    %swap3A_177 = arith.constant 0 : index
    %swap3A_178 = vector.load %arg4[%swap3A, %swap3A_176, %swap3A_177] : memref<1x1024x10xi32, #tpu.memory_space<vmem>>, vector<1x1024x10xi32>
    %swap3A_179 = vector.shape_cast %swap3A_178 : vector<1x1024x10xi32> to vector<1024x10xi32>
    %swap3A_180 = vector.shape_cast %add3A_175 : vector<1024x10xi32> to vector<1x1024x10xi32>
    tpu.vector_store %arg4[%swap3A, %swap3A_176, %swap3A_177], %swap3A_180 {strides = array<i32>} : memref<1x1024x10xi32, #tpu.memory_space<vmem>>, vector<1x1024x10xi32>,
    return
  }
  func.func @transform_0(%arg0: i32, %arg1: i32) -> (i32, i32, i32) {
    %c0_i32 = arith.constant 0 : i32
    %c0_i32_0 = arith.constant 0 : i32
    return %arg0, %arg1, %c0_i32 : i32, i32, i32
  }
  func.func @transform_1(%arg0: i32, %arg1: i32) -> (i32, i32, i32) {
    %c0_i32 = arith.constant 0 : i32
    %c0_i32_0 = arith.constant 0 : i32
    %c0_i32_1 = arith.constant 0 : i32
    return %arg0, %c0_i32, %c0_i32_0 : i32, i32, i32
  }
  func.func @transform_2(%arg0: i32, %arg1: i32) -> (i32, i32, i32) {
    %c0_i32 = arith.constant 0 : i32
    %c0_i32_0 = arith.constant 0 : i32
    return %arg0, %arg1, %c0_i32 : i32, i32, i32
  }
}

module attributes {stable_mosaic.version = 14 : i64} {
  func.func @_edge_body(%arg0: i32, %arg1: memref<10x512x128xf32, #tpu.memory_space<vmem>>, %arg2: memref<512x128xf32, #tpu.memory_space<vmem>>, %arg3: memref<256x64xbf16, #tpu.memory_space<vmem>>, %arg4: memref<1x64xf32, #tpu.memory_space<vmem>>, %arg5: memref<512x128xf32, #tpu.memory_space<vmem>>) attributes {dimension_semantics = [#tpu.dimension_semantics<arbitrary>], iteration_bounds = array<i64: 16>, scalar_prefetch = 0 : i64, scratch_operands = 0 : i64, tpu.core_type = #tpu.core_type<tc>, window_params = [{transform_indices = @transform_0, window_bounds = array<i64: 10, 512, 128>}, {transform_indices = @transform_1, window_bounds = array<i64: 512, 128>}, {pipeline_mode = #tpu.pipeline_mode<synchronous>, transform_indices = @transform_2, window_bounds = array<i64: 256, 64>}, {pipeline_mode = #tpu.pipeline_mode<synchronous>, transform_indices = @transform_3, window_bounds = array<i64: 1, 64>}, {transform_indices = @transform_4, window_bounds = array<i64: 512, 128>}]} {
    %get3A = arith.constant 0 : index
    %get3A_0 = arith.constant 0 : index
    %get3A_1 = vector.load %arg2[%get3A, %get3A_0] : memref<512x128xf32, #tpu.memory_space<vmem>>, vector<512x128xf32>
    %convert_element_type3A = arith.truncf %get3A_1 : vector<512x128xf32> to vector<512x128xbf16>
    %get3A_2 = arith.constant 0 : index
    %get3A_3 = arith.constant 0 : index
    %get3A_4 = arith.constant 0 : index
    %get3A_5 = vector.load %arg1[%get3A_2, %get3A_3, %get3A_4] : memref<10x512x128xf32, #tpu.memory_space<vmem>>, vector<1x512x128xf32>
    %get3A_6 = vector.shape_cast %get3A_5 : vector<1x512x128xf32> to vector<512x128xf32>
    %get3A_7 = arith.constant 0 : index
    %get3A_8 = arith.constant 0 : index
    %get3A_9 = vector.load %arg2[%get3A_7, %get3A_8] : memref<512x128xf32, #tpu.memory_space<vmem>>, vector<512x128xf32>
    %sub3A = arith.subf %get3A_6, %get3A_9 : vector<512x128xf32>
    %convert_element_type3A_10 = arith.truncf %sub3A : vector<512x128xf32> to vector<512x128xbf16>
    %concatenate3A = tpu.concatenate %convert_element_type3A, %convert_element_type3A_10 in 1 : vector<512x128xbf16>, vector<512x128xbf16> -> vector<512x256xbf16>
    %get3A_11 = arith.constant 0 : index
    %get3A_12 = arith.constant 0 : index
    %get3A_13 = vector.load %arg3[%get3A_11, %get3A_12] : memref<256x64xbf16, #tpu.memory_space<vmem>>, vector<256x64xbf16>
    %dot_general3A = arith.constant dense<0.000000e+00> : vector<512x64xf32>
    %dot_general3A_14 = tpu.matmul %concatenate3A, %get3A_13, %dot_general3A {dimension_numbers = #tpu.dot_dimension_numbers<[1], [0], [0], [1], [0, 0, 1, 1], [], []>, transpose_lhs_hint = false} : vector<512x256xbf16>, vector<256x64xbf16>, vector<512x64xf32> -> vector<512x64xf32>
    %get3A_15 = arith.constant 0 : index
    %get3A_16 = arith.constant 0 : index
    %get3A_17 = vector.load %arg4[%get3A_15, %get3A_16] : memref<1x64xf32, #tpu.memory_space<vmem>>, vector<1x64xf32>
    %add3A = vector.broadcast %get3A_17 : vector<1x64xf32> to vector<512x64xf32>
    %add3A_18 = arith.addf %dot_general3A_14, %add3A : vector<512x64xf32>
    %mul3A = arith.constant 2.000000e-01 : f32
    %mul3A_19 = vector.broadcast %mul3A : f32 to vector<512x64xf32>
    %mul3A_20 = arith.mulf %mul3A_19, %add3A_18 : vector<512x64xf32>
    %max3A = arith.maximumf %add3A_18, %mul3A_20 : vector<512x64xf32>
    %get3A_21 = arith.constant 1 : index
    %get3A_22 = arith.constant 0 : index
    %get3A_23 = arith.constant 0 : index
    %get3A_24 = vector.load %arg1[%get3A_21, %get3A_22, %get3A_23] : memref<10x512x128xf32, #tpu.memory_space<vmem>>, vector<1x512x128xf32>
    %get3A_25 = vector.shape_cast %get3A_24 : vector<1x512x128xf32> to vector<512x128xf32>
    %get3A_26 = arith.constant 0 : index
    %get3A_27 = arith.constant 0 : index
    %get3A_28 = vector.load %arg2[%get3A_26, %get3A_27] : memref<512x128xf32, #tpu.memory_space<vmem>>, vector<512x128xf32>
    %sub3A_29 = arith.subf %get3A_25, %get3A_28 : vector<512x128xf32>
    %convert_element_type3A_30 = arith.truncf %sub3A_29 : vector<512x128xf32> to vector<512x128xbf16>
    %concatenate3A_31 = tpu.concatenate %convert_element_type3A, %convert_element_type3A_30 in 1 : vector<512x128xbf16>, vector<512x128xbf16> -> vector<512x256xbf16>
    %get3A_32 = arith.constant 0 : index
    %get3A_33 = arith.constant 0 : index
    %get3A_34 = vector.load %arg3[%get3A_32, %get3A_33] : memref<256x64xbf16, #tpu.memory_space<vmem>>, vector<256x64xbf16>
    %dot_general3A_35 = arith.constant dense<0.000000e+00> : vector<512x64xf32>
    %dot_general3A_36 = tpu.matmul %concatenate3A_31, %get3A_34, %dot_general3A_35 {dimension_numbers = #tpu.dot_dimension_numbers<[1], [0], [0], [1], [0, 0, 1, 1], [], []>, transpose_lhs_hint = false} : vector<512x256xbf16>, vector<256x64xbf16>, vector<512x64xf32> -> vector<512x64xf32>
    %get3A_37 = arith.constant 0 : index
    %get3A_38 = arith.constant 0 : index
    %get3A_39 = vector.load %arg4[%get3A_37, %get3A_38] : memref<1x64xf32, #tpu.memory_space<vmem>>, vector<1x64xf32>
    %add3A_40 = vector.broadcast %get3A_39 : vector<1x64xf32> to vector<512x64xf32>
    %add3A_41 = arith.addf %dot_general3A_36, %add3A_40 : vector<512x64xf32>
    %mul3A_42 = arith.constant 2.000000e-01 : f32
    %mul3A_43 = vector.broadcast %mul3A_42 : f32 to vector<512x64xf32>
    %mul3A_44 = arith.mulf %mul3A_43, %add3A_41 : vector<512x64xf32>
    %max3A_45 = arith.maximumf %add3A_41, %mul3A_44 : vector<512x64xf32>
    %max3A_46 = arith.maximumf %max3A, %max3A_45 : vector<512x64xf32>
    %get3A_47 = arith.constant 2 : index
    %get3A_48 = arith.constant 0 : index
    %get3A_49 = arith.constant 0 : index
    %get3A_50 = vector.load %arg1[%get3A_47, %get3A_48, %get3A_49] : memref<10x512x128xf32, #tpu.memory_space<vmem>>, vector<1x512x128xf32>
    %get3A_51 = vector.shape_cast %get3A_50 : vector<1x512x128xf32> to vector<512x128xf32>
    %get3A_52 = arith.constant 0 : index
    %get3A_53 = arith.constant 0 : index
    %get3A_54 = vector.load %arg2[%get3A_52, %get3A_53] : memref<512x128xf32, #tpu.memory_space<vmem>>, vector<512x128xf32>
    %sub3A_55 = arith.subf %get3A_51, %get3A_54 : vector<512x128xf32>
    %convert_element_type3A_56 = arith.truncf %sub3A_55 : vector<512x128xf32> to vector<512x128xbf16>
    %concatenate3A_57 = tpu.concatenate %convert_element_type3A, %convert_element_type3A_56 in 1 : vector<512x128xbf16>, vector<512x128xbf16> -> vector<512x256xbf16>
    %get3A_58 = arith.constant 0 : index
    %get3A_59 = arith.constant 0 : index
    %get3A_60 = vector.load %arg3[%get3A_58, %get3A_59] : memref<256x64xbf16, #tpu.memory_space<vmem>>, vector<256x64xbf16>
    %dot_general3A_61 = arith.constant dense<0.000000e+00> : vector<512x64xf32>
    %dot_general3A_62 = tpu.matmul %concatenate3A_57, %get3A_60, %dot_general3A_61 {dimension_numbers = #tpu.dot_dimension_numbers<[1], [0], [0], [1], [0, 0, 1, 1], [], []>, transpose_lhs_hint = false} : vector<512x256xbf16>, vector<256x64xbf16>, vector<512x64xf32> -> vector<512x64xf32>
    %get3A_63 = arith.constant 0 : index
    %get3A_64 = arith.constant 0 : index
    %get3A_65 = vector.load %arg4[%get3A_63, %get3A_64] : memref<1x64xf32, #tpu.memory_space<vmem>>, vector<1x64xf32>
    %add3A_66 = vector.broadcast %get3A_65 : vector<1x64xf32> to vector<512x64xf32>
    %add3A_67 = arith.addf %dot_general3A_62, %add3A_66 : vector<512x64xf32>
    %mul3A_68 = arith.constant 2.000000e-01 : f32
    %mul3A_69 = vector.broadcast %mul3A_68 : f32 to vector<512x64xf32>
    %mul3A_70 = arith.mulf %mul3A_69, %add3A_67 : vector<512x64xf32>
    %max3A_71 = arith.maximumf %add3A_67, %mul3A_70 : vector<512x64xf32>
    %max3A_72 = arith.maximumf %max3A_46, %max3A_71 : vector<512x64xf32>
    %get3A_73 = arith.constant 3 : index
    %get3A_74 = arith.constant 0 : index
    %get3A_75 = arith.constant 0 : index
    %get3A_76 = vector.load %arg1[%get3A_73, %get3A_74, %get3A_75] : memref<10x512x128xf32, #tpu.memory_space<vmem>>, vector<1x512x128xf32>
    %get3A_77 = vector.shape_cast %get3A_76 : vector<1x512x128xf32> to vector<512x128xf32>
    %get3A_78 = arith.constant 0 : index
    %get3A_79 = arith.constant 0 : index
    %get3A_80 = vector.load %arg2[%get3A_78, %get3A_79] : memref<512x128xf32, #tpu.memory_space<vmem>>, vector<512x128xf32>
    %sub3A_81 = arith.subf %get3A_77, %get3A_80 : vector<512x128xf32>
    %convert_element_type3A_82 = arith.truncf %sub3A_81 : vector<512x128xf32> to vector<512x128xbf16>
    %concatenate3A_83 = tpu.concatenate %convert_element_type3A, %convert_element_type3A_82 in 1 : vector<512x128xbf16>, vector<512x128xbf16> -> vector<512x256xbf16>
    %get3A_84 = arith.constant 0 : index
    %get3A_85 = arith.constant 0 : index
    %get3A_86 = vector.load %arg3[%get3A_84, %get3A_85] : memref<256x64xbf16, #tpu.memory_space<vmem>>, vector<256x64xbf16>
    %dot_general3A_87 = arith.constant dense<0.000000e+00> : vector<512x64xf32>
    %dot_general3A_88 = tpu.matmul %concatenate3A_83, %get3A_86, %dot_general3A_87 {dimension_numbers = #tpu.dot_dimension_numbers<[1], [0], [0], [1], [0, 0, 1, 1], [], []>, transpose_lhs_hint = false} : vector<512x256xbf16>, vector<256x64xbf16>, vector<512x64xf32> -> vector<512x64xf32>
    %get3A_89 = arith.constant 0 : index
    %get3A_90 = arith.constant 0 : index
    %get3A_91 = vector.load %arg4[%get3A_89, %get3A_90] : memref<1x64xf32, #tpu.memory_space<vmem>>, vector<1x64xf32>
    %add3A_92 = vector.broadcast %get3A_91 : vector<1x64xf32> to vector<512x64xf32>
    %add3A_93 = arith.addf %dot_general3A_88, %add3A_92 : vector<512x64xf32>
    %mul3A_94 = arith.constant 2.000000e-01 : f32
    %mul3A_95 = vector.broadcast %mul3A_94 : f32 to vector<512x64xf32>
    %mul3A_96 = arith.mulf %mul3A_95, %add3A_93 : vector<512x64xf32>
    %max3A_97 = arith.maximumf %add3A_93, %mul3A_96 : vector<512x64xf32>
    %max3A_98 = arith.maximumf %max3A_72, %max3A_97 : vector<512x64xf32>
    %get3A_99 = arith.constant 4 : index
    %get3A_100 = arith.constant 0 : index
    %get3A_101 = arith.constant 0 : index
    %get3A_102 = vector.load %arg1[%get3A_99, %get3A_100, %get3A_101] : memref<10x512x128xf32, #tpu.memory_space<vmem>>, vector<1x512x128xf32>
    %get3A_103 = vector.shape_cast %get3A_102 : vector<1x512x128xf32> to vector<512x128xf32>
    %get3A_104 = arith.constant 0 : index
    %get3A_105 = arith.constant 0 : index
    %get3A_106 = vector.load %arg2[%get3A_104, %get3A_105] : memref<512x128xf32, #tpu.memory_space<vmem>>, vector<512x128xf32>
    %sub3A_107 = arith.subf %get3A_103, %get3A_106 : vector<512x128xf32>
    %convert_element_type3A_108 = arith.truncf %sub3A_107 : vector<512x128xf32> to vector<512x128xbf16>
    %concatenate3A_109 = tpu.concatenate %convert_element_type3A, %convert_element_type3A_108 in 1 : vector<512x128xbf16>, vector<512x128xbf16> -> vector<512x256xbf16>
    %get3A_110 = arith.constant 0 : index
    %get3A_111 = arith.constant 0 : index
    %get3A_112 = vector.load %arg3[%get3A_110, %get3A_111] : memref<256x64xbf16, #tpu.memory_space<vmem>>, vector<256x64xbf16>
    %dot_general3A_113 = arith.constant dense<0.000000e+00> : vector<512x64xf32>
    %dot_general3A_114 = tpu.matmul %concatenate3A_109, %get3A_112, %dot_general3A_113 {dimension_numbers = #tpu.dot_dimension_numbers<[1], [0], [0], [1], [0, 0, 1, 1], [], []>, transpose_lhs_hint = false} : vector<512x256xbf16>, vector<256x64xbf16>, vector<512x64xf32> -> vector<512x64xf32>
    %get3A_115 = arith.constant 0 : index
    %get3A_116 = arith.constant 0 : index
    %get3A_117 = vector.load %arg4[%get3A_115, %get3A_116] : memref<1x64xf32, #tpu.memory_space<vmem>>, vector<1x64xf32>
    %add3A_118 = vector.broadcast %get3A_117 : vector<1x64xf32> to vector<512x64xf32>
    %add3A_119 = arith.addf %dot_general3A_114, %add3A_118 : vector<512x64xf32>
    %mul3A_120 = arith.constant 2.000000e-01 : f32
    %mul3A_121 = vector.broadcast %mul3A_120 : f32 to vector<512x64xf32>
    %mul3A_122 = arith.mulf %mul3A_121, %add3A_119 : vector<512x64xf32>
    %max3A_123 = arith.maximumf %add3A_119, %mul3A_122 : vector<512x64xf32>
    %max3A_124 = arith.maximumf %max3A_98, %max3A_123 : vector<512x64xf32>
    %get3A_125 = arith.constant 5 : index
    %get3A_126 = arith.constant 0 : index
    %get3A_127 = arith.constant 0 : index
    %get3A_128 = vector.load %arg1[%get3A_125, %get3A_126, %get3A_127] : memref<10x512x128xf32, #tpu.memory_space<vmem>>, vector<1x512x128xf32>
    %get3A_129 = vector.shape_cast %get3A_128 : vector<1x512x128xf32> to vector<512x128xf32>
    %get3A_130 = arith.constant 0 : index
    %get3A_131 = arith.constant 0 : index
    %get3A_132 = vector.load %arg2[%get3A_130, %get3A_131] : memref<512x128xf32, #tpu.memory_space<vmem>>, vector<512x128xf32>
    %sub3A_133 = arith.subf %get3A_129, %get3A_132 : vector<512x128xf32>
    %convert_element_type3A_134 = arith.truncf %sub3A_133 : vector<512x128xf32> to vector<512x128xbf16>
    %concatenate3A_135 = tpu.concatenate %convert_element_type3A, %convert_element_type3A_134 in 1 : vector<512x128xbf16>, vector<512x128xbf16> -> vector<512x256xbf16>
    %get3A_136 = arith.constant 0 : index
    %get3A_137 = arith.constant 0 : index
    %get3A_138 = vector.load %arg3[%get3A_136, %get3A_137] : memref<256x64xbf16, #tpu.memory_space<vmem>>, vector<256x64xbf16>
    %dot_general3A_139 = arith.constant dense<0.000000e+00> : vector<512x64xf32>
    %dot_general3A_140 = tpu.matmul %concatenate3A_135, %get3A_138, %dot_general3A_139 {dimension_numbers = #tpu.dot_dimension_numbers<[1], [0], [0], [1], [0, 0, 1, 1], [], []>, transpose_lhs_hint = false} : vector<512x256xbf16>, vector<256x64xbf16>, vector<512x64xf32> -> vector<512x64xf32>
    %get3A_141 = arith.constant 0 : index
    %get3A_142 = arith.constant 0 : index
    %get3A_143 = vector.load %arg4[%get3A_141, %get3A_142] : memref<1x64xf32, #tpu.memory_space<vmem>>, vector<1x64xf32>
    %add3A_144 = vector.broadcast %get3A_143 : vector<1x64xf32> to vector<512x64xf32>
    %add3A_145 = arith.addf %dot_general3A_140, %add3A_144 : vector<512x64xf32>
    %mul3A_146 = arith.constant 2.000000e-01 : f32
    %mul3A_147 = vector.broadcast %mul3A_146 : f32 to vector<512x64xf32>
    %mul3A_148 = arith.mulf %mul3A_147, %add3A_145 : vector<512x64xf32>
    %max3A_149 = arith.maximumf %add3A_145, %mul3A_148 : vector<512x64xf32>
    %max3A_150 = arith.maximumf %max3A_124, %max3A_149 : vector<512x64xf32>
    %get3A_151 = arith.constant 6 : index
    %get3A_152 = arith.constant 0 : index
    %get3A_153 = arith.constant 0 : index
    %get3A_154 = vector.load %arg1[%get3A_151, %get3A_152, %get3A_153] : memref<10x512x128xf32, #tpu.memory_space<vmem>>, vector<1x512x128xf32>
    %get3A_155 = vector.shape_cast %get3A_154 : vector<1x512x128xf32> to vector<512x128xf32>
    %get3A_156 = arith.constant 0 : index
    %get3A_157 = arith.constant 0 : index
    %get3A_158 = vector.load %arg2[%get3A_156, %get3A_157] : memref<512x128xf32, #tpu.memory_space<vmem>>, vector<512x128xf32>
    %sub3A_159 = arith.subf %get3A_155, %get3A_158 : vector<512x128xf32>
    %convert_element_type3A_160 = arith.truncf %sub3A_159 : vector<512x128xf32> to vector<512x128xbf16>
    %concatenate3A_161 = tpu.concatenate %convert_element_type3A, %convert_element_type3A_160 in 1 : vector<512x128xbf16>, vector<512x128xbf16> -> vector<512x256xbf16>
    %get3A_162 = arith.constant 0 : index
    %get3A_163 = arith.constant 0 : index
    %get3A_164 = vector.load %arg3[%get3A_162, %get3A_163] : memref<256x64xbf16, #tpu.memory_space<vmem>>, vector<256x64xbf16>
    %dot_general3A_165 = arith.constant dense<0.000000e+00> : vector<512x64xf32>
    %dot_general3A_166 = tpu.matmul %concatenate3A_161, %get3A_164, %dot_general3A_165 {dimension_numbers = #tpu.dot_dimension_numbers<[1], [0], [0], [1], [0, 0, 1, 1], [], []>, transpose_lhs_hint = false} : vector<512x256xbf16>, vector<256x64xbf16>, vector<512x64xf32> -> vector<512x64xf32>
    %get3A_167 = arith.constant 0 : index
    %get3A_168 = arith.constant 0 : index
    %get3A_169 = vector.load %arg4[%get3A_167, %get3A_168] : memref<1x64xf32, #tpu.memory_space<vmem>>, vector<1x64xf32>
    %add3A_170 = vector.broadcast %get3A_169 : vector<1x64xf32> to vector<512x64xf32>
    %add3A_171 = arith.addf %dot_general3A_166, %add3A_170 : vector<512x64xf32>
    %mul3A_172 = arith.constant 2.000000e-01 : f32
    %mul3A_173 = vector.broadcast %mul3A_172 : f32 to vector<512x64xf32>
    %mul3A_174 = arith.mulf %mul3A_173, %add3A_171 : vector<512x64xf32>
    %max3A_175 = arith.maximumf %add3A_171, %mul3A_174 : vector<512x64xf32>
    %max3A_176 = arith.maximumf %max3A_150, %max3A_175 : vector<512x64xf32>
    %get3A_177 = arith.constant 7 : index
    %get3A_178 = arith.constant 0 : index
    %get3A_179 = arith.constant 0 : index
    %get3A_180 = vector.load %arg1[%get3A_177, %get3A_178, %get3A_179] : memref<10x512x128xf32, #tpu.memory_space<vmem>>, vector<1x512x128xf32>
    %get3A_181 = vector.shape_cast %get3A_180 : vector<1x512x128xf32> to vector<512x128xf32>
    %get3A_182 = arith.constant 0 : index
    %get3A_183 = arith.constant 0 : index
    %get3A_184 = vector.load %arg2[%get3A_182, %get3A_183] : memref<512x128xf32, #tpu.memory_space<vmem>>, vector<512x128xf32>
    %sub3A_185 = arith.subf %get3A_181, %get3A_184 : vector<512x128xf32>
    %convert_element_type3A_186 = arith.truncf %sub3A_185 : vector<512x128xf32> to vector<512x128xbf16>
    %concatenate3A_187 = tpu.concatenate %convert_element_type3A, %convert_element_type3A_186 in 1 : vector<512x128xbf16>, vector<512x128xbf16> -> vector<512x256xbf16>
    %get3A_188 = arith.constant 0 : index
    %get3A_189 = arith.constant 0 : index
    %get3A_190 = vector.load %arg3[%get3A_188, %get3A_189] : memref<256x64xbf16, #tpu.memory_space<vmem>>, vector<256x64xbf16>
    %dot_general3A_191 = arith.constant dense<0.000000e+00> : vector<512x64xf32>
    %dot_general3A_192 = tpu.matmul %concatenate3A_187, %get3A_190, %dot_general3A_191 {dimension_numbers = #tpu.dot_dimension_numbers<[1], [0], [0], [1], [0, 0, 1, 1], [], []>, transpose_lhs_hint = false} : vector<512x256xbf16>, vector<256x64xbf16>, vector<512x64xf32> -> vector<512x64xf32>
    %get3A_193 = arith.constant 0 : index
    %get3A_194 = arith.constant 0 : index
    %get3A_195 = vector.load %arg4[%get3A_193, %get3A_194] : memref<1x64xf32, #tpu.memory_space<vmem>>, vector<1x64xf32>
    %add3A_196 = vector.broadcast %get3A_195 : vector<1x64xf32> to vector<512x64xf32>
    %add3A_197 = arith.addf %dot_general3A_192, %add3A_196 : vector<512x64xf32>
    %mul3A_198 = arith.constant 2.000000e-01 : f32
    %mul3A_199 = vector.broadcast %mul3A_198 : f32 to vector<512x64xf32>
    %mul3A_200 = arith.mulf %mul3A_199, %add3A_197 : vector<512x64xf32>
    %max3A_201 = arith.maximumf %add3A_197, %mul3A_200 : vector<512x64xf32>
    %max3A_202 = arith.maximumf %max3A_176, %max3A_201 : vector<512x64xf32>
    %get3A_203 = arith.constant 8 : index
    %get3A_204 = arith.constant 0 : index
    %get3A_205 = arith.constant 0 : index
    %get3A_206 = vector.load %arg1[%get3A_203, %get3A_204, %get3A_205] : memref<10x512x128xf32, #tpu.memory_space<vmem>>, vector<1x512x128xf32>
    %get3A_207 = vector.shape_cast %get3A_206 : vector<1x512x128xf32> to vector<512x128xf32>
    %get3A_208 = arith.constant 0 : index
    %get3A_209 = arith.constant 0 : index
    %get3A_210 = vector.load %arg2[%get3A_208, %get3A_209] : memref<512x128xf32, #tpu.memory_space<vmem>>, vector<512x128xf32>
    %sub3A_211 = arith.subf %get3A_207, %get3A_210 : vector<512x128xf32>
    %convert_element_type3A_212 = arith.truncf %sub3A_211 : vector<512x128xf32> to vector<512x128xbf16>
    %concatenate3A_213 = tpu.concatenate %convert_element_type3A, %convert_element_type3A_212 in 1 : vector<512x128xbf16>, vector<512x128xbf16> -> vector<512x256xbf16>
    %get3A_214 = arith.constant 0 : index
    %get3A_215 = arith.constant 0 : index
    %get3A_216 = vector.load %arg3[%get3A_214, %get3A_215] : memref<256x64xbf16, #tpu.memory_space<vmem>>, vector<256x64xbf16>
    %dot_general3A_217 = arith.constant dense<0.000000e+00> : vector<512x64xf32>
    %dot_general3A_218 = tpu.matmul %concatenate3A_213, %get3A_216, %dot_general3A_217 {dimension_numbers = #tpu.dot_dimension_numbers<[1], [0], [0], [1], [0, 0, 1, 1], [], []>, transpose_lhs_hint = false} : vector<512x256xbf16>, vector<256x64xbf16>, vector<512x64xf32> -> vector<512x64xf32>
    %get3A_219 = arith.constant 0 : index
    %get3A_220 = arith.constant 0 : index
    %get3A_221 = vector.load %arg4[%get3A_219, %get3A_220] : memref<1x64xf32, #tpu.memory_space<vmem>>, vector<1x64xf32>
    %add3A_222 = vector.broadcast %get3A_221 : vector<1x64xf32> to vector<512x64xf32>
    %add3A_223 = arith.addf %dot_general3A_218, %add3A_222 : vector<512x64xf32>
    %mul3A_224 = arith.constant 2.000000e-01 : f32
    %mul3A_225 = vector.broadcast %mul3A_224 : f32 to vector<512x64xf32>
    %mul3A_226 = arith.mulf %mul3A_225, %add3A_223 : vector<512x64xf32>
    %max3A_227 = arith.maximumf %add3A_223, %mul3A_226 : vector<512x64xf32>
    %max3A_228 = arith.maximumf %max3A_202, %max3A_227 : vector<512x64xf32>
    %get3A_229 = arith.constant 9 : index
    %get3A_230 = arith.constant 0 : index
    %get3A_231 = arith.constant 0 : index
    %get3A_232 = vector.load %arg1[%get3A_229, %get3A_230, %get3A_231] : memref<10x512x128xf32, #tpu.memory_space<vmem>>, vector<1x512x128xf32>
    %get3A_233 = vector.shape_cast %get3A_232 : vector<1x512x128xf32> to vector<512x128xf32>
    %get3A_234 = arith.constant 0 : index
    %get3A_235 = arith.constant 0 : index
    %get3A_236 = vector.load %arg2[%get3A_234, %get3A_235] : memref<512x128xf32, #tpu.memory_space<vmem>>, vector<512x128xf32>
    %sub3A_237 = arith.subf %get3A_233, %get3A_236 : vector<512x128xf32>
    %convert_element_type3A_238 = arith.truncf %sub3A_237 : vector<512x128xf32> to vector<512x128xbf16>
    %concatenate3A_239 = tpu.concatenate %convert_element_type3A, %convert_element_type3A_238 in 1 : vector<512x128xbf16>, vector<512x128xbf16> -> vector<512x256xbf16>
    %get3A_240 = arith.constant 0 : index
    %get3A_241 = arith.constant 0 : index
    %get3A_242 = vector.load %arg3[%get3A_240, %get3A_241] : memref<256x64xbf16, #tpu.memory_space<vmem>>, vector<256x64xbf16>
    %dot_general3A_243 = arith.constant dense<0.000000e+00> : vector<512x64xf32>
    %dot_general3A_244 = tpu.matmul %concatenate3A_239, %get3A_242, %dot_general3A_243 {dimension_numbers = #tpu.dot_dimension_numbers<[1], [0], [0], [1], [0, 0, 1, 1], [], []>, transpose_lhs_hint = false} : vector<512x256xbf16>, vector<256x64xbf16>, vector<512x64xf32> -> vector<512x64xf32>
    %get3A_245 = arith.constant 0 : index
    %get3A_246 = arith.constant 0 : index
    %get3A_247 = vector.load %arg4[%get3A_245, %get3A_246] : memref<1x64xf32, #tpu.memory_space<vmem>>, vector<1x64xf32>
    %add3A_248 = vector.broadcast %get3A_247 : vector<1x64xf32> to vector<512x64xf32>
    %add3A_249 = arith.addf %dot_general3A_244, %add3A_248 : vector<512x64xf32>
    %mul3A_250 = arith.constant 2.000000e-01 : f32
    %mul3A_251 = vector.broadcast %mul3A_250 : f32 to vector<512x64xf32>
    %mul3A_252 = arith.mulf %mul3A_251, %add3A_249 : vector<512x64xf32>
    %max3A_253 = arith.maximumf %add3A_249, %mul3A_252 : vector<512x64xf32>
    %max3A_254 = arith.maximumf %max3A_228, %max3A_253 : vector<512x64xf32>
    %broadcast_in_dim3A = arith.constant 0.000000e+00 : f32
    %broadcast_in_dim3A_255 = vector.broadcast %broadcast_in_dim3A : f32 to vector<512x64xf32>
    %concatenate3A_256 = tpu.concatenate %max3A_254, %broadcast_in_dim3A_255 in 1 : vector<512x64xf32>, vector<512x64xf32> -> vector<512x128xf32>
    %swap3A = arith.constant 0 : index
    %swap3A_257 = arith.constant 0 : index
    %swap3A_258 = vector.load %arg5[%swap3A, %swap3A_257] : memref<512x128xf32, #tpu.memory_space<vmem>>, vector<512x128xf32>
    tpu.vector_store %arg5[%swap3A, %swap3A_257], %concatenate3A_256 {strides = array<i32>} : memref<512x128xf32, #tpu.memory_space<vmem>>, vector<512x128xf32>,
    return
  }
  func.func @transform_0(%arg0: i32) -> (i32, i32, i32) {
    %c0_i32 = arith.constant 0 : i32
    %c0_i32_0 = arith.constant 0 : i32
    %c0_i32_1 = arith.constant 0 : i32
    return %c0_i32, %arg0, %c0_i32_0 : i32, i32, i32
  }
  func.func @transform_1(%arg0: i32) -> (i32, i32) {
    %c0_i32 = arith.constant 0 : i32
    %c0_i32_0 = arith.constant 0 : i32
    return %arg0, %c0_i32 : i32, i32
  }
  func.func @transform_2(%arg0: i32) -> (i32, i32) {
    %c0_i32 = arith.constant 0 : i32
    %c0_i32_0 = arith.constant 0 : i32
    %c0_i32_1 = arith.constant 0 : i32
    return %c0_i32, %c0_i32_0 : i32, i32
  }
  func.func @transform_3(%arg0: i32) -> (i32, i32) {
    %c0_i32 = arith.constant 0 : i32
    %c0_i32_0 = arith.constant 0 : i32
    %c0_i32_1 = arith.constant 0 : i32
    return %c0_i32, %c0_i32_0 : i32, i32
  }
  func.func @transform_4(%arg0: i32) -> (i32, i32) {
    %c0_i32 = arith.constant 0 : i32
    %c0_i32_0 = arith.constant 0 : i32
    return %arg0, %c0_i32 : i32, i32
  }
}

module attributes {stable_mosaic.version = 14 : i64} {
  func.func @_edge_body(%arg0: i32, %arg1: memref<10x512x128xf32, #tpu.memory_space<vmem>>, %arg2: memref<512x128xf32, #tpu.memory_space<vmem>>, %arg3: memref<256x128xbf16, #tpu.memory_space<vmem>>, %arg4: memref<1x128xf32, #tpu.memory_space<vmem>>, %arg5: memref<512x128xf32, #tpu.memory_space<vmem>>) attributes {dimension_semantics = [#tpu.dimension_semantics<arbitrary>], iteration_bounds = array<i64: 16>, scalar_prefetch = 0 : i64, scratch_operands = 0 : i64, tpu.core_type = #tpu.core_type<tc>, window_params = [{transform_indices = @transform_0, window_bounds = array<i64: 10, 512, 128>}, {transform_indices = @transform_1, window_bounds = array<i64: 512, 128>}, {pipeline_mode = #tpu.pipeline_mode<synchronous>, transform_indices = @transform_2, window_bounds = array<i64: 256, 128>}, {pipeline_mode = #tpu.pipeline_mode<synchronous>, transform_indices = @transform_3, window_bounds = array<i64: 1, 128>}, {transform_indices = @transform_4, window_bounds = array<i64: 512, 128>}]} {
    %get3A = arith.constant 0 : index
    %get3A_0 = arith.constant 0 : index
    %get3A_1 = vector.load %arg2[%get3A, %get3A_0] : memref<512x128xf32, #tpu.memory_space<vmem>>, vector<512x128xf32>
    %convert_element_type3A = arith.truncf %get3A_1 : vector<512x128xf32> to vector<512x128xbf16>
    %get3A_2 = arith.constant 0 : index
    %get3A_3 = arith.constant 0 : index
    %get3A_4 = arith.constant 0 : index
    %get3A_5 = vector.load %arg1[%get3A_2, %get3A_3, %get3A_4] : memref<10x512x128xf32, #tpu.memory_space<vmem>>, vector<1x512x128xf32>
    %get3A_6 = vector.shape_cast %get3A_5 : vector<1x512x128xf32> to vector<512x128xf32>
    %get3A_7 = arith.constant 0 : index
    %get3A_8 = arith.constant 0 : index
    %get3A_9 = vector.load %arg2[%get3A_7, %get3A_8] : memref<512x128xf32, #tpu.memory_space<vmem>>, vector<512x128xf32>
    %sub3A = arith.subf %get3A_6, %get3A_9 : vector<512x128xf32>
    %convert_element_type3A_10 = arith.truncf %sub3A : vector<512x128xf32> to vector<512x128xbf16>
    %concatenate3A = tpu.concatenate %convert_element_type3A, %convert_element_type3A_10 in 1 : vector<512x128xbf16>, vector<512x128xbf16> -> vector<512x256xbf16>
    %get3A_11 = arith.constant 0 : index
    %get3A_12 = arith.constant 0 : index
    %get3A_13 = vector.load %arg3[%get3A_11, %get3A_12] : memref<256x128xbf16, #tpu.memory_space<vmem>>, vector<256x128xbf16>
    %dot_general3A = arith.constant dense<0.000000e+00> : vector<512x128xf32>
    %dot_general3A_14 = tpu.matmul %concatenate3A, %get3A_13, %dot_general3A {dimension_numbers = #tpu.dot_dimension_numbers<[1], [0], [0], [1], [0, 0, 1, 1], [], []>, transpose_lhs_hint = false} : vector<512x256xbf16>, vector<256x128xbf16>, vector<512x128xf32> -> vector<512x128xf32>
    %get3A_15 = arith.constant 0 : index
    %get3A_16 = arith.constant 0 : index
    %get3A_17 = vector.load %arg4[%get3A_15, %get3A_16] : memref<1x128xf32, #tpu.memory_space<vmem>>, vector<1x128xf32>
    %add3A = vector.broadcast %get3A_17 : vector<1x128xf32> to vector<512x128xf32>
    %add3A_18 = arith.addf %dot_general3A_14, %add3A : vector<512x128xf32>
    %mul3A = arith.constant 2.000000e-01 : f32
    %mul3A_19 = vector.broadcast %mul3A : f32 to vector<512x128xf32>
    %mul3A_20 = arith.mulf %mul3A_19, %add3A_18 : vector<512x128xf32>
    %max3A = arith.maximumf %add3A_18, %mul3A_20 : vector<512x128xf32>
    %get3A_21 = arith.constant 1 : index
    %get3A_22 = arith.constant 0 : index
    %get3A_23 = arith.constant 0 : index
    %get3A_24 = vector.load %arg1[%get3A_21, %get3A_22, %get3A_23] : memref<10x512x128xf32, #tpu.memory_space<vmem>>, vector<1x512x128xf32>
    %get3A_25 = vector.shape_cast %get3A_24 : vector<1x512x128xf32> to vector<512x128xf32>
    %get3A_26 = arith.constant 0 : index
    %get3A_27 = arith.constant 0 : index
    %get3A_28 = vector.load %arg2[%get3A_26, %get3A_27] : memref<512x128xf32, #tpu.memory_space<vmem>>, vector<512x128xf32>
    %sub3A_29 = arith.subf %get3A_25, %get3A_28 : vector<512x128xf32>
    %convert_element_type3A_30 = arith.truncf %sub3A_29 : vector<512x128xf32> to vector<512x128xbf16>
    %concatenate3A_31 = tpu.concatenate %convert_element_type3A, %convert_element_type3A_30 in 1 : vector<512x128xbf16>, vector<512x128xbf16> -> vector<512x256xbf16>
    %get3A_32 = arith.constant 0 : index
    %get3A_33 = arith.constant 0 : index
    %get3A_34 = vector.load %arg3[%get3A_32, %get3A_33] : memref<256x128xbf16, #tpu.memory_space<vmem>>, vector<256x128xbf16>
    %dot_general3A_35 = arith.constant dense<0.000000e+00> : vector<512x128xf32>
    %dot_general3A_36 = tpu.matmul %concatenate3A_31, %get3A_34, %dot_general3A_35 {dimension_numbers = #tpu.dot_dimension_numbers<[1], [0], [0], [1], [0, 0, 1, 1], [], []>, transpose_lhs_hint = false} : vector<512x256xbf16>, vector<256x128xbf16>, vector<512x128xf32> -> vector<512x128xf32>
    %get3A_37 = arith.constant 0 : index
    %get3A_38 = arith.constant 0 : index
    %get3A_39 = vector.load %arg4[%get3A_37, %get3A_38] : memref<1x128xf32, #tpu.memory_space<vmem>>, vector<1x128xf32>
    %add3A_40 = vector.broadcast %get3A_39 : vector<1x128xf32> to vector<512x128xf32>
    %add3A_41 = arith.addf %dot_general3A_36, %add3A_40 : vector<512x128xf32>
    %mul3A_42 = arith.constant 2.000000e-01 : f32
    %mul3A_43 = vector.broadcast %mul3A_42 : f32 to vector<512x128xf32>
    %mul3A_44 = arith.mulf %mul3A_43, %add3A_41 : vector<512x128xf32>
    %max3A_45 = arith.maximumf %add3A_41, %mul3A_44 : vector<512x128xf32>
    %max3A_46 = arith.maximumf %max3A, %max3A_45 : vector<512x128xf32>
    %get3A_47 = arith.constant 2 : index
    %get3A_48 = arith.constant 0 : index
    %get3A_49 = arith.constant 0 : index
    %get3A_50 = vector.load %arg1[%get3A_47, %get3A_48, %get3A_49] : memref<10x512x128xf32, #tpu.memory_space<vmem>>, vector<1x512x128xf32>
    %get3A_51 = vector.shape_cast %get3A_50 : vector<1x512x128xf32> to vector<512x128xf32>
    %get3A_52 = arith.constant 0 : index
    %get3A_53 = arith.constant 0 : index
    %get3A_54 = vector.load %arg2[%get3A_52, %get3A_53] : memref<512x128xf32, #tpu.memory_space<vmem>>, vector<512x128xf32>
    %sub3A_55 = arith.subf %get3A_51, %get3A_54 : vector<512x128xf32>
    %convert_element_type3A_56 = arith.truncf %sub3A_55 : vector<512x128xf32> to vector<512x128xbf16>
    %concatenate3A_57 = tpu.concatenate %convert_element_type3A, %convert_element_type3A_56 in 1 : vector<512x128xbf16>, vector<512x128xbf16> -> vector<512x256xbf16>
    %get3A_58 = arith.constant 0 : index
    %get3A_59 = arith.constant 0 : index
    %get3A_60 = vector.load %arg3[%get3A_58, %get3A_59] : memref<256x128xbf16, #tpu.memory_space<vmem>>, vector<256x128xbf16>
    %dot_general3A_61 = arith.constant dense<0.000000e+00> : vector<512x128xf32>
    %dot_general3A_62 = tpu.matmul %concatenate3A_57, %get3A_60, %dot_general3A_61 {dimension_numbers = #tpu.dot_dimension_numbers<[1], [0], [0], [1], [0, 0, 1, 1], [], []>, transpose_lhs_hint = false} : vector<512x256xbf16>, vector<256x128xbf16>, vector<512x128xf32> -> vector<512x128xf32>
    %get3A_63 = arith.constant 0 : index
    %get3A_64 = arith.constant 0 : index
    %get3A_65 = vector.load %arg4[%get3A_63, %get3A_64] : memref<1x128xf32, #tpu.memory_space<vmem>>, vector<1x128xf32>
    %add3A_66 = vector.broadcast %get3A_65 : vector<1x128xf32> to vector<512x128xf32>
    %add3A_67 = arith.addf %dot_general3A_62, %add3A_66 : vector<512x128xf32>
    %mul3A_68 = arith.constant 2.000000e-01 : f32
    %mul3A_69 = vector.broadcast %mul3A_68 : f32 to vector<512x128xf32>
    %mul3A_70 = arith.mulf %mul3A_69, %add3A_67 : vector<512x128xf32>
    %max3A_71 = arith.maximumf %add3A_67, %mul3A_70 : vector<512x128xf32>
    %max3A_72 = arith.maximumf %max3A_46, %max3A_71 : vector<512x128xf32>
    %get3A_73 = arith.constant 3 : index
    %get3A_74 = arith.constant 0 : index
    %get3A_75 = arith.constant 0 : index
    %get3A_76 = vector.load %arg1[%get3A_73, %get3A_74, %get3A_75] : memref<10x512x128xf32, #tpu.memory_space<vmem>>, vector<1x512x128xf32>
    %get3A_77 = vector.shape_cast %get3A_76 : vector<1x512x128xf32> to vector<512x128xf32>
    %get3A_78 = arith.constant 0 : index
    %get3A_79 = arith.constant 0 : index
    %get3A_80 = vector.load %arg2[%get3A_78, %get3A_79] : memref<512x128xf32, #tpu.memory_space<vmem>>, vector<512x128xf32>
    %sub3A_81 = arith.subf %get3A_77, %get3A_80 : vector<512x128xf32>
    %convert_element_type3A_82 = arith.truncf %sub3A_81 : vector<512x128xf32> to vector<512x128xbf16>
    %concatenate3A_83 = tpu.concatenate %convert_element_type3A, %convert_element_type3A_82 in 1 : vector<512x128xbf16>, vector<512x128xbf16> -> vector<512x256xbf16>
    %get3A_84 = arith.constant 0 : index
    %get3A_85 = arith.constant 0 : index
    %get3A_86 = vector.load %arg3[%get3A_84, %get3A_85] : memref<256x128xbf16, #tpu.memory_space<vmem>>, vector<256x128xbf16>
    %dot_general3A_87 = arith.constant dense<0.000000e+00> : vector<512x128xf32>
    %dot_general3A_88 = tpu.matmul %concatenate3A_83, %get3A_86, %dot_general3A_87 {dimension_numbers = #tpu.dot_dimension_numbers<[1], [0], [0], [1], [0, 0, 1, 1], [], []>, transpose_lhs_hint = false} : vector<512x256xbf16>, vector<256x128xbf16>, vector<512x128xf32> -> vector<512x128xf32>
    %get3A_89 = arith.constant 0 : index
    %get3A_90 = arith.constant 0 : index
    %get3A_91 = vector.load %arg4[%get3A_89, %get3A_90] : memref<1x128xf32, #tpu.memory_space<vmem>>, vector<1x128xf32>
    %add3A_92 = vector.broadcast %get3A_91 : vector<1x128xf32> to vector<512x128xf32>
    %add3A_93 = arith.addf %dot_general3A_88, %add3A_92 : vector<512x128xf32>
    %mul3A_94 = arith.constant 2.000000e-01 : f32
    %mul3A_95 = vector.broadcast %mul3A_94 : f32 to vector<512x128xf32>
    %mul3A_96 = arith.mulf %mul3A_95, %add3A_93 : vector<512x128xf32>
    %max3A_97 = arith.maximumf %add3A_93, %mul3A_96 : vector<512x128xf32>
    %max3A_98 = arith.maximumf %max3A_72, %max3A_97 : vector<512x128xf32>
    %get3A_99 = arith.constant 4 : index
    %get3A_100 = arith.constant 0 : index
    %get3A_101 = arith.constant 0 : index
    %get3A_102 = vector.load %arg1[%get3A_99, %get3A_100, %get3A_101] : memref<10x512x128xf32, #tpu.memory_space<vmem>>, vector<1x512x128xf32>
    %get3A_103 = vector.shape_cast %get3A_102 : vector<1x512x128xf32> to vector<512x128xf32>
    %get3A_104 = arith.constant 0 : index
    %get3A_105 = arith.constant 0 : index
    %get3A_106 = vector.load %arg2[%get3A_104, %get3A_105] : memref<512x128xf32, #tpu.memory_space<vmem>>, vector<512x128xf32>
    %sub3A_107 = arith.subf %get3A_103, %get3A_106 : vector<512x128xf32>
    %convert_element_type3A_108 = arith.truncf %sub3A_107 : vector<512x128xf32> to vector<512x128xbf16>
    %concatenate3A_109 = tpu.concatenate %convert_element_type3A, %convert_element_type3A_108 in 1 : vector<512x128xbf16>, vector<512x128xbf16> -> vector<512x256xbf16>
    %get3A_110 = arith.constant 0 : index
    %get3A_111 = arith.constant 0 : index
    %get3A_112 = vector.load %arg3[%get3A_110, %get3A_111] : memref<256x128xbf16, #tpu.memory_space<vmem>>, vector<256x128xbf16>
    %dot_general3A_113 = arith.constant dense<0.000000e+00> : vector<512x128xf32>
    %dot_general3A_114 = tpu.matmul %concatenate3A_109, %get3A_112, %dot_general3A_113 {dimension_numbers = #tpu.dot_dimension_numbers<[1], [0], [0], [1], [0, 0, 1, 1], [], []>, transpose_lhs_hint = false} : vector<512x256xbf16>, vector<256x128xbf16>, vector<512x128xf32> -> vector<512x128xf32>
    %get3A_115 = arith.constant 0 : index
    %get3A_116 = arith.constant 0 : index
    %get3A_117 = vector.load %arg4[%get3A_115, %get3A_116] : memref<1x128xf32, #tpu.memory_space<vmem>>, vector<1x128xf32>
    %add3A_118 = vector.broadcast %get3A_117 : vector<1x128xf32> to vector<512x128xf32>
    %add3A_119 = arith.addf %dot_general3A_114, %add3A_118 : vector<512x128xf32>
    %mul3A_120 = arith.constant 2.000000e-01 : f32
    %mul3A_121 = vector.broadcast %mul3A_120 : f32 to vector<512x128xf32>
    %mul3A_122 = arith.mulf %mul3A_121, %add3A_119 : vector<512x128xf32>
    %max3A_123 = arith.maximumf %add3A_119, %mul3A_122 : vector<512x128xf32>
    %max3A_124 = arith.maximumf %max3A_98, %max3A_123 : vector<512x128xf32>
    %get3A_125 = arith.constant 5 : index
    %get3A_126 = arith.constant 0 : index
    %get3A_127 = arith.constant 0 : index
    %get3A_128 = vector.load %arg1[%get3A_125, %get3A_126, %get3A_127] : memref<10x512x128xf32, #tpu.memory_space<vmem>>, vector<1x512x128xf32>
    %get3A_129 = vector.shape_cast %get3A_128 : vector<1x512x128xf32> to vector<512x128xf32>
    %get3A_130 = arith.constant 0 : index
    %get3A_131 = arith.constant 0 : index
    %get3A_132 = vector.load %arg2[%get3A_130, %get3A_131] : memref<512x128xf32, #tpu.memory_space<vmem>>, vector<512x128xf32>
    %sub3A_133 = arith.subf %get3A_129, %get3A_132 : vector<512x128xf32>
    %convert_element_type3A_134 = arith.truncf %sub3A_133 : vector<512x128xf32> to vector<512x128xbf16>
    %concatenate3A_135 = tpu.concatenate %convert_element_type3A, %convert_element_type3A_134 in 1 : vector<512x128xbf16>, vector<512x128xbf16> -> vector<512x256xbf16>
    %get3A_136 = arith.constant 0 : index
    %get3A_137 = arith.constant 0 : index
    %get3A_138 = vector.load %arg3[%get3A_136, %get3A_137] : memref<256x128xbf16, #tpu.memory_space<vmem>>, vector<256x128xbf16>
    %dot_general3A_139 = arith.constant dense<0.000000e+00> : vector<512x128xf32>
    %dot_general3A_140 = tpu.matmul %concatenate3A_135, %get3A_138, %dot_general3A_139 {dimension_numbers = #tpu.dot_dimension_numbers<[1], [0], [0], [1], [0, 0, 1, 1], [], []>, transpose_lhs_hint = false} : vector<512x256xbf16>, vector<256x128xbf16>, vector<512x128xf32> -> vector<512x128xf32>
    %get3A_141 = arith.constant 0 : index
    %get3A_142 = arith.constant 0 : index
    %get3A_143 = vector.load %arg4[%get3A_141, %get3A_142] : memref<1x128xf32, #tpu.memory_space<vmem>>, vector<1x128xf32>
    %add3A_144 = vector.broadcast %get3A_143 : vector<1x128xf32> to vector<512x128xf32>
    %add3A_145 = arith.addf %dot_general3A_140, %add3A_144 : vector<512x128xf32>
    %mul3A_146 = arith.constant 2.000000e-01 : f32
    %mul3A_147 = vector.broadcast %mul3A_146 : f32 to vector<512x128xf32>
    %mul3A_148 = arith.mulf %mul3A_147, %add3A_145 : vector<512x128xf32>
    %max3A_149 = arith.maximumf %add3A_145, %mul3A_148 : vector<512x128xf32>
    %max3A_150 = arith.maximumf %max3A_124, %max3A_149 : vector<512x128xf32>
    %get3A_151 = arith.constant 6 : index
    %get3A_152 = arith.constant 0 : index
    %get3A_153 = arith.constant 0 : index
    %get3A_154 = vector.load %arg1[%get3A_151, %get3A_152, %get3A_153] : memref<10x512x128xf32, #tpu.memory_space<vmem>>, vector<1x512x128xf32>
    %get3A_155 = vector.shape_cast %get3A_154 : vector<1x512x128xf32> to vector<512x128xf32>
    %get3A_156 = arith.constant 0 : index
    %get3A_157 = arith.constant 0 : index
    %get3A_158 = vector.load %arg2[%get3A_156, %get3A_157] : memref<512x128xf32, #tpu.memory_space<vmem>>, vector<512x128xf32>
    %sub3A_159 = arith.subf %get3A_155, %get3A_158 : vector<512x128xf32>
    %convert_element_type3A_160 = arith.truncf %sub3A_159 : vector<512x128xf32> to vector<512x128xbf16>
    %concatenate3A_161 = tpu.concatenate %convert_element_type3A, %convert_element_type3A_160 in 1 : vector<512x128xbf16>, vector<512x128xbf16> -> vector<512x256xbf16>
    %get3A_162 = arith.constant 0 : index
    %get3A_163 = arith.constant 0 : index
    %get3A_164 = vector.load %arg3[%get3A_162, %get3A_163] : memref<256x128xbf16, #tpu.memory_space<vmem>>, vector<256x128xbf16>
    %dot_general3A_165 = arith.constant dense<0.000000e+00> : vector<512x128xf32>
    %dot_general3A_166 = tpu.matmul %concatenate3A_161, %get3A_164, %dot_general3A_165 {dimension_numbers = #tpu.dot_dimension_numbers<[1], [0], [0], [1], [0, 0, 1, 1], [], []>, transpose_lhs_hint = false} : vector<512x256xbf16>, vector<256x128xbf16>, vector<512x128xf32> -> vector<512x128xf32>
    %get3A_167 = arith.constant 0 : index
    %get3A_168 = arith.constant 0 : index
    %get3A_169 = vector.load %arg4[%get3A_167, %get3A_168] : memref<1x128xf32, #tpu.memory_space<vmem>>, vector<1x128xf32>
    %add3A_170 = vector.broadcast %get3A_169 : vector<1x128xf32> to vector<512x128xf32>
    %add3A_171 = arith.addf %dot_general3A_166, %add3A_170 : vector<512x128xf32>
    %mul3A_172 = arith.constant 2.000000e-01 : f32
    %mul3A_173 = vector.broadcast %mul3A_172 : f32 to vector<512x128xf32>
    %mul3A_174 = arith.mulf %mul3A_173, %add3A_171 : vector<512x128xf32>
    %max3A_175 = arith.maximumf %add3A_171, %mul3A_174 : vector<512x128xf32>
    %max3A_176 = arith.maximumf %max3A_150, %max3A_175 : vector<512x128xf32>
    %get3A_177 = arith.constant 7 : index
    %get3A_178 = arith.constant 0 : index
    %get3A_179 = arith.constant 0 : index
    %get3A_180 = vector.load %arg1[%get3A_177, %get3A_178, %get3A_179] : memref<10x512x128xf32, #tpu.memory_space<vmem>>, vector<1x512x128xf32>
    %get3A_181 = vector.shape_cast %get3A_180 : vector<1x512x128xf32> to vector<512x128xf32>
    %get3A_182 = arith.constant 0 : index
    %get3A_183 = arith.constant 0 : index
    %get3A_184 = vector.load %arg2[%get3A_182, %get3A_183] : memref<512x128xf32, #tpu.memory_space<vmem>>, vector<512x128xf32>
    %sub3A_185 = arith.subf %get3A_181, %get3A_184 : vector<512x128xf32>
    %convert_element_type3A_186 = arith.truncf %sub3A_185 : vector<512x128xf32> to vector<512x128xbf16>
    %concatenate3A_187 = tpu.concatenate %convert_element_type3A, %convert_element_type3A_186 in 1 : vector<512x128xbf16>, vector<512x128xbf16> -> vector<512x256xbf16>
    %get3A_188 = arith.constant 0 : index
    %get3A_189 = arith.constant 0 : index
    %get3A_190 = vector.load %arg3[%get3A_188, %get3A_189] : memref<256x128xbf16, #tpu.memory_space<vmem>>, vector<256x128xbf16>
    %dot_general3A_191 = arith.constant dense<0.000000e+00> : vector<512x128xf32>
    %dot_general3A_192 = tpu.matmul %concatenate3A_187, %get3A_190, %dot_general3A_191 {dimension_numbers = #tpu.dot_dimension_numbers<[1], [0], [0], [1], [0, 0, 1, 1], [], []>, transpose_lhs_hint = false} : vector<512x256xbf16>, vector<256x128xbf16>, vector<512x128xf32> -> vector<512x128xf32>
    %get3A_193 = arith.constant 0 : index
    %get3A_194 = arith.constant 0 : index
    %get3A_195 = vector.load %arg4[%get3A_193, %get3A_194] : memref<1x128xf32, #tpu.memory_space<vmem>>, vector<1x128xf32>
    %add3A_196 = vector.broadcast %get3A_195 : vector<1x128xf32> to vector<512x128xf32>
    %add3A_197 = arith.addf %dot_general3A_192, %add3A_196 : vector<512x128xf32>
    %mul3A_198 = arith.constant 2.000000e-01 : f32
    %mul3A_199 = vector.broadcast %mul3A_198 : f32 to vector<512x128xf32>
    %mul3A_200 = arith.mulf %mul3A_199, %add3A_197 : vector<512x128xf32>
    %max3A_201 = arith.maximumf %add3A_197, %mul3A_200 : vector<512x128xf32>
    %max3A_202 = arith.maximumf %max3A_176, %max3A_201 : vector<512x128xf32>
    %get3A_203 = arith.constant 8 : index
    %get3A_204 = arith.constant 0 : index
    %get3A_205 = arith.constant 0 : index
    %get3A_206 = vector.load %arg1[%get3A_203, %get3A_204, %get3A_205] : memref<10x512x128xf32, #tpu.memory_space<vmem>>, vector<1x512x128xf32>
    %get3A_207 = vector.shape_cast %get3A_206 : vector<1x512x128xf32> to vector<512x128xf32>
    %get3A_208 = arith.constant 0 : index
    %get3A_209 = arith.constant 0 : index
    %get3A_210 = vector.load %arg2[%get3A_208, %get3A_209] : memref<512x128xf32, #tpu.memory_space<vmem>>, vector<512x128xf32>
    %sub3A_211 = arith.subf %get3A_207, %get3A_210 : vector<512x128xf32>
    %convert_element_type3A_212 = arith.truncf %sub3A_211 : vector<512x128xf32> to vector<512x128xbf16>
    %concatenate3A_213 = tpu.concatenate %convert_element_type3A, %convert_element_type3A_212 in 1 : vector<512x128xbf16>, vector<512x128xbf16> -> vector<512x256xbf16>
    %get3A_214 = arith.constant 0 : index
    %get3A_215 = arith.constant 0 : index
    %get3A_216 = vector.load %arg3[%get3A_214, %get3A_215] : memref<256x128xbf16, #tpu.memory_space<vmem>>, vector<256x128xbf16>
    %dot_general3A_217 = arith.constant dense<0.000000e+00> : vector<512x128xf32>
    %dot_general3A_218 = tpu.matmul %concatenate3A_213, %get3A_216, %dot_general3A_217 {dimension_numbers = #tpu.dot_dimension_numbers<[1], [0], [0], [1], [0, 0, 1, 1], [], []>, transpose_lhs_hint = false} : vector<512x256xbf16>, vector<256x128xbf16>, vector<512x128xf32> -> vector<512x128xf32>
    %get3A_219 = arith.constant 0 : index
    %get3A_220 = arith.constant 0 : index
    %get3A_221 = vector.load %arg4[%get3A_219, %get3A_220] : memref<1x128xf32, #tpu.memory_space<vmem>>, vector<1x128xf32>
    %add3A_222 = vector.broadcast %get3A_221 : vector<1x128xf32> to vector<512x128xf32>
    %add3A_223 = arith.addf %dot_general3A_218, %add3A_222 : vector<512x128xf32>
    %mul3A_224 = arith.constant 2.000000e-01 : f32
    %mul3A_225 = vector.broadcast %mul3A_224 : f32 to vector<512x128xf32>
    %mul3A_226 = arith.mulf %mul3A_225, %add3A_223 : vector<512x128xf32>
    %max3A_227 = arith.maximumf %add3A_223, %mul3A_226 : vector<512x128xf32>
    %max3A_228 = arith.maximumf %max3A_202, %max3A_227 : vector<512x128xf32>
    %get3A_229 = arith.constant 9 : index
    %get3A_230 = arith.constant 0 : index
    %get3A_231 = arith.constant 0 : index
    %get3A_232 = vector.load %arg1[%get3A_229, %get3A_230, %get3A_231] : memref<10x512x128xf32, #tpu.memory_space<vmem>>, vector<1x512x128xf32>
    %get3A_233 = vector.shape_cast %get3A_232 : vector<1x512x128xf32> to vector<512x128xf32>
    %get3A_234 = arith.constant 0 : index
    %get3A_235 = arith.constant 0 : index
    %get3A_236 = vector.load %arg2[%get3A_234, %get3A_235] : memref<512x128xf32, #tpu.memory_space<vmem>>, vector<512x128xf32>
    %sub3A_237 = arith.subf %get3A_233, %get3A_236 : vector<512x128xf32>
    %convert_element_type3A_238 = arith.truncf %sub3A_237 : vector<512x128xf32> to vector<512x128xbf16>
    %concatenate3A_239 = tpu.concatenate %convert_element_type3A, %convert_element_type3A_238 in 1 : vector<512x128xbf16>, vector<512x128xbf16> -> vector<512x256xbf16>
    %get3A_240 = arith.constant 0 : index
    %get3A_241 = arith.constant 0 : index
    %get3A_242 = vector.load %arg3[%get3A_240, %get3A_241] : memref<256x128xbf16, #tpu.memory_space<vmem>>, vector<256x128xbf16>
    %dot_general3A_243 = arith.constant dense<0.000000e+00> : vector<512x128xf32>
    %dot_general3A_244 = tpu.matmul %concatenate3A_239, %get3A_242, %dot_general3A_243 {dimension_numbers = #tpu.dot_dimension_numbers<[1], [0], [0], [1], [0, 0, 1, 1], [], []>, transpose_lhs_hint = false} : vector<512x256xbf16>, vector<256x128xbf16>, vector<512x128xf32> -> vector<512x128xf32>
    %get3A_245 = arith.constant 0 : index
    %get3A_246 = arith.constant 0 : index
    %get3A_247 = vector.load %arg4[%get3A_245, %get3A_246] : memref<1x128xf32, #tpu.memory_space<vmem>>, vector<1x128xf32>
    %add3A_248 = vector.broadcast %get3A_247 : vector<1x128xf32> to vector<512x128xf32>
    %add3A_249 = arith.addf %dot_general3A_244, %add3A_248 : vector<512x128xf32>
    %mul3A_250 = arith.constant 2.000000e-01 : f32
    %mul3A_251 = vector.broadcast %mul3A_250 : f32 to vector<512x128xf32>
    %mul3A_252 = arith.mulf %mul3A_251, %add3A_249 : vector<512x128xf32>
    %max3A_253 = arith.maximumf %add3A_249, %mul3A_252 : vector<512x128xf32>
    %max3A_254 = arith.maximumf %max3A_228, %max3A_253 : vector<512x128xf32>
    %swap3A = arith.constant 0 : index
    %swap3A_255 = arith.constant 0 : index
    %swap3A_256 = vector.load %arg5[%swap3A, %swap3A_255] : memref<512x128xf32, #tpu.memory_space<vmem>>, vector<512x128xf32>
    tpu.vector_store %arg5[%swap3A, %swap3A_255], %max3A_254 {strides = array<i32>} : memref<512x128xf32, #tpu.memory_space<vmem>>, vector<512x128xf32>,
    return
  }
  func.func @transform_0(%arg0: i32) -> (i32, i32, i32) {
    %c0_i32 = arith.constant 0 : i32
    %c0_i32_0 = arith.constant 0 : i32
    %c0_i32_1 = arith.constant 0 : i32
    return %c0_i32, %arg0, %c0_i32_0 : i32, i32, i32
  }
  func.func @transform_1(%arg0: i32) -> (i32, i32) {
    %c0_i32 = arith.constant 0 : i32
    %c0_i32_0 = arith.constant 0 : i32
    return %arg0, %c0_i32 : i32, i32
  }
  func.func @transform_2(%arg0: i32) -> (i32, i32) {
    %c0_i32 = arith.constant 0 : i32
    %c0_i32_0 = arith.constant 0 : i32
    %c0_i32_1 = arith.constant 0 : i32
    return %c0_i32, %c0_i32_0 : i32, i32
  }
  func.func @transform_3(%arg0: i32) -> (i32, i32) {
    %c0_i32 = arith.constant 0 : i32
    %c0_i32_0 = arith.constant 0 : i32
    %c0_i32_1 = arith.constant 0 : i32
    return %c0_i32, %c0_i32_0 : i32, i32
  }
  func.func @transform_4(%arg0: i32) -> (i32, i32) {
    %c0_i32 = arith.constant 0 : i32
    %c0_i32_0 = arith.constant 0 : i32
    return %arg0, %c0_i32 : i32, i32
  }
}

module attributes {stable_mosaic.version = 14 : i64} {
  func.func @_edge_body(%arg0: i32, %arg1: memref<10x512x128xf32, #tpu.memory_space<vmem>>, %arg2: memref<512x128xf32, #tpu.memory_space<vmem>>, %arg3: memref<256x256xbf16, #tpu.memory_space<vmem>>, %arg4: memref<1x256xf32, #tpu.memory_space<vmem>>, %arg5: memref<512x256xf32, #tpu.memory_space<vmem>>) attributes {dimension_semantics = [#tpu.dimension_semantics<arbitrary>], iteration_bounds = array<i64: 16>, scalar_prefetch = 0 : i64, scratch_operands = 0 : i64, tpu.core_type = #tpu.core_type<tc>, window_params = [{transform_indices = @transform_0, window_bounds = array<i64: 10, 512, 128>}, {transform_indices = @transform_1, window_bounds = array<i64: 512, 128>}, {pipeline_mode = #tpu.pipeline_mode<synchronous>, transform_indices = @transform_2, window_bounds = array<i64: 256, 256>}, {pipeline_mode = #tpu.pipeline_mode<synchronous>, transform_indices = @transform_3, window_bounds = array<i64: 1, 256>}, {transform_indices = @transform_4, window_bounds = array<i64: 512, 256>}]} {
    %get3A = arith.constant 0 : index
    %get3A_0 = arith.constant 0 : index
    %get3A_1 = vector.load %arg2[%get3A, %get3A_0] : memref<512x128xf32, #tpu.memory_space<vmem>>, vector<512x128xf32>
    %convert_element_type3A = arith.truncf %get3A_1 : vector<512x128xf32> to vector<512x128xbf16>
    %get3A_2 = arith.constant 0 : index
    %get3A_3 = arith.constant 0 : index
    %get3A_4 = arith.constant 0 : index
    %get3A_5 = vector.load %arg1[%get3A_2, %get3A_3, %get3A_4] : memref<10x512x128xf32, #tpu.memory_space<vmem>>, vector<1x512x128xf32>
    %get3A_6 = vector.shape_cast %get3A_5 : vector<1x512x128xf32> to vector<512x128xf32>
    %get3A_7 = arith.constant 0 : index
    %get3A_8 = arith.constant 0 : index
    %get3A_9 = vector.load %arg2[%get3A_7, %get3A_8] : memref<512x128xf32, #tpu.memory_space<vmem>>, vector<512x128xf32>
    %sub3A = arith.subf %get3A_6, %get3A_9 : vector<512x128xf32>
    %convert_element_type3A_10 = arith.truncf %sub3A : vector<512x128xf32> to vector<512x128xbf16>
    %concatenate3A = tpu.concatenate %convert_element_type3A, %convert_element_type3A_10 in 1 : vector<512x128xbf16>, vector<512x128xbf16> -> vector<512x256xbf16>
    %get3A_11 = arith.constant 0 : index
    %get3A_12 = arith.constant 0 : index
    %get3A_13 = vector.load %arg3[%get3A_11, %get3A_12] : memref<256x256xbf16, #tpu.memory_space<vmem>>, vector<256x256xbf16>
    %dot_general3A = arith.constant dense<0.000000e+00> : vector<512x256xf32>
    %dot_general3A_14 = tpu.matmul %concatenate3A, %get3A_13, %dot_general3A {dimension_numbers = #tpu.dot_dimension_numbers<[1], [0], [0], [1], [0, 0, 1, 1], [], []>, transpose_lhs_hint = false} : vector<512x256xbf16>, vector<256x256xbf16>, vector<512x256xf32> -> vector<512x256xf32>
    %get3A_15 = arith.constant 0 : index
    %get3A_16 = arith.constant 0 : index
    %get3A_17 = vector.load %arg4[%get3A_15, %get3A_16] : memref<1x256xf32, #tpu.memory_space<vmem>>, vector<1x256xf32>
    %add3A = vector.broadcast %get3A_17 : vector<1x256xf32> to vector<512x256xf32>
    %add3A_18 = arith.addf %dot_general3A_14, %add3A : vector<512x256xf32>
    %mul3A = arith.constant 2.000000e-01 : f32
    %mul3A_19 = vector.broadcast %mul3A : f32 to vector<512x256xf32>
    %mul3A_20 = arith.mulf %mul3A_19, %add3A_18 : vector<512x256xf32>
    %max3A = arith.maximumf %add3A_18, %mul3A_20 : vector<512x256xf32>
    %get3A_21 = arith.constant 1 : index
    %get3A_22 = arith.constant 0 : index
    %get3A_23 = arith.constant 0 : index
    %get3A_24 = vector.load %arg1[%get3A_21, %get3A_22, %get3A_23] : memref<10x512x128xf32, #tpu.memory_space<vmem>>, vector<1x512x128xf32>
    %get3A_25 = vector.shape_cast %get3A_24 : vector<1x512x128xf32> to vector<512x128xf32>
    %get3A_26 = arith.constant 0 : index
    %get3A_27 = arith.constant 0 : index
    %get3A_28 = vector.load %arg2[%get3A_26, %get3A_27] : memref<512x128xf32, #tpu.memory_space<vmem>>, vector<512x128xf32>
    %sub3A_29 = arith.subf %get3A_25, %get3A_28 : vector<512x128xf32>
    %convert_element_type3A_30 = arith.truncf %sub3A_29 : vector<512x128xf32> to vector<512x128xbf16>
    %concatenate3A_31 = tpu.concatenate %convert_element_type3A, %convert_element_type3A_30 in 1 : vector<512x128xbf16>, vector<512x128xbf16> -> vector<512x256xbf16>
    %get3A_32 = arith.constant 0 : index
    %get3A_33 = arith.constant 0 : index
    %get3A_34 = vector.load %arg3[%get3A_32, %get3A_33] : memref<256x256xbf16, #tpu.memory_space<vmem>>, vector<256x256xbf16>
    %dot_general3A_35 = arith.constant dense<0.000000e+00> : vector<512x256xf32>
    %dot_general3A_36 = tpu.matmul %concatenate3A_31, %get3A_34, %dot_general3A_35 {dimension_numbers = #tpu.dot_dimension_numbers<[1], [0], [0], [1], [0, 0, 1, 1], [], []>, transpose_lhs_hint = false} : vector<512x256xbf16>, vector<256x256xbf16>, vector<512x256xf32> -> vector<512x256xf32>
    %get3A_37 = arith.constant 0 : index
    %get3A_38 = arith.constant 0 : index
    %get3A_39 = vector.load %arg4[%get3A_37, %get3A_38] : memref<1x256xf32, #tpu.memory_space<vmem>>, vector<1x256xf32>
    %add3A_40 = vector.broadcast %get3A_39 : vector<1x256xf32> to vector<512x256xf32>
    %add3A_41 = arith.addf %dot_general3A_36, %add3A_40 : vector<512x256xf32>
    %mul3A_42 = arith.constant 2.000000e-01 : f32
    %mul3A_43 = vector.broadcast %mul3A_42 : f32 to vector<512x256xf32>
    %mul3A_44 = arith.mulf %mul3A_43, %add3A_41 : vector<512x256xf32>
    %max3A_45 = arith.maximumf %add3A_41, %mul3A_44 : vector<512x256xf32>
    %max3A_46 = arith.maximumf %max3A, %max3A_45 : vector<512x256xf32>
    %get3A_47 = arith.constant 2 : index
    %get3A_48 = arith.constant 0 : index
    %get3A_49 = arith.constant 0 : index
    %get3A_50 = vector.load %arg1[%get3A_47, %get3A_48, %get3A_49] : memref<10x512x128xf32, #tpu.memory_space<vmem>>, vector<1x512x128xf32>
    %get3A_51 = vector.shape_cast %get3A_50 : vector<1x512x128xf32> to vector<512x128xf32>
    %get3A_52 = arith.constant 0 : index
    %get3A_53 = arith.constant 0 : index
    %get3A_54 = vector.load %arg2[%get3A_52, %get3A_53] : memref<512x128xf32, #tpu.memory_space<vmem>>, vector<512x128xf32>
    %sub3A_55 = arith.subf %get3A_51, %get3A_54 : vector<512x128xf32>
    %convert_element_type3A_56 = arith.truncf %sub3A_55 : vector<512x128xf32> to vector<512x128xbf16>
    %concatenate3A_57 = tpu.concatenate %convert_element_type3A, %convert_element_type3A_56 in 1 : vector<512x128xbf16>, vector<512x128xbf16> -> vector<512x256xbf16>
    %get3A_58 = arith.constant 0 : index
    %get3A_59 = arith.constant 0 : index
    %get3A_60 = vector.load %arg3[%get3A_58, %get3A_59] : memref<256x256xbf16, #tpu.memory_space<vmem>>, vector<256x256xbf16>
    %dot_general3A_61 = arith.constant dense<0.000000e+00> : vector<512x256xf32>
    %dot_general3A_62 = tpu.matmul %concatenate3A_57, %get3A_60, %dot_general3A_61 {dimension_numbers = #tpu.dot_dimension_numbers<[1], [0], [0], [1], [0, 0, 1, 1], [], []>, transpose_lhs_hint = false} : vector<512x256xbf16>, vector<256x256xbf16>, vector<512x256xf32> -> vector<512x256xf32>
    %get3A_63 = arith.constant 0 : index
    %get3A_64 = arith.constant 0 : index
    %get3A_65 = vector.load %arg4[%get3A_63, %get3A_64] : memref<1x256xf32, #tpu.memory_space<vmem>>, vector<1x256xf32>
    %add3A_66 = vector.broadcast %get3A_65 : vector<1x256xf32> to vector<512x256xf32>
    %add3A_67 = arith.addf %dot_general3A_62, %add3A_66 : vector<512x256xf32>
    %mul3A_68 = arith.constant 2.000000e-01 : f32
    %mul3A_69 = vector.broadcast %mul3A_68 : f32 to vector<512x256xf32>
    %mul3A_70 = arith.mulf %mul3A_69, %add3A_67 : vector<512x256xf32>
    %max3A_71 = arith.maximumf %add3A_67, %mul3A_70 : vector<512x256xf32>
    %max3A_72 = arith.maximumf %max3A_46, %max3A_71 : vector<512x256xf32>
    %get3A_73 = arith.constant 3 : index
    %get3A_74 = arith.constant 0 : index
    %get3A_75 = arith.constant 0 : index
    %get3A_76 = vector.load %arg1[%get3A_73, %get3A_74, %get3A_75] : memref<10x512x128xf32, #tpu.memory_space<vmem>>, vector<1x512x128xf32>
    %get3A_77 = vector.shape_cast %get3A_76 : vector<1x512x128xf32> to vector<512x128xf32>
    %get3A_78 = arith.constant 0 : index
    %get3A_79 = arith.constant 0 : index
    %get3A_80 = vector.load %arg2[%get3A_78, %get3A_79] : memref<512x128xf32, #tpu.memory_space<vmem>>, vector<512x128xf32>
    %sub3A_81 = arith.subf %get3A_77, %get3A_80 : vector<512x128xf32>
    %convert_element_type3A_82 = arith.truncf %sub3A_81 : vector<512x128xf32> to vector<512x128xbf16>
    %concatenate3A_83 = tpu.concatenate %convert_element_type3A, %convert_element_type3A_82 in 1 : vector<512x128xbf16>, vector<512x128xbf16> -> vector<512x256xbf16>
    %get3A_84 = arith.constant 0 : index
    %get3A_85 = arith.constant 0 : index
    %get3A_86 = vector.load %arg3[%get3A_84, %get3A_85] : memref<256x256xbf16, #tpu.memory_space<vmem>>, vector<256x256xbf16>
    %dot_general3A_87 = arith.constant dense<0.000000e+00> : vector<512x256xf32>
    %dot_general3A_88 = tpu.matmul %concatenate3A_83, %get3A_86, %dot_general3A_87 {dimension_numbers = #tpu.dot_dimension_numbers<[1], [0], [0], [1], [0, 0, 1, 1], [], []>, transpose_lhs_hint = false} : vector<512x256xbf16>, vector<256x256xbf16>, vector<512x256xf32> -> vector<512x256xf32>
    %get3A_89 = arith.constant 0 : index
    %get3A_90 = arith.constant 0 : index
    %get3A_91 = vector.load %arg4[%get3A_89, %get3A_90] : memref<1x256xf32, #tpu.memory_space<vmem>>, vector<1x256xf32>
    %add3A_92 = vector.broadcast %get3A_91 : vector<1x256xf32> to vector<512x256xf32>
    %add3A_93 = arith.addf %dot_general3A_88, %add3A_92 : vector<512x256xf32>
    %mul3A_94 = arith.constant 2.000000e-01 : f32
    %mul3A_95 = vector.broadcast %mul3A_94 : f32 to vector<512x256xf32>
    %mul3A_96 = arith.mulf %mul3A_95, %add3A_93 : vector<512x256xf32>
    %max3A_97 = arith.maximumf %add3A_93, %mul3A_96 : vector<512x256xf32>
    %max3A_98 = arith.maximumf %max3A_72, %max3A_97 : vector<512x256xf32>
    %get3A_99 = arith.constant 4 : index
    %get3A_100 = arith.constant 0 : index
    %get3A_101 = arith.constant 0 : index
    %get3A_102 = vector.load %arg1[%get3A_99, %get3A_100, %get3A_101] : memref<10x512x128xf32, #tpu.memory_space<vmem>>, vector<1x512x128xf32>
    %get3A_103 = vector.shape_cast %get3A_102 : vector<1x512x128xf32> to vector<512x128xf32>
    %get3A_104 = arith.constant 0 : index
    %get3A_105 = arith.constant 0 : index
    %get3A_106 = vector.load %arg2[%get3A_104, %get3A_105] : memref<512x128xf32, #tpu.memory_space<vmem>>, vector<512x128xf32>
    %sub3A_107 = arith.subf %get3A_103, %get3A_106 : vector<512x128xf32>
    %convert_element_type3A_108 = arith.truncf %sub3A_107 : vector<512x128xf32> to vector<512x128xbf16>
    %concatenate3A_109 = tpu.concatenate %convert_element_type3A, %convert_element_type3A_108 in 1 : vector<512x128xbf16>, vector<512x128xbf16> -> vector<512x256xbf16>
    %get3A_110 = arith.constant 0 : index
    %get3A_111 = arith.constant 0 : index
    %get3A_112 = vector.load %arg3[%get3A_110, %get3A_111] : memref<256x256xbf16, #tpu.memory_space<vmem>>, vector<256x256xbf16>
    %dot_general3A_113 = arith.constant dense<0.000000e+00> : vector<512x256xf32>
    %dot_general3A_114 = tpu.matmul %concatenate3A_109, %get3A_112, %dot_general3A_113 {dimension_numbers = #tpu.dot_dimension_numbers<[1], [0], [0], [1], [0, 0, 1, 1], [], []>, transpose_lhs_hint = false} : vector<512x256xbf16>, vector<256x256xbf16>, vector<512x256xf32> -> vector<512x256xf32>
    %get3A_115 = arith.constant 0 : index
    %get3A_116 = arith.constant 0 : index
    %get3A_117 = vector.load %arg4[%get3A_115, %get3A_116] : memref<1x256xf32, #tpu.memory_space<vmem>>, vector<1x256xf32>
    %add3A_118 = vector.broadcast %get3A_117 : vector<1x256xf32> to vector<512x256xf32>
    %add3A_119 = arith.addf %dot_general3A_114, %add3A_118 : vector<512x256xf32>
    %mul3A_120 = arith.constant 2.000000e-01 : f32
    %mul3A_121 = vector.broadcast %mul3A_120 : f32 to vector<512x256xf32>
    %mul3A_122 = arith.mulf %mul3A_121, %add3A_119 : vector<512x256xf32>
    %max3A_123 = arith.maximumf %add3A_119, %mul3A_122 : vector<512x256xf32>
    %max3A_124 = arith.maximumf %max3A_98, %max3A_123 : vector<512x256xf32>
    %get3A_125 = arith.constant 5 : index
    %get3A_126 = arith.constant 0 : index
    %get3A_127 = arith.constant 0 : index
    %get3A_128 = vector.load %arg1[%get3A_125, %get3A_126, %get3A_127] : memref<10x512x128xf32, #tpu.memory_space<vmem>>, vector<1x512x128xf32>
    %get3A_129 = vector.shape_cast %get3A_128 : vector<1x512x128xf32> to vector<512x128xf32>
    %get3A_130 = arith.constant 0 : index
    %get3A_131 = arith.constant 0 : index
    %get3A_132 = vector.load %arg2[%get3A_130, %get3A_131] : memref<512x128xf32, #tpu.memory_space<vmem>>, vector<512x128xf32>
    %sub3A_133 = arith.subf %get3A_129, %get3A_132 : vector<512x128xf32>
    %convert_element_type3A_134 = arith.truncf %sub3A_133 : vector<512x128xf32> to vector<512x128xbf16>
    %concatenate3A_135 = tpu.concatenate %convert_element_type3A, %convert_element_type3A_134 in 1 : vector<512x128xbf16>, vector<512x128xbf16> -> vector<512x256xbf16>
    %get3A_136 = arith.constant 0 : index
    %get3A_137 = arith.constant 0 : index
    %get3A_138 = vector.load %arg3[%get3A_136, %get3A_137] : memref<256x256xbf16, #tpu.memory_space<vmem>>, vector<256x256xbf16>
    %dot_general3A_139 = arith.constant dense<0.000000e+00> : vector<512x256xf32>
    %dot_general3A_140 = tpu.matmul %concatenate3A_135, %get3A_138, %dot_general3A_139 {dimension_numbers = #tpu.dot_dimension_numbers<[1], [0], [0], [1], [0, 0, 1, 1], [], []>, transpose_lhs_hint = false} : vector<512x256xbf16>, vector<256x256xbf16>, vector<512x256xf32> -> vector<512x256xf32>
    %get3A_141 = arith.constant 0 : index
    %get3A_142 = arith.constant 0 : index
    %get3A_143 = vector.load %arg4[%get3A_141, %get3A_142] : memref<1x256xf32, #tpu.memory_space<vmem>>, vector<1x256xf32>
    %add3A_144 = vector.broadcast %get3A_143 : vector<1x256xf32> to vector<512x256xf32>
    %add3A_145 = arith.addf %dot_general3A_140, %add3A_144 : vector<512x256xf32>
    %mul3A_146 = arith.constant 2.000000e-01 : f32
    %mul3A_147 = vector.broadcast %mul3A_146 : f32 to vector<512x256xf32>
    %mul3A_148 = arith.mulf %mul3A_147, %add3A_145 : vector<512x256xf32>
    %max3A_149 = arith.maximumf %add3A_145, %mul3A_148 : vector<512x256xf32>
    %max3A_150 = arith.maximumf %max3A_124, %max3A_149 : vector<512x256xf32>
    %get3A_151 = arith.constant 6 : index
    %get3A_152 = arith.constant 0 : index
    %get3A_153 = arith.constant 0 : index
    %get3A_154 = vector.load %arg1[%get3A_151, %get3A_152, %get3A_153] : memref<10x512x128xf32, #tpu.memory_space<vmem>>, vector<1x512x128xf32>
    %get3A_155 = vector.shape_cast %get3A_154 : vector<1x512x128xf32> to vector<512x128xf32>
    %get3A_156 = arith.constant 0 : index
    %get3A_157 = arith.constant 0 : index
    %get3A_158 = vector.load %arg2[%get3A_156, %get3A_157] : memref<512x128xf32, #tpu.memory_space<vmem>>, vector<512x128xf32>
    %sub3A_159 = arith.subf %get3A_155, %get3A_158 : vector<512x128xf32>
    %convert_element_type3A_160 = arith.truncf %sub3A_159 : vector<512x128xf32> to vector<512x128xbf16>
    %concatenate3A_161 = tpu.concatenate %convert_element_type3A, %convert_element_type3A_160 in 1 : vector<512x128xbf16>, vector<512x128xbf16> -> vector<512x256xbf16>
    %get3A_162 = arith.constant 0 : index
    %get3A_163 = arith.constant 0 : index
    %get3A_164 = vector.load %arg3[%get3A_162, %get3A_163] : memref<256x256xbf16, #tpu.memory_space<vmem>>, vector<256x256xbf16>
    %dot_general3A_165 = arith.constant dense<0.000000e+00> : vector<512x256xf32>
    %dot_general3A_166 = tpu.matmul %concatenate3A_161, %get3A_164, %dot_general3A_165 {dimension_numbers = #tpu.dot_dimension_numbers<[1], [0], [0], [1], [0, 0, 1, 1], [], []>, transpose_lhs_hint = false} : vector<512x256xbf16>, vector<256x256xbf16>, vector<512x256xf32> -> vector<512x256xf32>
    %get3A_167 = arith.constant 0 : index
    %get3A_168 = arith.constant 0 : index
    %get3A_169 = vector.load %arg4[%get3A_167, %get3A_168] : memref<1x256xf32, #tpu.memory_space<vmem>>, vector<1x256xf32>
    %add3A_170 = vector.broadcast %get3A_169 : vector<1x256xf32> to vector<512x256xf32>
    %add3A_171 = arith.addf %dot_general3A_166, %add3A_170 : vector<512x256xf32>
    %mul3A_172 = arith.constant 2.000000e-01 : f32
    %mul3A_173 = vector.broadcast %mul3A_172 : f32 to vector<512x256xf32>
    %mul3A_174 = arith.mulf %mul3A_173, %add3A_171 : vector<512x256xf32>
    %max3A_175 = arith.maximumf %add3A_171, %mul3A_174 : vector<512x256xf32>
    %max3A_176 = arith.maximumf %max3A_150, %max3A_175 : vector<512x256xf32>
    %get3A_177 = arith.constant 7 : index
    %get3A_178 = arith.constant 0 : index
    %get3A_179 = arith.constant 0 : index
    %get3A_180 = vector.load %arg1[%get3A_177, %get3A_178, %get3A_179] : memref<10x512x128xf32, #tpu.memory_space<vmem>>, vector<1x512x128xf32>
    %get3A_181 = vector.shape_cast %get3A_180 : vector<1x512x128xf32> to vector<512x128xf32>
    %get3A_182 = arith.constant 0 : index
    %get3A_183 = arith.constant 0 : index
    %get3A_184 = vector.load %arg2[%get3A_182, %get3A_183] : memref<512x128xf32, #tpu.memory_space<vmem>>, vector<512x128xf32>
    %sub3A_185 = arith.subf %get3A_181, %get3A_184 : vector<512x128xf32>
    %convert_element_type3A_186 = arith.truncf %sub3A_185 : vector<512x128xf32> to vector<512x128xbf16>
    %concatenate3A_187 = tpu.concatenate %convert_element_type3A, %convert_element_type3A_186 in 1 : vector<512x128xbf16>, vector<512x128xbf16> -> vector<512x256xbf16>
    %get3A_188 = arith.constant 0 : index
    %get3A_189 = arith.constant 0 : index
    %get3A_190 = vector.load %arg3[%get3A_188, %get3A_189] : memref<256x256xbf16, #tpu.memory_space<vmem>>, vector<256x256xbf16>
    %dot_general3A_191 = arith.constant dense<0.000000e+00> : vector<512x256xf32>
    %dot_general3A_192 = tpu.matmul %concatenate3A_187, %get3A_190, %dot_general3A_191 {dimension_numbers = #tpu.dot_dimension_numbers<[1], [0], [0], [1], [0, 0, 1, 1], [], []>, transpose_lhs_hint = false} : vector<512x256xbf16>, vector<256x256xbf16>, vector<512x256xf32> -> vector<512x256xf32>
    %get3A_193 = arith.constant 0 : index
    %get3A_194 = arith.constant 0 : index
    %get3A_195 = vector.load %arg4[%get3A_193, %get3A_194] : memref<1x256xf32, #tpu.memory_space<vmem>>, vector<1x256xf32>
    %add3A_196 = vector.broadcast %get3A_195 : vector<1x256xf32> to vector<512x256xf32>
    %add3A_197 = arith.addf %dot_general3A_192, %add3A_196 : vector<512x256xf32>
    %mul3A_198 = arith.constant 2.000000e-01 : f32
    %mul3A_199 = vector.broadcast %mul3A_198 : f32 to vector<512x256xf32>
    %mul3A_200 = arith.mulf %mul3A_199, %add3A_197 : vector<512x256xf32>
    %max3A_201 = arith.maximumf %add3A_197, %mul3A_200 : vector<512x256xf32>
    %max3A_202 = arith.maximumf %max3A_176, %max3A_201 : vector<512x256xf32>
    %get3A_203 = arith.constant 8 : index
    %get3A_204 = arith.constant 0 : index
    %get3A_205 = arith.constant 0 : index
    %get3A_206 = vector.load %arg1[%get3A_203, %get3A_204, %get3A_205] : memref<10x512x128xf32, #tpu.memory_space<vmem>>, vector<1x512x128xf32>
    %get3A_207 = vector.shape_cast %get3A_206 : vector<1x512x128xf32> to vector<512x128xf32>
    %get3A_208 = arith.constant 0 : index
    %get3A_209 = arith.constant 0 : index
    %get3A_210 = vector.load %arg2[%get3A_208, %get3A_209] : memref<512x128xf32, #tpu.memory_space<vmem>>, vector<512x128xf32>
    %sub3A_211 = arith.subf %get3A_207, %get3A_210 : vector<512x128xf32>
    %convert_element_type3A_212 = arith.truncf %sub3A_211 : vector<512x128xf32> to vector<512x128xbf16>
    %concatenate3A_213 = tpu.concatenate %convert_element_type3A, %convert_element_type3A_212 in 1 : vector<512x128xbf16>, vector<512x128xbf16> -> vector<512x256xbf16>
    %get3A_214 = arith.constant 0 : index
    %get3A_215 = arith.constant 0 : index
    %get3A_216 = vector.load %arg3[%get3A_214, %get3A_215] : memref<256x256xbf16, #tpu.memory_space<vmem>>, vector<256x256xbf16>
    %dot_general3A_217 = arith.constant dense<0.000000e+00> : vector<512x256xf32>
    %dot_general3A_218 = tpu.matmul %concatenate3A_213, %get3A_216, %dot_general3A_217 {dimension_numbers = #tpu.dot_dimension_numbers<[1], [0], [0], [1], [0, 0, 1, 1], [], []>, transpose_lhs_hint = false} : vector<512x256xbf16>, vector<256x256xbf16>, vector<512x256xf32> -> vector<512x256xf32>
    %get3A_219 = arith.constant 0 : index
    %get3A_220 = arith.constant 0 : index
    %get3A_221 = vector.load %arg4[%get3A_219, %get3A_220] : memref<1x256xf32, #tpu.memory_space<vmem>>, vector<1x256xf32>
    %add3A_222 = vector.broadcast %get3A_221 : vector<1x256xf32> to vector<512x256xf32>
    %add3A_223 = arith.addf %dot_general3A_218, %add3A_222 : vector<512x256xf32>
    %mul3A_224 = arith.constant 2.000000e-01 : f32
    %mul3A_225 = vector.broadcast %mul3A_224 : f32 to vector<512x256xf32>
    %mul3A_226 = arith.mulf %mul3A_225, %add3A_223 : vector<512x256xf32>
    %max3A_227 = arith.maximumf %add3A_223, %mul3A_226 : vector<512x256xf32>
    %max3A_228 = arith.maximumf %max3A_202, %max3A_227 : vector<512x256xf32>
    %get3A_229 = arith.constant 9 : index
    %get3A_230 = arith.constant 0 : index
    %get3A_231 = arith.constant 0 : index
    %get3A_232 = vector.load %arg1[%get3A_229, %get3A_230, %get3A_231] : memref<10x512x128xf32, #tpu.memory_space<vmem>>, vector<1x512x128xf32>
    %get3A_233 = vector.shape_cast %get3A_232 : vector<1x512x128xf32> to vector<512x128xf32>
    %get3A_234 = arith.constant 0 : index
    %get3A_235 = arith.constant 0 : index
    %get3A_236 = vector.load %arg2[%get3A_234, %get3A_235] : memref<512x128xf32, #tpu.memory_space<vmem>>, vector<512x128xf32>
    %sub3A_237 = arith.subf %get3A_233, %get3A_236 : vector<512x128xf32>
    %convert_element_type3A_238 = arith.truncf %sub3A_237 : vector<512x128xf32> to vector<512x128xbf16>
    %concatenate3A_239 = tpu.concatenate %convert_element_type3A, %convert_element_type3A_238 in 1 : vector<512x128xbf16>, vector<512x128xbf16> -> vector<512x256xbf16>
    %get3A_240 = arith.constant 0 : index
    %get3A_241 = arith.constant 0 : index
    %get3A_242 = vector.load %arg3[%get3A_240, %get3A_241] : memref<256x256xbf16, #tpu.memory_space<vmem>>, vector<256x256xbf16>
    %dot_general3A_243 = arith.constant dense<0.000000e+00> : vector<512x256xf32>
    %dot_general3A_244 = tpu.matmul %concatenate3A_239, %get3A_242, %dot_general3A_243 {dimension_numbers = #tpu.dot_dimension_numbers<[1], [0], [0], [1], [0, 0, 1, 1], [], []>, transpose_lhs_hint = false} : vector<512x256xbf16>, vector<256x256xbf16>, vector<512x256xf32> -> vector<512x256xf32>
    %get3A_245 = arith.constant 0 : index
    %get3A_246 = arith.constant 0 : index
    %get3A_247 = vector.load %arg4[%get3A_245, %get3A_246] : memref<1x256xf32, #tpu.memory_space<vmem>>, vector<1x256xf32>
    %add3A_248 = vector.broadcast %get3A_247 : vector<1x256xf32> to vector<512x256xf32>
    %add3A_249 = arith.addf %dot_general3A_244, %add3A_248 : vector<512x256xf32>
    %mul3A_250 = arith.constant 2.000000e-01 : f32
    %mul3A_251 = vector.broadcast %mul3A_250 : f32 to vector<512x256xf32>
    %mul3A_252 = arith.mulf %mul3A_251, %add3A_249 : vector<512x256xf32>
    %max3A_253 = arith.maximumf %add3A_249, %mul3A_252 : vector<512x256xf32>
    %max3A_254 = arith.maximumf %max3A_228, %max3A_253 : vector<512x256xf32>
    %swap3A = arith.constant 0 : index
    %swap3A_255 = arith.constant 0 : index
    %swap3A_256 = vector.load %arg5[%swap3A, %swap3A_255] : memref<512x256xf32, #tpu.memory_space<vmem>>, vector<512x256xf32>
    tpu.vector_store %arg5[%swap3A, %swap3A_255], %max3A_254 {strides = array<i32>} : memref<512x256xf32, #tpu.memory_space<vmem>>, vector<512x256xf32>,
    return
  }
  func.func @transform_0(%arg0: i32) -> (i32, i32, i32) {
    %c0_i32 = arith.constant 0 : i32
    %c0_i32_0 = arith.constant 0 : i32
    %c0_i32_1 = arith.constant 0 : i32
    return %c0_i32, %arg0, %c0_i32_0 : i32, i32, i32
  }
  func.func @transform_1(%arg0: i32) -> (i32, i32) {
    %c0_i32 = arith.constant 0 : i32
    %c0_i32_0 = arith.constant 0 : i32
    return %arg0, %c0_i32 : i32, i32
  }
  func.func @transform_2(%arg0: i32) -> (i32, i32) {
    %c0_i32 = arith.constant 0 : i32
    %c0_i32_0 = arith.constant 0 : i32
    %c0_i32_1 = arith.constant 0 : i32
    return %c0_i32, %c0_i32_0 : i32, i32
  }
  func.func @transform_3(%arg0: i32) -> (i32, i32) {
    %c0_i32 = arith.constant 0 : i32
    %c0_i32_0 = arith.constant 0 : i32
    %c0_i32_1 = arith.constant 0 : i32
    return %c0_i32, %c0_i32_0 : i32, i32
  }
  func.func @transform_4(%arg0: i32) -> (i32, i32) {
    %c0_i32 = arith.constant 0 : i32
    %c0_i32_0 = arith.constant 0 : i32
    return %arg0, %c0_i32 : i32, i32
  }
}

module attributes {stable_mosaic.version = 14 : i64} {
  func.func @_topk_body(%arg0: i32, %arg1: i32, %arg2: memref<1x1024x256xf32, #tpu.memory_space<vmem>>, %arg3: memref<1x2048x256xf32, #tpu.memory_space<vmem>>, %arg4: memref<1x1024x10xi32, #tpu.memory_space<vmem>>) attributes {dimension_semantics = [#tpu.dimension_semantics<arbitrary>, #tpu.dimension_semantics<arbitrary>], iteration_bounds = array<i64: 4, 2>, scalar_prefetch = 0 : i64, scratch_operands = 0 : i64, tpu.core_type = #tpu.core_type<tc>, window_params = [{transform_indices = @transform_0, window_bounds = array<i64: 1, 1024, 256>}, {transform_indices = @transform_1, window_bounds = array<i64: 1, 2048, 256>}, {transform_indices = @transform_2, window_bounds = array<i64: 1, 1024, 10>}]} {
    %get3A = arith.constant 0 : index
    %get3A_0 = arith.constant 0 : index
    %get3A_1 = arith.constant 0 : index
    %get3A_2 = vector.load %arg2[%get3A, %get3A_0, %get3A_1] : memref<1x1024x256xf32, #tpu.memory_space<vmem>>, vector<1x1024x256xf32>
    %get3A_3 = vector.shape_cast %get3A_2 : vector<1x1024x256xf32> to vector<1024x256xf32>
    %get3A_4 = arith.constant 0 : index
    %get3A_5 = arith.constant 0 : index
    %get3A_6 = arith.constant 0 : index
    %get3A_7 = vector.load %arg3[%get3A_4, %get3A_5, %get3A_6] : memref<1x2048x256xf32, #tpu.memory_space<vmem>>, vector<1x2048x256xf32>
    %get3A_8 = vector.shape_cast %get3A_7 : vector<1x2048x256xf32> to vector<2048x256xf32>
    %mul3A = arith.mulf %get3A_3, %get3A_3 : vector<1024x256xf32>
    %reduce_sum3A = arith.constant dense<0.000000e+00> : vector<1024xf32>
    %reduce_sum3A_9 = vector.multi_reduction <add>, %mul3A, %reduce_sum3A [1] : vector<1024x256xf32> to vector<1024xf32>
    %broadcast_in_dim3A = vector.shape_cast %reduce_sum3A_9 : vector<1024xf32> to vector<1024x1xf32>
    %mul3A_10 = arith.mulf %get3A_8, %get3A_8 : vector<2048x256xf32>
    %reduce_sum3A_11 = arith.constant dense<0.000000e+00> : vector<2048xf32>
    %reduce_sum3A_12 = vector.multi_reduction <add>, %mul3A_10, %reduce_sum3A_11 [1] : vector<2048x256xf32> to vector<2048xf32>
    %convert_element_type3A = arith.truncf %get3A_3 : vector<1024x256xf32> to vector<1024x256xbf16>
    %convert_element_type3A_13 = arith.truncf %get3A_8 : vector<2048x256xf32> to vector<2048x256xbf16>
    %dot_general3A = arith.constant dense<0.000000e+00> : vector<1024x2048xf32>
    %dot_general3A_14 = tpu.matmul %convert_element_type3A, %convert_element_type3A_13, %dot_general3A {dimension_numbers = #tpu.dot_dimension_numbers<[1], [1], [0], [0], [0, 0, 1, 0], [], []>, transpose_lhs_hint = false} : vector<1024x256xbf16>, vector<2048x256xbf16>, vector<1024x2048xf32> -> vector<1024x2048xf32>
    %broadcast_in_dim3A_15 = vector.shape_cast %reduce_sum3A_12 : vector<2048xf32> to vector<1x2048xf32>
    %add3A = vector.broadcast %broadcast_in_dim3A : vector<1024x1xf32> to vector<1024x2048xf32>
    %add3A_16 = vector.broadcast %broadcast_in_dim3A_15 : vector<1x2048xf32> to vector<1024x2048xf32>
    %add3A_17 = arith.addf %add3A, %add3A_16 : vector<1024x2048xf32>
    %mul3A_18 = arith.constant 2.000000e+00 : f32
    %mul3A_19 = vector.broadcast %mul3A_18 : f32 to vector<1024x2048xf32>
    %mul3A_20 = arith.mulf %mul3A_19, %dot_general3A_14 : vector<1024x2048xf32>
    %sub3A = arith.subf %add3A_17, %mul3A_20 : vector<1024x2048xf32>
    %iota3A = tpu.iota {dimensions = array<i32: 1>} : vector<1024x2048xi32>
    %reduce_min3A = arith.constant dense<0x7F800000> : vector<1024xf32>
    %reduce_min3A_21 = vector.multi_reduction <minimumf>, %sub3A, %reduce_min3A [1] : vector<1024x2048xf32> to vector<1024xf32>
    %broadcast_in_dim3A_22 = vector.shape_cast %reduce_min3A_21 : vector<1024xf32> to vector<1024x1xf32>
    %eq3A = vector.broadcast %broadcast_in_dim3A_22 : vector<1024x1xf32> to vector<1024x2048xf32>
    %eq3A_23 = arith.cmpf oeq, %sub3A, %eq3A : vector<1024x2048xf32>
    %jit3A = arith.constant 2048 : i32
    %broadcast_in_dim3A_24 = vector.broadcast %jit3A : i32 to vector<1024x2048xi32>
    %select_n3A = arith.select %eq3A_23, %iota3A, %broadcast_in_dim3A_24 : vector<1024x2048xi1>, vector<1024x2048xi32>
    %reduce_min3A_25 = arith.constant dense<2147483647> : vector<1024xi32>
    %reduce_min3A_26 = vector.multi_reduction <minsi>, %select_n3A, %reduce_min3A_25 [1] : vector<1024x2048xi32> to vector<1024xi32>
    %broadcast_in_dim3A_27 = vector.shape_cast %reduce_min3A_26 : vector<1024xi32> to vector<1024x1xi32>
    %eq3A_28 = vector.broadcast %broadcast_in_dim3A_27 : vector<1024x1xi32> to vector<1024x2048xi32>
    %eq3A_29 = arith.cmpi eq, %iota3A, %eq3A_28 : vector<1024x2048xi32>
    %jit3A_30 = arith.constant 0x7F800000 : f32
    %broadcast_in_dim3A_31 = vector.broadcast %jit3A_30 : f32 to vector<1024x2048xf32>
    %select_n3A_32 = arith.select %eq3A_29, %broadcast_in_dim3A_31, %sub3A : vector<1024x2048xi1>, vector<1024x2048xf32>
    %reduce_min3A_33 = arith.constant dense<0x7F800000> : vector<1024xf32>
    %reduce_min3A_34 = vector.multi_reduction <minimumf>, %select_n3A_32, %reduce_min3A_33 [1] : vector<1024x2048xf32> to vector<1024xf32>
    %broadcast_in_dim3A_35 = vector.shape_cast %reduce_min3A_34 : vector<1024xf32> to vector<1024x1xf32>
    %eq3A_36 = vector.broadcast %broadcast_in_dim3A_35 : vector<1024x1xf32> to vector<1024x2048xf32>
    %eq3A_37 = arith.cmpf oeq, %select_n3A_32, %eq3A_36 : vector<1024x2048xf32>
    %jit3A_38 = arith.constant 2048 : i32
    %broadcast_in_dim3A_39 = vector.broadcast %jit3A_38 : i32 to vector<1024x2048xi32>
    %select_n3A_40 = arith.select %eq3A_37, %iota3A, %broadcast_in_dim3A_39 : vector<1024x2048xi1>, vector<1024x2048xi32>
    %reduce_min3A_41 = arith.constant dense<2147483647> : vector<1024xi32>
    %reduce_min3A_42 = vector.multi_reduction <minsi>, %select_n3A_40, %reduce_min3A_41 [1] : vector<1024x2048xi32> to vector<1024xi32>
    %broadcast_in_dim3A_43 = vector.shape_cast %reduce_min3A_42 : vector<1024xi32> to vector<1024x1xi32>
    %eq3A_44 = vector.broadcast %broadcast_in_dim3A_43 : vector<1024x1xi32> to vector<1024x2048xi32>
    %eq3A_45 = arith.cmpi eq, %iota3A, %eq3A_44 : vector<1024x2048xi32>
    %jit3A_46 = arith.constant 0x7F800000 : f32
    %broadcast_in_dim3A_47 = vector.broadcast %jit3A_46 : f32 to vector<1024x2048xf32>
    %select_n3A_48 = arith.select %eq3A_45, %broadcast_in_dim3A_47, %select_n3A_32 : vector<1024x2048xi1>, vector<1024x2048xf32>
    %reduce_min3A_49 = arith.constant dense<0x7F800000> : vector<1024xf32>
    %reduce_min3A_50 = vector.multi_reduction <minimumf>, %select_n3A_48, %reduce_min3A_49 [1] : vector<1024x2048xf32> to vector<1024xf32>
    %broadcast_in_dim3A_51 = vector.shape_cast %reduce_min3A_50 : vector<1024xf32> to vector<1024x1xf32>
    %eq3A_52 = vector.broadcast %broadcast_in_dim3A_51 : vector<1024x1xf32> to vector<1024x2048xf32>
    %eq3A_53 = arith.cmpf oeq, %select_n3A_48, %eq3A_52 : vector<1024x2048xf32>
    %jit3A_54 = arith.constant 2048 : i32
    %broadcast_in_dim3A_55 = vector.broadcast %jit3A_54 : i32 to vector<1024x2048xi32>
    %select_n3A_56 = arith.select %eq3A_53, %iota3A, %broadcast_in_dim3A_55 : vector<1024x2048xi1>, vector<1024x2048xi32>
    %reduce_min3A_57 = arith.constant dense<2147483647> : vector<1024xi32>
    %reduce_min3A_58 = vector.multi_reduction <minsi>, %select_n3A_56, %reduce_min3A_57 [1] : vector<1024x2048xi32> to vector<1024xi32>
    %broadcast_in_dim3A_59 = vector.shape_cast %reduce_min3A_58 : vector<1024xi32> to vector<1024x1xi32>
    %eq3A_60 = vector.broadcast %broadcast_in_dim3A_59 : vector<1024x1xi32> to vector<1024x2048xi32>
    %eq3A_61 = arith.cmpi eq, %iota3A, %eq3A_60 : vector<1024x2048xi32>
    %jit3A_62 = arith.constant 0x7F800000 : f32
    %broadcast_in_dim3A_63 = vector.broadcast %jit3A_62 : f32 to vector<1024x2048xf32>
    %select_n3A_64 = arith.select %eq3A_61, %broadcast_in_dim3A_63, %select_n3A_48 : vector<1024x2048xi1>, vector<1024x2048xf32>
    %reduce_min3A_65 = arith.constant dense<0x7F800000> : vector<1024xf32>
    %reduce_min3A_66 = vector.multi_reduction <minimumf>, %select_n3A_64, %reduce_min3A_65 [1] : vector<1024x2048xf32> to vector<1024xf32>
    %broadcast_in_dim3A_67 = vector.shape_cast %reduce_min3A_66 : vector<1024xf32> to vector<1024x1xf32>
    %eq3A_68 = vector.broadcast %broadcast_in_dim3A_67 : vector<1024x1xf32> to vector<1024x2048xf32>
    %eq3A_69 = arith.cmpf oeq, %select_n3A_64, %eq3A_68 : vector<1024x2048xf32>
    %jit3A_70 = arith.constant 2048 : i32
    %broadcast_in_dim3A_71 = vector.broadcast %jit3A_70 : i32 to vector<1024x2048xi32>
    %select_n3A_72 = arith.select %eq3A_69, %iota3A, %broadcast_in_dim3A_71 : vector<1024x2048xi1>, vector<1024x2048xi32>
    %reduce_min3A_73 = arith.constant dense<2147483647> : vector<1024xi32>
    %reduce_min3A_74 = vector.multi_reduction <minsi>, %select_n3A_72, %reduce_min3A_73 [1] : vector<1024x2048xi32> to vector<1024xi32>
    %broadcast_in_dim3A_75 = vector.shape_cast %reduce_min3A_74 : vector<1024xi32> to vector<1024x1xi32>
    %eq3A_76 = vector.broadcast %broadcast_in_dim3A_75 : vector<1024x1xi32> to vector<1024x2048xi32>
    %eq3A_77 = arith.cmpi eq, %iota3A, %eq3A_76 : vector<1024x2048xi32>
    %jit3A_78 = arith.constant 0x7F800000 : f32
    %broadcast_in_dim3A_79 = vector.broadcast %jit3A_78 : f32 to vector<1024x2048xf32>
    %select_n3A_80 = arith.select %eq3A_77, %broadcast_in_dim3A_79, %select_n3A_64 : vector<1024x2048xi1>, vector<1024x2048xf32>
    %reduce_min3A_81 = arith.constant dense<0x7F800000> : vector<1024xf32>
    %reduce_min3A_82 = vector.multi_reduction <minimumf>, %select_n3A_80, %reduce_min3A_81 [1] : vector<1024x2048xf32> to vector<1024xf32>
    %broadcast_in_dim3A_83 = vector.shape_cast %reduce_min3A_82 : vector<1024xf32> to vector<1024x1xf32>
    %eq3A_84 = vector.broadcast %broadcast_in_dim3A_83 : vector<1024x1xf32> to vector<1024x2048xf32>
    %eq3A_85 = arith.cmpf oeq, %select_n3A_80, %eq3A_84 : vector<1024x2048xf32>
    %jit3A_86 = arith.constant 2048 : i32
    %broadcast_in_dim3A_87 = vector.broadcast %jit3A_86 : i32 to vector<1024x2048xi32>
    %select_n3A_88 = arith.select %eq3A_85, %iota3A, %broadcast_in_dim3A_87 : vector<1024x2048xi1>, vector<1024x2048xi32>
    %reduce_min3A_89 = arith.constant dense<2147483647> : vector<1024xi32>
    %reduce_min3A_90 = vector.multi_reduction <minsi>, %select_n3A_88, %reduce_min3A_89 [1] : vector<1024x2048xi32> to vector<1024xi32>
    %broadcast_in_dim3A_91 = vector.shape_cast %reduce_min3A_90 : vector<1024xi32> to vector<1024x1xi32>
    %eq3A_92 = vector.broadcast %broadcast_in_dim3A_91 : vector<1024x1xi32> to vector<1024x2048xi32>
    %eq3A_93 = arith.cmpi eq, %iota3A, %eq3A_92 : vector<1024x2048xi32>
    %jit3A_94 = arith.constant 0x7F800000 : f32
    %broadcast_in_dim3A_95 = vector.broadcast %jit3A_94 : f32 to vector<1024x2048xf32>
    %select_n3A_96 = arith.select %eq3A_93, %broadcast_in_dim3A_95, %select_n3A_80 : vector<1024x2048xi1>, vector<1024x2048xf32>
    %reduce_min3A_97 = arith.constant dense<0x7F800000> : vector<1024xf32>
    %reduce_min3A_98 = vector.multi_reduction <minimumf>, %select_n3A_96, %reduce_min3A_97 [1] : vector<1024x2048xf32> to vector<1024xf32>
    %broadcast_in_dim3A_99 = vector.shape_cast %reduce_min3A_98 : vector<1024xf32> to vector<1024x1xf32>
    %eq3A_100 = vector.broadcast %broadcast_in_dim3A_99 : vector<1024x1xf32> to vector<1024x2048xf32>
    %eq3A_101 = arith.cmpf oeq, %select_n3A_96, %eq3A_100 : vector<1024x2048xf32>
    %jit3A_102 = arith.constant 2048 : i32
    %broadcast_in_dim3A_103 = vector.broadcast %jit3A_102 : i32 to vector<1024x2048xi32>
    %select_n3A_104 = arith.select %eq3A_101, %iota3A, %broadcast_in_dim3A_103 : vector<1024x2048xi1>, vector<1024x2048xi32>
    %reduce_min3A_105 = arith.constant dense<2147483647> : vector<1024xi32>
    %reduce_min3A_106 = vector.multi_reduction <minsi>, %select_n3A_104, %reduce_min3A_105 [1] : vector<1024x2048xi32> to vector<1024xi32>
    %broadcast_in_dim3A_107 = vector.shape_cast %reduce_min3A_106 : vector<1024xi32> to vector<1024x1xi32>
    %eq3A_108 = vector.broadcast %broadcast_in_dim3A_107 : vector<1024x1xi32> to vector<1024x2048xi32>
    %eq3A_109 = arith.cmpi eq, %iota3A, %eq3A_108 : vector<1024x2048xi32>
    %jit3A_110 = arith.constant 0x7F800000 : f32
    %broadcast_in_dim3A_111 = vector.broadcast %jit3A_110 : f32 to vector<1024x2048xf32>
    %select_n3A_112 = arith.select %eq3A_109, %broadcast_in_dim3A_111, %select_n3A_96 : vector<1024x2048xi1>, vector<1024x2048xf32>
    %reduce_min3A_113 = arith.constant dense<0x7F800000> : vector<1024xf32>
    %reduce_min3A_114 = vector.multi_reduction <minimumf>, %select_n3A_112, %reduce_min3A_113 [1] : vector<1024x2048xf32> to vector<1024xf32>
    %broadcast_in_dim3A_115 = vector.shape_cast %reduce_min3A_114 : vector<1024xf32> to vector<1024x1xf32>
    %eq3A_116 = vector.broadcast %broadcast_in_dim3A_115 : vector<1024x1xf32> to vector<1024x2048xf32>
    %eq3A_117 = arith.cmpf oeq, %select_n3A_112, %eq3A_116 : vector<1024x2048xf32>
    %jit3A_118 = arith.constant 2048 : i32
    %broadcast_in_dim3A_119 = vector.broadcast %jit3A_118 : i32 to vector<1024x2048xi32>
    %select_n3A_120 = arith.select %eq3A_117, %iota3A, %broadcast_in_dim3A_119 : vector<1024x2048xi1>, vector<1024x2048xi32>
    %reduce_min3A_121 = arith.constant dense<2147483647> : vector<1024xi32>
    %reduce_min3A_122 = vector.multi_reduction <minsi>, %select_n3A_120, %reduce_min3A_121 [1] : vector<1024x2048xi32> to vector<1024xi32>
    %broadcast_in_dim3A_123 = vector.shape_cast %reduce_min3A_122 : vector<1024xi32> to vector<1024x1xi32>
    %eq3A_124 = vector.broadcast %broadcast_in_dim3A_123 : vector<1024x1xi32> to vector<1024x2048xi32>
    %eq3A_125 = arith.cmpi eq, %iota3A, %eq3A_124 : vector<1024x2048xi32>
    %jit3A_126 = arith.constant 0x7F800000 : f32
    %broadcast_in_dim3A_127 = vector.broadcast %jit3A_126 : f32 to vector<1024x2048xf32>
    %select_n3A_128 = arith.select %eq3A_125, %broadcast_in_dim3A_127, %select_n3A_112 : vector<1024x2048xi1>, vector<1024x2048xf32>
    %reduce_min3A_129 = arith.constant dense<0x7F800000> : vector<1024xf32>
    %reduce_min3A_130 = vector.multi_reduction <minimumf>, %select_n3A_128, %reduce_min3A_129 [1] : vector<1024x2048xf32> to vector<1024xf32>
    %broadcast_in_dim3A_131 = vector.shape_cast %reduce_min3A_130 : vector<1024xf32> to vector<1024x1xf32>
    %eq3A_132 = vector.broadcast %broadcast_in_dim3A_131 : vector<1024x1xf32> to vector<1024x2048xf32>
    %eq3A_133 = arith.cmpf oeq, %select_n3A_128, %eq3A_132 : vector<1024x2048xf32>
    %jit3A_134 = arith.constant 2048 : i32
    %broadcast_in_dim3A_135 = vector.broadcast %jit3A_134 : i32 to vector<1024x2048xi32>
    %select_n3A_136 = arith.select %eq3A_133, %iota3A, %broadcast_in_dim3A_135 : vector<1024x2048xi1>, vector<1024x2048xi32>
    %reduce_min3A_137 = arith.constant dense<2147483647> : vector<1024xi32>
    %reduce_min3A_138 = vector.multi_reduction <minsi>, %select_n3A_136, %reduce_min3A_137 [1] : vector<1024x2048xi32> to vector<1024xi32>
    %broadcast_in_dim3A_139 = vector.shape_cast %reduce_min3A_138 : vector<1024xi32> to vector<1024x1xi32>
    %eq3A_140 = vector.broadcast %broadcast_in_dim3A_139 : vector<1024x1xi32> to vector<1024x2048xi32>
    %eq3A_141 = arith.cmpi eq, %iota3A, %eq3A_140 : vector<1024x2048xi32>
    %jit3A_142 = arith.constant 0x7F800000 : f32
    %broadcast_in_dim3A_143 = vector.broadcast %jit3A_142 : f32 to vector<1024x2048xf32>
    %select_n3A_144 = arith.select %eq3A_141, %broadcast_in_dim3A_143, %select_n3A_128 : vector<1024x2048xi1>, vector<1024x2048xf32>
    %reduce_min3A_145 = arith.constant dense<0x7F800000> : vector<1024xf32>
    %reduce_min3A_146 = vector.multi_reduction <minimumf>, %select_n3A_144, %reduce_min3A_145 [1] : vector<1024x2048xf32> to vector<1024xf32>
    %broadcast_in_dim3A_147 = vector.shape_cast %reduce_min3A_146 : vector<1024xf32> to vector<1024x1xf32>
    %eq3A_148 = vector.broadcast %broadcast_in_dim3A_147 : vector<1024x1xf32> to vector<1024x2048xf32>
    %eq3A_149 = arith.cmpf oeq, %select_n3A_144, %eq3A_148 : vector<1024x2048xf32>
    %jit3A_150 = arith.constant 2048 : i32
    %broadcast_in_dim3A_151 = vector.broadcast %jit3A_150 : i32 to vector<1024x2048xi32>
    %select_n3A_152 = arith.select %eq3A_149, %iota3A, %broadcast_in_dim3A_151 : vector<1024x2048xi1>, vector<1024x2048xi32>
    %reduce_min3A_153 = arith.constant dense<2147483647> : vector<1024xi32>
    %reduce_min3A_154 = vector.multi_reduction <minsi>, %select_n3A_152, %reduce_min3A_153 [1] : vector<1024x2048xi32> to vector<1024xi32>
    %broadcast_in_dim3A_155 = vector.shape_cast %reduce_min3A_154 : vector<1024xi32> to vector<1024x1xi32>
    %eq3A_156 = vector.broadcast %broadcast_in_dim3A_155 : vector<1024x1xi32> to vector<1024x2048xi32>
    %eq3A_157 = arith.cmpi eq, %iota3A, %eq3A_156 : vector<1024x2048xi32>
    %jit3A_158 = arith.constant 0x7F800000 : f32
    %broadcast_in_dim3A_159 = vector.broadcast %jit3A_158 : f32 to vector<1024x2048xf32>
    %select_n3A_160 = arith.select %eq3A_157, %broadcast_in_dim3A_159, %select_n3A_144 : vector<1024x2048xi1>, vector<1024x2048xf32>
    %reduce_min3A_161 = arith.constant dense<0x7F800000> : vector<1024xf32>
    %reduce_min3A_162 = vector.multi_reduction <minimumf>, %select_n3A_160, %reduce_min3A_161 [1] : vector<1024x2048xf32> to vector<1024xf32>
    %broadcast_in_dim3A_163 = vector.shape_cast %reduce_min3A_162 : vector<1024xf32> to vector<1024x1xf32>
    %eq3A_164 = vector.broadcast %broadcast_in_dim3A_163 : vector<1024x1xf32> to vector<1024x2048xf32>
    %eq3A_165 = arith.cmpf oeq, %select_n3A_160, %eq3A_164 : vector<1024x2048xf32>
    %jit3A_166 = arith.constant 2048 : i32
    %broadcast_in_dim3A_167 = vector.broadcast %jit3A_166 : i32 to vector<1024x2048xi32>
    %select_n3A_168 = arith.select %eq3A_165, %iota3A, %broadcast_in_dim3A_167 : vector<1024x2048xi1>, vector<1024x2048xi32>
    %reduce_min3A_169 = arith.constant dense<2147483647> : vector<1024xi32>
    %reduce_min3A_170 = vector.multi_reduction <minsi>, %select_n3A_168, %reduce_min3A_169 [1] : vector<1024x2048xi32> to vector<1024xi32>
    %broadcast_in_dim3A_171 = vector.shape_cast %reduce_min3A_170 : vector<1024xi32> to vector<1024x1xi32>
    %concatenate3A = tpu.concatenate %broadcast_in_dim3A_27, %broadcast_in_dim3A_43, %broadcast_in_dim3A_59, %broadcast_in_dim3A_75, %broadcast_in_dim3A_91, %broadcast_in_dim3A_107, %broadcast_in_dim3A_123, %broadcast_in_dim3A_139, %broadcast_in_dim3A_155, %broadcast_in_dim3A_171 in 1 : vector<1024x1xi32>, vector<1024x1xi32>, vector<1024x1xi32>, vector<1024x1xi32>, vector<1024x1xi32>, vector<1024x1xi32>, vector<1024x1xi32>, vector<1024x1xi32>, vector<1024x1xi32>, vector<1024x1xi32> -> vector<1024x10xi32>
    %mul3A_172 = arith.constant 2048 : i32
    %mul3A_173 = arith.muli %arg0, %mul3A_172 : i32
    %add3A_174 = vector.broadcast %mul3A_173 : i32 to vector<1024x10xi32>
    %add3A_175 = arith.addi %concatenate3A, %add3A_174 : vector<1024x10xi32>
    %swap3A = arith.constant 0 : index
    %swap3A_176 = arith.constant 0 : index
    %swap3A_177 = arith.constant 0 : index
    %swap3A_178 = vector.load %arg4[%swap3A, %swap3A_176, %swap3A_177] : memref<1x1024x10xi32, #tpu.memory_space<vmem>>, vector<1x1024x10xi32>
    %swap3A_179 = vector.shape_cast %swap3A_178 : vector<1x1024x10xi32> to vector<1024x10xi32>
    %swap3A_180 = vector.shape_cast %add3A_175 : vector<1024x10xi32> to vector<1x1024x10xi32>
    tpu.vector_store %arg4[%swap3A, %swap3A_176, %swap3A_177], %swap3A_180 {strides = array<i32>} : memref<1x1024x10xi32, #tpu.memory_space<vmem>>, vector<1x1024x10xi32>,
    return
  }
  func.func @transform_0(%arg0: i32, %arg1: i32) -> (i32, i32, i32) {
    %c0_i32 = arith.constant 0 : i32
    %c0_i32_0 = arith.constant 0 : i32
    return %arg0, %arg1, %c0_i32 : i32, i32, i32
  }
  func.func @transform_1(%arg0: i32, %arg1: i32) -> (i32, i32, i32) {
    %c0_i32 = arith.constant 0 : i32
    %c0_i32_0 = arith.constant 0 : i32
    %c0_i32_1 = arith.constant 0 : i32
    return %arg0, %c0_i32, %c0_i32_0 : i32, i32, i32
  }
  func.func @transform_2(%arg0: i32, %arg1: i32) -> (i32, i32, i32) {
    %c0_i32 = arith.constant 0 : i32
    %c0_i32_0 = arith.constant 0 : i32
    return %arg0, %arg1, %c0_i32 : i32, i32, i32
  }
}

module attributes {stable_mosaic.version = 14 : i64} {
  func.func @_edge_body(%arg0: i32, %arg1: memref<10x512x256xf32, #tpu.memory_space<vmem>>, %arg2: memref<512x256xf32, #tpu.memory_space<vmem>>, %arg3: memref<512x512xbf16, #tpu.memory_space<vmem>>, %arg4: memref<1x512xf32, #tpu.memory_space<vmem>>, %arg5: memref<512x512xf32, #tpu.memory_space<vmem>>) attributes {dimension_semantics = [#tpu.dimension_semantics<arbitrary>], iteration_bounds = array<i64: 16>, scalar_prefetch = 0 : i64, scratch_operands = 0 : i64, tpu.core_type = #tpu.core_type<tc>, window_params = [{transform_indices = @transform_0, window_bounds = array<i64: 10, 512, 256>}, {transform_indices = @transform_1, window_bounds = array<i64: 512, 256>}, {pipeline_mode = #tpu.pipeline_mode<synchronous>, transform_indices = @transform_2, window_bounds = array<i64: 512, 512>}, {pipeline_mode = #tpu.pipeline_mode<synchronous>, transform_indices = @transform_3, window_bounds = array<i64: 1, 512>}, {transform_indices = @transform_4, window_bounds = array<i64: 512, 512>}]} {
    %get3A = arith.constant 0 : index
    %get3A_0 = arith.constant 0 : index
    %get3A_1 = vector.load %arg2[%get3A, %get3A_0] : memref<512x256xf32, #tpu.memory_space<vmem>>, vector<512x256xf32>
    %convert_element_type3A = arith.truncf %get3A_1 : vector<512x256xf32> to vector<512x256xbf16>
    %get3A_2 = arith.constant 0 : index
    %get3A_3 = arith.constant 0 : index
    %get3A_4 = arith.constant 0 : index
    %get3A_5 = vector.load %arg1[%get3A_2, %get3A_3, %get3A_4] : memref<10x512x256xf32, #tpu.memory_space<vmem>>, vector<1x512x256xf32>
    %get3A_6 = vector.shape_cast %get3A_5 : vector<1x512x256xf32> to vector<512x256xf32>
    %get3A_7 = arith.constant 0 : index
    %get3A_8 = arith.constant 0 : index
    %get3A_9 = vector.load %arg2[%get3A_7, %get3A_8] : memref<512x256xf32, #tpu.memory_space<vmem>>, vector<512x256xf32>
    %sub3A = arith.subf %get3A_6, %get3A_9 : vector<512x256xf32>
    %convert_element_type3A_10 = arith.truncf %sub3A : vector<512x256xf32> to vector<512x256xbf16>
    %concatenate3A = tpu.concatenate %convert_element_type3A, %convert_element_type3A_10 in 1 : vector<512x256xbf16>, vector<512x256xbf16> -> vector<512x512xbf16>
    %get3A_11 = arith.constant 0 : index
    %get3A_12 = arith.constant 0 : index
    %get3A_13 = vector.load %arg3[%get3A_11, %get3A_12] : memref<512x512xbf16, #tpu.memory_space<vmem>>, vector<512x512xbf16>
    %dot_general3A = arith.constant dense<0.000000e+00> : vector<512x512xf32>
    %dot_general3A_14 = tpu.matmul %concatenate3A, %get3A_13, %dot_general3A {dimension_numbers = #tpu.dot_dimension_numbers<[1], [0], [0], [1], [0, 0, 1, 1], [], []>, transpose_lhs_hint = false} : vector<512x512xbf16>, vector<512x512xbf16>, vector<512x512xf32> -> vector<512x512xf32>
    %get3A_15 = arith.constant 0 : index
    %get3A_16 = arith.constant 0 : index
    %get3A_17 = vector.load %arg4[%get3A_15, %get3A_16] : memref<1x512xf32, #tpu.memory_space<vmem>>, vector<1x512xf32>
    %add3A = vector.broadcast %get3A_17 : vector<1x512xf32> to vector<512x512xf32>
    %add3A_18 = arith.addf %dot_general3A_14, %add3A : vector<512x512xf32>
    %mul3A = arith.constant 2.000000e-01 : f32
    %mul3A_19 = vector.broadcast %mul3A : f32 to vector<512x512xf32>
    %mul3A_20 = arith.mulf %mul3A_19, %add3A_18 : vector<512x512xf32>
    %max3A = arith.maximumf %add3A_18, %mul3A_20 : vector<512x512xf32>
    %get3A_21 = arith.constant 1 : index
    %get3A_22 = arith.constant 0 : index
    %get3A_23 = arith.constant 0 : index
    %get3A_24 = vector.load %arg1[%get3A_21, %get3A_22, %get3A_23] : memref<10x512x256xf32, #tpu.memory_space<vmem>>, vector<1x512x256xf32>
    %get3A_25 = vector.shape_cast %get3A_24 : vector<1x512x256xf32> to vector<512x256xf32>
    %get3A_26 = arith.constant 0 : index
    %get3A_27 = arith.constant 0 : index
    %get3A_28 = vector.load %arg2[%get3A_26, %get3A_27] : memref<512x256xf32, #tpu.memory_space<vmem>>, vector<512x256xf32>
    %sub3A_29 = arith.subf %get3A_25, %get3A_28 : vector<512x256xf32>
    %convert_element_type3A_30 = arith.truncf %sub3A_29 : vector<512x256xf32> to vector<512x256xbf16>
    %concatenate3A_31 = tpu.concatenate %convert_element_type3A, %convert_element_type3A_30 in 1 : vector<512x256xbf16>, vector<512x256xbf16> -> vector<512x512xbf16>
    %get3A_32 = arith.constant 0 : index
    %get3A_33 = arith.constant 0 : index
    %get3A_34 = vector.load %arg3[%get3A_32, %get3A_33] : memref<512x512xbf16, #tpu.memory_space<vmem>>, vector<512x512xbf16>
    %dot_general3A_35 = arith.constant dense<0.000000e+00> : vector<512x512xf32>
    %dot_general3A_36 = tpu.matmul %concatenate3A_31, %get3A_34, %dot_general3A_35 {dimension_numbers = #tpu.dot_dimension_numbers<[1], [0], [0], [1], [0, 0, 1, 1], [], []>, transpose_lhs_hint = false} : vector<512x512xbf16>, vector<512x512xbf16>, vector<512x512xf32> -> vector<512x512xf32>
    %get3A_37 = arith.constant 0 : index
    %get3A_38 = arith.constant 0 : index
    %get3A_39 = vector.load %arg4[%get3A_37, %get3A_38] : memref<1x512xf32, #tpu.memory_space<vmem>>, vector<1x512xf32>
    %add3A_40 = vector.broadcast %get3A_39 : vector<1x512xf32> to vector<512x512xf32>
    %add3A_41 = arith.addf %dot_general3A_36, %add3A_40 : vector<512x512xf32>
    %mul3A_42 = arith.constant 2.000000e-01 : f32
    %mul3A_43 = vector.broadcast %mul3A_42 : f32 to vector<512x512xf32>
    %mul3A_44 = arith.mulf %mul3A_43, %add3A_41 : vector<512x512xf32>
    %max3A_45 = arith.maximumf %add3A_41, %mul3A_44 : vector<512x512xf32>
    %max3A_46 = arith.maximumf %max3A, %max3A_45 : vector<512x512xf32>
    %get3A_47 = arith.constant 2 : index
    %get3A_48 = arith.constant 0 : index
    %get3A_49 = arith.constant 0 : index
    %get3A_50 = vector.load %arg1[%get3A_47, %get3A_48, %get3A_49] : memref<10x512x256xf32, #tpu.memory_space<vmem>>, vector<1x512x256xf32>
    %get3A_51 = vector.shape_cast %get3A_50 : vector<1x512x256xf32> to vector<512x256xf32>
    %get3A_52 = arith.constant 0 : index
    %get3A_53 = arith.constant 0 : index
    %get3A_54 = vector.load %arg2[%get3A_52, %get3A_53] : memref<512x256xf32, #tpu.memory_space<vmem>>, vector<512x256xf32>
    %sub3A_55 = arith.subf %get3A_51, %get3A_54 : vector<512x256xf32>
    %convert_element_type3A_56 = arith.truncf %sub3A_55 : vector<512x256xf32> to vector<512x256xbf16>
    %concatenate3A_57 = tpu.concatenate %convert_element_type3A, %convert_element_type3A_56 in 1 : vector<512x256xbf16>, vector<512x256xbf16> -> vector<512x512xbf16>
    %get3A_58 = arith.constant 0 : index
    %get3A_59 = arith.constant 0 : index
    %get3A_60 = vector.load %arg3[%get3A_58, %get3A_59] : memref<512x512xbf16, #tpu.memory_space<vmem>>, vector<512x512xbf16>
    %dot_general3A_61 = arith.constant dense<0.000000e+00> : vector<512x512xf32>
    %dot_general3A_62 = tpu.matmul %concatenate3A_57, %get3A_60, %dot_general3A_61 {dimension_numbers = #tpu.dot_dimension_numbers<[1], [0], [0], [1], [0, 0, 1, 1], [], []>, transpose_lhs_hint = false} : vector<512x512xbf16>, vector<512x512xbf16>, vector<512x512xf32> -> vector<512x512xf32>
    %get3A_63 = arith.constant 0 : index
    %get3A_64 = arith.constant 0 : index
    %get3A_65 = vector.load %arg4[%get3A_63, %get3A_64] : memref<1x512xf32, #tpu.memory_space<vmem>>, vector<1x512xf32>
    %add3A_66 = vector.broadcast %get3A_65 : vector<1x512xf32> to vector<512x512xf32>
    %add3A_67 = arith.addf %dot_general3A_62, %add3A_66 : vector<512x512xf32>
    %mul3A_68 = arith.constant 2.000000e-01 : f32
    %mul3A_69 = vector.broadcast %mul3A_68 : f32 to vector<512x512xf32>
    %mul3A_70 = arith.mulf %mul3A_69, %add3A_67 : vector<512x512xf32>
    %max3A_71 = arith.maximumf %add3A_67, %mul3A_70 : vector<512x512xf32>
    %max3A_72 = arith.maximumf %max3A_46, %max3A_71 : vector<512x512xf32>
    %get3A_73 = arith.constant 3 : index
    %get3A_74 = arith.constant 0 : index
    %get3A_75 = arith.constant 0 : index
    %get3A_76 = vector.load %arg1[%get3A_73, %get3A_74, %get3A_75] : memref<10x512x256xf32, #tpu.memory_space<vmem>>, vector<1x512x256xf32>
    %get3A_77 = vector.shape_cast %get3A_76 : vector<1x512x256xf32> to vector<512x256xf32>
    %get3A_78 = arith.constant 0 : index
    %get3A_79 = arith.constant 0 : index
    %get3A_80 = vector.load %arg2[%get3A_78, %get3A_79] : memref<512x256xf32, #tpu.memory_space<vmem>>, vector<512x256xf32>
    %sub3A_81 = arith.subf %get3A_77, %get3A_80 : vector<512x256xf32>
    %convert_element_type3A_82 = arith.truncf %sub3A_81 : vector<512x256xf32> to vector<512x256xbf16>
    %concatenate3A_83 = tpu.concatenate %convert_element_type3A, %convert_element_type3A_82 in 1 : vector<512x256xbf16>, vector<512x256xbf16> -> vector<512x512xbf16>
    %get3A_84 = arith.constant 0 : index
    %get3A_85 = arith.constant 0 : index
    %get3A_86 = vector.load %arg3[%get3A_84, %get3A_85] : memref<512x512xbf16, #tpu.memory_space<vmem>>, vector<512x512xbf16>
    %dot_general3A_87 = arith.constant dense<0.000000e+00> : vector<512x512xf32>
    %dot_general3A_88 = tpu.matmul %concatenate3A_83, %get3A_86, %dot_general3A_87 {dimension_numbers = #tpu.dot_dimension_numbers<[1], [0], [0], [1], [0, 0, 1, 1], [], []>, transpose_lhs_hint = false} : vector<512x512xbf16>, vector<512x512xbf16>, vector<512x512xf32> -> vector<512x512xf32>
    %get3A_89 = arith.constant 0 : index
    %get3A_90 = arith.constant 0 : index
    %get3A_91 = vector.load %arg4[%get3A_89, %get3A_90] : memref<1x512xf32, #tpu.memory_space<vmem>>, vector<1x512xf32>
    %add3A_92 = vector.broadcast %get3A_91 : vector<1x512xf32> to vector<512x512xf32>
    %add3A_93 = arith.addf %dot_general3A_88, %add3A_92 : vector<512x512xf32>
    %mul3A_94 = arith.constant 2.000000e-01 : f32
    %mul3A_95 = vector.broadcast %mul3A_94 : f32 to vector<512x512xf32>
    %mul3A_96 = arith.mulf %mul3A_95, %add3A_93 : vector<512x512xf32>
    %max3A_97 = arith.maximumf %add3A_93, %mul3A_96 : vector<512x512xf32>
    %max3A_98 = arith.maximumf %max3A_72, %max3A_97 : vector<512x512xf32>
    %get3A_99 = arith.constant 4 : index
    %get3A_100 = arith.constant 0 : index
    %get3A_101 = arith.constant 0 : index
    %get3A_102 = vector.load %arg1[%get3A_99, %get3A_100, %get3A_101] : memref<10x512x256xf32, #tpu.memory_space<vmem>>, vector<1x512x256xf32>
    %get3A_103 = vector.shape_cast %get3A_102 : vector<1x512x256xf32> to vector<512x256xf32>
    %get3A_104 = arith.constant 0 : index
    %get3A_105 = arith.constant 0 : index
    %get3A_106 = vector.load %arg2[%get3A_104, %get3A_105] : memref<512x256xf32, #tpu.memory_space<vmem>>, vector<512x256xf32>
    %sub3A_107 = arith.subf %get3A_103, %get3A_106 : vector<512x256xf32>
    %convert_element_type3A_108 = arith.truncf %sub3A_107 : vector<512x256xf32> to vector<512x256xbf16>
    %concatenate3A_109 = tpu.concatenate %convert_element_type3A, %convert_element_type3A_108 in 1 : vector<512x256xbf16>, vector<512x256xbf16> -> vector<512x512xbf16>
    %get3A_110 = arith.constant 0 : index
    %get3A_111 = arith.constant 0 : index
    %get3A_112 = vector.load %arg3[%get3A_110, %get3A_111] : memref<512x512xbf16, #tpu.memory_space<vmem>>, vector<512x512xbf16>
    %dot_general3A_113 = arith.constant dense<0.000000e+00> : vector<512x512xf32>
    %dot_general3A_114 = tpu.matmul %concatenate3A_109, %get3A_112, %dot_general3A_113 {dimension_numbers = #tpu.dot_dimension_numbers<[1], [0], [0], [1], [0, 0, 1, 1], [], []>, transpose_lhs_hint = false} : vector<512x512xbf16>, vector<512x512xbf16>, vector<512x512xf32> -> vector<512x512xf32>
    %get3A_115 = arith.constant 0 : index
    %get3A_116 = arith.constant 0 : index
    %get3A_117 = vector.load %arg4[%get3A_115, %get3A_116] : memref<1x512xf32, #tpu.memory_space<vmem>>, vector<1x512xf32>
    %add3A_118 = vector.broadcast %get3A_117 : vector<1x512xf32> to vector<512x512xf32>
    %add3A_119 = arith.addf %dot_general3A_114, %add3A_118 : vector<512x512xf32>
    %mul3A_120 = arith.constant 2.000000e-01 : f32
    %mul3A_121 = vector.broadcast %mul3A_120 : f32 to vector<512x512xf32>
    %mul3A_122 = arith.mulf %mul3A_121, %add3A_119 : vector<512x512xf32>
    %max3A_123 = arith.maximumf %add3A_119, %mul3A_122 : vector<512x512xf32>
    %max3A_124 = arith.maximumf %max3A_98, %max3A_123 : vector<512x512xf32>
    %get3A_125 = arith.constant 5 : index
    %get3A_126 = arith.constant 0 : index
    %get3A_127 = arith.constant 0 : index
    %get3A_128 = vector.load %arg1[%get3A_125, %get3A_126, %get3A_127] : memref<10x512x256xf32, #tpu.memory_space<vmem>>, vector<1x512x256xf32>
    %get3A_129 = vector.shape_cast %get3A_128 : vector<1x512x256xf32> to vector<512x256xf32>
    %get3A_130 = arith.constant 0 : index
    %get3A_131 = arith.constant 0 : index
    %get3A_132 = vector.load %arg2[%get3A_130, %get3A_131] : memref<512x256xf32, #tpu.memory_space<vmem>>, vector<512x256xf32>
    %sub3A_133 = arith.subf %get3A_129, %get3A_132 : vector<512x256xf32>
    %convert_element_type3A_134 = arith.truncf %sub3A_133 : vector<512x256xf32> to vector<512x256xbf16>
    %concatenate3A_135 = tpu.concatenate %convert_element_type3A, %convert_element_type3A_134 in 1 : vector<512x256xbf16>, vector<512x256xbf16> -> vector<512x512xbf16>
    %get3A_136 = arith.constant 0 : index
    %get3A_137 = arith.constant 0 : index
    %get3A_138 = vector.load %arg3[%get3A_136, %get3A_137] : memref<512x512xbf16, #tpu.memory_space<vmem>>, vector<512x512xbf16>
    %dot_general3A_139 = arith.constant dense<0.000000e+00> : vector<512x512xf32>
    %dot_general3A_140 = tpu.matmul %concatenate3A_135, %get3A_138, %dot_general3A_139 {dimension_numbers = #tpu.dot_dimension_numbers<[1], [0], [0], [1], [0, 0, 1, 1], [], []>, transpose_lhs_hint = false} : vector<512x512xbf16>, vector<512x512xbf16>, vector<512x512xf32> -> vector<512x512xf32>
    %get3A_141 = arith.constant 0 : index
    %get3A_142 = arith.constant 0 : index
    %get3A_143 = vector.load %arg4[%get3A_141, %get3A_142] : memref<1x512xf32, #tpu.memory_space<vmem>>, vector<1x512xf32>
    %add3A_144 = vector.broadcast %get3A_143 : vector<1x512xf32> to vector<512x512xf32>
    %add3A_145 = arith.addf %dot_general3A_140, %add3A_144 : vector<512x512xf32>
    %mul3A_146 = arith.constant 2.000000e-01 : f32
    %mul3A_147 = vector.broadcast %mul3A_146 : f32 to vector<512x512xf32>
    %mul3A_148 = arith.mulf %mul3A_147, %add3A_145 : vector<512x512xf32>
    %max3A_149 = arith.maximumf %add3A_145, %mul3A_148 : vector<512x512xf32>
    %max3A_150 = arith.maximumf %max3A_124, %max3A_149 : vector<512x512xf32>
    %get3A_151 = arith.constant 6 : index
    %get3A_152 = arith.constant 0 : index
    %get3A_153 = arith.constant 0 : index
    %get3A_154 = vector.load %arg1[%get3A_151, %get3A_152, %get3A_153] : memref<10x512x256xf32, #tpu.memory_space<vmem>>, vector<1x512x256xf32>
    %get3A_155 = vector.shape_cast %get3A_154 : vector<1x512x256xf32> to vector<512x256xf32>
    %get3A_156 = arith.constant 0 : index
    %get3A_157 = arith.constant 0 : index
    %get3A_158 = vector.load %arg2[%get3A_156, %get3A_157] : memref<512x256xf32, #tpu.memory_space<vmem>>, vector<512x256xf32>
    %sub3A_159 = arith.subf %get3A_155, %get3A_158 : vector<512x256xf32>
    %convert_element_type3A_160 = arith.truncf %sub3A_159 : vector<512x256xf32> to vector<512x256xbf16>
    %concatenate3A_161 = tpu.concatenate %convert_element_type3A, %convert_element_type3A_160 in 1 : vector<512x256xbf16>, vector<512x256xbf16> -> vector<512x512xbf16>
    %get3A_162 = arith.constant 0 : index
    %get3A_163 = arith.constant 0 : index
    %get3A_164 = vector.load %arg3[%get3A_162, %get3A_163] : memref<512x512xbf16, #tpu.memory_space<vmem>>, vector<512x512xbf16>
    %dot_general3A_165 = arith.constant dense<0.000000e+00> : vector<512x512xf32>
    %dot_general3A_166 = tpu.matmul %concatenate3A_161, %get3A_164, %dot_general3A_165 {dimension_numbers = #tpu.dot_dimension_numbers<[1], [0], [0], [1], [0, 0, 1, 1], [], []>, transpose_lhs_hint = false} : vector<512x512xbf16>, vector<512x512xbf16>, vector<512x512xf32> -> vector<512x512xf32>
    %get3A_167 = arith.constant 0 : index
    %get3A_168 = arith.constant 0 : index
    %get3A_169 = vector.load %arg4[%get3A_167, %get3A_168] : memref<1x512xf32, #tpu.memory_space<vmem>>, vector<1x512xf32>
    %add3A_170 = vector.broadcast %get3A_169 : vector<1x512xf32> to vector<512x512xf32>
    %add3A_171 = arith.addf %dot_general3A_166, %add3A_170 : vector<512x512xf32>
    %mul3A_172 = arith.constant 2.000000e-01 : f32
    %mul3A_173 = vector.broadcast %mul3A_172 : f32 to vector<512x512xf32>
    %mul3A_174 = arith.mulf %mul3A_173, %add3A_171 : vector<512x512xf32>
    %max3A_175 = arith.maximumf %add3A_171, %mul3A_174 : vector<512x512xf32>
    %max3A_176 = arith.maximumf %max3A_150, %max3A_175 : vector<512x512xf32>
    %get3A_177 = arith.constant 7 : index
    %get3A_178 = arith.constant 0 : index
    %get3A_179 = arith.constant 0 : index
    %get3A_180 = vector.load %arg1[%get3A_177, %get3A_178, %get3A_179] : memref<10x512x256xf32, #tpu.memory_space<vmem>>, vector<1x512x256xf32>
    %get3A_181 = vector.shape_cast %get3A_180 : vector<1x512x256xf32> to vector<512x256xf32>
    %get3A_182 = arith.constant 0 : index
    %get3A_183 = arith.constant 0 : index
    %get3A_184 = vector.load %arg2[%get3A_182, %get3A_183] : memref<512x256xf32, #tpu.memory_space<vmem>>, vector<512x256xf32>
    %sub3A_185 = arith.subf %get3A_181, %get3A_184 : vector<512x256xf32>
    %convert_element_type3A_186 = arith.truncf %sub3A_185 : vector<512x256xf32> to vector<512x256xbf16>
    %concatenate3A_187 = tpu.concatenate %convert_element_type3A, %convert_element_type3A_186 in 1 : vector<512x256xbf16>, vector<512x256xbf16> -> vector<512x512xbf16>
    %get3A_188 = arith.constant 0 : index
    %get3A_189 = arith.constant 0 : index
    %get3A_190 = vector.load %arg3[%get3A_188, %get3A_189] : memref<512x512xbf16, #tpu.memory_space<vmem>>, vector<512x512xbf16>
    %dot_general3A_191 = arith.constant dense<0.000000e+00> : vector<512x512xf32>
    %dot_general3A_192 = tpu.matmul %concatenate3A_187, %get3A_190, %dot_general3A_191 {dimension_numbers = #tpu.dot_dimension_numbers<[1], [0], [0], [1], [0, 0, 1, 1], [], []>, transpose_lhs_hint = false} : vector<512x512xbf16>, vector<512x512xbf16>, vector<512x512xf32> -> vector<512x512xf32>
    %get3A_193 = arith.constant 0 : index
    %get3A_194 = arith.constant 0 : index
    %get3A_195 = vector.load %arg4[%get3A_193, %get3A_194] : memref<1x512xf32, #tpu.memory_space<vmem>>, vector<1x512xf32>
    %add3A_196 = vector.broadcast %get3A_195 : vector<1x512xf32> to vector<512x512xf32>
    %add3A_197 = arith.addf %dot_general3A_192, %add3A_196 : vector<512x512xf32>
    %mul3A_198 = arith.constant 2.000000e-01 : f32
    %mul3A_199 = vector.broadcast %mul3A_198 : f32 to vector<512x512xf32>
    %mul3A_200 = arith.mulf %mul3A_199, %add3A_197 : vector<512x512xf32>
    %max3A_201 = arith.maximumf %add3A_197, %mul3A_200 : vector<512x512xf32>
    %max3A_202 = arith.maximumf %max3A_176, %max3A_201 : vector<512x512xf32>
    %get3A_203 = arith.constant 8 : index
    %get3A_204 = arith.constant 0 : index
    %get3A_205 = arith.constant 0 : index
    %get3A_206 = vector.load %arg1[%get3A_203, %get3A_204, %get3A_205] : memref<10x512x256xf32, #tpu.memory_space<vmem>>, vector<1x512x256xf32>
    %get3A_207 = vector.shape_cast %get3A_206 : vector<1x512x256xf32> to vector<512x256xf32>
    %get3A_208 = arith.constant 0 : index
    %get3A_209 = arith.constant 0 : index
    %get3A_210 = vector.load %arg2[%get3A_208, %get3A_209] : memref<512x256xf32, #tpu.memory_space<vmem>>, vector<512x256xf32>
    %sub3A_211 = arith.subf %get3A_207, %get3A_210 : vector<512x256xf32>
    %convert_element_type3A_212 = arith.truncf %sub3A_211 : vector<512x256xf32> to vector<512x256xbf16>
    %concatenate3A_213 = tpu.concatenate %convert_element_type3A, %convert_element_type3A_212 in 1 : vector<512x256xbf16>, vector<512x256xbf16> -> vector<512x512xbf16>
    %get3A_214 = arith.constant 0 : index
    %get3A_215 = arith.constant 0 : index
    %get3A_216 = vector.load %arg3[%get3A_214, %get3A_215] : memref<512x512xbf16, #tpu.memory_space<vmem>>, vector<512x512xbf16>
    %dot_general3A_217 = arith.constant dense<0.000000e+00> : vector<512x512xf32>
    %dot_general3A_218 = tpu.matmul %concatenate3A_213, %get3A_216, %dot_general3A_217 {dimension_numbers = #tpu.dot_dimension_numbers<[1], [0], [0], [1], [0, 0, 1, 1], [], []>, transpose_lhs_hint = false} : vector<512x512xbf16>, vector<512x512xbf16>, vector<512x512xf32> -> vector<512x512xf32>
    %get3A_219 = arith.constant 0 : index
    %get3A_220 = arith.constant 0 : index
    %get3A_221 = vector.load %arg4[%get3A_219, %get3A_220] : memref<1x512xf32, #tpu.memory_space<vmem>>, vector<1x512xf32>
    %add3A_222 = vector.broadcast %get3A_221 : vector<1x512xf32> to vector<512x512xf32>
    %add3A_223 = arith.addf %dot_general3A_218, %add3A_222 : vector<512x512xf32>
    %mul3A_224 = arith.constant 2.000000e-01 : f32
    %mul3A_225 = vector.broadcast %mul3A_224 : f32 to vector<512x512xf32>
    %mul3A_226 = arith.mulf %mul3A_225, %add3A_223 : vector<512x512xf32>
    %max3A_227 = arith.maximumf %add3A_223, %mul3A_226 : vector<512x512xf32>
    %max3A_228 = arith.maximumf %max3A_202, %max3A_227 : vector<512x512xf32>
    %get3A_229 = arith.constant 9 : index
    %get3A_230 = arith.constant 0 : index
    %get3A_231 = arith.constant 0 : index
    %get3A_232 = vector.load %arg1[%get3A_229, %get3A_230, %get3A_231] : memref<10x512x256xf32, #tpu.memory_space<vmem>>, vector<1x512x256xf32>
    %get3A_233 = vector.shape_cast %get3A_232 : vector<1x512x256xf32> to vector<512x256xf32>
    %get3A_234 = arith.constant 0 : index
    %get3A_235 = arith.constant 0 : index
    %get3A_236 = vector.load %arg2[%get3A_234, %get3A_235] : memref<512x256xf32, #tpu.memory_space<vmem>>, vector<512x256xf32>
    %sub3A_237 = arith.subf %get3A_233, %get3A_236 : vector<512x256xf32>
    %convert_element_type3A_238 = arith.truncf %sub3A_237 : vector<512x256xf32> to vector<512x256xbf16>
    %concatenate3A_239 = tpu.concatenate %convert_element_type3A, %convert_element_type3A_238 in 1 : vector<512x256xbf16>, vector<512x256xbf16> -> vector<512x512xbf16>
    %get3A_240 = arith.constant 0 : index
    %get3A_241 = arith.constant 0 : index
    %get3A_242 = vector.load %arg3[%get3A_240, %get3A_241] : memref<512x512xbf16, #tpu.memory_space<vmem>>, vector<512x512xbf16>
    %dot_general3A_243 = arith.constant dense<0.000000e+00> : vector<512x512xf32>
    %dot_general3A_244 = tpu.matmul %concatenate3A_239, %get3A_242, %dot_general3A_243 {dimension_numbers = #tpu.dot_dimension_numbers<[1], [0], [0], [1], [0, 0, 1, 1], [], []>, transpose_lhs_hint = false} : vector<512x512xbf16>, vector<512x512xbf16>, vector<512x512xf32> -> vector<512x512xf32>
    %get3A_245 = arith.constant 0 : index
    %get3A_246 = arith.constant 0 : index
    %get3A_247 = vector.load %arg4[%get3A_245, %get3A_246] : memref<1x512xf32, #tpu.memory_space<vmem>>, vector<1x512xf32>
    %add3A_248 = vector.broadcast %get3A_247 : vector<1x512xf32> to vector<512x512xf32>
    %add3A_249 = arith.addf %dot_general3A_244, %add3A_248 : vector<512x512xf32>
    %mul3A_250 = arith.constant 2.000000e-01 : f32
    %mul3A_251 = vector.broadcast %mul3A_250 : f32 to vector<512x512xf32>
    %mul3A_252 = arith.mulf %mul3A_251, %add3A_249 : vector<512x512xf32>
    %max3A_253 = arith.maximumf %add3A_249, %mul3A_252 : vector<512x512xf32>
    %max3A_254 = arith.maximumf %max3A_228, %max3A_253 : vector<512x512xf32>
    %swap3A = arith.constant 0 : index
    %swap3A_255 = arith.constant 0 : index
    %swap3A_256 = vector.load %arg5[%swap3A, %swap3A_255] : memref<512x512xf32, #tpu.memory_space<vmem>>, vector<512x512xf32>
    tpu.vector_store %arg5[%swap3A, %swap3A_255], %max3A_254 {strides = array<i32>} : memref<512x512xf32, #tpu.memory_space<vmem>>, vector<512x512xf32>,
    return
  }
  func.func @transform_0(%arg0: i32) -> (i32, i32, i32) {
    %c0_i32 = arith.constant 0 : i32
    %c0_i32_0 = arith.constant 0 : i32
    %c0_i32_1 = arith.constant 0 : i32
    return %c0_i32, %arg0, %c0_i32_0 : i32, i32, i32
  }
  func.func @transform_1(%arg0: i32) -> (i32, i32) {
    %c0_i32 = arith.constant 0 : i32
    %c0_i32_0 = arith.constant 0 : i32
    return %arg0, %c0_i32 : i32, i32
  }
  func.func @transform_2(%arg0: i32) -> (i32, i32) {
    %c0_i32 = arith.constant 0 : i32
    %c0_i32_0 = arith.constant 0 : i32
    %c0_i32_1 = arith.constant 0 : i32
    return %c0_i32, %c0_i32_0 : i32, i32
  }
  func.func @transform_3(%arg0: i32) -> (i32, i32) {
    %c0_i32 = arith.constant 0 : i32
    %c0_i32_0 = arith.constant 0 : i32
    %c0_i32_1 = arith.constant 0 : i32
    return %c0_i32, %c0_i32_0 : i32, i32
  }
  func.func @transform_4(%arg0: i32) -> (i32, i32) {
    %c0_i32 = arith.constant 0 : i32
    %c0_i32_0 = arith.constant 0 : i32
    return %arg0, %c0_i32 : i32, i32
  }
}

module attributes {stable_mosaic.version = 14 : i64} {
  func.func @_topk_body(%arg0: i32, %arg1: i32, %arg2: memref<1x1024x512xf32, #tpu.memory_space<vmem>>, %arg3: memref<1x2048x512xf32, #tpu.memory_space<vmem>>, %arg4: memref<1x1024x10xi32, #tpu.memory_space<vmem>>) attributes {dimension_semantics = [#tpu.dimension_semantics<arbitrary>, #tpu.dimension_semantics<arbitrary>], iteration_bounds = array<i64: 4, 2>, scalar_prefetch = 0 : i64, scratch_operands = 0 : i64, tpu.core_type = #tpu.core_type<tc>, window_params = [{transform_indices = @transform_0, window_bounds = array<i64: 1, 1024, 512>}, {transform_indices = @transform_1, window_bounds = array<i64: 1, 2048, 512>}, {transform_indices = @transform_2, window_bounds = array<i64: 1, 1024, 10>}]} {
    %get3A = arith.constant 0 : index
    %get3A_0 = arith.constant 0 : index
    %get3A_1 = arith.constant 0 : index
    %get3A_2 = vector.load %arg2[%get3A, %get3A_0, %get3A_1] : memref<1x1024x512xf32, #tpu.memory_space<vmem>>, vector<1x1024x512xf32>
    %get3A_3 = vector.shape_cast %get3A_2 : vector<1x1024x512xf32> to vector<1024x512xf32>
    %get3A_4 = arith.constant 0 : index
    %get3A_5 = arith.constant 0 : index
    %get3A_6 = arith.constant 0 : index
    %get3A_7 = vector.load %arg3[%get3A_4, %get3A_5, %get3A_6] : memref<1x2048x512xf32, #tpu.memory_space<vmem>>, vector<1x2048x512xf32>
    %get3A_8 = vector.shape_cast %get3A_7 : vector<1x2048x512xf32> to vector<2048x512xf32>
    %mul3A = arith.mulf %get3A_3, %get3A_3 : vector<1024x512xf32>
    %reduce_sum3A = arith.constant dense<0.000000e+00> : vector<1024xf32>
    %reduce_sum3A_9 = vector.multi_reduction <add>, %mul3A, %reduce_sum3A [1] : vector<1024x512xf32> to vector<1024xf32>
    %broadcast_in_dim3A = vector.shape_cast %reduce_sum3A_9 : vector<1024xf32> to vector<1024x1xf32>
    %mul3A_10 = arith.mulf %get3A_8, %get3A_8 : vector<2048x512xf32>
    %reduce_sum3A_11 = arith.constant dense<0.000000e+00> : vector<2048xf32>
    %reduce_sum3A_12 = vector.multi_reduction <add>, %mul3A_10, %reduce_sum3A_11 [1] : vector<2048x512xf32> to vector<2048xf32>
    %convert_element_type3A = arith.truncf %get3A_3 : vector<1024x512xf32> to vector<1024x512xbf16>
    %convert_element_type3A_13 = arith.truncf %get3A_8 : vector<2048x512xf32> to vector<2048x512xbf16>
    %dot_general3A = arith.constant dense<0.000000e+00> : vector<1024x2048xf32>
    %dot_general3A_14 = tpu.matmul %convert_element_type3A, %convert_element_type3A_13, %dot_general3A {dimension_numbers = #tpu.dot_dimension_numbers<[1], [1], [0], [0], [0, 0, 1, 0], [], []>, transpose_lhs_hint = false} : vector<1024x512xbf16>, vector<2048x512xbf16>, vector<1024x2048xf32> -> vector<1024x2048xf32>
    %broadcast_in_dim3A_15 = vector.shape_cast %reduce_sum3A_12 : vector<2048xf32> to vector<1x2048xf32>
    %add3A = vector.broadcast %broadcast_in_dim3A : vector<1024x1xf32> to vector<1024x2048xf32>
    %add3A_16 = vector.broadcast %broadcast_in_dim3A_15 : vector<1x2048xf32> to vector<1024x2048xf32>
    %add3A_17 = arith.addf %add3A, %add3A_16 : vector<1024x2048xf32>
    %mul3A_18 = arith.constant 2.000000e+00 : f32
    %mul3A_19 = vector.broadcast %mul3A_18 : f32 to vector<1024x2048xf32>
    %mul3A_20 = arith.mulf %mul3A_19, %dot_general3A_14 : vector<1024x2048xf32>
    %sub3A = arith.subf %add3A_17, %mul3A_20 : vector<1024x2048xf32>
    %iota3A = tpu.iota {dimensions = array<i32: 1>} : vector<1024x2048xi32>
    %reduce_min3A = arith.constant dense<0x7F800000> : vector<1024xf32>
    %reduce_min3A_21 = vector.multi_reduction <minimumf>, %sub3A, %reduce_min3A [1] : vector<1024x2048xf32> to vector<1024xf32>
    %broadcast_in_dim3A_22 = vector.shape_cast %reduce_min3A_21 : vector<1024xf32> to vector<1024x1xf32>
    %eq3A = vector.broadcast %broadcast_in_dim3A_22 : vector<1024x1xf32> to vector<1024x2048xf32>
    %eq3A_23 = arith.cmpf oeq, %sub3A, %eq3A : vector<1024x2048xf32>
    %jit3A = arith.constant 2048 : i32
    %broadcast_in_dim3A_24 = vector.broadcast %jit3A : i32 to vector<1024x2048xi32>
    %select_n3A = arith.select %eq3A_23, %iota3A, %broadcast_in_dim3A_24 : vector<1024x2048xi1>, vector<1024x2048xi32>
    %reduce_min3A_25 = arith.constant dense<2147483647> : vector<1024xi32>
    %reduce_min3A_26 = vector.multi_reduction <minsi>, %select_n3A, %reduce_min3A_25 [1] : vector<1024x2048xi32> to vector<1024xi32>
    %broadcast_in_dim3A_27 = vector.shape_cast %reduce_min3A_26 : vector<1024xi32> to vector<1024x1xi32>
    %eq3A_28 = vector.broadcast %broadcast_in_dim3A_27 : vector<1024x1xi32> to vector<1024x2048xi32>
    %eq3A_29 = arith.cmpi eq, %iota3A, %eq3A_28 : vector<1024x2048xi32>
    %jit3A_30 = arith.constant 0x7F800000 : f32
    %broadcast_in_dim3A_31 = vector.broadcast %jit3A_30 : f32 to vector<1024x2048xf32>
    %select_n3A_32 = arith.select %eq3A_29, %broadcast_in_dim3A_31, %sub3A : vector<1024x2048xi1>, vector<1024x2048xf32>
    %reduce_min3A_33 = arith.constant dense<0x7F800000> : vector<1024xf32>
    %reduce_min3A_34 = vector.multi_reduction <minimumf>, %select_n3A_32, %reduce_min3A_33 [1] : vector<1024x2048xf32> to vector<1024xf32>
    %broadcast_in_dim3A_35 = vector.shape_cast %reduce_min3A_34 : vector<1024xf32> to vector<1024x1xf32>
    %eq3A_36 = vector.broadcast %broadcast_in_dim3A_35 : vector<1024x1xf32> to vector<1024x2048xf32>
    %eq3A_37 = arith.cmpf oeq, %select_n3A_32, %eq3A_36 : vector<1024x2048xf32>
    %jit3A_38 = arith.constant 2048 : i32
    %broadcast_in_dim3A_39 = vector.broadcast %jit3A_38 : i32 to vector<1024x2048xi32>
    %select_n3A_40 = arith.select %eq3A_37, %iota3A, %broadcast_in_dim3A_39 : vector<1024x2048xi1>, vector<1024x2048xi32>
    %reduce_min3A_41 = arith.constant dense<2147483647> : vector<1024xi32>
    %reduce_min3A_42 = vector.multi_reduction <minsi>, %select_n3A_40, %reduce_min3A_41 [1] : vector<1024x2048xi32> to vector<1024xi32>
    %broadcast_in_dim3A_43 = vector.shape_cast %reduce_min3A_42 : vector<1024xi32> to vector<1024x1xi32>
    %eq3A_44 = vector.broadcast %broadcast_in_dim3A_43 : vector<1024x1xi32> to vector<1024x2048xi32>
    %eq3A_45 = arith.cmpi eq, %iota3A, %eq3A_44 : vector<1024x2048xi32>
    %jit3A_46 = arith.constant 0x7F800000 : f32
    %broadcast_in_dim3A_47 = vector.broadcast %jit3A_46 : f32 to vector<1024x2048xf32>
    %select_n3A_48 = arith.select %eq3A_45, %broadcast_in_dim3A_47, %select_n3A_32 : vector<1024x2048xi1>, vector<1024x2048xf32>
    %reduce_min3A_49 = arith.constant dense<0x7F800000> : vector<1024xf32>
    %reduce_min3A_50 = vector.multi_reduction <minimumf>, %select_n3A_48, %reduce_min3A_49 [1] : vector<1024x2048xf32> to vector<1024xf32>
    %broadcast_in_dim3A_51 = vector.shape_cast %reduce_min3A_50 : vector<1024xf32> to vector<1024x1xf32>
    %eq3A_52 = vector.broadcast %broadcast_in_dim3A_51 : vector<1024x1xf32> to vector<1024x2048xf32>
    %eq3A_53 = arith.cmpf oeq, %select_n3A_48, %eq3A_52 : vector<1024x2048xf32>
    %jit3A_54 = arith.constant 2048 : i32
    %broadcast_in_dim3A_55 = vector.broadcast %jit3A_54 : i32 to vector<1024x2048xi32>
    %select_n3A_56 = arith.select %eq3A_53, %iota3A, %broadcast_in_dim3A_55 : vector<1024x2048xi1>, vector<1024x2048xi32>
    %reduce_min3A_57 = arith.constant dense<2147483647> : vector<1024xi32>
    %reduce_min3A_58 = vector.multi_reduction <minsi>, %select_n3A_56, %reduce_min3A_57 [1] : vector<1024x2048xi32> to vector<1024xi32>
    %broadcast_in_dim3A_59 = vector.shape_cast %reduce_min3A_58 : vector<1024xi32> to vector<1024x1xi32>
    %eq3A_60 = vector.broadcast %broadcast_in_dim3A_59 : vector<1024x1xi32> to vector<1024x2048xi32>
    %eq3A_61 = arith.cmpi eq, %iota3A, %eq3A_60 : vector<1024x2048xi32>
    %jit3A_62 = arith.constant 0x7F800000 : f32
    %broadcast_in_dim3A_63 = vector.broadcast %jit3A_62 : f32 to vector<1024x2048xf32>
    %select_n3A_64 = arith.select %eq3A_61, %broadcast_in_dim3A_63, %select_n3A_48 : vector<1024x2048xi1>, vector<1024x2048xf32>
    %reduce_min3A_65 = arith.constant dense<0x7F800000> : vector<1024xf32>
    %reduce_min3A_66 = vector.multi_reduction <minimumf>, %select_n3A_64, %reduce_min3A_65 [1] : vector<1024x2048xf32> to vector<1024xf32>
    %broadcast_in_dim3A_67 = vector.shape_cast %reduce_min3A_66 : vector<1024xf32> to vector<1024x1xf32>
    %eq3A_68 = vector.broadcast %broadcast_in_dim3A_67 : vector<1024x1xf32> to vector<1024x2048xf32>
    %eq3A_69 = arith.cmpf oeq, %select_n3A_64, %eq3A_68 : vector<1024x2048xf32>
    %jit3A_70 = arith.constant 2048 : i32
    %broadcast_in_dim3A_71 = vector.broadcast %jit3A_70 : i32 to vector<1024x2048xi32>
    %select_n3A_72 = arith.select %eq3A_69, %iota3A, %broadcast_in_dim3A_71 : vector<1024x2048xi1>, vector<1024x2048xi32>
    %reduce_min3A_73 = arith.constant dense<2147483647> : vector<1024xi32>
    %reduce_min3A_74 = vector.multi_reduction <minsi>, %select_n3A_72, %reduce_min3A_73 [1] : vector<1024x2048xi32> to vector<1024xi32>
    %broadcast_in_dim3A_75 = vector.shape_cast %reduce_min3A_74 : vector<1024xi32> to vector<1024x1xi32>
    %eq3A_76 = vector.broadcast %broadcast_in_dim3A_75 : vector<1024x1xi32> to vector<1024x2048xi32>
    %eq3A_77 = arith.cmpi eq, %iota3A, %eq3A_76 : vector<1024x2048xi32>
    %jit3A_78 = arith.constant 0x7F800000 : f32
    %broadcast_in_dim3A_79 = vector.broadcast %jit3A_78 : f32 to vector<1024x2048xf32>
    %select_n3A_80 = arith.select %eq3A_77, %broadcast_in_dim3A_79, %select_n3A_64 : vector<1024x2048xi1>, vector<1024x2048xf32>
    %reduce_min3A_81 = arith.constant dense<0x7F800000> : vector<1024xf32>
    %reduce_min3A_82 = vector.multi_reduction <minimumf>, %select_n3A_80, %reduce_min3A_81 [1] : vector<1024x2048xf32> to vector<1024xf32>
    %broadcast_in_dim3A_83 = vector.shape_cast %reduce_min3A_82 : vector<1024xf32> to vector<1024x1xf32>
    %eq3A_84 = vector.broadcast %broadcast_in_dim3A_83 : vector<1024x1xf32> to vector<1024x2048xf32>
    %eq3A_85 = arith.cmpf oeq, %select_n3A_80, %eq3A_84 : vector<1024x2048xf32>
    %jit3A_86 = arith.constant 2048 : i32
    %broadcast_in_dim3A_87 = vector.broadcast %jit3A_86 : i32 to vector<1024x2048xi32>
    %select_n3A_88 = arith.select %eq3A_85, %iota3A, %broadcast_in_dim3A_87 : vector<1024x2048xi1>, vector<1024x2048xi32>
    %reduce_min3A_89 = arith.constant dense<2147483647> : vector<1024xi32>
    %reduce_min3A_90 = vector.multi_reduction <minsi>, %select_n3A_88, %reduce_min3A_89 [1] : vector<1024x2048xi32> to vector<1024xi32>
    %broadcast_in_dim3A_91 = vector.shape_cast %reduce_min3A_90 : vector<1024xi32> to vector<1024x1xi32>
    %eq3A_92 = vector.broadcast %broadcast_in_dim3A_91 : vector<1024x1xi32> to vector<1024x2048xi32>
    %eq3A_93 = arith.cmpi eq, %iota3A, %eq3A_92 : vector<1024x2048xi32>
    %jit3A_94 = arith.constant 0x7F800000 : f32
    %broadcast_in_dim3A_95 = vector.broadcast %jit3A_94 : f32 to vector<1024x2048xf32>
    %select_n3A_96 = arith.select %eq3A_93, %broadcast_in_dim3A_95, %select_n3A_80 : vector<1024x2048xi1>, vector<1024x2048xf32>
    %reduce_min3A_97 = arith.constant dense<0x7F800000> : vector<1024xf32>
    %reduce_min3A_98 = vector.multi_reduction <minimumf>, %select_n3A_96, %reduce_min3A_97 [1] : vector<1024x2048xf32> to vector<1024xf32>
    %broadcast_in_dim3A_99 = vector.shape_cast %reduce_min3A_98 : vector<1024xf32> to vector<1024x1xf32>
    %eq3A_100 = vector.broadcast %broadcast_in_dim3A_99 : vector<1024x1xf32> to vector<1024x2048xf32>
    %eq3A_101 = arith.cmpf oeq, %select_n3A_96, %eq3A_100 : vector<1024x2048xf32>
    %jit3A_102 = arith.constant 2048 : i32
    %broadcast_in_dim3A_103 = vector.broadcast %jit3A_102 : i32 to vector<1024x2048xi32>
    %select_n3A_104 = arith.select %eq3A_101, %iota3A, %broadcast_in_dim3A_103 : vector<1024x2048xi1>, vector<1024x2048xi32>
    %reduce_min3A_105 = arith.constant dense<2147483647> : vector<1024xi32>
    %reduce_min3A_106 = vector.multi_reduction <minsi>, %select_n3A_104, %reduce_min3A_105 [1] : vector<1024x2048xi32> to vector<1024xi32>
    %broadcast_in_dim3A_107 = vector.shape_cast %reduce_min3A_106 : vector<1024xi32> to vector<1024x1xi32>
    %eq3A_108 = vector.broadcast %broadcast_in_dim3A_107 : vector<1024x1xi32> to vector<1024x2048xi32>
    %eq3A_109 = arith.cmpi eq, %iota3A, %eq3A_108 : vector<1024x2048xi32>
    %jit3A_110 = arith.constant 0x7F800000 : f32
    %broadcast_in_dim3A_111 = vector.broadcast %jit3A_110 : f32 to vector<1024x2048xf32>
    %select_n3A_112 = arith.select %eq3A_109, %broadcast_in_dim3A_111, %select_n3A_96 : vector<1024x2048xi1>, vector<1024x2048xf32>
    %reduce_min3A_113 = arith.constant dense<0x7F800000> : vector<1024xf32>
    %reduce_min3A_114 = vector.multi_reduction <minimumf>, %select_n3A_112, %reduce_min3A_113 [1] : vector<1024x2048xf32> to vector<1024xf32>
    %broadcast_in_dim3A_115 = vector.shape_cast %reduce_min3A_114 : vector<1024xf32> to vector<1024x1xf32>
    %eq3A_116 = vector.broadcast %broadcast_in_dim3A_115 : vector<1024x1xf32> to vector<1024x2048xf32>
    %eq3A_117 = arith.cmpf oeq, %select_n3A_112, %eq3A_116 : vector<1024x2048xf32>
    %jit3A_118 = arith.constant 2048 : i32
    %broadcast_in_dim3A_119 = vector.broadcast %jit3A_118 : i32 to vector<1024x2048xi32>
    %select_n3A_120 = arith.select %eq3A_117, %iota3A, %broadcast_in_dim3A_119 : vector<1024x2048xi1>, vector<1024x2048xi32>
    %reduce_min3A_121 = arith.constant dense<2147483647> : vector<1024xi32>
    %reduce_min3A_122 = vector.multi_reduction <minsi>, %select_n3A_120, %reduce_min3A_121 [1] : vector<1024x2048xi32> to vector<1024xi32>
    %broadcast_in_dim3A_123 = vector.shape_cast %reduce_min3A_122 : vector<1024xi32> to vector<1024x1xi32>
    %eq3A_124 = vector.broadcast %broadcast_in_dim3A_123 : vector<1024x1xi32> to vector<1024x2048xi32>
    %eq3A_125 = arith.cmpi eq, %iota3A, %eq3A_124 : vector<1024x2048xi32>
    %jit3A_126 = arith.constant 0x7F800000 : f32
    %broadcast_in_dim3A_127 = vector.broadcast %jit3A_126 : f32 to vector<1024x2048xf32>
    %select_n3A_128 = arith.select %eq3A_125, %broadcast_in_dim3A_127, %select_n3A_112 : vector<1024x2048xi1>, vector<1024x2048xf32>
    %reduce_min3A_129 = arith.constant dense<0x7F800000> : vector<1024xf32>
    %reduce_min3A_130 = vector.multi_reduction <minimumf>, %select_n3A_128, %reduce_min3A_129 [1] : vector<1024x2048xf32> to vector<1024xf32>
    %broadcast_in_dim3A_131 = vector.shape_cast %reduce_min3A_130 : vector<1024xf32> to vector<1024x1xf32>
    %eq3A_132 = vector.broadcast %broadcast_in_dim3A_131 : vector<1024x1xf32> to vector<1024x2048xf32>
    %eq3A_133 = arith.cmpf oeq, %select_n3A_128, %eq3A_132 : vector<1024x2048xf32>
    %jit3A_134 = arith.constant 2048 : i32
    %broadcast_in_dim3A_135 = vector.broadcast %jit3A_134 : i32 to vector<1024x2048xi32>
    %select_n3A_136 = arith.select %eq3A_133, %iota3A, %broadcast_in_dim3A_135 : vector<1024x2048xi1>, vector<1024x2048xi32>
    %reduce_min3A_137 = arith.constant dense<2147483647> : vector<1024xi32>
    %reduce_min3A_138 = vector.multi_reduction <minsi>, %select_n3A_136, %reduce_min3A_137 [1] : vector<1024x2048xi32> to vector<1024xi32>
    %broadcast_in_dim3A_139 = vector.shape_cast %reduce_min3A_138 : vector<1024xi32> to vector<1024x1xi32>
    %eq3A_140 = vector.broadcast %broadcast_in_dim3A_139 : vector<1024x1xi32> to vector<1024x2048xi32>
    %eq3A_141 = arith.cmpi eq, %iota3A, %eq3A_140 : vector<1024x2048xi32>
    %jit3A_142 = arith.constant 0x7F800000 : f32
    %broadcast_in_dim3A_143 = vector.broadcast %jit3A_142 : f32 to vector<1024x2048xf32>
    %select_n3A_144 = arith.select %eq3A_141, %broadcast_in_dim3A_143, %select_n3A_128 : vector<1024x2048xi1>, vector<1024x2048xf32>
    %reduce_min3A_145 = arith.constant dense<0x7F800000> : vector<1024xf32>
    %reduce_min3A_146 = vector.multi_reduction <minimumf>, %select_n3A_144, %reduce_min3A_145 [1] : vector<1024x2048xf32> to vector<1024xf32>
    %broadcast_in_dim3A_147 = vector.shape_cast %reduce_min3A_146 : vector<1024xf32> to vector<1024x1xf32>
    %eq3A_148 = vector.broadcast %broadcast_in_dim3A_147 : vector<1024x1xf32> to vector<1024x2048xf32>
    %eq3A_149 = arith.cmpf oeq, %select_n3A_144, %eq3A_148 : vector<1024x2048xf32>
    %jit3A_150 = arith.constant 2048 : i32
    %broadcast_in_dim3A_151 = vector.broadcast %jit3A_150 : i32 to vector<1024x2048xi32>
    %select_n3A_152 = arith.select %eq3A_149, %iota3A, %broadcast_in_dim3A_151 : vector<1024x2048xi1>, vector<1024x2048xi32>
    %reduce_min3A_153 = arith.constant dense<2147483647> : vector<1024xi32>
    %reduce_min3A_154 = vector.multi_reduction <minsi>, %select_n3A_152, %reduce_min3A_153 [1] : vector<1024x2048xi32> to vector<1024xi32>
    %broadcast_in_dim3A_155 = vector.shape_cast %reduce_min3A_154 : vector<1024xi32> to vector<1024x1xi32>
    %eq3A_156 = vector.broadcast %broadcast_in_dim3A_155 : vector<1024x1xi32> to vector<1024x2048xi32>
    %eq3A_157 = arith.cmpi eq, %iota3A, %eq3A_156 : vector<1024x2048xi32>
    %jit3A_158 = arith.constant 0x7F800000 : f32
    %broadcast_in_dim3A_159 = vector.broadcast %jit3A_158 : f32 to vector<1024x2048xf32>
    %select_n3A_160 = arith.select %eq3A_157, %broadcast_in_dim3A_159, %select_n3A_144 : vector<1024x2048xi1>, vector<1024x2048xf32>
    %reduce_min3A_161 = arith.constant dense<0x7F800000> : vector<1024xf32>
    %reduce_min3A_162 = vector.multi_reduction <minimumf>, %select_n3A_160, %reduce_min3A_161 [1] : vector<1024x2048xf32> to vector<1024xf32>
    %broadcast_in_dim3A_163 = vector.shape_cast %reduce_min3A_162 : vector<1024xf32> to vector<1024x1xf32>
    %eq3A_164 = vector.broadcast %broadcast_in_dim3A_163 : vector<1024x1xf32> to vector<1024x2048xf32>
    %eq3A_165 = arith.cmpf oeq, %select_n3A_160, %eq3A_164 : vector<1024x2048xf32>
    %jit3A_166 = arith.constant 2048 : i32
    %broadcast_in_dim3A_167 = vector.broadcast %jit3A_166 : i32 to vector<1024x2048xi32>
    %select_n3A_168 = arith.select %eq3A_165, %iota3A, %broadcast_in_dim3A_167 : vector<1024x2048xi1>, vector<1024x2048xi32>
    %reduce_min3A_169 = arith.constant dense<2147483647> : vector<1024xi32>
    %reduce_min3A_170 = vector.multi_reduction <minsi>, %select_n3A_168, %reduce_min3A_169 [1] : vector<1024x2048xi32> to vector<1024xi32>
    %broadcast_in_dim3A_171 = vector.shape_cast %reduce_min3A_170 : vector<1024xi32> to vector<1024x1xi32>
    %concatenate3A = tpu.concatenate %broadcast_in_dim3A_27, %broadcast_in_dim3A_43, %broadcast_in_dim3A_59, %broadcast_in_dim3A_75, %broadcast_in_dim3A_91, %broadcast_in_dim3A_107, %broadcast_in_dim3A_123, %broadcast_in_dim3A_139, %broadcast_in_dim3A_155, %broadcast_in_dim3A_171 in 1 : vector<1024x1xi32>, vector<1024x1xi32>, vector<1024x1xi32>, vector<1024x1xi32>, vector<1024x1xi32>, vector<1024x1xi32>, vector<1024x1xi32>, vector<1024x1xi32>, vector<1024x1xi32>, vector<1024x1xi32> -> vector<1024x10xi32>
    %mul3A_172 = arith.constant 2048 : i32
    %mul3A_173 = arith.muli %arg0, %mul3A_172 : i32
    %add3A_174 = vector.broadcast %mul3A_173 : i32 to vector<1024x10xi32>
    %add3A_175 = arith.addi %concatenate3A, %add3A_174 : vector<1024x10xi32>
    %swap3A = arith.constant 0 : index
    %swap3A_176 = arith.constant 0 : index
    %swap3A_177 = arith.constant 0 : index
    %swap3A_178 = vector.load %arg4[%swap3A, %swap3A_176, %swap3A_177] : memref<1x1024x10xi32, #tpu.memory_space<vmem>>, vector<1x1024x10xi32>
    %swap3A_179 = vector.shape_cast %swap3A_178 : vector<1x1024x10xi32> to vector<1024x10xi32>
    %swap3A_180 = vector.shape_cast %add3A_175 : vector<1024x10xi32> to vector<1x1024x10xi32>
    tpu.vector_store %arg4[%swap3A, %swap3A_176, %swap3A_177], %swap3A_180 {strides = array<i32>} : memref<1x1024x10xi32, #tpu.memory_space<vmem>>, vector<1x1024x10xi32>,
    return
  }
  func.func @transform_0(%arg0: i32, %arg1: i32) -> (i32, i32, i32) {
    %c0_i32 = arith.constant 0 : i32
    %c0_i32_0 = arith.constant 0 : i32
    return %arg0, %arg1, %c0_i32 : i32, i32, i32
  }
  func.func @transform_1(%arg0: i32, %arg1: i32) -> (i32, i32, i32) {
    %c0_i32 = arith.constant 0 : i32
    %c0_i32_0 = arith.constant 0 : i32
    %c0_i32_1 = arith.constant 0 : i32
    return %arg0, %c0_i32, %c0_i32_0 : i32, i32, i32
  }
  func.func @transform_2(%arg0: i32, %arg1: i32) -> (i32, i32, i32) {
    %c0_i32 = arith.constant 0 : i32
    %c0_i32_0 = arith.constant 0 : i32
    return %arg0, %arg1, %c0_i32 : i32, i32, i32
  }
}

module attributes {stable_mosaic.version = 14 : i64} {
  func.func @_edge_body(%arg0: i32, %arg1: memref<10x512x512xf32, #tpu.memory_space<vmem>>, %arg2: memref<512x512xf32, #tpu.memory_space<vmem>>, %arg3: memref<1024x1024xbf16, #tpu.memory_space<vmem>>, %arg4: memref<1x1024xf32, #tpu.memory_space<vmem>>, %arg5: memref<512x1024xf32, #tpu.memory_space<vmem>>) attributes {dimension_semantics = [#tpu.dimension_semantics<arbitrary>], iteration_bounds = array<i64: 16>, scalar_prefetch = 0 : i64, scratch_operands = 0 : i64, tpu.core_type = #tpu.core_type<tc>, window_params = [{transform_indices = @transform_0, window_bounds = array<i64: 10, 512, 512>}, {transform_indices = @transform_1, window_bounds = array<i64: 512, 512>}, {pipeline_mode = #tpu.pipeline_mode<synchronous>, transform_indices = @transform_2, window_bounds = array<i64: 1024, 1024>}, {pipeline_mode = #tpu.pipeline_mode<synchronous>, transform_indices = @transform_3, window_bounds = array<i64: 1, 1024>}, {transform_indices = @transform_4, window_bounds = array<i64: 512, 1024>}]} {
    %get3A = arith.constant 0 : index
    %get3A_0 = arith.constant 0 : index
    %get3A_1 = vector.load %arg2[%get3A, %get3A_0] : memref<512x512xf32, #tpu.memory_space<vmem>>, vector<512x512xf32>
    %convert_element_type3A = arith.truncf %get3A_1 : vector<512x512xf32> to vector<512x512xbf16>
    %get3A_2 = arith.constant 0 : index
    %get3A_3 = arith.constant 0 : index
    %get3A_4 = arith.constant 0 : index
    %get3A_5 = vector.load %arg1[%get3A_2, %get3A_3, %get3A_4] : memref<10x512x512xf32, #tpu.memory_space<vmem>>, vector<1x512x512xf32>
    %get3A_6 = vector.shape_cast %get3A_5 : vector<1x512x512xf32> to vector<512x512xf32>
    %get3A_7 = arith.constant 0 : index
    %get3A_8 = arith.constant 0 : index
    %get3A_9 = vector.load %arg2[%get3A_7, %get3A_8] : memref<512x512xf32, #tpu.memory_space<vmem>>, vector<512x512xf32>
    %sub3A = arith.subf %get3A_6, %get3A_9 : vector<512x512xf32>
    %convert_element_type3A_10 = arith.truncf %sub3A : vector<512x512xf32> to vector<512x512xbf16>
    %concatenate3A = tpu.concatenate %convert_element_type3A, %convert_element_type3A_10 in 1 : vector<512x512xbf16>, vector<512x512xbf16> -> vector<512x1024xbf16>
    %get3A_11 = arith.constant 0 : index
    %get3A_12 = arith.constant 0 : index
    %get3A_13 = vector.load %arg3[%get3A_11, %get3A_12] : memref<1024x1024xbf16, #tpu.memory_space<vmem>>, vector<1024x1024xbf16>
    %dot_general3A = arith.constant dense<0.000000e+00> : vector<512x1024xf32>
    %dot_general3A_14 = tpu.matmul %concatenate3A, %get3A_13, %dot_general3A {dimension_numbers = #tpu.dot_dimension_numbers<[1], [0], [0], [1], [0, 0, 1, 1], [], []>, transpose_lhs_hint = false} : vector<512x1024xbf16>, vector<1024x1024xbf16>, vector<512x1024xf32> -> vector<512x1024xf32>
    %get3A_15 = arith.constant 0 : index
    %get3A_16 = arith.constant 0 : index
    %get3A_17 = vector.load %arg4[%get3A_15, %get3A_16] : memref<1x1024xf32, #tpu.memory_space<vmem>>, vector<1x1024xf32>
    %add3A = vector.broadcast %get3A_17 : vector<1x1024xf32> to vector<512x1024xf32>
    %add3A_18 = arith.addf %dot_general3A_14, %add3A : vector<512x1024xf32>
    %mul3A = arith.constant 2.000000e-01 : f32
    %mul3A_19 = vector.broadcast %mul3A : f32 to vector<512x1024xf32>
    %mul3A_20 = arith.mulf %mul3A_19, %add3A_18 : vector<512x1024xf32>
    %max3A = arith.maximumf %add3A_18, %mul3A_20 : vector<512x1024xf32>
    %get3A_21 = arith.constant 1 : index
    %get3A_22 = arith.constant 0 : index
    %get3A_23 = arith.constant 0 : index
    %get3A_24 = vector.load %arg1[%get3A_21, %get3A_22, %get3A_23] : memref<10x512x512xf32, #tpu.memory_space<vmem>>, vector<1x512x512xf32>
    %get3A_25 = vector.shape_cast %get3A_24 : vector<1x512x512xf32> to vector<512x512xf32>
    %get3A_26 = arith.constant 0 : index
    %get3A_27 = arith.constant 0 : index
    %get3A_28 = vector.load %arg2[%get3A_26, %get3A_27] : memref<512x512xf32, #tpu.memory_space<vmem>>, vector<512x512xf32>
    %sub3A_29 = arith.subf %get3A_25, %get3A_28 : vector<512x512xf32>
    %convert_element_type3A_30 = arith.truncf %sub3A_29 : vector<512x512xf32> to vector<512x512xbf16>
    %concatenate3A_31 = tpu.concatenate %convert_element_type3A, %convert_element_type3A_30 in 1 : vector<512x512xbf16>, vector<512x512xbf16> -> vector<512x1024xbf16>
    %get3A_32 = arith.constant 0 : index
    %get3A_33 = arith.constant 0 : index
    %get3A_34 = vector.load %arg3[%get3A_32, %get3A_33] : memref<1024x1024xbf16, #tpu.memory_space<vmem>>, vector<1024x1024xbf16>
    %dot_general3A_35 = arith.constant dense<0.000000e+00> : vector<512x1024xf32>
    %dot_general3A_36 = tpu.matmul %concatenate3A_31, %get3A_34, %dot_general3A_35 {dimension_numbers = #tpu.dot_dimension_numbers<[1], [0], [0], [1], [0, 0, 1, 1], [], []>, transpose_lhs_hint = false} : vector<512x1024xbf16>, vector<1024x1024xbf16>, vector<512x1024xf32> -> vector<512x1024xf32>
    %get3A_37 = arith.constant 0 : index
    %get3A_38 = arith.constant 0 : index
    %get3A_39 = vector.load %arg4[%get3A_37, %get3A_38] : memref<1x1024xf32, #tpu.memory_space<vmem>>, vector<1x1024xf32>
    %add3A_40 = vector.broadcast %get3A_39 : vector<1x1024xf32> to vector<512x1024xf32>
    %add3A_41 = arith.addf %dot_general3A_36, %add3A_40 : vector<512x1024xf32>
    %mul3A_42 = arith.constant 2.000000e-01 : f32
    %mul3A_43 = vector.broadcast %mul3A_42 : f32 to vector<512x1024xf32>
    %mul3A_44 = arith.mulf %mul3A_43, %add3A_41 : vector<512x1024xf32>
    %max3A_45 = arith.maximumf %add3A_41, %mul3A_44 : vector<512x1024xf32>
    %max3A_46 = arith.maximumf %max3A, %max3A_45 : vector<512x1024xf32>
    %get3A_47 = arith.constant 2 : index
    %get3A_48 = arith.constant 0 : index
    %get3A_49 = arith.constant 0 : index
    %get3A_50 = vector.load %arg1[%get3A_47, %get3A_48, %get3A_49] : memref<10x512x512xf32, #tpu.memory_space<vmem>>, vector<1x512x512xf32>
    %get3A_51 = vector.shape_cast %get3A_50 : vector<1x512x512xf32> to vector<512x512xf32>
    %get3A_52 = arith.constant 0 : index
    %get3A_53 = arith.constant 0 : index
    %get3A_54 = vector.load %arg2[%get3A_52, %get3A_53] : memref<512x512xf32, #tpu.memory_space<vmem>>, vector<512x512xf32>
    %sub3A_55 = arith.subf %get3A_51, %get3A_54 : vector<512x512xf32>
    %convert_element_type3A_56 = arith.truncf %sub3A_55 : vector<512x512xf32> to vector<512x512xbf16>
    %concatenate3A_57 = tpu.concatenate %convert_element_type3A, %convert_element_type3A_56 in 1 : vector<512x512xbf16>, vector<512x512xbf16> -> vector<512x1024xbf16>
    %get3A_58 = arith.constant 0 : index
    %get3A_59 = arith.constant 0 : index
    %get3A_60 = vector.load %arg3[%get3A_58, %get3A_59] : memref<1024x1024xbf16, #tpu.memory_space<vmem>>, vector<1024x1024xbf16>
    %dot_general3A_61 = arith.constant dense<0.000000e+00> : vector<512x1024xf32>
    %dot_general3A_62 = tpu.matmul %concatenate3A_57, %get3A_60, %dot_general3A_61 {dimension_numbers = #tpu.dot_dimension_numbers<[1], [0], [0], [1], [0, 0, 1, 1], [], []>, transpose_lhs_hint = false} : vector<512x1024xbf16>, vector<1024x1024xbf16>, vector<512x1024xf32> -> vector<512x1024xf32>
    %get3A_63 = arith.constant 0 : index
    %get3A_64 = arith.constant 0 : index
    %get3A_65 = vector.load %arg4[%get3A_63, %get3A_64] : memref<1x1024xf32, #tpu.memory_space<vmem>>, vector<1x1024xf32>
    %add3A_66 = vector.broadcast %get3A_65 : vector<1x1024xf32> to vector<512x1024xf32>
    %add3A_67 = arith.addf %dot_general3A_62, %add3A_66 : vector<512x1024xf32>
    %mul3A_68 = arith.constant 2.000000e-01 : f32
    %mul3A_69 = vector.broadcast %mul3A_68 : f32 to vector<512x1024xf32>
    %mul3A_70 = arith.mulf %mul3A_69, %add3A_67 : vector<512x1024xf32>
    %max3A_71 = arith.maximumf %add3A_67, %mul3A_70 : vector<512x1024xf32>
    %max3A_72 = arith.maximumf %max3A_46, %max3A_71 : vector<512x1024xf32>
    %get3A_73 = arith.constant 3 : index
    %get3A_74 = arith.constant 0 : index
    %get3A_75 = arith.constant 0 : index
    %get3A_76 = vector.load %arg1[%get3A_73, %get3A_74, %get3A_75] : memref<10x512x512xf32, #tpu.memory_space<vmem>>, vector<1x512x512xf32>
    %get3A_77 = vector.shape_cast %get3A_76 : vector<1x512x512xf32> to vector<512x512xf32>
    %get3A_78 = arith.constant 0 : index
    %get3A_79 = arith.constant 0 : index
    %get3A_80 = vector.load %arg2[%get3A_78, %get3A_79] : memref<512x512xf32, #tpu.memory_space<vmem>>, vector<512x512xf32>
    %sub3A_81 = arith.subf %get3A_77, %get3A_80 : vector<512x512xf32>
    %convert_element_type3A_82 = arith.truncf %sub3A_81 : vector<512x512xf32> to vector<512x512xbf16>
    %concatenate3A_83 = tpu.concatenate %convert_element_type3A, %convert_element_type3A_82 in 1 : vector<512x512xbf16>, vector<512x512xbf16> -> vector<512x1024xbf16>
    %get3A_84 = arith.constant 0 : index
    %get3A_85 = arith.constant 0 : index
    %get3A_86 = vector.load %arg3[%get3A_84, %get3A_85] : memref<1024x1024xbf16, #tpu.memory_space<vmem>>, vector<1024x1024xbf16>
    %dot_general3A_87 = arith.constant dense<0.000000e+00> : vector<512x1024xf32>
    %dot_general3A_88 = tpu.matmul %concatenate3A_83, %get3A_86, %dot_general3A_87 {dimension_numbers = #tpu.dot_dimension_numbers<[1], [0], [0], [1], [0, 0, 1, 1], [], []>, transpose_lhs_hint = false} : vector<512x1024xbf16>, vector<1024x1024xbf16>, vector<512x1024xf32> -> vector<512x1024xf32>
    %get3A_89 = arith.constant 0 : index
    %get3A_90 = arith.constant 0 : index
    %get3A_91 = vector.load %arg4[%get3A_89, %get3A_90] : memref<1x1024xf32, #tpu.memory_space<vmem>>, vector<1x1024xf32>
    %add3A_92 = vector.broadcast %get3A_91 : vector<1x1024xf32> to vector<512x1024xf32>
    %add3A_93 = arith.addf %dot_general3A_88, %add3A_92 : vector<512x1024xf32>
    %mul3A_94 = arith.constant 2.000000e-01 : f32
    %mul3A_95 = vector.broadcast %mul3A_94 : f32 to vector<512x1024xf32>
    %mul3A_96 = arith.mulf %mul3A_95, %add3A_93 : vector<512x1024xf32>
    %max3A_97 = arith.maximumf %add3A_93, %mul3A_96 : vector<512x1024xf32>
    %max3A_98 = arith.maximumf %max3A_72, %max3A_97 : vector<512x1024xf32>
    %get3A_99 = arith.constant 4 : index
    %get3A_100 = arith.constant 0 : index
    %get3A_101 = arith.constant 0 : index
    %get3A_102 = vector.load %arg1[%get3A_99, %get3A_100, %get3A_101] : memref<10x512x512xf32, #tpu.memory_space<vmem>>, vector<1x512x512xf32>
    %get3A_103 = vector.shape_cast %get3A_102 : vector<1x512x512xf32> to vector<512x512xf32>
    %get3A_104 = arith.constant 0 : index
    %get3A_105 = arith.constant 0 : index
    %get3A_106 = vector.load %arg2[%get3A_104, %get3A_105] : memref<512x512xf32, #tpu.memory_space<vmem>>, vector<512x512xf32>
    %sub3A_107 = arith.subf %get3A_103, %get3A_106 : vector<512x512xf32>
    %convert_element_type3A_108 = arith.truncf %sub3A_107 : vector<512x512xf32> to vector<512x512xbf16>
    %concatenate3A_109 = tpu.concatenate %convert_element_type3A, %convert_element_type3A_108 in 1 : vector<512x512xbf16>, vector<512x512xbf16> -> vector<512x1024xbf16>
    %get3A_110 = arith.constant 0 : index
    %get3A_111 = arith.constant 0 : index
    %get3A_112 = vector.load %arg3[%get3A_110, %get3A_111] : memref<1024x1024xbf16, #tpu.memory_space<vmem>>, vector<1024x1024xbf16>
    %dot_general3A_113 = arith.constant dense<0.000000e+00> : vector<512x1024xf32>
    %dot_general3A_114 = tpu.matmul %concatenate3A_109, %get3A_112, %dot_general3A_113 {dimension_numbers = #tpu.dot_dimension_numbers<[1], [0], [0], [1], [0, 0, 1, 1], [], []>, transpose_lhs_hint = false} : vector<512x1024xbf16>, vector<1024x1024xbf16>, vector<512x1024xf32> -> vector<512x1024xf32>
    %get3A_115 = arith.constant 0 : index
    %get3A_116 = arith.constant 0 : index
    %get3A_117 = vector.load %arg4[%get3A_115, %get3A_116] : memref<1x1024xf32, #tpu.memory_space<vmem>>, vector<1x1024xf32>
    %add3A_118 = vector.broadcast %get3A_117 : vector<1x1024xf32> to vector<512x1024xf32>
    %add3A_119 = arith.addf %dot_general3A_114, %add3A_118 : vector<512x1024xf32>
    %mul3A_120 = arith.constant 2.000000e-01 : f32
    %mul3A_121 = vector.broadcast %mul3A_120 : f32 to vector<512x1024xf32>
    %mul3A_122 = arith.mulf %mul3A_121, %add3A_119 : vector<512x1024xf32>
    %max3A_123 = arith.maximumf %add3A_119, %mul3A_122 : vector<512x1024xf32>
    %max3A_124 = arith.maximumf %max3A_98, %max3A_123 : vector<512x1024xf32>
    %get3A_125 = arith.constant 5 : index
    %get3A_126 = arith.constant 0 : index
    %get3A_127 = arith.constant 0 : index
    %get3A_128 = vector.load %arg1[%get3A_125, %get3A_126, %get3A_127] : memref<10x512x512xf32, #tpu.memory_space<vmem>>, vector<1x512x512xf32>
    %get3A_129 = vector.shape_cast %get3A_128 : vector<1x512x512xf32> to vector<512x512xf32>
    %get3A_130 = arith.constant 0 : index
    %get3A_131 = arith.constant 0 : index
    %get3A_132 = vector.load %arg2[%get3A_130, %get3A_131] : memref<512x512xf32, #tpu.memory_space<vmem>>, vector<512x512xf32>
    %sub3A_133 = arith.subf %get3A_129, %get3A_132 : vector<512x512xf32>
    %convert_element_type3A_134 = arith.truncf %sub3A_133 : vector<512x512xf32> to vector<512x512xbf16>
    %concatenate3A_135 = tpu.concatenate %convert_element_type3A, %convert_element_type3A_134 in 1 : vector<512x512xbf16>, vector<512x512xbf16> -> vector<512x1024xbf16>
    %get3A_136 = arith.constant 0 : index
    %get3A_137 = arith.constant 0 : index
    %get3A_138 = vector.load %arg3[%get3A_136, %get3A_137] : memref<1024x1024xbf16, #tpu.memory_space<vmem>>, vector<1024x1024xbf16>
    %dot_general3A_139 = arith.constant dense<0.000000e+00> : vector<512x1024xf32>
    %dot_general3A_140 = tpu.matmul %concatenate3A_135, %get3A_138, %dot_general3A_139 {dimension_numbers = #tpu.dot_dimension_numbers<[1], [0], [0], [1], [0, 0, 1, 1], [], []>, transpose_lhs_hint = false} : vector<512x1024xbf16>, vector<1024x1024xbf16>, vector<512x1024xf32> -> vector<512x1024xf32>
    %get3A_141 = arith.constant 0 : index
    %get3A_142 = arith.constant 0 : index
    %get3A_143 = vector.load %arg4[%get3A_141, %get3A_142] : memref<1x1024xf32, #tpu.memory_space<vmem>>, vector<1x1024xf32>
    %add3A_144 = vector.broadcast %get3A_143 : vector<1x1024xf32> to vector<512x1024xf32>
    %add3A_145 = arith.addf %dot_general3A_140, %add3A_144 : vector<512x1024xf32>
    %mul3A_146 = arith.constant 2.000000e-01 : f32
    %mul3A_147 = vector.broadcast %mul3A_146 : f32 to vector<512x1024xf32>
    %mul3A_148 = arith.mulf %mul3A_147, %add3A_145 : vector<512x1024xf32>
    %max3A_149 = arith.maximumf %add3A_145, %mul3A_148 : vector<512x1024xf32>
    %max3A_150 = arith.maximumf %max3A_124, %max3A_149 : vector<512x1024xf32>
    %get3A_151 = arith.constant 6 : index
    %get3A_152 = arith.constant 0 : index
    %get3A_153 = arith.constant 0 : index
    %get3A_154 = vector.load %arg1[%get3A_151, %get3A_152, %get3A_153] : memref<10x512x512xf32, #tpu.memory_space<vmem>>, vector<1x512x512xf32>
    %get3A_155 = vector.shape_cast %get3A_154 : vector<1x512x512xf32> to vector<512x512xf32>
    %get3A_156 = arith.constant 0 : index
    %get3A_157 = arith.constant 0 : index
    %get3A_158 = vector.load %arg2[%get3A_156, %get3A_157] : memref<512x512xf32, #tpu.memory_space<vmem>>, vector<512x512xf32>
    %sub3A_159 = arith.subf %get3A_155, %get3A_158 : vector<512x512xf32>
    %convert_element_type3A_160 = arith.truncf %sub3A_159 : vector<512x512xf32> to vector<512x512xbf16>
    %concatenate3A_161 = tpu.concatenate %convert_element_type3A, %convert_element_type3A_160 in 1 : vector<512x512xbf16>, vector<512x512xbf16> -> vector<512x1024xbf16>
    %get3A_162 = arith.constant 0 : index
    %get3A_163 = arith.constant 0 : index
    %get3A_164 = vector.load %arg3[%get3A_162, %get3A_163] : memref<1024x1024xbf16, #tpu.memory_space<vmem>>, vector<1024x1024xbf16>
    %dot_general3A_165 = arith.constant dense<0.000000e+00> : vector<512x1024xf32>
    %dot_general3A_166 = tpu.matmul %concatenate3A_161, %get3A_164, %dot_general3A_165 {dimension_numbers = #tpu.dot_dimension_numbers<[1], [0], [0], [1], [0, 0, 1, 1], [], []>, transpose_lhs_hint = false} : vector<512x1024xbf16>, vector<1024x1024xbf16>, vector<512x1024xf32> -> vector<512x1024xf32>
    %get3A_167 = arith.constant 0 : index
    %get3A_168 = arith.constant 0 : index
    %get3A_169 = vector.load %arg4[%get3A_167, %get3A_168] : memref<1x1024xf32, #tpu.memory_space<vmem>>, vector<1x1024xf32>
    %add3A_170 = vector.broadcast %get3A_169 : vector<1x1024xf32> to vector<512x1024xf32>
    %add3A_171 = arith.addf %dot_general3A_166, %add3A_170 : vector<512x1024xf32>
    %mul3A_172 = arith.constant 2.000000e-01 : f32
    %mul3A_173 = vector.broadcast %mul3A_172 : f32 to vector<512x1024xf32>
    %mul3A_174 = arith.mulf %mul3A_173, %add3A_171 : vector<512x1024xf32>
    %max3A_175 = arith.maximumf %add3A_171, %mul3A_174 : vector<512x1024xf32>
    %max3A_176 = arith.maximumf %max3A_150, %max3A_175 : vector<512x1024xf32>
    %get3A_177 = arith.constant 7 : index
    %get3A_178 = arith.constant 0 : index
    %get3A_179 = arith.constant 0 : index
    %get3A_180 = vector.load %arg1[%get3A_177, %get3A_178, %get3A_179] : memref<10x512x512xf32, #tpu.memory_space<vmem>>, vector<1x512x512xf32>
    %get3A_181 = vector.shape_cast %get3A_180 : vector<1x512x512xf32> to vector<512x512xf32>
    %get3A_182 = arith.constant 0 : index
    %get3A_183 = arith.constant 0 : index
    %get3A_184 = vector.load %arg2[%get3A_182, %get3A_183] : memref<512x512xf32, #tpu.memory_space<vmem>>, vector<512x512xf32>
    %sub3A_185 = arith.subf %get3A_181, %get3A_184 : vector<512x512xf32>
    %convert_element_type3A_186 = arith.truncf %sub3A_185 : vector<512x512xf32> to vector<512x512xbf16>
    %concatenate3A_187 = tpu.concatenate %convert_element_type3A, %convert_element_type3A_186 in 1 : vector<512x512xbf16>, vector<512x512xbf16> -> vector<512x1024xbf16>
    %get3A_188 = arith.constant 0 : index
    %get3A_189 = arith.constant 0 : index
    %get3A_190 = vector.load %arg3[%get3A_188, %get3A_189] : memref<1024x1024xbf16, #tpu.memory_space<vmem>>, vector<1024x1024xbf16>
    %dot_general3A_191 = arith.constant dense<0.000000e+00> : vector<512x1024xf32>
    %dot_general3A_192 = tpu.matmul %concatenate3A_187, %get3A_190, %dot_general3A_191 {dimension_numbers = #tpu.dot_dimension_numbers<[1], [0], [0], [1], [0, 0, 1, 1], [], []>, transpose_lhs_hint = false} : vector<512x1024xbf16>, vector<1024x1024xbf16>, vector<512x1024xf32> -> vector<512x1024xf32>
    %get3A_193 = arith.constant 0 : index
    %get3A_194 = arith.constant 0 : index
    %get3A_195 = vector.load %arg4[%get3A_193, %get3A_194] : memref<1x1024xf32, #tpu.memory_space<vmem>>, vector<1x1024xf32>
    %add3A_196 = vector.broadcast %get3A_195 : vector<1x1024xf32> to vector<512x1024xf32>
    %add3A_197 = arith.addf %dot_general3A_192, %add3A_196 : vector<512x1024xf32>
    %mul3A_198 = arith.constant 2.000000e-01 : f32
    %mul3A_199 = vector.broadcast %mul3A_198 : f32 to vector<512x1024xf32>
    %mul3A_200 = arith.mulf %mul3A_199, %add3A_197 : vector<512x1024xf32>
    %max3A_201 = arith.maximumf %add3A_197, %mul3A_200 : vector<512x1024xf32>
    %max3A_202 = arith.maximumf %max3A_176, %max3A_201 : vector<512x1024xf32>
    %get3A_203 = arith.constant 8 : index
    %get3A_204 = arith.constant 0 : index
    %get3A_205 = arith.constant 0 : index
    %get3A_206 = vector.load %arg1[%get3A_203, %get3A_204, %get3A_205] : memref<10x512x512xf32, #tpu.memory_space<vmem>>, vector<1x512x512xf32>
    %get3A_207 = vector.shape_cast %get3A_206 : vector<1x512x512xf32> to vector<512x512xf32>
    %get3A_208 = arith.constant 0 : index
    %get3A_209 = arith.constant 0 : index
    %get3A_210 = vector.load %arg2[%get3A_208, %get3A_209] : memref<512x512xf32, #tpu.memory_space<vmem>>, vector<512x512xf32>
    %sub3A_211 = arith.subf %get3A_207, %get3A_210 : vector<512x512xf32>
    %convert_element_type3A_212 = arith.truncf %sub3A_211 : vector<512x512xf32> to vector<512x512xbf16>
    %concatenate3A_213 = tpu.concatenate %convert_element_type3A, %convert_element_type3A_212 in 1 : vector<512x512xbf16>, vector<512x512xbf16> -> vector<512x1024xbf16>
    %get3A_214 = arith.constant 0 : index
    %get3A_215 = arith.constant 0 : index
    %get3A_216 = vector.load %arg3[%get3A_214, %get3A_215] : memref<1024x1024xbf16, #tpu.memory_space<vmem>>, vector<1024x1024xbf16>
    %dot_general3A_217 = arith.constant dense<0.000000e+00> : vector<512x1024xf32>
    %dot_general3A_218 = tpu.matmul %concatenate3A_213, %get3A_216, %dot_general3A_217 {dimension_numbers = #tpu.dot_dimension_numbers<[1], [0], [0], [1], [0, 0, 1, 1], [], []>, transpose_lhs_hint = false} : vector<512x1024xbf16>, vector<1024x1024xbf16>, vector<512x1024xf32> -> vector<512x1024xf32>
    %get3A_219 = arith.constant 0 : index
    %get3A_220 = arith.constant 0 : index
    %get3A_221 = vector.load %arg4[%get3A_219, %get3A_220] : memref<1x1024xf32, #tpu.memory_space<vmem>>, vector<1x1024xf32>
    %add3A_222 = vector.broadcast %get3A_221 : vector<1x1024xf32> to vector<512x1024xf32>
    %add3A_223 = arith.addf %dot_general3A_218, %add3A_222 : vector<512x1024xf32>
    %mul3A_224 = arith.constant 2.000000e-01 : f32
    %mul3A_225 = vector.broadcast %mul3A_224 : f32 to vector<512x1024xf32>
    %mul3A_226 = arith.mulf %mul3A_225, %add3A_223 : vector<512x1024xf32>
    %max3A_227 = arith.maximumf %add3A_223, %mul3A_226 : vector<512x1024xf32>
    %max3A_228 = arith.maximumf %max3A_202, %max3A_227 : vector<512x1024xf32>
    %get3A_229 = arith.constant 9 : index
    %get3A_230 = arith.constant 0 : index
    %get3A_231 = arith.constant 0 : index
    %get3A_232 = vector.load %arg1[%get3A_229, %get3A_230, %get3A_231] : memref<10x512x512xf32, #tpu.memory_space<vmem>>, vector<1x512x512xf32>
    %get3A_233 = vector.shape_cast %get3A_232 : vector<1x512x512xf32> to vector<512x512xf32>
    %get3A_234 = arith.constant 0 : index
    %get3A_235 = arith.constant 0 : index
    %get3A_236 = vector.load %arg2[%get3A_234, %get3A_235] : memref<512x512xf32, #tpu.memory_space<vmem>>, vector<512x512xf32>
    %sub3A_237 = arith.subf %get3A_233, %get3A_236 : vector<512x512xf32>
    %convert_element_type3A_238 = arith.truncf %sub3A_237 : vector<512x512xf32> to vector<512x512xbf16>
    %concatenate3A_239 = tpu.concatenate %convert_element_type3A, %convert_element_type3A_238 in 1 : vector<512x512xbf16>, vector<512x512xbf16> -> vector<512x1024xbf16>
    %get3A_240 = arith.constant 0 : index
    %get3A_241 = arith.constant 0 : index
    %get3A_242 = vector.load %arg3[%get3A_240, %get3A_241] : memref<1024x1024xbf16, #tpu.memory_space<vmem>>, vector<1024x1024xbf16>
    %dot_general3A_243 = arith.constant dense<0.000000e+00> : vector<512x1024xf32>
    %dot_general3A_244 = tpu.matmul %concatenate3A_239, %get3A_242, %dot_general3A_243 {dimension_numbers = #tpu.dot_dimension_numbers<[1], [0], [0], [1], [0, 0, 1, 1], [], []>, transpose_lhs_hint = false} : vector<512x1024xbf16>, vector<1024x1024xbf16>, vector<512x1024xf32> -> vector<512x1024xf32>
    %get3A_245 = arith.constant 0 : index
    %get3A_246 = arith.constant 0 : index
    %get3A_247 = vector.load %arg4[%get3A_245, %get3A_246] : memref<1x1024xf32, #tpu.memory_space<vmem>>, vector<1x1024xf32>
    %add3A_248 = vector.broadcast %get3A_247 : vector<1x1024xf32> to vector<512x1024xf32>
    %add3A_249 = arith.addf %dot_general3A_244, %add3A_248 : vector<512x1024xf32>
    %mul3A_250 = arith.constant 2.000000e-01 : f32
    %mul3A_251 = vector.broadcast %mul3A_250 : f32 to vector<512x1024xf32>
    %mul3A_252 = arith.mulf %mul3A_251, %add3A_249 : vector<512x1024xf32>
    %max3A_253 = arith.maximumf %add3A_249, %mul3A_252 : vector<512x1024xf32>
    %max3A_254 = arith.maximumf %max3A_228, %max3A_253 : vector<512x1024xf32>
    %swap3A = arith.constant 0 : index
    %swap3A_255 = arith.constant 0 : index
    %swap3A_256 = vector.load %arg5[%swap3A, %swap3A_255] : memref<512x1024xf32, #tpu.memory_space<vmem>>, vector<512x1024xf32>
    tpu.vector_store %arg5[%swap3A, %swap3A_255], %max3A_254 {strides = array<i32>} : memref<512x1024xf32, #tpu.memory_space<vmem>>, vector<512x1024xf32>,
    return
  }
  func.func @transform_0(%arg0: i32) -> (i32, i32, i32) {
    %c0_i32 = arith.constant 0 : i32
    %c0_i32_0 = arith.constant 0 : i32
    %c0_i32_1 = arith.constant 0 : i32
    return %c0_i32, %arg0, %c0_i32_0 : i32, i32, i32
  }
  func.func @transform_1(%arg0: i32) -> (i32, i32) {
    %c0_i32 = arith.constant 0 : i32
    %c0_i32_0 = arith.constant 0 : i32
    return %arg0, %c0_i32 : i32, i32
  }
  func.func @transform_2(%arg0: i32) -> (i32, i32) {
    %c0_i32 = arith.constant 0 : i32
    %c0_i32_0 = arith.constant 0 : i32
    %c0_i32_1 = arith.constant 0 : i32
    return %c0_i32, %c0_i32_0 : i32, i32
  }
  func.func @transform_3(%arg0: i32) -> (i32, i32) {
    %c0_i32 = arith.constant 0 : i32
    %c0_i32_0 = arith.constant 0 : i32
    %c0_i32_1 = arith.constant 0 : i32
    return %c0_i32, %c0_i32_0 : i32, i32
  }
  func.func @transform_4(%arg0: i32) -> (i32, i32) {
    %c0_i32 = arith.constant 0 : i32
    %c0_i32_0 = arith.constant 0 : i32
    return %arg0, %c0_i32 : i32, i32
  }
}

module attributes {stable_mosaic.version = 14 : i64} {
  func.func @_final_body(%arg0: i32, %arg1: memref<1x2048x1024xf32, #tpu.memory_space<vmem>>, %arg2: memref<1024x128xbf16, #tpu.memory_space<vmem>>, %arg3: memref<128x64xbf16, #tpu.memory_space<vmem>>, %arg4: memref<64x1xbf16, #tpu.memory_space<vmem>>, %arg5: memref<1x128xf32, #tpu.memory_space<vmem>>, %arg6: memref<1x64xf32, #tpu.memory_space<vmem>>, %arg7: memref<1x1xf32, #tpu.memory_space<vmem>>, %arg8: memref<1x1x1xf32, #tpu.memory_space<vmem>>) attributes {dimension_semantics = [#tpu.dimension_semantics<arbitrary>], iteration_bounds = array<i64: 4>, scalar_prefetch = 0 : i64, scratch_operands = 0 : i64, tpu.core_type = #tpu.core_type<tc>, window_params = [{transform_indices = @transform_0, window_bounds = array<i64: 1, 2048, 1024>}, {pipeline_mode = #tpu.pipeline_mode<synchronous>, transform_indices = @transform_1, window_bounds = array<i64: 1024, 128>}, {pipeline_mode = #tpu.pipeline_mode<synchronous>, transform_indices = @transform_2, window_bounds = array<i64: 128, 64>}, {pipeline_mode = #tpu.pipeline_mode<synchronous>, transform_indices = @transform_3, window_bounds = array<i64: 64, 1>}, {pipeline_mode = #tpu.pipeline_mode<synchronous>, transform_indices = @transform_4, window_bounds = array<i64: 1, 128>}, {pipeline_mode = #tpu.pipeline_mode<synchronous>, transform_indices = @transform_5, window_bounds = array<i64: 1, 64>}, {pipeline_mode = #tpu.pipeline_mode<synchronous>, transform_indices = @transform_6, window_bounds = array<i64: 1, 1>}, {transform_indices = @transform_7, window_bounds = array<i64: 1, 1, 1>}]} {
    %get3A = arith.constant 0 : index
    %get3A_0 = arith.constant 0 : index
    %get3A_1 = arith.constant 0 : index
    %get3A_2 = vector.load %arg1[%get3A, %get3A_0, %get3A_1] : memref<1x2048x1024xf32, #tpu.memory_space<vmem>>, vector<1x2048x1024xf32>
    %get3A_3 = vector.shape_cast %get3A_2 : vector<1x2048x1024xf32> to vector<2048x1024xf32>
    %reduce_max3A = arith.constant dense<0xFF800000> : vector<1024xf32>
    %reduce_max3A_4 = vector.multi_reduction <maximumf>, %get3A_3, %reduce_max3A [0] : vector<2048x1024xf32> to vector<1024xf32>
    %broadcast_in_dim3A = vector.shape_cast %reduce_max3A_4 : vector<1024xf32> to vector<1x1024xf32>
    %convert_element_type3A = arith.truncf %broadcast_in_dim3A : vector<1x1024xf32> to vector<1x1024xbf16>
    %get3A_5 = arith.constant 0 : index
    %get3A_6 = arith.constant 0 : index
    %get3A_7 = vector.load %arg2[%get3A_5, %get3A_6] : memref<1024x128xbf16, #tpu.memory_space<vmem>>, vector<1024x128xbf16>
    %dot_general3A = arith.constant dense<0.000000e+00> : vector<1x128xf32>
    %dot_general3A_8 = tpu.matmul %convert_element_type3A, %get3A_7, %dot_general3A {dimension_numbers = #tpu.dot_dimension_numbers<[1], [0], [0], [1], [0, 0, 1, 1], [], []>, transpose_lhs_hint = false} : vector<1x1024xbf16>, vector<1024x128xbf16>, vector<1x128xf32> -> vector<1x128xf32>
    %get3A_9 = arith.constant 0 : index
    %get3A_10 = arith.constant 0 : index
    %get3A_11 = vector.load %arg5[%get3A_9, %get3A_10] : memref<1x128xf32, #tpu.memory_space<vmem>>, vector<1x128xf32>
    %add3A = arith.addf %dot_general3A_8, %get3A_11 : vector<1x128xf32>
    %convert_element_type3A_12 = arith.truncf %add3A : vector<1x128xf32> to vector<1x128xbf16>
    %get3A_13 = arith.constant 0 : index
    %get3A_14 = arith.constant 0 : index
    %get3A_15 = vector.load %arg3[%get3A_13, %get3A_14] : memref<128x64xbf16, #tpu.memory_space<vmem>>, vector<128x64xbf16>
    %dot_general3A_16 = arith.constant dense<0.000000e+00> : vector<1x64xf32>
    %dot_general3A_17 = tpu.matmul %convert_element_type3A_12, %get3A_15, %dot_general3A_16 {dimension_numbers = #tpu.dot_dimension_numbers<[1], [0], [0], [1], [0, 0, 1, 1], [], []>, transpose_lhs_hint = false} : vector<1x128xbf16>, vector<128x64xbf16>, vector<1x64xf32> -> vector<1x64xf32>
    %get3A_18 = arith.constant 0 : index
    %get3A_19 = arith.constant 0 : index
    %get3A_20 = vector.load %arg6[%get3A_18, %get3A_19] : memref<1x64xf32, #tpu.memory_space<vmem>>, vector<1x64xf32>
    %add3A_21 = arith.addf %dot_general3A_17, %get3A_20 : vector<1x64xf32>
    %convert_element_type3A_22 = arith.truncf %add3A_21 : vector<1x64xf32> to vector<1x64xbf16>
    %get3A_23 = arith.constant 0 : index
    %get3A_24 = arith.constant 0 : index
    %get3A_25 = vector.load %arg4[%get3A_23, %get3A_24] : memref<64x1xbf16, #tpu.memory_space<vmem>>, vector<64x1xbf16>
    %dot_general3A_26 = arith.constant dense<0.000000e+00> : vector<1x1xf32>
    %dot_general3A_27 = tpu.matmul %convert_element_type3A_22, %get3A_25, %dot_general3A_26 {dimension_numbers = #tpu.dot_dimension_numbers<[1], [0], [0], [1], [0, 0, 1, 1], [], []>, transpose_lhs_hint = false} : vector<1x64xbf16>, vector<64x1xbf16>, vector<1x1xf32> -> vector<1x1xf32>
    %get3A_28 = arith.constant 0 : index
    %get3A_29 = arith.constant 0 : index
    %get3A_30 = vector.load %arg7[%get3A_28, %get3A_29] : memref<1x1xf32, #tpu.memory_space<vmem>>, vector<1x1xf32>
    %add3A_31 = arith.addf %dot_general3A_27, %get3A_30 : vector<1x1xf32>
    %swap3A = arith.constant 0 : index
    %swap3A_32 = arith.constant 0 : index
    %swap3A_33 = arith.constant 0 : index
    %swap3A_34 = vector.load %arg8[%swap3A, %swap3A_32, %swap3A_33] : memref<1x1x1xf32, #tpu.memory_space<vmem>>, vector<1x1x1xf32>
    %swap3A_35 = vector.shape_cast %swap3A_34 : vector<1x1x1xf32> to vector<1x1xf32>
    %swap3A_36 = vector.shape_cast %add3A_31 : vector<1x1xf32> to vector<1x1x1xf32>
    tpu.vector_store %arg8[%swap3A, %swap3A_32, %swap3A_33], %swap3A_36 {strides = array<i32>} : memref<1x1x1xf32, #tpu.memory_space<vmem>>, vector<1x1x1xf32>,
    return
  }
  func.func @transform_0(%arg0: i32) -> (i32, i32, i32) {
    %c0_i32 = arith.constant 0 : i32
    %c0_i32_0 = arith.constant 0 : i32
    %c0_i32_1 = arith.constant 0 : i32
    return %arg0, %c0_i32, %c0_i32_0 : i32, i32, i32
  }
  func.func @transform_1(%arg0: i32) -> (i32, i32) {
    %c0_i32 = arith.constant 0 : i32
    %c0_i32_0 = arith.constant 0 : i32
    %c0_i32_1 = arith.constant 0 : i32
    return %c0_i32, %c0_i32_0 : i32, i32
  }
  func.func @transform_2(%arg0: i32) -> (i32, i32) {
    %c0_i32 = arith.constant 0 : i32
    %c0_i32_0 = arith.constant 0 : i32
    %c0_i32_1 = arith.constant 0 : i32
    return %c0_i32, %c0_i32_0 : i32, i32
  }
  func.func @transform_3(%arg0: i32) -> (i32, i32) {
    %c0_i32 = arith.constant 0 : i32
    %c0_i32_0 = arith.constant 0 : i32
    %c0_i32_1 = arith.constant 0 : i32
    return %c0_i32, %c0_i32_0 : i32, i32
  }
  func.func @transform_4(%arg0: i32) -> (i32, i32) {
    %c0_i32 = arith.constant 0 : i32
    %c0_i32_0 = arith.constant 0 : i32
    %c0_i32_1 = arith.constant 0 : i32
    return %c0_i32, %c0_i32_0 : i32, i32
  }
  func.func @transform_5(%arg0: i32) -> (i32, i32) {
    %c0_i32 = arith.constant 0 : i32
    %c0_i32_0 = arith.constant 0 : i32
    %c0_i32_1 = arith.constant 0 : i32
    return %c0_i32, %c0_i32_0 : i32, i32
  }
  func.func @transform_6(%arg0: i32) -> (i32, i32) {
    %c0_i32 = arith.constant 0 : i32
    %c0_i32_0 = arith.constant 0 : i32
    %c0_i32_1 = arith.constant 0 : i32
    return %c0_i32, %c0_i32_0 : i32, i32
  }
  func.func @transform_7(%arg0: i32) -> (i32, i32, i32) {
    %c0_i32 = arith.constant 0 : i32
    %c0_i32_0 = arith.constant 0 : i32
    %c0_i32_1 = arith.constant 0 : i32
    return %arg0, %c0_i32, %c0_i32_0 : i32, i32, i32
  }
}

</mosaic_0001>

<sc_bundles>
// kernel: kernel.18.cloned.1.call-start
scs
__scs_entry_jumppad:
0x0: {  	(pc) =	sbr.rel $0x88, $3  }
0x1: {  	(tag) =	ssettag $0x0;
	lr =	simm.s32 $0x1  }
0x2: {  	[smem:$0x3F90] =	sst lr;
	_ =	strace $0xD0000000  }
0x3: {  	_ = 	snop  }
0x4: {  	_ = 	snop  }
0x5: {  	_ = 	snop  }
0x6: {  	_ = 	snop  }
0x7: {  	_ = 	snop  }
__scs_overlays_trampoline_lowered:
0x8: {  	[smem:$0x3F9F] =	sst s0  }
0x9: {  	[smem:$0x3FA0] =	sst s1  }
0xa: {  	[smem:$0x3FA1] =	sst s2  }
0xb: {  	[smem:$0x3FA2] =	sst s3  }
0xc: {  	[smem:$0x3FA3] =	sst s4  }
0xd: {  	[smem:$0x3FA4] =	sst s5  }
0xe: {  	[smem:$0x3FA5] =	sst s6  }
0xf: {  	[smem:$0x3FA6] =	sst s7  }
0x10: {  	[smem:$0x3FA7] =	sst s8  }
0x11: {  	[smem:$0x3FA8] =	sst s9;
	s0 =	simm.s32 @!p0 $0x0  }
0x12: {  	s1 =	sld [smem:$0x3F8E];
	s0 =	simm.s32 @p0 $0x1  }
0x13: {  	[smem:$0x3FA9] =	sst s0;
	s0 =	simm.s32 @!p1 $0x0  }
0x14: {  	s2 =	sld [smem:$0x3F8D];
	s0 =	simm.s32 @p1 $0x1  }
0x15: {  	[smem:$0x3FAA] =	sst s0;
	s0 =	simm.s32 @!p2 $0x0  }
0x16: {  	s3 =	sld [smem:$0x3FDB];
	s0 =	simm.s32 @p2 $0x1  }
0x17: {  	s4 =	simm.s32 $0x1BF5;
	[smem:$0x3FAC] =	sst s0  }
0x18: {  	s0 =	sld [smem:$0x3F8F];
	_ =	swait.ge [sflag:s4], $0x0  }
0x19: {  	s7 =	sld [smem:$0x3F90]  }
0x1a: {  	s8 =	sadd.s32 $0xFFFFE003, lr  }
0x1b: {  	s9 =	sadd.s32 $0xFFFFFEF7, lr;
	s5 =	simm.s32 $0xFFFFFFFF;
	p2 =	slt.u32 s8, $0xFFFFF086  }
0x1c: {  	p1 =	slt.u32 s9, $0xF7A;
	s5 =	simm.s32 @!p2 $0x0  }
0x1d: {  	s5 =	simm.s32 @p1 $0x1;
	p0 =	seq.s32 s7, s2  }
0x1e: {  	s7 =	smul.u32 @!p0 $0xF7A, s2;
	p2 =	seq.s32 @!p0 s5, $0x0  }
0x1f: {  	s9 =	smul.u32 $0xF7A, s1;
	s8 =	simm.s32 @!p0 $0x1BF5;
	p2 =	por !p2, p0  }
0x20: {  	[sflag:s8] =	ssyncset.s32 @!p0 $0xFFFFF086;
	s6 =	sadd.s32 @!p0 s3, s7;
	s7 =	simm.s32 @!p0 $0x108  }
0x21: {  	s3 =	sadd.s32 s3, s9;
	s6 =	sadd.s32 @!p0 $0x88, s6;
	s7 =	simm.s32 @p2 $0x1082  }
0x22: {  	[simem:s7], [sflag:s8] =	dma.local @!p0 [hbm:s6], $0xF7A  }
0x23: {  	s9 =	sor.u32 $0xD0000000, s2;
	s6 =	simm.s32 $0x108;
	_ =	swait.ge @!p0 [sflag:s8], $0x0  }
0x24: {  	s3 =	sadd.s32 $0x88, s3;
	s6 =	simm.s32 @!p1 $0x1082;
	[sflag:s4] =	ssyncset.s32 $0xFFFFF086  }
0x25: {  	[simem:s6], [sflag:s4] =	dma.local [hbm:s3], $0xF7A  }
0x26: {  	[smem:$0x3F90] =	sst s1;
	(tag) =	ssettag s2;
	_ =	strace s9  }
0x27: {  	s1 =	sld [smem:$0x3FA0]  }
0x28: {  	s2 =	sld [smem:$0x3FA1]  }
0x29: {  	s4 =	sld [smem:$0x3FA3]  }
0x2a: {  	p0 =	seq.s32 s5, $0x0;
	s5 =	sld [smem:$0x3FA4]  }
0x2b: {  	s6 =	sld [smem:$0x3FA5]  }
0x2c: {  	s7 =	sld [smem:$0x3FA6]  }
0x2d: {  	s3 =	simm.s32 $0x108;
	s8 =	sld [smem:$0x3FA7]  }
0x2e: {  	s3 =	simm.s32 @!p0 $0x1082;
	s9 =	sld [smem:$0x3FA8]  }
0x2f: {  	lr =	sadd.s32 s0, s3;
	s0 =	sld [smem:$0x3F9F]  }
0x30: {  	s3 =	sld [smem:$0x3FA2]  }
0x31: {  	[smem:$0x3FAB] =	sst s10  }
0x32: {  	s10 =	sld [smem:$0x3FA9];
	_ =	sdelay $0x3  }
0x33: {  	p0 =	seq.s32 s10, $0x1;
	s10 =	sld [smem:$0x3FAB];
	_ =	sdelay $0x3  }
0x34: {  	[smem:$0x3FAB] =	sst s10  }
0x35: {  	s10 =	sld [smem:$0x3FAA];
	_ =	sdelay $0x3  }
0x36: {  	p1 =	seq.s32 s10, $0x1;
	s10 =	sld [smem:$0x3FAB];
	_ =	sdelay $0x3  }
0x37: {  	[smem:$0x3FAB] =	sst s10  }
0x38: {  	s10 =	sld [smem:$0x3FAC]  }
0x39: {  	_ = 	snop;
	(pc) =	sbr.ind lr, $3  }
0x3a: {  	_ = 	snop  }
0x3b: {  	_ = 	snop  }
0x3c: {  	p2 =	seq.s32 s10, $0x1;
	s10 =	sld [smem:$0x3FAB]  }
0x3d: {  	_ =	shalt  }
0x3e: {  	_ =	shalt  }
0x3f: {  	_ =	shalt  }
0x40: {  	_ =	shalt  }
0x41: {  	_ =	shalt  }
0x42: {  	_ =	shalt  }
0x43: {  	_ =	shalt  }
0x44: {  	_ =	shalt  }
0x45: {  	_ =	shalt  }
0x46: {  	_ =	shalt  }
0x47: {  	_ =	shalt  }
0x48: {  	_ =	shalt  }
0x49: {  	_ =	shalt  }
0x4a: {  	_ =	shalt  }
0x4b: {  	_ =	shalt  }
0x4c: {  	_ =	shalt  }
0x4d: {  	_ =	shalt  }
0x4e: {  	_ =	shalt  }
0x4f: {  	_ =	shalt  }
0x50: {  	_ =	shalt  }
0x51: {  	_ =	shalt  }
0x52: {  	_ =	shalt  }
0x53: {  	_ =	shalt  }
0x54: {  	_ =	shalt  }
0x55: {  	_ =	shalt  }
0x56: {  	_ =	shalt  }
0x57: {  	_ =	shalt  }
0x58: {  	_ =	shalt  }
0x59: {  	_ =	shalt  }
0x5a: {  	_ =	shalt  }
0x5b: {  	_ =	shalt  }
0x5c: {  	_ =	shalt  }
0x5d: {  	_ =	shalt  }
0x5e: {  	_ =	shalt  }
0x5f: {  	_ =	shalt  }
0x60: {  	_ =	shalt  }
0x61: {  	_ =	shalt  }
0x62: {  	_ =	shalt  }
0x63: {  	_ =	shalt  }
0x64: {  	_ =	shalt  }
0x65: {  	_ =	shalt  }
0x66: {  	_ =	shalt  }
0x67: {  	_ =	shalt  }
0x68: {  	_ =	shalt  }
0x69: {  	_ =	shalt  }
0x6a: {  	_ =	shalt  }
0x6b: {  	_ =	shalt  }
0x6c: {  	_ =	shalt  }
0x6d: {  	_ =	shalt  }
0x6e: {  	_ =	shalt  }
0x6f: {  	_ =	shalt  }
0x70: {  	_ =	shalt  }
0x71: {  	_ =	shalt  }
0x72: {  	_ =	shalt  }
0x73: {  	_ =	shalt  }
0x74: {  	_ =	shalt  }
0x75: {  	_ =	shalt  }
0x76: {  	_ =	shalt  }
0x77: {  	_ =	shalt  }
0x78: {  	_ =	shalt  }
0x79: {  	_ =	shalt  }
0x7a: {  	_ =	shalt  }
0x7b: {  	_ =	shalt  }
0x7c: {  	_ =	shalt  }
0x7d: {  	_ =	shalt  }
0x7e: {  	_ =	shalt  }
0x7f: {  	_ =	shalt  }
0x80: {  	_ =	shalt  }
0x81: {  	_ =	shalt  }
0x82: {  	_ =	shalt  }
0x83: {  	_ =	shalt  }
0x84: {  	_ =	shalt  }
0x85: {  	_ =	shalt  }
0x86: {  	_ =	shalt  }
0x87: {  	_ =	shalt  }
.Lfunc_end0:
.L_simem_size_0:
called_computation_lowered:
.L_overlay_start_0:
0x88: {  	s2 =	sld [smem:$0x3FD9]  }
0x89: {  	s3 =	sld [smem:$0x3FFE];
	_ =	sdelay $0x1  }
0x8a: {  	s1 =	srdreg.scid  }
0x8b: {  	s0 =	sand.u32 $0x1, s1  }
0x8c: {  	s16 =	sshll.u32 s0, $0xA;
	s2 =	sadd.s32 s3, s2  }
0x8d: {  	s2 =	sadd.s32 s2, s16  }
0x8e: {  	[smem:$0x3FB7] =	sst s2  }
0x8f: {  	_ = 	snop  }
0x90: {  	(tm) =	ssettm $0x1  }
0x91: {  	s17 =	sld [smem:$0x3FFB];
	_ =	sdelay $0x3  }
0x92: {  	_ =	strace s17  }
0x93: {  	s2 =	sld [smem:$0x3FFC];
	_ =	sdelay $0x3  }
0x94: {  	_ =	strace s2  }
0x95: {  	s2 =	sld [smem:$0x3FFD];
	_ =	sdelay $0x3  }
0x96: {  	_ =	strace s2  }
0x97: {  	_ =	strace $0x8FFFFFFF  }
0x98: {  	s18 =	sld [smem:$0x3FDB];
	_ =	sdelay $0x1  }
0x99: {  	s19 =	simm.s32 $_scs_section_size  }
0x9a: {  	s4 =	simm.s32 $_size__tile_overlayer_lowered;
	s5 =	simm.s32 $_tile_overlayer_lowered  }
0x9b: {  	s22 =	simm.s32 $0x1BFF;
	s21 =	sshll.u32 s5, $0x1;
	s2 =	sadd.s32 s19, s18  }
0x9c: {  	s6 =	simm.s32 $0x0;
	s20 =	sshll.u32 s4, $0x1;
	s4 =	sadd.s32 s21, s2  }
0x9d: {  	[timem:s6], [sflag:s22] =	dma.local [hbm:s4], s20  }
0x9e: {  	_ =	swait.ge [sflag:s22], s20  }
0x9f: {  	s3 =	ssub.s32 $0x0, s20;
	[sflag:s22] =	ssyncset.done $0x0  }
0xa0: {  	[sflag:s22] =	ssyncadd.s32 s3;
	_ =	sdelay $0x1  }
0xa1: {  	s23 =	simm.s32 $0x1B8B  }
0xa2: {  	_ =	swait.ge [sflag:s23], $0x1  }
0xa3: {  	[sflag:s23] =	ssyncset.done $0x0  }
0xa4: {  	s25 =	simm.s32 $0x1B8E;
	s24 =	sld [smem:$0x3FFE];
	[sflag:s23] =	ssyncadd.s32 $0xFFFFFFFF  }
0xa5: {  	s26 =	simm.s32 $execute0_lowered;
	[smem:$0x3FD2] =	sst s25  }
0xa6: {  	s4 =	sshll.u32 s26, $0x1;
	_ =	strace $0x80000046;
	[dreg:$0x1] =	wrdreg $0xFFFFFFFF  }
0xa7: {  	s28 =	simm.s32 $_size_execute0_lowered;
	s2 =	sadd.s32 s2, s4;
	[dreg:$0x0] =	wrdreg $0x0  }
0xa8: {  	s4 =	sshll.u32 s28, $0x1;
	[dreg:$0x2] =	wrdreg s2  }
0xa9: {  	[dreg:$0x3] =	wrdreg s4  }
0xaa: {  	[dreg:$0x4] =	wrdreg $0xC0  }
0xab: {  	_ =	task [dreg:s6], $0x5FFFF  }
0xac: {  	[dreg:$0x1] =	wrdreg $0xFFFFFFFF  }
0xad: {  	[dreg:$0x0] =	wrdreg $0x60  }
0xae: {  	[dreg:$0x2] =	wrdreg s24  }
0xaf: {  	[dreg:$0x3] =	wrdreg $0x9  }
0xb0: {  	_ =	task.clear_ibuf [dreg:s6], $0x4FFFF;
	_ =	strace $0x90000046  }
0xb1: {  	s29 =	simm.s32 $0x9;
	_ =	strace $0x80000048  }
0xb2: {  	_ =	swait.ge [sflag:s29], $0x1  }
0xb3: {  	[sflag:s29] =	ssyncadd.s32 $0xFFFFFFFF  }
0xb4: {  	_ =	strace $0x90000048  }
0xb5: {  	_ =	sfence  }
0xb6: {  	s30 =	sld [smem:$0x0];
	_ =	sdelay $0x2  }
0xb7: {  	s31 =	sshll.u32 s1, $0xD;
	s1 =	sshrl.u32 s1, $0x2  }
0xb8: {  	s3 =	sand.u32 $0x4000, s31;
	s1 =	sadd.s32 s1, s30  }
0xb9: {  	s0 =	sor.u32 s3, s0;
	s1 =	sshll.u32 s1, $0x11  }
0xba: {  	s0 =	sor.u32 s1, s0  }
0xbb: {  	s0 =	sadd.s32 $0x8F2B, s0  }
0xbc: {  	[sflag:s0] =	ssyncadd.remote.s32 $0x1  }
0xbd: {  	_ =	sfence.sel $0xFFFF  }
0xbe: {  	[dreg:$0x0] =	wrdreg $0xFFFFFFFF;
	(pc) =	sbr.abs _section_cstart, $3  }
0xbf: {  	[dreg:$0x1] =	wrdreg $0xFFFFFFFF  }
0xc0: {  	_ =	task.clear_ibuf [dreg:s6], $0x2FFFF;
	_ =	strace $0x9FFFFFFF  }
0xc1: {  	(tm) =	ssettm $0x7FFFFFFF  }
tec
execute0_lowered:
.L_overlay_start_1:
0x0: {  	(tag) =	ssettag $0x1  }
0x1: {  	s1 =	srdreg.scid  }
0x2: {  	s0 =	stileid.u32;
	s4 =	rddreg [dreg:$0x0];
	s2 =	simm.s32 $0x0  }
0x3: {  	s13 =	simm.s32 $0xA00;
	s14 =	simm.s32 $0x4A00;
	s15 =	simm.s32 $0x100  }
0x4: {  	s16 =	simm.s32 $0x8A00;
	s17 =	simm.s32 $0xCA00;
	s18 =	simm.s32 $0x1  }
0x5: {  	s19 =	simm.s32 $0x2;
	s20 =	simm.s32 $0x3;
	s21 =	simm.s32 $0x4  }
0x6: {  	s22 =	simm.s32 $0x980;
	s23 =	simm.s32 $0x0;
	s7 =	sand.u32 $0x1, s1  }
0x7: {  	s31 =	sshll.u32 s0, $0x1;
	s1 =	rddreg [dreg:$0x1];
	s11 =	smul.u32 $0x14000, s0  }
0x8: {  	[smem:$0x7FF] =	sst s2;
	s3 =	sor.u32 s7, s31;
	s12 =	smul.u32 $0xA000, s7  }
0x9: {  	s10 =	sadd.s32 $0x27A00, s4;
	s6 =	ssub.s32 $0x2, s7;
	s5 =	smul.u32 $0xA00, s3  }
0xa: {  	_ =	strace $0x80000047;
	s8 =	sshrl.u32 s6, $0x1;
	s9 =	smul.u32 $0xA000, s3  }
0xb: {  	s3 =	sadd.s32 $0x5200, s4;
	s6 =	ssub.s32 s6, s8;
	s5 =	sshrl.u32 s5, $0x3  }
0xc: {  	s9 =	sadd.s32 s10, s9;
	s10 =	sadd.s32 s11, s10;
	s11 =	simm.s32 $0x5  }
0xd: {  	s5 =	sadd.s32 s5, s4;
	s7 =	sadd.s32 $0x8800, s9;
	s8 =	sadd.s32 $0x9000, s9  }
0xe: {  	s10 =	sadd.s32 s12, s10;
	s12 =	simm.s32 $0x80;
	s4 =	sadd.s32 $0x25200, s5  }
0xf: {  	s5 =	smax.u32 s6, $0x1;
	s6 =	sadd.s32 $0x8000, s9;
	s9 =	sadd.s32 $0x9800, s9  }
.LBB2_1:
0x10: {  	[tilespmem:s2], [sflag:$0x5] =	stream.linear.gather [hbm4b:s4+s2], $0xA00, $0x38;
	[tilespmem:$0x10A00] =	vst v63  }
0x11: {  	_ =	swait.ge [sflag:s11], $0xA00  }
0x12: {  	[sflag:s11] =	ssyncset.done $0x0  }
0x13: {  	[sflag:s11] =	ssyncadd.s32 $0xFFFFF600  }
0x14: {  	[tilespmem:s13], [sflag:$0x1] =	stream.indirect.gather [hbm4b:s3+s12], $0x80, s2, s12, $0xb8;
	[tilespmem:$0x10A00] =	vst v63  }
0x15: {  	_ = 	snop  }
0x16: {  	[tilespmem:s14], [sflag:$0x2] =	stream.indirect.gather [hbm4b:s3+s12], $0x80, s12, s12, $0xb8;
	[tilespmem:$0x10A00] =	vst v63  }
0x17: {  	_ = 	snop  }
0x18: {  	[tilespmem:s16], [sflag:$0x3] =	stream.indirect.gather [hbm4b:s3+s12], $0x80, s15, s12, $0xb8;
	[tilespmem:$0x10A00] =	vst v63  }
0x19: {  	s24 =	simm.s32 $0x180  }
0x1a: {  	[tilespmem:s17], [sflag:$0x4] =	stream.indirect.gather [hbm4b:s3+s12], $0x80, s24, s12, $0xb8;
	[tilespmem:$0x10A00] =	vst v63  }
0x1b: {  	_ =	swait.ge [sflag:s18], $0x4000  }
0x1c: {  	[sflag:s18] =	ssyncset.done $0x0  }
0x1d: {  	s26 =	sadd.s32 $0x0, s10;
	[sflag:s18] =	ssyncadd.s32 $0xFFFFC000  }
0x1e: {  	[hbm4b:s26+s2] =	stream.linear.scatter [tilespmem:s13], [sflag:$0x5], $0x4000, $0x38;
	[tilespmem:$0x10A00] =	vst v63  }
0x1f: {  	_ =	swait.ge [sflag:s11], $0x4000  }
0x20: {  	[sflag:s11] =	ssyncset.done $0x0  }
0x21: {  	s25 =	simm.s32 $0x200;
	[sflag:s11] =	ssyncadd.s32 $0xFFFFC000  }
0x22: {  	[tilespmem:s13], [sflag:$0x1] =	stream.indirect.gather [hbm4b:s3+s12], $0x80, s25, s12, $0xb8;
	[tilespmem:$0x10A00] =	vst v63  }
0x23: {  	_ =	swait.ge [sflag:s19], $0x4000  }
0x24: {  	[sflag:s19] =	ssyncset.done $0x0  }
0x25: {  	s28 =	sadd.s32 $0x800, s26;
	[sflag:s19] =	ssyncadd.s32 $0xFFFFC000  }
0x26: {  	[hbm4b:s28+s2] =	stream.linear.scatter [tilespmem:s14], [sflag:$0x5], $0x4000, $0x38;
	[tilespmem:$0x10A00] =	vst v63  }
0x27: {  	_ =	swait.ge [sflag:s11], $0x4000  }
0x28: {  	[sflag:s11] =	ssyncset.done $0x0  }
0x29: {  	s29 =	simm.s32 $0x280;
	[sflag:s11] =	ssyncadd.s32 $0xFFFFC000  }
0x2a: {  	[tilespmem:s14], [sflag:$0x2] =	stream.indirect.gather [hbm4b:s3+s12], $0x80, s29, s12, $0xb8;
	[tilespmem:$0x10A00] =	vst v63  }
0x2b: {  	_ =	swait.ge [sflag:s20], $0x4000  }
0x2c: {  	[sflag:s20] =	ssyncset.done $0x0  }
0x2d: {  	s30 =	sadd.s32 $0x1000, s26;
	[sflag:s20] =	ssyncadd.s32 $0xFFFFC000  }
0x2e: {  	[hbm4b:s30+s2] =	stream.linear.scatter [tilespmem:s16], [sflag:$0x5], $0x4000, $0x38;
	[tilespmem:$0x10A00] =	vst v63  }
0x2f: {  	_ =	swait.ge [sflag:s11], $0x4000  }
0x30: {  	[sflag:s11] =	ssyncset.done $0x0  }
0x31: {  	s31 =	simm.s32 $0x300;
	[sflag:s11] =	ssyncadd.s32 $0xFFFFC000  }
0x32: {  	[tilespmem:s16], [sflag:$0x3] =	stream.indirect.gather [hbm4b:s3+s12], $0x80, s31, s12, $0xb8;
	[tilespmem:$0x10A00] =	vst v63  }
0x33: {  	_ =	swait.ge [sflag:s21], $0x4000  }
0x34: {  	[sflag:s21] =	ssyncset.done $0x0  }
0x35: {  	s24 =	sadd.s32 $0x1800, s26;
	[sflag:s21] =	ssyncadd.s32 $0xFFFFC000  }
0x36: {  	[hbm4b:s24+s2] =	stream.linear.scatter [tilespmem:s17], [sflag:$0x5], $0x4000, $0x38;
	[tilespmem:$0x10A00] =	vst v63  }
0x37: {  	s26 =	simm.s32 $0x4000;
	_ =	swait.ge [sflag:s11], $0x4000  }
0x38: {  	s25 =	simm.s32 $0x2000;
	s24 =	simm.s32 $0x500;
	[sflag:s11] =	ssyncset.done $0x0  }
.LBB2_2:
0x39: {  	p0 =	sne.s32 s26, $0x6000;
	s28 =	sadd.s32 $0xFFFFFE80, s24;
	[sflag:s11] =	ssyncadd.s32 $0xFFFFC000  }
0x3a: {  	[tilespmem:s17], [sflag:$0x4] =	stream.indirect.gather [hbm4b:s3+s12], $0x80, s28, s12, $0xb8;
	[tilespmem:$0x10A00] =	vst v63  }
0x3b: {  	s28 =	smov.u32 s26;
	s26 =	sadd.s32 $0x2000, s26;
	_ =	swait.ge [sflag:s18], $0x4000  }
0x3c: {  	[sflag:s18] =	ssyncset.done $0x0  }
0x3d: {  	s29 =	sadd.s32 s25, s10;
	s25 =	smov.u32 s28;
	[sflag:s18] =	ssyncadd.s32 $0xFFFFC000  }
0x3e: {  	[hbm4b:s29+s2] =	stream.linear.scatter [tilespmem:s13], [sflag:$0x5], $0x4000, $0x38;
	[tilespmem:$0x10A00] =	vst v63  }
0x3f: {  	_ =	swait.ge [sflag:s11], $0x4000  }
0x40: {  	[sflag:s11] =	ssyncset.done $0x0  }
0x41: {  	s28 =	sadd.s32 $0xFFFFFF00, s24;
	[sflag:s11] =	ssyncadd.s32 $0xFFFFC000  }
0x42: {  	[tilespmem:s13], [sflag:$0x1] =	stream.indirect.gather [hbm4b:s3+s12], $0x80, s28, s12, $0xb8;
	[tilespmem:$0x10A00] =	vst v63  }
0x43: {  	_ =	swait.ge [sflag:s19], $0x4000  }
0x44: {  	[sflag:s19] =	ssyncset.done $0x0  }
0x45: {  	s28 =	sadd.s32 $0x800, s29;
	[sflag:s19] =	ssyncadd.s32 $0xFFFFC000  }
0x46: {  	[hbm4b:s28+s2] =	stream.linear.scatter [tilespmem:s14], [sflag:$0x5], $0x4000, $0x38;
	[tilespmem:$0x10A00] =	vst v63  }
0x47: {  	_ =	swait.ge [sflag:s11], $0x4000  }
0x48: {  	[sflag:s11] =	ssyncset.done $0x0  }
0x49: {  	s28 =	sadd.s32 $0xFFFFFF80, s24;
	[sflag:s11] =	ssyncadd.s32 $0xFFFFC000  }
0x4a: {  	[tilespmem:s14], [sflag:$0x2] =	stream.indirect.gather [hbm4b:s3+s12], $0x80, s28, s12, $0xb8;
	[tilespmem:$0x10A00] =	vst v63  }
0x4b: {  	_ =	swait.ge [sflag:s20], $0x4000  }
0x4c: {  	[sflag:s20] =	ssyncset.done $0x0  }
0x4d: {  	s28 =	sadd.s32 $0x1000, s29;
	[sflag:s20] =	ssyncadd.s32 $0xFFFFC000  }
0x4e: {  	[hbm4b:s28+s2] =	stream.linear.scatter [tilespmem:s16], [sflag:$0x5], $0x4000, $0x38;
	[tilespmem:$0x10A00] =	vst v63  }
0x4f: {  	_ =	swait.ge [sflag:s11], $0x4000  }
0x50: {  	[sflag:s11] =	ssyncset.done $0x0  }
0x51: {  	[sflag:s11] =	ssyncadd.s32 $0xFFFFC000  }
0x52: {  	[tilespmem:s16], [sflag:$0x3] =	stream.indirect.gather [hbm4b:s3+s12], $0x80, s24, s12, $0xb8;
	[tilespmem:$0x10A00] =	vst v63  }
0x53: {  	_ =	swait.ge [sflag:s21], $0x4000  }
.Ltmp0:
0x54: {  	[sflag:s21] =	ssyncset.done $0x0;
	(pc) =	sbr.rel @p0 .LBB2_2-.Ltmp0, $4  }
0x55: {  	s28 =	sadd.s32 $0x1800, s29;
	[sflag:s21] =	ssyncadd.s32 $0xFFFFC000  }
0x56: {  	[hbm4b:s28+s2] =	stream.linear.scatter [tilespmem:s17], [sflag:$0x5], $0x4000, $0x38;
	[tilespmem:$0x10A00] =	vst v63  }
0x57: {  	_ =	swait.ge [sflag:s11], $0x4000  }
0x58: {  	s24 =	sadd.s32 $0x200, s24;
	[sflag:s11] =	ssyncset.done $0x0  }
0x59: {  	s26 =	sadd.s32 $0xFFFFFE80, s24;
	[sflag:s11] =	ssyncadd.s32 $0xFFFFC000  }
0x5a: {  	[tilespmem:s17], [sflag:$0x4] =	stream.indirect.gather [hbm4b:s3+s12], $0x80, s26, s12, $0xb8;
	[tilespmem:$0x10A00] =	vst v63  }
0x5b: {  	_ =	swait.ge [sflag:s18], $0x4000  }
0x5c: {  	[sflag:s18] =	ssyncset.done $0x0  }
0x5d: {  	s25 =	sadd.s32 s25, s10;
	[sflag:s18] =	ssyncadd.s32 $0xFFFFC000  }
0x5e: {  	[hbm4b:s25+s2] =	stream.linear.scatter [tilespmem:s13], [sflag:$0x5], $0x4000, $0x38;
	[tilespmem:$0x10A00] =	vst v63  }
0x5f: {  	_ =	swait.ge [sflag:s11], $0x4000  }
0x60: {  	[sflag:s11] =	ssyncset.done $0x0  }
0x61: {  	s31 =	sadd.s32 $0xFFFFFF00, s24;
	[sflag:s11] =	ssyncadd.s32 $0xFFFFC000  }
0x62: {  	[tilespmem:s13], [sflag:$0x1] =	stream.indirect.gather [hbm4b:s3+s12], $0x80, s31, s12, $0xb8;
	[tilespmem:$0x10A00] =	vst v63  }
0x63: {  	_ =	swait.ge [sflag:s19], $0x4000  }
0x64: {  	[sflag:s19] =	ssyncset.done $0x0  }
0x65: {  	s28 =	sadd.s32 $0x800, s25;
	[sflag:s19] =	ssyncadd.s32 $0xFFFFC000  }
0x66: {  	[hbm4b:s28+s2] =	stream.linear.scatter [tilespmem:s14], [sflag:$0x5], $0x4000, $0x38;
	[tilespmem:$0x10A00] =	vst v63  }
0x67: {  	_ =	swait.ge [sflag:s11], $0x4000  }
0x68: {  	[sflag:s11] =	ssyncset.done $0x0  }
0x69: {  	s29 =	sadd.s32 $0xFFFFFF80, s24;
	[sflag:s11] =	ssyncadd.s32 $0xFFFFC000  }
0x6a: {  	[tilespmem:s14], [sflag:$0x2] =	stream.indirect.gather [hbm4b:s3+s12], $0x80, s29, s12, $0xb8;
	[tilespmem:$0x10A00] =	vst v63  }
0x6b: {  	_ =	swait.ge [sflag:s20], $0x4000  }
0x6c: {  	[sflag:s20] =	ssyncset.done $0x0  }
0x6d: {  	s30 =	sadd.s32 $0x1000, s25;
	[sflag:s20] =	ssyncadd.s32 $0xFFFFC000  }
0x6e: {  	[hbm4b:s30+s2] =	stream.linear.scatter [tilespmem:s16], [sflag:$0x5], $0x4000, $0x38;
	[tilespmem:$0x10A00] =	vst v63  }
0x6f: {  	_ =	swait.ge [sflag:s11], $0x4000  }
0x70: {  	[sflag:s11] =	ssyncset.done $0x0  }
0x71: {  	[sflag:s11] =	ssyncadd.s32 $0xFFFFC000  }
0x72: {  	[tilespmem:s16], [sflag:$0x3] =	stream.indirect.gather [hbm4b:s3+s12], $0x80, s24, s12, $0xb8;
	[tilespmem:$0x10A00] =	vst v63  }
0x73: {  	_ =	swait.ge [sflag:s21], $0x4000  }
0x74: {  	[sflag:s21] =	ssyncset.done $0x0  }
0x75: {  	s31 =	sadd.s32 $0x1800, s25;
	[sflag:s21] =	ssyncadd.s32 $0xFFFFC000  }
0x76: {  	[hbm4b:s31+s2] =	stream.linear.scatter [tilespmem:s17], [sflag:$0x5], $0x4000, $0x38;
	[tilespmem:$0x10A00] =	vst v63  }
0x77: {  	_ =	swait.ge [sflag:s11], $0x4000  }
0x78: {  	[sflag:s11] =	ssyncset.done $0x0  }
0x79: {  	[sflag:s11] =	ssyncadd.s32 $0xFFFFC000  }
0x7a: {  	[tilespmem:s17], [sflag:$0x4] =	stream.indirect.gather [hbm4b:s3+s12], $0x80, s22, s12, $0xb8;
	[tilespmem:$0x10A00] =	vst v63  }
0x7b: {  	_ =	swait.ge [sflag:s18], $0x4000  }
0x7c: {  	[sflag:s18] =	ssyncset.done $0x0  }
0x7d: {  	[sflag:s18] =	ssyncadd.s32 $0xFFFFC000  }
0x7e: {  	[hbm4b:s6+s2] =	stream.linear.scatter [tilespmem:s13], [sflag:$0x5], $0x4000, $0x38;
	[tilespmem:$0x10A00] =	vst v63  }
0x7f: {  	_ =	swait.ge [sflag:s11], $0x4000  }
0x80: {  	[sflag:s11] =	ssyncset.done $0x0  }
0x81: {  	[sflag:s11] =	ssyncadd.s32 $0xFFFFC000  }
0x82: {  	_ =	swait.ge [sflag:s19], $0x4000  }
0x83: {  	[sflag:s19] =	ssyncset.done $0x0  }
0x84: {  	[sflag:s19] =	ssyncadd.s32 $0xFFFFC000  }
0x85: {  	[hbm4b:s7+s2] =	stream.linear.scatter [tilespmem:s14], [sflag:$0x5], $0x4000, $0x38;
	[tilespmem:$0x10A00] =	vst v63  }
0x86: {  	_ =	swait.ge [sflag:s11], $0x4000  }
0x87: {  	[sflag:s11] =	ssyncset.done $0x0  }
0x88: {  	[sflag:s11] =	ssyncadd.s32 $0xFFFFC000  }
0x89: {  	_ =	swait.ge [sflag:s20], $0x4000  }
0x8a: {  	[sflag:s20] =	ssyncset.done $0x0  }
0x8b: {  	[sflag:s20] =	ssyncadd.s32 $0xFFFFC000  }
0x8c: {  	[hbm4b:s8+s2] =	stream.linear.scatter [tilespmem:s16], [sflag:$0x5], $0x4000, $0x38;
	[tilespmem:$0x10A00] =	vst v63  }
0x8d: {  	_ =	swait.ge [sflag:s11], $0x4000  }
0x8e: {  	[sflag:s11] =	ssyncset.done $0x0  }
0x8f: {  	[sflag:s11] =	ssyncadd.s32 $0xFFFFC000  }
0x90: {  	s23 =	sadd.s32 $0x1, s23;
	_ =	swait.ge [sflag:s21], $0x4000  }
0x91: {  	p0 =	sne.s32 s23, s5;
	[sflag:s21] =	ssyncset.done $0x0  }
.Ltmp1:
0x92: {  	[sflag:s21] =	ssyncadd.s32 $0xFFFFC000;
	(pc) =	sbr.rel @p0 .LBB2_1-.Ltmp1, $4  }
0x93: {  	[hbm4b:s9+s2] =	stream.linear.scatter [tilespmem:s17], [sflag:$0x5], $0x4000, $0x38;
	[tilespmem:$0x10A00] =	vst v63  }
0x94: {  	_ =	swait.ge [sflag:s11], $0x4000  }
0x95: {  	[sflag:s11] =	ssyncset.done $0x0  }
0x96: {  	[sflag:s11] =	ssyncadd.s32 $0xFFFFC000  }
0x97: {  	_ =	sfence.sel $0x180000  }
0x98: {  	[bflag:$0x0] =	sbarrier.arrive $0xFFFF  }
0x99: {  	p0 =	sne.s32 s0, $0x0;
	_ =	strace $0x90000047  }
0x9a: {  	s0 =	sadd.s32 @!p0 $0x100000, s1;
	[bflag:$0x2] =	sbarrier.arrive $0xFFFF  }
0x9b: {  	[sflag:s0] =	ssyncadd.tile.s32 @!p0 $0x1;
	_ =	shalt  }
.Lfunc_end2:
_tile_overlayer_lowered:
.L_overlay_start_2:
0x9c: {  	(tag) =	ssettag $0x2  }
0x9d: {  	s0 =	rddreg [dreg:$0x0];
	s2 =	stileid.u32  }
0x9e: {  	s1 =	rddreg [dreg:$0x1];
	p0 =	sne.s32 s2, $0x0  }
0x9f: {  	s3 =	rddreg [dreg:$0x2];
	[bflag:$0x3] =	sbarrier.arrive $0xFFFF;
	s2 =	simm.s32 @!p0 $0x1C05  }
0xa0: {  	[timem:s3], [sflag:s2] =	dma.local @!p0 [hbm:s0], s1  }
0xa1: {  	s0 =	simm.s32 @!p0 $0x5  }
0xa2: {  	_ =	swait.ge @!p0 [sflag:s0], s1  }
0xa3: {  	s1 =	ssub.s32 @!p0 $0x0, s1;
	[sflag:s0] =	ssyncset.done @!p0 $0x0  }
0xa4: {  	[sflag:s0] =	ssyncadd.s32 @!p0 s1  }
0xa5: {  	[bflag:$0x3] =	sbarrier.arrive $0xFFFF  }
0xa6: {  	_ =	shalt  }

// kernel: kernel.21.cloned.1.call-start
scs
__scs_entry_jumppad:
0x0: {  	(pc) =	sbr.rel $0x88, $3  }
0x1: {  	(tag) =	ssettag $0x0;
	lr =	simm.s32 $0x1  }
0x2: {  	[smem:$0x3F90] =	sst lr;
	_ =	strace $0xD0000000  }
0x3: {  	_ = 	snop  }
0x4: {  	_ = 	snop  }
0x5: {  	_ = 	snop  }
0x6: {  	_ = 	snop  }
0x7: {  	_ = 	snop  }
__scs_overlays_trampoline_lowered:
0x8: {  	[smem:$0x3F9F] =	sst s0  }
0x9: {  	[smem:$0x3FA0] =	sst s1  }
0xa: {  	[smem:$0x3FA1] =	sst s2  }
0xb: {  	[smem:$0x3FA2] =	sst s3  }
0xc: {  	[smem:$0x3FA3] =	sst s4  }
0xd: {  	[smem:$0x3FA4] =	sst s5  }
0xe: {  	[smem:$0x3FA5] =	sst s6  }
0xf: {  	[smem:$0x3FA6] =	sst s7  }
0x10: {  	[smem:$0x3FA7] =	sst s8  }
0x11: {  	[smem:$0x3FA8] =	sst s9;
	s0 =	simm.s32 @!p0 $0x0  }
0x12: {  	s1 =	sld [smem:$0x3F8E];
	s0 =	simm.s32 @p0 $0x1  }
0x13: {  	[smem:$0x3FA9] =	sst s0;
	s0 =	simm.s32 @!p1 $0x0  }
0x14: {  	s2 =	sld [smem:$0x3F8D];
	s0 =	simm.s32 @p1 $0x1  }
0x15: {  	[smem:$0x3FAA] =	sst s0;
	s0 =	simm.s32 @!p2 $0x0  }
0x16: {  	s3 =	sld [smem:$0x3FDB];
	s0 =	simm.s32 @p2 $0x1  }
0x17: {  	s4 =	simm.s32 $0x1BF5;
	[smem:$0x3FAC] =	sst s0  }
0x18: {  	s0 =	sld [smem:$0x3F8F];
	_ =	swait.ge [sflag:s4], $0x0  }
0x19: {  	s7 =	sld [smem:$0x3F90]  }
0x1a: {  	s8 =	sadd.s32 $0xFFFFE003, lr  }
0x1b: {  	s9 =	sadd.s32 $0xFFFFFEF7, lr;
	s5 =	simm.s32 $0xFFFFFFFF;
	p2 =	slt.u32 s8, $0xFFFFF086  }
0x1c: {  	p1 =	slt.u32 s9, $0xF7A;
	s5 =	simm.s32 @!p2 $0x0  }
0x1d: {  	s5 =	simm.s32 @p1 $0x1;
	p0 =	seq.s32 s7, s2  }
0x1e: {  	s7 =	smul.u32 @!p0 $0xF7A, s2;
	p2 =	seq.s32 @!p0 s5, $0x0  }
0x1f: {  	s9 =	smul.u32 $0xF7A, s1;
	s8 =	simm.s32 @!p0 $0x1BF5;
	p2 =	por !p2, p0  }
0x20: {  	[sflag:s8] =	ssyncset.s32 @!p0 $0xFFFFF086;
	s6 =	sadd.s32 @!p0 s3, s7;
	s7 =	simm.s32 @!p0 $0x108  }
0x21: {  	s3 =	sadd.s32 s3, s9;
	s6 =	sadd.s32 @!p0 $0x88, s6;
	s7 =	simm.s32 @p2 $0x1082  }
0x22: {  	[simem:s7], [sflag:s8] =	dma.local @!p0 [hbm:s6], $0xF7A  }
0x23: {  	s9 =	sor.u32 $0xD0000000, s2;
	s6 =	simm.s32 $0x108;
	_ =	swait.ge @!p0 [sflag:s8], $0x0  }
0x24: {  	s3 =	sadd.s32 $0x88, s3;
	s6 =	simm.s32 @!p1 $0x1082;
	[sflag:s4] =	ssyncset.s32 $0xFFFFF086  }
0x25: {  	[simem:s6], [sflag:s4] =	dma.local [hbm:s3], $0xF7A  }
0x26: {  	[smem:$0x3F90] =	sst s1;
	(tag) =	ssettag s2;
	_ =	strace s9  }
0x27: {  	s1 =	sld [smem:$0x3FA0]  }
0x28: {  	s2 =	sld [smem:$0x3FA1]  }
0x29: {  	s4 =	sld [smem:$0x3FA3]  }
0x2a: {  	p0 =	seq.s32 s5, $0x0;
	s5 =	sld [smem:$0x3FA4]  }
0x2b: {  	s6 =	sld [smem:$0x3FA5]  }
0x2c: {  	s7 =	sld [smem:$0x3FA6]  }
0x2d: {  	s3 =	simm.s32 $0x108;
	s8 =	sld [smem:$0x3FA7]  }
0x2e: {  	s3 =	simm.s32 @!p0 $0x1082;
	s9 =	sld [smem:$0x3FA8]  }
0x2f: {  	lr =	sadd.s32 s0, s3;
	s0 =	sld [smem:$0x3F9F]  }
0x30: {  	s3 =	sld [smem:$0x3FA2]  }
0x31: {  	[smem:$0x3FAB] =	sst s10  }
0x32: {  	s10 =	sld [smem:$0x3FA9];
	_ =	sdelay $0x3  }
0x33: {  	p0 =	seq.s32 s10, $0x1;
	s10 =	sld [smem:$0x3FAB];
	_ =	sdelay $0x3  }
0x34: {  	[smem:$0x3FAB] =	sst s10  }
0x35: {  	s10 =	sld [smem:$0x3FAA];
	_ =	sdelay $0x3  }
0x36: {  	p1 =	seq.s32 s10, $0x1;
	s10 =	sld [smem:$0x3FAB];
	_ =	sdelay $0x3  }
0x37: {  	[smem:$0x3FAB] =	sst s10  }
0x38: {  	s10 =	sld [smem:$0x3FAC]  }
0x39: {  	_ = 	snop;
	(pc) =	sbr.ind lr, $3  }
0x3a: {  	_ = 	snop  }
0x3b: {  	_ = 	snop  }
0x3c: {  	p2 =	seq.s32 s10, $0x1;
	s10 =	sld [smem:$0x3FAB]  }
0x3d: {  	_ =	shalt  }
0x3e: {  	_ =	shalt  }
0x3f: {  	_ =	shalt  }
0x40: {  	_ =	shalt  }
0x41: {  	_ =	shalt  }
0x42: {  	_ =	shalt  }
0x43: {  	_ =	shalt  }
0x44: {  	_ =	shalt  }
0x45: {  	_ =	shalt  }
0x46: {  	_ =	shalt  }
0x47: {  	_ =	shalt  }
0x48: {  	_ =	shalt  }
0x49: {  	_ =	shalt  }
0x4a: {  	_ =	shalt  }
0x4b: {  	_ =	shalt  }
0x4c: {  	_ =	shalt  }
0x4d: {  	_ =	shalt  }
0x4e: {  	_ =	shalt  }
0x4f: {  	_ =	shalt  }
0x50: {  	_ =	shalt  }
0x51: {  	_ =	shalt  }
0x52: {  	_ =	shalt  }
0x53: {  	_ =	shalt  }
0x54: {  	_ =	shalt  }
0x55: {  	_ =	shalt  }
0x56: {  	_ =	shalt  }
0x57: {  	_ =	shalt  }
0x58: {  	_ =	shalt  }
0x59: {  	_ =	shalt  }
0x5a: {  	_ =	shalt  }
0x5b: {  	_ =	shalt  }
0x5c: {  	_ =	shalt  }
0x5d: {  	_ =	shalt  }
0x5e: {  	_ =	shalt  }
0x5f: {  	_ =	shalt  }
0x60: {  	_ =	shalt  }
0x61: {  	_ =	shalt  }
0x62: {  	_ =	shalt  }
0x63: {  	_ =	shalt  }
0x64: {  	_ =	shalt  }
0x65: {  	_ =	shalt  }
0x66: {  	_ =	shalt  }
0x67: {  	_ =	shalt  }
0x68: {  	_ =	shalt  }
0x69: {  	_ =	shalt  }
0x6a: {  	_ =	shalt  }
0x6b: {  	_ =	shalt  }
0x6c: {  	_ =	shalt  }
0x6d: {  	_ =	shalt  }
0x6e: {  	_ =	shalt  }
0x6f: {  	_ =	shalt  }
0x70: {  	_ =	shalt  }
0x71: {  	_ =	shalt  }
0x72: {  	_ =	shalt  }
0x73: {  	_ =	shalt  }
0x74: {  	_ =	shalt  }
0x75: {  	_ =	shalt  }
0x76: {  	_ =	shalt  }
0x77: {  	_ =	shalt  }
0x78: {  	_ =	shalt  }
0x79: {  	_ =	shalt  }
0x7a: {  	_ =	shalt  }
0x7b: {  	_ =	shalt  }
0x7c: {  	_ =	shalt  }
0x7d: {  	_ =	shalt  }
0x7e: {  	_ =	shalt  }
0x7f: {  	_ =	shalt  }
0x80: {  	_ =	shalt  }
0x81: {  	_ =	shalt  }
0x82: {  	_ =	shalt  }
0x83: {  	_ =	shalt  }
0x84: {  	_ =	shalt  }
0x85: {  	_ =	shalt  }
0x86: {  	_ =	shalt  }
0x87: {  	_ =	shalt  }
.Lfunc_end0:
.L_simem_size_0:
called_computation.1_lowered:
.L_overlay_start_0:
0x88: {  	s2 =	sld [smem:$0x3FD9]  }
0x89: {  	s3 =	sld [smem:$0x3FFE];
	_ =	sdelay $0x1  }
0x8a: {  	s1 =	srdreg.scid  }
0x8b: {  	s0 =	sand.u32 $0x1, s1  }
0x8c: {  	s16 =	sshll.u32 s0, $0xA;
	s2 =	sadd.s32 s3, s2  }
0x8d: {  	s2 =	sadd.s32 s2, s16  }
0x8e: {  	[smem:$0x3FB7] =	sst s2  }
0x8f: {  	_ = 	snop  }
0x90: {  	(tm) =	ssettm $0x1  }
0x91: {  	s17 =	sld [smem:$0x3FFB];
	_ =	sdelay $0x3  }
0x92: {  	_ =	strace s17  }
0x93: {  	s2 =	sld [smem:$0x3FFC];
	_ =	sdelay $0x3  }
0x94: {  	_ =	strace s2  }
0x95: {  	s2 =	sld [smem:$0x3FFD];
	_ =	sdelay $0x3  }
0x96: {  	_ =	strace s2  }
0x97: {  	_ =	strace $0x8FFFFFFF  }
0x98: {  	s18 =	sld [smem:$0x3FDB];
	_ =	sdelay $0x1  }
0x99: {  	s19 =	simm.s32 $_scs_section_size  }
0x9a: {  	s4 =	simm.s32 $_size__tile_overlayer_lowered;
	s5 =	simm.s32 $_tile_overlayer_lowered  }
0x9b: {  	s22 =	simm.s32 $0x1BFF;
	s21 =	sshll.u32 s5, $0x1;
	s2 =	sadd.s32 s19, s18  }
0x9c: {  	s6 =	simm.s32 $0x0;
	s20 =	sshll.u32 s4, $0x1;
	s4 =	sadd.s32 s21, s2  }
0x9d: {  	[timem:s6], [sflag:s22] =	dma.local [hbm:s4], s20  }
0x9e: {  	_ =	swait.ge [sflag:s22], s20  }
0x9f: {  	s3 =	ssub.s32 $0x0, s20;
	[sflag:s22] =	ssyncset.done $0x0  }
0xa0: {  	[sflag:s22] =	ssyncadd.s32 s3;
	_ =	sdelay $0x1  }
0xa1: {  	s23 =	simm.s32 $0x1B8B  }
0xa2: {  	_ =	swait.ge [sflag:s23], $0x1  }
0xa3: {  	[sflag:s23] =	ssyncset.done $0x0  }
0xa4: {  	s25 =	simm.s32 $0x1B8E;
	s24 =	sld [smem:$0x3FFE];
	[sflag:s23] =	ssyncadd.s32 $0xFFFFFFFF  }
0xa5: {  	s26 =	simm.s32 $execute0_lowered;
	[smem:$0x3FD2] =	sst s25  }
0xa6: {  	s4 =	sshll.u32 s26, $0x1;
	_ =	strace $0x80000049;
	[dreg:$0x1] =	wrdreg $0xFFFFFFFF  }
0xa7: {  	s28 =	simm.s32 $_size_execute0_lowered;
	s2 =	sadd.s32 s2, s4;
	[dreg:$0x0] =	wrdreg $0x0  }
0xa8: {  	s4 =	sshll.u32 s28, $0x1;
	[dreg:$0x2] =	wrdreg s2  }
0xa9: {  	[dreg:$0x3] =	wrdreg s4  }
0xaa: {  	[dreg:$0x4] =	wrdreg $0xC0  }
0xab: {  	_ =	task [dreg:s6], $0x5FFFF  }
0xac: {  	[dreg:$0x1] =	wrdreg $0xFFFFFFFF  }
0xad: {  	[dreg:$0x0] =	wrdreg $0x60  }
0xae: {  	[dreg:$0x2] =	wrdreg s24  }
0xaf: {  	[dreg:$0x3] =	wrdreg $0x9  }
0xb0: {  	_ =	task.clear_ibuf [dreg:s6], $0x4FFFF;
	_ =	strace $0x90000049  }
0xb1: {  	s29 =	simm.s32 $0x9;
	_ =	strace $0x8000004B  }
0xb2: {  	_ =	swait.ge [sflag:s29], $0x1  }
0xb3: {  	[sflag:s29] =	ssyncadd.s32 $0xFFFFFFFF  }
0xb4: {  	_ =	strace $0x9000004B  }
0xb5: {  	_ =	sfence  }
0xb6: {  	s30 =	sld [smem:$0x0];
	_ =	sdelay $0x2  }
0xb7: {  	s31 =	sshll.u32 s1, $0xD;
	s1 =	sshrl.u32 s1, $0x2  }
0xb8: {  	s3 =	sand.u32 $0x4000, s31;
	s1 =	sadd.s32 s1, s30  }
0xb9: {  	s0 =	sor.u32 s3, s0;
	s1 =	sshll.u32 s1, $0x11  }
0xba: {  	s0 =	sor.u32 s1, s0  }
0xbb: {  	s0 =	sadd.s32 $0x8F2B, s0  }
0xbc: {  	[sflag:s0] =	ssyncadd.remote.s32 $0x1  }
0xbd: {  	_ =	sfence.sel $0xFFFF  }
0xbe: {  	[dreg:$0x0] =	wrdreg $0xFFFFFFFF;
	(pc) =	sbr.abs _section_cstart, $3  }
0xbf: {  	[dreg:$0x1] =	wrdreg $0xFFFFFFFF  }
0xc0: {  	_ =	task.clear_ibuf [dreg:s6], $0x2FFFF;
	_ =	strace $0x9FFFFFFF  }
0xc1: {  	(tm) =	ssettm $0x7FFFFFFF  }
tec
execute0_lowered:
.L_overlay_start_1:
0x0: {  	(tag) =	ssettag $0x1  }
0x1: {  	s1 =	srdreg.scid  }
0x2: {  	s0 =	stileid.u32;
	s4 =	rddreg [dreg:$0x0];
	s2 =	simm.s32 $0x0  }
0x3: {  	s13 =	simm.s32 $0xA00;
	s14 =	simm.s32 $0x4A00;
	s15 =	simm.s32 $0x100  }
0x4: {  	s16 =	simm.s32 $0x8A00;
	s17 =	simm.s32 $0xCA00;
	s18 =	simm.s32 $0x1  }
0x5: {  	s19 =	simm.s32 $0x2;
	s20 =	simm.s32 $0x3;
	s21 =	simm.s32 $0x4  }
0x6: {  	s22 =	simm.s32 $0x980;
	s23 =	simm.s32 $0x0;
	s7 =	sand.u32 $0x1, s1  }
0x7: {  	s31 =	sshll.u32 s0, $0x1;
	s1 =	rddreg [dreg:$0x1];
	s11 =	smul.u32 $0x14000, s0  }
0x8: {  	[smem:$0x7FF] =	sst s2;
	s3 =	sor.u32 s7, s31;
	s12 =	smul.u32 $0xA000, s7  }
0x9: {  	s10 =	sadd.s32 $0x27A00, s4;
	s6 =	ssub.s32 $0x2, s7;
	s5 =	smul.u32 $0xA00, s3  }
0xa: {  	_ =	strace $0x8000004A;
	s8 =	sshrl.u32 s6, $0x1;
	s9 =	smul.u32 $0xA000, s3  }
0xb: {  	s3 =	sadd.s32 $0x5200, s4;
	s6 =	ssub.s32 s6, s8;
	s5 =	sshrl.u32 s5, $0x3  }
0xc: {  	s9 =	sadd.s32 s10, s9;
	s10 =	sadd.s32 s11, s10;
	s11 =	simm.s32 $0x5  }
0xd: {  	s5 =	sadd.s32 s5, s4;
	s7 =	sadd.s32 $0x8800, s9;
	s8 =	sadd.s32 $0x9000, s9  }
0xe: {  	s10 =	sadd.s32 s12, s10;
	s12 =	simm.s32 $0x80;
	s4 =	sadd.s32 $0x25200, s5  }
0xf: {  	s5 =	smax.u32 s6, $0x1;
	s6 =	sadd.s32 $0x8000, s9;
	s9 =	sadd.s32 $0x9800, s9  }
.LBB2_1:
0x10: {  	[tilespmem:s2], [sflag:$0x5] =	stream.linear.gather [hbm4b:s4+s2], $0xA00, $0x38;
	[tilespmem:$0x10A00] =	vst v63  }
0x11: {  	_ =	swait.ge [sflag:s11], $0xA00  }
0x12: {  	[sflag:s11] =	ssyncset.done $0x0  }
0x13: {  	[sflag:s11] =	ssyncadd.s32 $0xFFFFF600  }
0x14: {  	[tilespmem:s13], [sflag:$0x1] =	stream.indirect.gather [hbm4b:s3+s12], $0x80, s2, s12, $0xb8;
	[tilespmem:$0x10A00] =	vst v63  }
0x15: {  	_ = 	snop  }
0x16: {  	[tilespmem:s14], [sflag:$0x2] =	stream.indirect.gather [hbm4b:s3+s12], $0x80, s12, s12, $0xb8;
	[tilespmem:$0x10A00] =	vst v63  }
0x17: {  	_ = 	snop  }
0x18: {  	[tilespmem:s16], [sflag:$0x3] =	stream.indirect.gather [hbm4b:s3+s12], $0x80, s15, s12, $0xb8;
	[tilespmem:$0x10A00] =	vst v63  }
0x19: {  	s24 =	simm.s32 $0x180  }
0x1a: {  	[tilespmem:s17], [sflag:$0x4] =	stream.indirect.gather [hbm4b:s3+s12], $0x80, s24, s12, $0xb8;
	[tilespmem:$0x10A00] =	vst v63  }
0x1b: {  	_ =	swait.ge [sflag:s18], $0x4000  }
0x1c: {  	[sflag:s18] =	ssyncset.done $0x0  }
0x1d: {  	s26 =	sadd.s32 $0x0, s10;
	[sflag:s18] =	ssyncadd.s32 $0xFFFFC000  }
0x1e: {  	[hbm4b:s26+s2] =	stream.linear.scatter [tilespmem:s13], [sflag:$0x5], $0x4000, $0x38;
	[tilespmem:$0x10A00] =	vst v63  }
0x1f: {  	_ =	swait.ge [sflag:s11], $0x4000  }
0x20: {  	[sflag:s11] =	ssyncset.done $0x0  }
0x21: {  	s25 =	simm.s32 $0x200;
	[sflag:s11] =	ssyncadd.s32 $0xFFFFC000  }
0x22: {  	[tilespmem:s13], [sflag:$0x1] =	stream.indirect.gather [hbm4b:s3+s12], $0x80, s25, s12, $0xb8;
	[tilespmem:$0x10A00] =	vst v63  }
0x23: {  	_ =	swait.ge [sflag:s19], $0x4000  }
0x24: {  	[sflag:s19] =	ssyncset.done $0x0  }
0x25: {  	s28 =	sadd.s32 $0x800, s26;
	[sflag:s19] =	ssyncadd.s32 $0xFFFFC000  }
0x26: {  	[hbm4b:s28+s2] =	stream.linear.scatter [tilespmem:s14], [sflag:$0x5], $0x4000, $0x38;
	[tilespmem:$0x10A00] =	vst v63  }
0x27: {  	_ =	swait.ge [sflag:s11], $0x4000  }
0x28: {  	[sflag:s11] =	ssyncset.done $0x0  }
0x29: {  	s29 =	simm.s32 $0x280;
	[sflag:s11] =	ssyncadd.s32 $0xFFFFC000  }
0x2a: {  	[tilespmem:s14], [sflag:$0x2] =	stream.indirect.gather [hbm4b:s3+s12], $0x80, s29, s12, $0xb8;
	[tilespmem:$0x10A00] =	vst v63  }
0x2b: {  	_ =	swait.ge [sflag:s20], $0x4000  }
0x2c: {  	[sflag:s20] =	ssyncset.done $0x0  }
0x2d: {  	s30 =	sadd.s32 $0x1000, s26;
	[sflag:s20] =	ssyncadd.s32 $0xFFFFC000  }
0x2e: {  	[hbm4b:s30+s2] =	stream.linear.scatter [tilespmem:s16], [sflag:$0x5], $0x4000, $0x38;
	[tilespmem:$0x10A00] =	vst v63  }
0x2f: {  	_ =	swait.ge [sflag:s11], $0x4000  }
0x30: {  	[sflag:s11] =	ssyncset.done $0x0  }
0x31: {  	s31 =	simm.s32 $0x300;
	[sflag:s11] =	ssyncadd.s32 $0xFFFFC000  }
0x32: {  	[tilespmem:s16], [sflag:$0x3] =	stream.indirect.gather [hbm4b:s3+s12], $0x80, s31, s12, $0xb8;
	[tilespmem:$0x10A00] =	vst v63  }
0x33: {  	_ =	swait.ge [sflag:s21], $0x4000  }
0x34: {  	[sflag:s21] =	ssyncset.done $0x0  }
0x35: {  	s24 =	sadd.s32 $0x1800, s26;
	[sflag:s21] =	ssyncadd.s32 $0xFFFFC000  }
0x36: {  	[hbm4b:s24+s2] =	stream.linear.scatter [tilespmem:s17], [sflag:$0x5], $0x4000, $0x38;
	[tilespmem:$0x10A00] =	vst v63  }
0x37: {  	s26 =	simm.s32 $0x4000;
	_ =	swait.ge [sflag:s11], $0x4000  }
0x38: {  	s25 =	simm.s32 $0x2000;
	s24 =	simm.s32 $0x500;
	[sflag:s11] =	ssyncset.done $0x0  }
.LBB2_2:
0x39: {  	p0 =	sne.s32 s26, $0x6000;
	s28 =	sadd.s32 $0xFFFFFE80, s24;
	[sflag:s11] =	ssyncadd.s32 $0xFFFFC000  }
0x3a: {  	[tilespmem:s17], [sflag:$0x4] =	stream.indirect.gather [hbm4b:s3+s12], $0x80, s28, s12, $0xb8;
	[tilespmem:$0x10A00] =	vst v63  }
0x3b: {  	s28 =	smov.u32 s26;
	s26 =	sadd.s32 $0x2000, s26;
	_ =	swait.ge [sflag:s18], $0x4000  }
0x3c: {  	[sflag:s18] =	ssyncset.done $0x0  }
0x3d: {  	s29 =	sadd.s32 s25, s10;
	s25 =	smov.u32 s28;
	[sflag:s18] =	ssyncadd.s32 $0xFFFFC000  }
0x3e: {  	[hbm4b:s29+s2] =	stream.linear.scatter [tilespmem:s13], [sflag:$0x5], $0x4000, $0x38;
	[tilespmem:$0x10A00] =	vst v63  }
0x3f: {  	_ =	swait.ge [sflag:s11], $0x4000  }
0x40: {  	[sflag:s11] =	ssyncset.done $0x0  }
0x41: {  	s28 =	sadd.s32 $0xFFFFFF00, s24;
	[sflag:s11] =	ssyncadd.s32 $0xFFFFC000  }
0x42: {  	[tilespmem:s13], [sflag:$0x1] =	stream.indirect.gather [hbm4b:s3+s12], $0x80, s28, s12, $0xb8;
	[tilespmem:$0x10A00] =	vst v63  }
0x43: {  	_ =	swait.ge [sflag:s19], $0x4000  }
0x44: {  	[sflag:s19] =	ssyncset.done $0x0  }
0x45: {  	s28 =	sadd.s32 $0x800, s29;
	[sflag:s19] =	ssyncadd.s32 $0xFFFFC000  }
0x46: {  	[hbm4b:s28+s2] =	stream.linear.scatter [tilespmem:s14], [sflag:$0x5], $0x4000, $0x38;
	[tilespmem:$0x10A00] =	vst v63  }
0x47: {  	_ =	swait.ge [sflag:s11], $0x4000  }
0x48: {  	[sflag:s11] =	ssyncset.done $0x0  }
0x49: {  	s28 =	sadd.s32 $0xFFFFFF80, s24;
	[sflag:s11] =	ssyncadd.s32 $0xFFFFC000  }
0x4a: {  	[tilespmem:s14], [sflag:$0x2] =	stream.indirect.gather [hbm4b:s3+s12], $0x80, s28, s12, $0xb8;
	[tilespmem:$0x10A00] =	vst v63  }
0x4b: {  	_ =	swait.ge [sflag:s20], $0x4000  }
0x4c: {  	[sflag:s20] =	ssyncset.done $0x0  }
0x4d: {  	s28 =	sadd.s32 $0x1000, s29;
	[sflag:s20] =	ssyncadd.s32 $0xFFFFC000  }
0x4e: {  	[hbm4b:s28+s2] =	stream.linear.scatter [tilespmem:s16], [sflag:$0x5], $0x4000, $0x38;
	[tilespmem:$0x10A00] =	vst v63  }
0x4f: {  	_ =	swait.ge [sflag:s11], $0x4000  }
0x50: {  	[sflag:s11] =	ssyncset.done $0x0  }
0x51: {  	[sflag:s11] =	ssyncadd.s32 $0xFFFFC000  }
0x52: {  	[tilespmem:s16], [sflag:$0x3] =	stream.indirect.gather [hbm4b:s3+s12], $0x80, s24, s12, $0xb8;
	[tilespmem:$0x10A00] =	vst v63  }
0x53: {  	_ =	swait.ge [sflag:s21], $0x4000  }
.Ltmp0:
0x54: {  	[sflag:s21] =	ssyncset.done $0x0;
	(pc) =	sbr.rel @p0 .LBB2_2-.Ltmp0, $4  }
0x55: {  	s28 =	sadd.s32 $0x1800, s29;
	[sflag:s21] =	ssyncadd.s32 $0xFFFFC000  }
0x56: {  	[hbm4b:s28+s2] =	stream.linear.scatter [tilespmem:s17], [sflag:$0x5], $0x4000, $0x38;
	[tilespmem:$0x10A00] =	vst v63  }
0x57: {  	_ =	swait.ge [sflag:s11], $0x4000  }
0x58: {  	s24 =	sadd.s32 $0x200, s24;
	[sflag:s11] =	ssyncset.done $0x0  }
0x59: {  	s26 =	sadd.s32 $0xFFFFFE80, s24;
	[sflag:s11] =	ssyncadd.s32 $0xFFFFC000  }
0x5a: {  	[tilespmem:s17], [sflag:$0x4] =	stream.indirect.gather [hbm4b:s3+s12], $0x80, s26, s12, $0xb8;
	[tilespmem:$0x10A00] =	vst v63  }
0x5b: {  	_ =	swait.ge [sflag:s18], $0x4000  }
0x5c: {  	[sflag:s18] =	ssyncset.done $0x0  }
0x5d: {  	s25 =	sadd.s32 s25, s10;
	[sflag:s18] =	ssyncadd.s32 $0xFFFFC000  }
0x5e: {  	[hbm4b:s25+s2] =	stream.linear.scatter [tilespmem:s13], [sflag:$0x5], $0x4000, $0x38;
	[tilespmem:$0x10A00] =	vst v63  }
0x5f: {  	_ =	swait.ge [sflag:s11], $0x4000  }
0x60: {  	[sflag:s11] =	ssyncset.done $0x0  }
0x61: {  	s31 =	sadd.s32 $0xFFFFFF00, s24;
	[sflag:s11] =	ssyncadd.s32 $0xFFFFC000  }
0x62: {  	[tilespmem:s13], [sflag:$0x1] =	stream.indirect.gather [hbm4b:s3+s12], $0x80, s31, s12, $0xb8;
	[tilespmem:$0x10A00] =	vst v63  }
0x63: {  	_ =	swait.ge [sflag:s19], $0x4000  }
0x64: {  	[sflag:s19] =	ssyncset.done $0x0  }
0x65: {  	s28 =	sadd.s32 $0x800, s25;
	[sflag:s19] =	ssyncadd.s32 $0xFFFFC000  }
0x66: {  	[hbm4b:s28+s2] =	stream.linear.scatter [tilespmem:s14], [sflag:$0x5], $0x4000, $0x38;
	[tilespmem:$0x10A00] =	vst v63  }
0x67: {  	_ =	swait.ge [sflag:s11], $0x4000  }
0x68: {  	[sflag:s11] =	ssyncset.done $0x0  }
0x69: {  	s29 =	sadd.s32 $0xFFFFFF80, s24;
	[sflag:s11] =	ssyncadd.s32 $0xFFFFC000  }
0x6a: {  	[tilespmem:s14], [sflag:$0x2] =	stream.indirect.gather [hbm4b:s3+s12], $0x80, s29, s12, $0xb8;
	[tilespmem:$0x10A00] =	vst v63  }
0x6b: {  	_ =	swait.ge [sflag:s20], $0x4000  }
0x6c: {  	[sflag:s20] =	ssyncset.done $0x0  }
0x6d: {  	s30 =	sadd.s32 $0x1000, s25;
	[sflag:s20] =	ssyncadd.s32 $0xFFFFC000  }
0x6e: {  	[hbm4b:s30+s2] =	stream.linear.scatter [tilespmem:s16], [sflag:$0x5], $0x4000, $0x38;
	[tilespmem:$0x10A00] =	vst v63  }
0x6f: {  	_ =	swait.ge [sflag:s11], $0x4000  }
0x70: {  	[sflag:s11] =	ssyncset.done $0x0  }
0x71: {  	[sflag:s11] =	ssyncadd.s32 $0xFFFFC000  }
0x72: {  	[tilespmem:s16], [sflag:$0x3] =	stream.indirect.gather [hbm4b:s3+s12], $0x80, s24, s12, $0xb8;
	[tilespmem:$0x10A00] =	vst v63  }
0x73: {  	_ =	swait.ge [sflag:s21], $0x4000  }
0x74: {  	[sflag:s21] =	ssyncset.done $0x0  }
0x75: {  	s31 =	sadd.s32 $0x1800, s25;
	[sflag:s21] =	ssyncadd.s32 $0xFFFFC000  }
0x76: {  	[hbm4b:s31+s2] =	stream.linear.scatter [tilespmem:s17], [sflag:$0x5], $0x4000, $0x38;
	[tilespmem:$0x10A00] =	vst v63  }
0x77: {  	_ =	swait.ge [sflag:s11], $0x4000  }
0x78: {  	[sflag:s11] =	ssyncset.done $0x0  }
0x79: {  	[sflag:s11] =	ssyncadd.s32 $0xFFFFC000  }
0x7a: {  	[tilespmem:s17], [sflag:$0x4] =	stream.indirect.gather [hbm4b:s3+s12], $0x80, s22, s12, $0xb8;
	[tilespmem:$0x10A00] =	vst v63  }
0x7b: {  	_ =	swait.ge [sflag:s18], $0x4000  }
0x7c: {  	[sflag:s18] =	ssyncset.done $0x0  }
0x7d: {  	[sflag:s18] =	ssyncadd.s32 $0xFFFFC000  }
0x7e: {  	[hbm4b:s6+s2] =	stream.linear.scatter [tilespmem:s13], [sflag:$0x5], $0x4000, $0x38;
	[tilespmem:$0x10A00] =	vst v63  }
0x7f: {  	_ =	swait.ge [sflag:s11], $0x4000  }
0x80: {  	[sflag:s11] =	ssyncset.done $0x0  }
0x81: {  	[sflag:s11] =	ssyncadd.s32 $0xFFFFC000  }
0x82: {  	_ =	swait.ge [sflag:s19], $0x4000  }
0x83: {  	[sflag:s19] =	ssyncset.done $0x0  }
0x84: {  	[sflag:s19] =	ssyncadd.s32 $0xFFFFC000  }
0x85: {  	[hbm4b:s7+s2] =	stream.linear.scatter [tilespmem:s14], [sflag:$0x5], $0x4000, $0x38;
	[tilespmem:$0x10A00] =	vst v63  }
0x86: {  	_ =	swait.ge [sflag:s11], $0x4000  }
0x87: {  	[sflag:s11] =	ssyncset.done $0x0  }
0x88: {  	[sflag:s11] =	ssyncadd.s32 $0xFFFFC000  }
0x89: {  	_ =	swait.ge [sflag:s20], $0x4000  }
0x8a: {  	[sflag:s20] =	ssyncset.done $0x0  }
0x8b: {  	[sflag:s20] =	ssyncadd.s32 $0xFFFFC000  }
0x8c: {  	[hbm4b:s8+s2] =	stream.linear.scatter [tilespmem:s16], [sflag:$0x5], $0x4000, $0x38;
	[tilespmem:$0x10A00] =	vst v63  }
0x8d: {  	_ =	swait.ge [sflag:s11], $0x4000  }
0x8e: {  	[sflag:s11] =	ssyncset.done $0x0  }
0x8f: {  	[sflag:s11] =	ssyncadd.s32 $0xFFFFC000  }
0x90: {  	s23 =	sadd.s32 $0x1, s23;
	_ =	swait.ge [sflag:s21], $0x4000  }
0x91: {  	p0 =	sne.s32 s23, s5;
	[sflag:s21] =	ssyncset.done $0x0  }
.Ltmp1:
0x92: {  	[sflag:s21] =	ssyncadd.s32 $0xFFFFC000;
	(pc) =	sbr.rel @p0 .LBB2_1-.Ltmp1, $4  }
0x93: {  	[hbm4b:s9+s2] =	stream.linear.scatter [tilespmem:s17], [sflag:$0x5], $0x4000, $0x38;
	[tilespmem:$0x10A00] =	vst v63  }
0x94: {  	_ =	swait.ge [sflag:s11], $0x4000  }
0x95: {  	[sflag:s11] =	ssyncset.done $0x0  }
0x96: {  	[sflag:s11] =	ssyncadd.s32 $0xFFFFC000  }
0x97: {  	_ =	sfence.sel $0x180000  }
0x98: {  	[bflag:$0x0] =	sbarrier.arrive $0xFFFF  }
0x99: {  	p0 =	sne.s32 s0, $0x0;
	_ =	strace $0x9000004A  }
0x9a: {  	s0 =	sadd.s32 @!p0 $0x100000, s1;
	[bflag:$0x2] =	sbarrier.arrive $0xFFFF  }
0x9b: {  	[sflag:s0] =	ssyncadd.tile.s32 @!p0 $0x1;
	_ =	shalt  }
.Lfunc_end2:
_tile_overlayer_lowered:
.L_overlay_start_2:
0x9c: {  	(tag) =	ssettag $0x2  }
0x9d: {  	s0 =	rddreg [dreg:$0x0];
	s2 =	stileid.u32  }
0x9e: {  	s1 =	rddreg [dreg:$0x1];
	p0 =	sne.s32 s2, $0x0  }
0x9f: {  	s3 =	rddreg [dreg:$0x2];
	[bflag:$0x3] =	sbarrier.arrive $0xFFFF;
	s2 =	simm.s32 @!p0 $0x1C05  }
0xa0: {  	[timem:s3], [sflag:s2] =	dma.local @!p0 [hbm:s0], s1  }
0xa1: {  	s0 =	simm.s32 @!p0 $0x5  }
0xa2: {  	_ =	swait.ge @!p0 [sflag:s0], s1  }
0xa3: {  	s1 =	ssub.s32 @!p0 $0x0, s1;
	[sflag:s0] =	ssyncset.done @!p0 $0x0  }
0xa4: {  	[sflag:s0] =	ssyncadd.s32 @!p0 s1  }
0xa5: {  	[bflag:$0x3] =	sbarrier.arrive $0xFFFF  }
0xa6: {  	_ =	shalt  }

// kernel: kernel.24.cloned.1.call-start
scs
__scs_entry_jumppad:
0x0: {  	(pc) =	sbr.rel $0x88, $3  }
0x1: {  	(tag) =	ssettag $0x0;
	lr =	simm.s32 $0x1  }
0x2: {  	[smem:$0x3F90] =	sst lr;
	_ =	strace $0xD0000000  }
0x3: {  	_ = 	snop  }
0x4: {  	_ = 	snop  }
0x5: {  	_ = 	snop  }
0x6: {  	_ = 	snop  }
0x7: {  	_ = 	snop  }
__scs_overlays_trampoline_lowered:
0x8: {  	[smem:$0x3F9F] =	sst s0  }
0x9: {  	[smem:$0x3FA0] =	sst s1  }
0xa: {  	[smem:$0x3FA1] =	sst s2  }
0xb: {  	[smem:$0x3FA2] =	sst s3  }
0xc: {  	[smem:$0x3FA3] =	sst s4  }
0xd: {  	[smem:$0x3FA4] =	sst s5  }
0xe: {  	[smem:$0x3FA5] =	sst s6  }
0xf: {  	[smem:$0x3FA6] =	sst s7  }
0x10: {  	[smem:$0x3FA7] =	sst s8  }
0x11: {  	[smem:$0x3FA8] =	sst s9;
	s0 =	simm.s32 @!p0 $0x0  }
0x12: {  	s1 =	sld [smem:$0x3F8E];
	s0 =	simm.s32 @p0 $0x1  }
0x13: {  	[smem:$0x3FA9] =	sst s0;
	s0 =	simm.s32 @!p1 $0x0  }
0x14: {  	s2 =	sld [smem:$0x3F8D];
	s0 =	simm.s32 @p1 $0x1  }
0x15: {  	[smem:$0x3FAA] =	sst s0;
	s0 =	simm.s32 @!p2 $0x0  }
0x16: {  	s3 =	sld [smem:$0x3FDB];
	s0 =	simm.s32 @p2 $0x1  }
0x17: {  	s4 =	simm.s32 $0x1BF5;
	[smem:$0x3FAC] =	sst s0  }
0x18: {  	s0 =	sld [smem:$0x3F8F];
	_ =	swait.ge [sflag:s4], $0x0  }
0x19: {  	s7 =	sld [smem:$0x3F90]  }
0x1a: {  	s8 =	sadd.s32 $0xFFFFE003, lr  }
0x1b: {  	s9 =	sadd.s32 $0xFFFFFEF7, lr;
	s5 =	simm.s32 $0xFFFFFFFF;
	p2 =	slt.u32 s8, $0xFFFFF086  }
0x1c: {  	p1 =	slt.u32 s9, $0xF7A;
	s5 =	simm.s32 @!p2 $0x0  }
0x1d: {  	s5 =	simm.s32 @p1 $0x1;
	p0 =	seq.s32 s7, s2  }
0x1e: {  	s7 =	smul.u32 @!p0 $0xF7A, s2;
	p2 =	seq.s32 @!p0 s5, $0x0  }
0x1f: {  	s9 =	smul.u32 $0xF7A, s1;
	s8 =	simm.s32 @!p0 $0x1BF5;
	p2 =	por !p2, p0  }
0x20: {  	[sflag:s8] =	ssyncset.s32 @!p0 $0xFFFFF086;
	s6 =	sadd.s32 @!p0 s3, s7;
	s7 =	simm.s32 @!p0 $0x108  }
0x21: {  	s3 =	sadd.s32 s3, s9;
	s6 =	sadd.s32 @!p0 $0x88, s6;
	s7 =	simm.s32 @p2 $0x1082  }
0x22: {  	[simem:s7], [sflag:s8] =	dma.local @!p0 [hbm:s6], $0xF7A  }
0x23: {  	s9 =	sor.u32 $0xD0000000, s2;
	s6 =	simm.s32 $0x108;
	_ =	swait.ge @!p0 [sflag:s8], $0x0  }
0x24: {  	s3 =	sadd.s32 $0x88, s3;
	s6 =	simm.s32 @!p1 $0x1082;
	[sflag:s4] =	ssyncset.s32 $0xFFFFF086  }
0x25: {  	[simem:s6], [sflag:s4] =	dma.local [hbm:s3], $0xF7A  }
0x26: {  	[smem:$0x3F90] =	sst s1;
	(tag) =	ssettag s2;
	_ =	strace s9  }
0x27: {  	s1 =	sld [smem:$0x3FA0]  }
0x28: {  	s2 =	sld [smem:$0x3FA1]  }
0x29: {  	s4 =	sld [smem:$0x3FA3]  }
0x2a: {  	p0 =	seq.s32 s5, $0x0;
	s5 =	sld [smem:$0x3FA4]  }
0x2b: {  	s6 =	sld [smem:$0x3FA5]  }
0x2c: {  	s7 =	sld [smem:$0x3FA6]  }
0x2d: {  	s3 =	simm.s32 $0x108;
	s8 =	sld [smem:$0x3FA7]  }
0x2e: {  	s3 =	simm.s32 @!p0 $0x1082;
	s9 =	sld [smem:$0x3FA8]  }
0x2f: {  	lr =	sadd.s32 s0, s3;
	s0 =	sld [smem:$0x3F9F]  }
0x30: {  	s3 =	sld [smem:$0x3FA2]  }
0x31: {  	[smem:$0x3FAB] =	sst s10  }
0x32: {  	s10 =	sld [smem:$0x3FA9];
	_ =	sdelay $0x3  }
0x33: {  	p0 =	seq.s32 s10, $0x1;
	s10 =	sld [smem:$0x3FAB];
	_ =	sdelay $0x3  }
0x34: {  	[smem:$0x3FAB] =	sst s10  }
0x35: {  	s10 =	sld [smem:$0x3FAA];
	_ =	sdelay $0x3  }
0x36: {  	p1 =	seq.s32 s10, $0x1;
	s10 =	sld [smem:$0x3FAB];
	_ =	sdelay $0x3  }
0x37: {  	[smem:$0x3FAB] =	sst s10  }
0x38: {  	s10 =	sld [smem:$0x3FAC]  }
0x39: {  	_ = 	snop;
	(pc) =	sbr.ind lr, $3  }
0x3a: {  	_ = 	snop  }
0x3b: {  	_ = 	snop  }
0x3c: {  	p2 =	seq.s32 s10, $0x1;
	s10 =	sld [smem:$0x3FAB]  }
0x3d: {  	_ =	shalt  }
0x3e: {  	_ =	shalt  }
0x3f: {  	_ =	shalt  }
0x40: {  	_ =	shalt  }
0x41: {  	_ =	shalt  }
0x42: {  	_ =	shalt  }
0x43: {  	_ =	shalt  }
0x44: {  	_ =	shalt  }
0x45: {  	_ =	shalt  }
0x46: {  	_ =	shalt  }
0x47: {  	_ =	shalt  }
0x48: {  	_ =	shalt  }
0x49: {  	_ =	shalt  }
0x4a: {  	_ =	shalt  }
0x4b: {  	_ =	shalt  }
0x4c: {  	_ =	shalt  }
0x4d: {  	_ =	shalt  }
0x4e: {  	_ =	shalt  }
0x4f: {  	_ =	shalt  }
0x50: {  	_ =	shalt  }
0x51: {  	_ =	shalt  }
0x52: {  	_ =	shalt  }
0x53: {  	_ =	shalt  }
0x54: {  	_ =	shalt  }
0x55: {  	_ =	shalt  }
0x56: {  	_ =	shalt  }
0x57: {  	_ =	shalt  }
0x58: {  	_ =	shalt  }
0x59: {  	_ =	shalt  }
0x5a: {  	_ =	shalt  }
0x5b: {  	_ =	shalt  }
0x5c: {  	_ =	shalt  }
0x5d: {  	_ =	shalt  }
0x5e: {  	_ =	shalt  }
0x5f: {  	_ =	shalt  }
0x60: {  	_ =	shalt  }
0x61: {  	_ =	shalt  }
0x62: {  	_ =	shalt  }
0x63: {  	_ =	shalt  }
0x64: {  	_ =	shalt  }
0x65: {  	_ =	shalt  }
0x66: {  	_ =	shalt  }
0x67: {  	_ =	shalt  }
0x68: {  	_ =	shalt  }
0x69: {  	_ =	shalt  }
0x6a: {  	_ =	shalt  }
0x6b: {  	_ =	shalt  }
0x6c: {  	_ =	shalt  }
0x6d: {  	_ =	shalt  }
0x6e: {  	_ =	shalt  }
0x6f: {  	_ =	shalt  }
0x70: {  	_ =	shalt  }
0x71: {  	_ =	shalt  }
0x72: {  	_ =	shalt  }
0x73: {  	_ =	shalt  }
0x74: {  	_ =	shalt  }
0x75: {  	_ =	shalt  }
0x76: {  	_ =	shalt  }
0x77: {  	_ =	shalt  }
0x78: {  	_ =	shalt  }
0x79: {  	_ =	shalt  }
0x7a: {  	_ =	shalt  }
0x7b: {  	_ =	shalt  }
0x7c: {  	_ =	shalt  }
0x7d: {  	_ =	shalt  }
0x7e: {  	_ =	shalt  }
0x7f: {  	_ =	shalt  }
0x80: {  	_ =	shalt  }
0x81: {  	_ =	shalt  }
0x82: {  	_ =	shalt  }
0x83: {  	_ =	shalt  }
0x84: {  	_ =	shalt  }
0x85: {  	_ =	shalt  }
0x86: {  	_ =	shalt  }
0x87: {  	_ =	shalt  }
.Lfunc_end0:
.L_simem_size_0:
called_computation.2_lowered:
.L_overlay_start_0:
0x88: {  	s2 =	sld [smem:$0x3FD9]  }
0x89: {  	s3 =	sld [smem:$0x3FFE];
	_ =	sdelay $0x1  }
0x8a: {  	s1 =	srdreg.scid  }
0x8b: {  	s0 =	sand.u32 $0x1, s1  }
0x8c: {  	s16 =	sshll.u32 s0, $0xA;
	s2 =	sadd.s32 s3, s2  }
0x8d: {  	s2 =	sadd.s32 s2, s16  }
0x8e: {  	[smem:$0x3FB7] =	sst s2  }
0x8f: {  	_ = 	snop  }
0x90: {  	(tm) =	ssettm $0x1  }
0x91: {  	s17 =	sld [smem:$0x3FFB];
	_ =	sdelay $0x3  }
0x92: {  	_ =	strace s17  }
0x93: {  	s2 =	sld [smem:$0x3FFC];
	_ =	sdelay $0x3  }
0x94: {  	_ =	strace s2  }
0x95: {  	s2 =	sld [smem:$0x3FFD];
	_ =	sdelay $0x3  }
0x96: {  	_ =	strace s2  }
0x97: {  	_ =	strace $0x8FFFFFFF  }
0x98: {  	s18 =	sld [smem:$0x3FDB];
	_ =	sdelay $0x1  }
0x99: {  	s19 =	simm.s32 $_scs_section_size  }
0x9a: {  	s4 =	simm.s32 $_size__tile_overlayer_lowered;
	s5 =	simm.s32 $_tile_overlayer_lowered  }
0x9b: {  	s22 =	simm.s32 $0x1BFF;
	s21 =	sshll.u32 s5, $0x1;
	s2 =	sadd.s32 s19, s18  }
0x9c: {  	s6 =	simm.s32 $0x0;
	s20 =	sshll.u32 s4, $0x1;
	s4 =	sadd.s32 s21, s2  }
0x9d: {  	[timem:s6], [sflag:s22] =	dma.local [hbm:s4], s20  }
0x9e: {  	_ =	swait.ge [sflag:s22], s20  }
0x9f: {  	s3 =	ssub.s32 $0x0, s20;
	[sflag:s22] =	ssyncset.done $0x0  }
0xa0: {  	[sflag:s22] =	ssyncadd.s32 s3;
	_ =	sdelay $0x1  }
0xa1: {  	s23 =	simm.s32 $0x1B8B  }
0xa2: {  	_ =	swait.ge [sflag:s23], $0x1  }
0xa3: {  	[sflag:s23] =	ssyncset.done $0x0  }
0xa4: {  	s25 =	simm.s32 $0x1B8E;
	s24 =	sld [smem:$0x3FFE];
	[sflag:s23] =	ssyncadd.s32 $0xFFFFFFFF  }
0xa5: {  	s26 =	simm.s32 $execute0_lowered;
	[smem:$0x3FD2] =	sst s25  }
0xa6: {  	s4 =	sshll.u32 s26, $0x1;
	_ =	strace $0x8000004C;
	[dreg:$0x1] =	wrdreg $0xFFFFFFFF  }
0xa7: {  	s28 =	simm.s32 $_size_execute0_lowered;
	s2 =	sadd.s32 s2, s4;
	[dreg:$0x0] =	wrdreg $0x0  }
0xa8: {  	s4 =	sshll.u32 s28, $0x1;
	[dreg:$0x2] =	wrdreg s2  }
0xa9: {  	[dreg:$0x3] =	wrdreg s4  }
0xaa: {  	[dreg:$0x4] =	wrdreg $0xC0  }
0xab: {  	_ =	task [dreg:s6], $0x5FFFF  }
0xac: {  	[dreg:$0x1] =	wrdreg $0xFFFFFFFF  }
0xad: {  	[dreg:$0x0] =	wrdreg $0x60  }
0xae: {  	[dreg:$0x2] =	wrdreg s24  }
0xaf: {  	[dreg:$0x3] =	wrdreg $0x9  }
0xb0: {  	_ =	task.clear_ibuf [dreg:s6], $0x4FFFF;
	_ =	strace $0x9000004C  }
0xb1: {  	s29 =	simm.s32 $0x9;
	_ =	strace $0x8000004E  }
0xb2: {  	_ =	swait.ge [sflag:s29], $0x1  }
0xb3: {  	[sflag:s29] =	ssyncadd.s32 $0xFFFFFFFF  }
0xb4: {  	_ =	strace $0x9000004E  }
0xb5: {  	_ =	sfence  }
0xb6: {  	s30 =	sld [smem:$0x0];
	_ =	sdelay $0x2  }
0xb7: {  	s31 =	sshll.u32 s1, $0xD;
	s1 =	sshrl.u32 s1, $0x2  }
0xb8: {  	s3 =	sand.u32 $0x4000, s31;
	s1 =	sadd.s32 s1, s30  }
0xb9: {  	s0 =	sor.u32 s3, s0;
	s1 =	sshll.u32 s1, $0x11  }
0xba: {  	s0 =	sor.u32 s1, s0  }
0xbb: {  	s0 =	sadd.s32 $0x8F2B, s0  }
0xbc: {  	[sflag:s0] =	ssyncadd.remote.s32 $0x1  }
0xbd: {  	_ =	sfence.sel $0xFFFF  }
0xbe: {  	[dreg:$0x0] =	wrdreg $0xFFFFFFFF;
	(pc) =	sbr.abs _section_cstart, $3  }
0xbf: {  	[dreg:$0x1] =	wrdreg $0xFFFFFFFF  }
0xc0: {  	_ =	task.clear_ibuf [dreg:s6], $0x2FFFF;
	_ =	strace $0x9FFFFFFF  }
0xc1: {  	(tm) =	ssettm $0x7FFFFFFF  }
tec
execute0_lowered:
.L_overlay_start_1:
0x0: {  	(tag) =	ssettag $0x1  }
0x1: {  	s1 =	srdreg.scid  }
0x2: {  	s0 =	stileid.u32;
	s4 =	rddreg [dreg:$0x0];
	s2 =	simm.s32 $0x0  }
0x3: {  	s13 =	simm.s32 $0xA00;
	s14 =	simm.s32 $0x4A00;
	s15 =	simm.s32 $0x100  }
0x4: {  	s16 =	simm.s32 $0x8A00;
	s17 =	simm.s32 $0xCA00;
	s18 =	simm.s32 $0x1  }
0x5: {  	s19 =	simm.s32 $0x2;
	s20 =	simm.s32 $0x3;
	s21 =	simm.s32 $0x4  }
0x6: {  	s22 =	simm.s32 $0x980;
	s23 =	simm.s32 $0x0;
	s7 =	sand.u32 $0x1, s1  }
0x7: {  	s31 =	sshll.u32 s0, $0x1;
	s1 =	rddreg [dreg:$0x1];
	s11 =	smul.u32 $0x14000, s0  }
0x8: {  	[smem:$0x7FF] =	sst s2;
	s3 =	sor.u32 s7, s31;
	s12 =	smul.u32 $0xA000, s7  }
0x9: {  	s10 =	sadd.s32 $0x27A00, s4;
	s6 =	ssub.s32 $0x2, s7;
	s5 =	smul.u32 $0xA00, s3  }
0xa: {  	_ =	strace $0x8000004D;
	s8 =	sshrl.u32 s6, $0x1;
	s9 =	smul.u32 $0xA000, s3  }
0xb: {  	s3 =	sadd.s32 $0x5200, s4;
	s6 =	ssub.s32 s6, s8;
	s5 =	sshrl.u32 s5, $0x3  }
0xc: {  	s9 =	sadd.s32 s10, s9;
	s10 =	sadd.s32 s11, s10;
	s11 =	simm.s32 $0x5  }
0xd: {  	s5 =	sadd.s32 s5, s4;
	s7 =	sadd.s32 $0x8800, s9;
	s8 =	sadd.s32 $0x9000, s9  }
0xe: {  	s10 =	sadd.s32 s12, s10;
	s12 =	simm.s32 $0x80;
	s4 =	sadd.s32 $0x25200, s5  }
0xf: {  	s5 =	smax.u32 s6, $0x1;
	s6 =	sadd.s32 $0x8000, s9;
	s9 =	sadd.s32 $0x9800, s9  }
.LBB2_1:
0x10: {  	[tilespmem:s2], [sflag:$0x5] =	stream.linear.gather [hbm4b:s4+s2], $0xA00, $0x38;
	[tilespmem:$0x10A00] =	vst v63  }
0x11: {  	_ =	swait.ge [sflag:s11], $0xA00  }
0x12: {  	[sflag:s11] =	ssyncset.done $0x0  }
0x13: {  	[sflag:s11] =	ssyncadd.s32 $0xFFFFF600  }
0x14: {  	[tilespmem:s13], [sflag:$0x1] =	stream.indirect.gather [hbm4b:s3+s12], $0x80, s2, s12, $0xb8;
	[tilespmem:$0x10A00] =	vst v63  }
0x15: {  	_ = 	snop  }
0x16: {  	[tilespmem:s14], [sflag:$0x2] =	stream.indirect.gather [hbm4b:s3+s12], $0x80, s12, s12, $0xb8;
	[tilespmem:$0x10A00] =	vst v63  }
0x17: {  	_ = 	snop  }
0x18: {  	[tilespmem:s16], [sflag:$0x3] =	stream.indirect.gather [hbm4b:s3+s12], $0x80, s15, s12, $0xb8;
	[tilespmem:$0x10A00] =	vst v63  }
0x19: {  	s24 =	simm.s32 $0x180  }
0x1a: {  	[tilespmem:s17], [sflag:$0x4] =	stream.indirect.gather [hbm4b:s3+s12], $0x80, s24, s12, $0xb8;
	[tilespmem:$0x10A00] =	vst v63  }
0x1b: {  	_ =	swait.ge [sflag:s18], $0x4000  }
0x1c: {  	[sflag:s18] =	ssyncset.done $0x0  }
0x1d: {  	s26 =	sadd.s32 $0x0, s10;
	[sflag:s18] =	ssyncadd.s32 $0xFFFFC000  }
0x1e: {  	[hbm4b:s26+s2] =	stream.linear.scatter [tilespmem:s13], [sflag:$0x5], $0x4000, $0x38;
	[tilespmem:$0x10A00] =	vst v63  }
0x1f: {  	_ =	swait.ge [sflag:s11], $0x4000  }
0x20: {  	[sflag:s11] =	ssyncset.done $0x0  }
0x21: {  	s25 =	simm.s32 $0x200;
	[sflag:s11] =	ssyncadd.s32 $0xFFFFC000  }
0x22: {  	[tilespmem:s13], [sflag:$0x1] =	stream.indirect.gather [hbm4b:s3+s12], $0x80, s25, s12, $0xb8;
	[tilespmem:$0x10A00] =	vst v63  }
0x23: {  	_ =	swait.ge [sflag:s19], $0x4000  }
0x24: {  	[sflag:s19] =	ssyncset.done $0x0  }
0x25: {  	s28 =	sadd.s32 $0x800, s26;
	[sflag:s19] =	ssyncadd.s32 $0xFFFFC000  }
0x26: {  	[hbm4b:s28+s2] =	stream.linear.scatter [tilespmem:s14], [sflag:$0x5], $0x4000, $0x38;
	[tilespmem:$0x10A00] =	vst v63  }
0x27: {  	_ =	swait.ge [sflag:s11], $0x4000  }
0x28: {  	[sflag:s11] =	ssyncset.done $0x0  }
0x29: {  	s29 =	simm.s32 $0x280;
	[sflag:s11] =	ssyncadd.s32 $0xFFFFC000  }
0x2a: {  	[tilespmem:s14], [sflag:$0x2] =	stream.indirect.gather [hbm4b:s3+s12], $0x80, s29, s12, $0xb8;
	[tilespmem:$0x10A00] =	vst v63  }
0x2b: {  	_ =	swait.ge [sflag:s20], $0x4000  }
0x2c: {  	[sflag:s20] =	ssyncset.done $0x0  }
0x2d: {  	s30 =	sadd.s32 $0x1000, s26;
	[sflag:s20] =	ssyncadd.s32 $0xFFFFC000  }
0x2e: {  	[hbm4b:s30+s2] =	stream.linear.scatter [tilespmem:s16], [sflag:$0x5], $0x4000, $0x38;
	[tilespmem:$0x10A00] =	vst v63  }
0x2f: {  	_ =	swait.ge [sflag:s11], $0x4000  }
0x30: {  	[sflag:s11] =	ssyncset.done $0x0  }
0x31: {  	s31 =	simm.s32 $0x300;
	[sflag:s11] =	ssyncadd.s32 $0xFFFFC000  }
0x32: {  	[tilespmem:s16], [sflag:$0x3] =	stream.indirect.gather [hbm4b:s3+s12], $0x80, s31, s12, $0xb8;
	[tilespmem:$0x10A00] =	vst v63  }
0x33: {  	_ =	swait.ge [sflag:s21], $0x4000  }
0x34: {  	[sflag:s21] =	ssyncset.done $0x0  }
0x35: {  	s24 =	sadd.s32 $0x1800, s26;
	[sflag:s21] =	ssyncadd.s32 $0xFFFFC000  }
0x36: {  	[hbm4b:s24+s2] =	stream.linear.scatter [tilespmem:s17], [sflag:$0x5], $0x4000, $0x38;
	[tilespmem:$0x10A00] =	vst v63  }
0x37: {  	s26 =	simm.s32 $0x4000;
	_ =	swait.ge [sflag:s11], $0x4000  }
0x38: {  	s25 =	simm.s32 $0x2000;
	s24 =	simm.s32 $0x500;
	[sflag:s11] =	ssyncset.done $0x0  }
.LBB2_2:
0x39: {  	p0 =	sne.s32 s26, $0x6000;
	s28 =	sadd.s32 $0xFFFFFE80, s24;
	[sflag:s11] =	ssyncadd.s32 $0xFFFFC000  }
0x3a: {  	[tilespmem:s17], [sflag:$0x4] =	stream.indirect.gather [hbm4b:s3+s12], $0x80, s28, s12, $0xb8;
	[tilespmem:$0x10A00] =	vst v63  }
0x3b: {  	s28 =	smov.u32 s26;
	s26 =	sadd.s32 $0x2000, s26;
	_ =	swait.ge [sflag:s18], $0x4000  }
0x3c: {  	[sflag:s18] =	ssyncset.done $0x0  }
0x3d: {  	s29 =	sadd.s32 s25, s10;
	s25 =	smov.u32 s28;
	[sflag:s18] =	ssyncadd.s32 $0xFFFFC000  }
0x3e: {  	[hbm4b:s29+s2] =	stream.linear.scatter [tilespmem:s13], [sflag:$0x5], $0x4000, $0x38;
	[tilespmem:$0x10A00] =	vst v63  }
0x3f: {  	_ =	swait.ge [sflag:s11], $0x4000  }
0x40: {  	[sflag:s11] =	ssyncset.done $0x0  }
0x41: {  	s28 =	sadd.s32 $0xFFFFFF00, s24;
	[sflag:s11] =	ssyncadd.s32 $0xFFFFC000  }
0x42: {  	[tilespmem:s13], [sflag:$0x1] =	stream.indirect.gather [hbm4b:s3+s12], $0x80, s28, s12, $0xb8;
	[tilespmem:$0x10A00] =	vst v63  }
0x43: {  	_ =	swait.ge [sflag:s19], $0x4000  }
0x44: {  	[sflag:s19] =	ssyncset.done $0x0  }
0x45: {  	s28 =	sadd.s32 $0x800, s29;
	[sflag:s19] =	ssyncadd.s32 $0xFFFFC000  }
0x46: {  	[hbm4b:s28+s2] =	stream.linear.scatter [tilespmem:s14], [sflag:$0x5], $0x4000, $0x38;
	[tilespmem:$0x10A00] =	vst v63  }
0x47: {  	_ =	swait.ge [sflag:s11], $0x4000  }
0x48: {  	[sflag:s11] =	ssyncset.done $0x0  }
0x49: {  	s28 =	sadd.s32 $0xFFFFFF80, s24;
	[sflag:s11] =	ssyncadd.s32 $0xFFFFC000  }
0x4a: {  	[tilespmem:s14], [sflag:$0x2] =	stream.indirect.gather [hbm4b:s3+s12], $0x80, s28, s12, $0xb8;
	[tilespmem:$0x10A00] =	vst v63  }
0x4b: {  	_ =	swait.ge [sflag:s20], $0x4000  }
0x4c: {  	[sflag:s20] =	ssyncset.done $0x0  }
0x4d: {  	s28 =	sadd.s32 $0x1000, s29;
	[sflag:s20] =	ssyncadd.s32 $0xFFFFC000  }
0x4e: {  	[hbm4b:s28+s2] =	stream.linear.scatter [tilespmem:s16], [sflag:$0x5], $0x4000, $0x38;
	[tilespmem:$0x10A00] =	vst v63  }
0x4f: {  	_ =	swait.ge [sflag:s11], $0x4000  }
0x50: {  	[sflag:s11] =	ssyncset.done $0x0  }
0x51: {  	[sflag:s11] =	ssyncadd.s32 $0xFFFFC000  }
0x52: {  	[tilespmem:s16], [sflag:$0x3] =	stream.indirect.gather [hbm4b:s3+s12], $0x80, s24, s12, $0xb8;
	[tilespmem:$0x10A00] =	vst v63  }
0x53: {  	_ =	swait.ge [sflag:s21], $0x4000  }
.Ltmp0:
0x54: {  	[sflag:s21] =	ssyncset.done $0x0;
	(pc) =	sbr.rel @p0 .LBB2_2-.Ltmp0, $4  }
0x55: {  	s28 =	sadd.s32 $0x1800, s29;
	[sflag:s21] =	ssyncadd.s32 $0xFFFFC000  }
0x56: {  	[hbm4b:s28+s2] =	stream.linear.scatter [tilespmem:s17], [sflag:$0x5], $0x4000, $0x38;
	[tilespmem:$0x10A00] =	vst v63  }
0x57: {  	_ =	swait.ge [sflag:s11], $0x4000  }
0x58: {  	s24 =	sadd.s32 $0x200, s24;
	[sflag:s11] =	ssyncset.done $0x0  }
0x59: {  	s26 =	sadd.s32 $0xFFFFFE80, s24;
	[sflag:s11] =	ssyncadd.s32 $0xFFFFC000  }
0x5a: {  	[tilespmem:s17], [sflag:$0x4] =	stream.indirect.gather [hbm4b:s3+s12], $0x80, s26, s12, $0xb8;
	[tilespmem:$0x10A00] =	vst v63  }
0x5b: {  	_ =	swait.ge [sflag:s18], $0x4000  }
0x5c: {  	[sflag:s18] =	ssyncset.done $0x0  }
0x5d: {  	s25 =	sadd.s32 s25, s10;
	[sflag:s18] =	ssyncadd.s32 $0xFFFFC000  }
0x5e: {  	[hbm4b:s25+s2] =	stream.linear.scatter [tilespmem:s13], [sflag:$0x5], $0x4000, $0x38;
	[tilespmem:$0x10A00] =	vst v63  }
0x5f: {  	_ =	swait.ge [sflag:s11], $0x4000  }
0x60: {  	[sflag:s11] =	ssyncset.done $0x0  }
0x61: {  	s31 =	sadd.s32 $0xFFFFFF00, s24;
	[sflag:s11] =	ssyncadd.s32 $0xFFFFC000  }
0x62: {  	[tilespmem:s13], [sflag:$0x1] =	stream.indirect.gather [hbm4b:s3+s12], $0x80, s31, s12, $0xb8;
	[tilespmem:$0x10A00] =	vst v63  }
0x63: {  	_ =	swait.ge [sflag:s19], $0x4000  }
0x64: {  	[sflag:s19] =	ssyncset.done $0x0  }
0x65: {  	s28 =	sadd.s32 $0x800, s25;
	[sflag:s19] =	ssyncadd.s32 $0xFFFFC000  }
0x66: {  	[hbm4b:s28+s2] =	stream.linear.scatter [tilespmem:s14], [sflag:$0x5], $0x4000, $0x38;
	[tilespmem:$0x10A00] =	vst v63  }
0x67: {  	_ =	swait.ge [sflag:s11], $0x4000  }
0x68: {  	[sflag:s11] =	ssyncset.done $0x0  }
0x69: {  	s29 =	sadd.s32 $0xFFFFFF80, s24;
	[sflag:s11] =	ssyncadd.s32 $0xFFFFC000  }
0x6a: {  	[tilespmem:s14], [sflag:$0x2] =	stream.indirect.gather [hbm4b:s3+s12], $0x80, s29, s12, $0xb8;
	[tilespmem:$0x10A00] =	vst v63  }
0x6b: {  	_ =	swait.ge [sflag:s20], $0x4000  }
0x6c: {  	[sflag:s20] =	ssyncset.done $0x0  }
0x6d: {  	s30 =	sadd.s32 $0x1000, s25;
	[sflag:s20] =	ssyncadd.s32 $0xFFFFC000  }
0x6e: {  	[hbm4b:s30+s2] =	stream.linear.scatter [tilespmem:s16], [sflag:$0x5], $0x4000, $0x38;
	[tilespmem:$0x10A00] =	vst v63  }
0x6f: {  	_ =	swait.ge [sflag:s11], $0x4000  }
0x70: {  	[sflag:s11] =	ssyncset.done $0x0  }
0x71: {  	[sflag:s11] =	ssyncadd.s32 $0xFFFFC000  }
0x72: {  	[tilespmem:s16], [sflag:$0x3] =	stream.indirect.gather [hbm4b:s3+s12], $0x80, s24, s12, $0xb8;
	[tilespmem:$0x10A00] =	vst v63  }
0x73: {  	_ =	swait.ge [sflag:s21], $0x4000  }
0x74: {  	[sflag:s21] =	ssyncset.done $0x0  }
0x75: {  	s31 =	sadd.s32 $0x1800, s25;
	[sflag:s21] =	ssyncadd.s32 $0xFFFFC000  }
0x76: {  	[hbm4b:s31+s2] =	stream.linear.scatter [tilespmem:s17], [sflag:$0x5], $0x4000, $0x38;
	[tilespmem:$0x10A00] =	vst v63  }
0x77: {  	_ =	swait.ge [sflag:s11], $0x4000  }
0x78: {  	[sflag:s11] =	ssyncset.done $0x0  }
0x79: {  	[sflag:s11] =	ssyncadd.s32 $0xFFFFC000  }
0x7a: {  	[tilespmem:s17], [sflag:$0x4] =	stream.indirect.gather [hbm4b:s3+s12], $0x80, s22, s12, $0xb8;
	[tilespmem:$0x10A00] =	vst v63  }
0x7b: {  	_ =	swait.ge [sflag:s18], $0x4000  }
0x7c: {  	[sflag:s18] =	ssyncset.done $0x0  }
0x7d: {  	[sflag:s18] =	ssyncadd.s32 $0xFFFFC000  }
0x7e: {  	[hbm4b:s6+s2] =	stream.linear.scatter [tilespmem:s13], [sflag:$0x5], $0x4000, $0x38;
	[tilespmem:$0x10A00] =	vst v63  }
0x7f: {  	_ =	swait.ge [sflag:s11], $0x4000  }
0x80: {  	[sflag:s11] =	ssyncset.done $0x0  }
0x81: {  	[sflag:s11] =	ssyncadd.s32 $0xFFFFC000  }
0x82: {  	_ =	swait.ge [sflag:s19], $0x4000  }
0x83: {  	[sflag:s19] =	ssyncset.done $0x0  }
0x84: {  	[sflag:s19] =	ssyncadd.s32 $0xFFFFC000  }
0x85: {  	[hbm4b:s7+s2] =	stream.linear.scatter [tilespmem:s14], [sflag:$0x5], $0x4000, $0x38;
	[tilespmem:$0x10A00] =	vst v63  }
0x86: {  	_ =	swait.ge [sflag:s11], $0x4000  }
0x87: {  	[sflag:s11] =	ssyncset.done $0x0  }
0x88: {  	[sflag:s11] =	ssyncadd.s32 $0xFFFFC000  }
0x89: {  	_ =	swait.ge [sflag:s20], $0x4000  }
0x8a: {  	[sflag:s20] =	ssyncset.done $0x0  }
0x8b: {  	[sflag:s20] =	ssyncadd.s32 $0xFFFFC000  }
0x8c: {  	[hbm4b:s8+s2] =	stream.linear.scatter [tilespmem:s16], [sflag:$0x5], $0x4000, $0x38;
	[tilespmem:$0x10A00] =	vst v63  }
0x8d: {  	_ =	swait.ge [sflag:s11], $0x4000  }
0x8e: {  	[sflag:s11] =	ssyncset.done $0x0  }
0x8f: {  	[sflag:s11] =	ssyncadd.s32 $0xFFFFC000  }
0x90: {  	s23 =	sadd.s32 $0x1, s23;
	_ =	swait.ge [sflag:s21], $0x4000  }
0x91: {  	p0 =	sne.s32 s23, s5;
	[sflag:s21] =	ssyncset.done $0x0  }
.Ltmp1:
0x92: {  	[sflag:s21] =	ssyncadd.s32 $0xFFFFC000;
	(pc) =	sbr.rel @p0 .LBB2_1-.Ltmp1, $4  }
0x93: {  	[hbm4b:s9+s2] =	stream.linear.scatter [tilespmem:s17], [sflag:$0x5], $0x4000, $0x38;
	[tilespmem:$0x10A00] =	vst v63  }
0x94: {  	_ =	swait.ge [sflag:s11], $0x4000  }
0x95: {  	[sflag:s11] =	ssyncset.done $0x0  }
0x96: {  	[sflag:s11] =	ssyncadd.s32 $0xFFFFC000  }
0x97: {  	_ =	sfence.sel $0x180000  }
0x98: {  	[bflag:$0x0] =	sbarrier.arrive $0xFFFF  }
0x99: {  	p0 =	sne.s32 s0, $0x0;
	_ =	strace $0x9000004D  }
0x9a: {  	s0 =	sadd.s32 @!p0 $0x100000, s1;
	[bflag:$0x2] =	sbarrier.arrive $0xFFFF  }
0x9b: {  	[sflag:s0] =	ssyncadd.tile.s32 @!p0 $0x1;
	_ =	shalt  }
.Lfunc_end2:
_tile_overlayer_lowered:
.L_overlay_start_2:
0x9c: {  	(tag) =	ssettag $0x2  }
0x9d: {  	s0 =	rddreg [dreg:$0x0];
	s2 =	stileid.u32  }
0x9e: {  	s1 =	rddreg [dreg:$0x1];
	p0 =	sne.s32 s2, $0x0  }
0x9f: {  	s3 =	rddreg [dreg:$0x2];
	[bflag:$0x3] =	sbarrier.arrive $0xFFFF;
	s2 =	simm.s32 @!p0 $0x1C05  }
0xa0: {  	[timem:s3], [sflag:s2] =	dma.local @!p0 [hbm:s0], s1  }
0xa1: {  	s0 =	simm.s32 @!p0 $0x5  }
0xa2: {  	_ =	swait.ge @!p0 [sflag:s0], s1  }
0xa3: {  	s1 =	ssub.s32 @!p0 $0x0, s1;
	[sflag:s0] =	ssyncset.done @!p0 $0x0  }
0xa4: {  	[sflag:s0] =	ssyncadd.s32 @!p0 s1  }
0xa5: {  	[bflag:$0x3] =	sbarrier.arrive $0xFFFF  }
0xa6: {  	_ =	shalt  }

// kernel: kernel.27.cloned.1.call-start
scs
__scs_entry_jumppad:
0x0: {  	(pc) =	sbr.rel $0x88, $3  }
0x1: {  	(tag) =	ssettag $0x0;
	lr =	simm.s32 $0x1  }
0x2: {  	[smem:$0x3F90] =	sst lr;
	_ =	strace $0xD0000000  }
0x3: {  	_ = 	snop  }
0x4: {  	_ = 	snop  }
0x5: {  	_ = 	snop  }
0x6: {  	_ = 	snop  }
0x7: {  	_ = 	snop  }
__scs_overlays_trampoline_lowered:
0x8: {  	[smem:$0x3F9F] =	sst s0  }
0x9: {  	[smem:$0x3FA0] =	sst s1  }
0xa: {  	[smem:$0x3FA1] =	sst s2  }
0xb: {  	[smem:$0x3FA2] =	sst s3  }
0xc: {  	[smem:$0x3FA3] =	sst s4  }
0xd: {  	[smem:$0x3FA4] =	sst s5  }
0xe: {  	[smem:$0x3FA5] =	sst s6  }
0xf: {  	[smem:$0x3FA6] =	sst s7  }
0x10: {  	[smem:$0x3FA7] =	sst s8  }
0x11: {  	[smem:$0x3FA8] =	sst s9;
	s0 =	simm.s32 @!p0 $0x0  }
0x12: {  	s1 =	sld [smem:$0x3F8E];
	s0 =	simm.s32 @p0 $0x1  }
0x13: {  	[smem:$0x3FA9] =	sst s0;
	s0 =	simm.s32 @!p1 $0x0  }
0x14: {  	s2 =	sld [smem:$0x3F8D];
	s0 =	simm.s32 @p1 $0x1  }
0x15: {  	[smem:$0x3FAA] =	sst s0;
	s0 =	simm.s32 @!p2 $0x0  }
0x16: {  	s3 =	sld [smem:$0x3FDB];
	s0 =	simm.s32 @p2 $0x1  }
0x17: {  	s4 =	simm.s32 $0x1BF5;
	[smem:$0x3FAC] =	sst s0  }
0x18: {  	s0 =	sld [smem:$0x3F8F];
	_ =	swait.ge [sflag:s4], $0x0  }
0x19: {  	s7 =	sld [smem:$0x3F90]  }
0x1a: {  	s8 =	sadd.s32 $0xFFFFE003, lr  }
0x1b: {  	s9 =	sadd.s32 $0xFFFFFEF7, lr;
	s5 =	simm.s32 $0xFFFFFFFF;
	p2 =	slt.u32 s8, $0xFFFFF086  }
0x1c: {  	p1 =	slt.u32 s9, $0xF7A;
	s5 =	simm.s32 @!p2 $0x0  }
0x1d: {  	s5 =	simm.s32 @p1 $0x1;
	p0 =	seq.s32 s7, s2  }
0x1e: {  	s7 =	smul.u32 @!p0 $0xF7A, s2;
	p2 =	seq.s32 @!p0 s5, $0x0  }
0x1f: {  	s9 =	smul.u32 $0xF7A, s1;
	s8 =	simm.s32 @!p0 $0x1BF5;
	p2 =	por !p2, p0  }
0x20: {  	[sflag:s8] =	ssyncset.s32 @!p0 $0xFFFFF086;
	s6 =	sadd.s32 @!p0 s3, s7;
	s7 =	simm.s32 @!p0 $0x108  }
0x21: {  	s3 =	sadd.s32 s3, s9;
	s6 =	sadd.s32 @!p0 $0x88, s6;
	s7 =	simm.s32 @p2 $0x1082  }
0x22: {  	[simem:s7], [sflag:s8] =	dma.local @!p0 [hbm:s6], $0xF7A  }
0x23: {  	s9 =	sor.u32 $0xD0000000, s2;
	s6 =	simm.s32 $0x108;
	_ =	swait.ge @!p0 [sflag:s8], $0x0  }
0x24: {  	s3 =	sadd.s32 $0x88, s3;
	s6 =	simm.s32 @!p1 $0x1082;
	[sflag:s4] =	ssyncset.s32 $0xFFFFF086  }
0x25: {  	[simem:s6], [sflag:s4] =	dma.local [hbm:s3], $0xF7A  }
0x26: {  	[smem:$0x3F90] =	sst s1;
	(tag) =	ssettag s2;
	_ =	strace s9  }
0x27: {  	s1 =	sld [smem:$0x3FA0]  }
0x28: {  	s2 =	sld [smem:$0x3FA1]  }
0x29: {  	s4 =	sld [smem:$0x3FA3]  }
0x2a: {  	p0 =	seq.s32 s5, $0x0;
	s5 =	sld [smem:$0x3FA4]  }
0x2b: {  	s6 =	sld [smem:$0x3FA5]  }
0x2c: {  	s7 =	sld [smem:$0x3FA6]  }
0x2d: {  	s3 =	simm.s32 $0x108;
	s8 =	sld [smem:$0x3FA7]  }
0x2e: {  	s3 =	simm.s32 @!p0 $0x1082;
	s9 =	sld [smem:$0x3FA8]  }
0x2f: {  	lr =	sadd.s32 s0, s3;
	s0 =	sld [smem:$0x3F9F]  }
0x30: {  	s3 =	sld [smem:$0x3FA2]  }
0x31: {  	[smem:$0x3FAB] =	sst s10  }
0x32: {  	s10 =	sld [smem:$0x3FA9];
	_ =	sdelay $0x3  }
0x33: {  	p0 =	seq.s32 s10, $0x1;
	s10 =	sld [smem:$0x3FAB];
	_ =	sdelay $0x3  }
0x34: {  	[smem:$0x3FAB] =	sst s10  }
0x35: {  	s10 =	sld [smem:$0x3FAA];
	_ =	sdelay $0x3  }
0x36: {  	p1 =	seq.s32 s10, $0x1;
	s10 =	sld [smem:$0x3FAB];
	_ =	sdelay $0x3  }
0x37: {  	[smem:$0x3FAB] =	sst s10  }
0x38: {  	s10 =	sld [smem:$0x3FAC]  }
0x39: {  	_ = 	snop;
	(pc) =	sbr.ind lr, $3  }
0x3a: {  	_ = 	snop  }
0x3b: {  	_ = 	snop  }
0x3c: {  	p2 =	seq.s32 s10, $0x1;
	s10 =	sld [smem:$0x3FAB]  }
0x3d: {  	_ =	shalt  }
0x3e: {  	_ =	shalt  }
0x3f: {  	_ =	shalt  }
0x40: {  	_ =	shalt  }
0x41: {  	_ =	shalt  }
0x42: {  	_ =	shalt  }
0x43: {  	_ =	shalt  }
0x44: {  	_ =	shalt  }
0x45: {  	_ =	shalt  }
0x46: {  	_ =	shalt  }
0x47: {  	_ =	shalt  }
0x48: {  	_ =	shalt  }
0x49: {  	_ =	shalt  }
0x4a: {  	_ =	shalt  }
0x4b: {  	_ =	shalt  }
0x4c: {  	_ =	shalt  }
0x4d: {  	_ =	shalt  }
0x4e: {  	_ =	shalt  }
0x4f: {  	_ =	shalt  }
0x50: {  	_ =	shalt  }
0x51: {  	_ =	shalt  }
0x52: {  	_ =	shalt  }
0x53: {  	_ =	shalt  }
0x54: {  	_ =	shalt  }
0x55: {  	_ =	shalt  }
0x56: {  	_ =	shalt  }
0x57: {  	_ =	shalt  }
0x58: {  	_ =	shalt  }
0x59: {  	_ =	shalt  }
0x5a: {  	_ =	shalt  }
0x5b: {  	_ =	shalt  }
0x5c: {  	_ =	shalt  }
0x5d: {  	_ =	shalt  }
0x5e: {  	_ =	shalt  }
0x5f: {  	_ =	shalt  }
0x60: {  	_ =	shalt  }
0x61: {  	_ =	shalt  }
0x62: {  	_ =	shalt  }
0x63: {  	_ =	shalt  }
0x64: {  	_ =	shalt  }
0x65: {  	_ =	shalt  }
0x66: {  	_ =	shalt  }
0x67: {  	_ =	shalt  }
0x68: {  	_ =	shalt  }
0x69: {  	_ =	shalt  }
0x6a: {  	_ =	shalt  }
0x6b: {  	_ =	shalt  }
0x6c: {  	_ =	shalt  }
0x6d: {  	_ =	shalt  }
0x6e: {  	_ =	shalt  }
0x6f: {  	_ =	shalt  }
0x70: {  	_ =	shalt  }
0x71: {  	_ =	shalt  }
0x72: {  	_ =	shalt  }
0x73: {  	_ =	shalt  }
0x74: {  	_ =	shalt  }
0x75: {  	_ =	shalt  }
0x76: {  	_ =	shalt  }
0x77: {  	_ =	shalt  }
0x78: {  	_ =	shalt  }
0x79: {  	_ =	shalt  }
0x7a: {  	_ =	shalt  }
0x7b: {  	_ =	shalt  }
0x7c: {  	_ =	shalt  }
0x7d: {  	_ =	shalt  }
0x7e: {  	_ =	shalt  }
0x7f: {  	_ =	shalt  }
0x80: {  	_ =	shalt  }
0x81: {  	_ =	shalt  }
0x82: {  	_ =	shalt  }
0x83: {  	_ =	shalt  }
0x84: {  	_ =	shalt  }
0x85: {  	_ =	shalt  }
0x86: {  	_ =	shalt  }
0x87: {  	_ =	shalt  }
.Lfunc_end0:
.L_simem_size_0:
called_computation.3_lowered:
.L_overlay_start_0:
0x88: {  	s2 =	sld [smem:$0x3FD9]  }
0x89: {  	s3 =	sld [smem:$0x3FFE];
	_ =	sdelay $0x1  }
0x8a: {  	s1 =	srdreg.scid  }
0x8b: {  	s0 =	sand.u32 $0x1, s1  }
0x8c: {  	s16 =	sshll.u32 s0, $0xA;
	s2 =	sadd.s32 s3, s2  }
0x8d: {  	s2 =	sadd.s32 s2, s16  }
0x8e: {  	[smem:$0x3FB7] =	sst s2  }
0x8f: {  	_ = 	snop  }
0x90: {  	(tm) =	ssettm $0x1  }
0x91: {  	s17 =	sld [smem:$0x3FFB];
	_ =	sdelay $0x3  }
0x92: {  	_ =	strace s17  }
0x93: {  	s2 =	sld [smem:$0x3FFC];
	_ =	sdelay $0x3  }
0x94: {  	_ =	strace s2  }
0x95: {  	s2 =	sld [smem:$0x3FFD];
	_ =	sdelay $0x3  }
0x96: {  	_ =	strace s2  }
0x97: {  	_ =	strace $0x8FFFFFFF  }
0x98: {  	s18 =	sld [smem:$0x3FDB];
	_ =	sdelay $0x1  }
0x99: {  	s19 =	simm.s32 $_scs_section_size  }
0x9a: {  	s4 =	simm.s32 $_size__tile_overlayer_lowered;
	s5 =	simm.s32 $_tile_overlayer_lowered  }
0x9b: {  	s22 =	simm.s32 $0x1BFF;
	s21 =	sshll.u32 s5, $0x1;
	s2 =	sadd.s32 s19, s18  }
0x9c: {  	s6 =	simm.s32 $0x0;
	s20 =	sshll.u32 s4, $0x1;
	s4 =	sadd.s32 s21, s2  }
0x9d: {  	[timem:s6], [sflag:s22] =	dma.local [hbm:s4], s20  }
0x9e: {  	_ =	swait.ge [sflag:s22], s20  }
0x9f: {  	s3 =	ssub.s32 $0x0, s20;
	[sflag:s22] =	ssyncset.done $0x0  }
0xa0: {  	[sflag:s22] =	ssyncadd.s32 s3;
	_ =	sdelay $0x1  }
0xa1: {  	s23 =	simm.s32 $0x1B8B  }
0xa2: {  	_ =	swait.ge [sflag:s23], $0x1  }
0xa3: {  	[sflag:s23] =	ssyncset.done $0x0  }
0xa4: {  	s25 =	simm.s32 $0x1B8E;
	s24 =	sld [smem:$0x3FFE];
	[sflag:s23] =	ssyncadd.s32 $0xFFFFFFFF  }
0xa5: {  	s26 =	simm.s32 $execute0_lowered;
	[smem:$0x3FD2] =	sst s25  }
0xa6: {  	s4 =	sshll.u32 s26, $0x1;
	_ =	strace $0x8000004F;
	[dreg:$0x1] =	wrdreg $0xFFFFFFFF  }
0xa7: {  	s28 =	simm.s32 $_size_execute0_lowered;
	s2 =	sadd.s32 s2, s4;
	[dreg:$0x0] =	wrdreg $0x0  }
0xa8: {  	s4 =	sshll.u32 s28, $0x1;
	[dreg:$0x2] =	wrdreg s2  }
0xa9: {  	[dreg:$0x3] =	wrdreg s4  }
0xaa: {  	[dreg:$0x4] =	wrdreg $0xC0  }
0xab: {  	_ =	task [dreg:s6], $0x5FFFF  }
0xac: {  	[dreg:$0x1] =	wrdreg $0xFFFFFFFF  }
0xad: {  	[dreg:$0x0] =	wrdreg $0x60  }
0xae: {  	[dreg:$0x2] =	wrdreg s24  }
0xaf: {  	[dreg:$0x3] =	wrdreg $0x9  }
0xb0: {  	_ =	task.clear_ibuf [dreg:s6], $0x4FFFF;
	_ =	strace $0x9000004F  }
0xb1: {  	s29 =	simm.s32 $0x9;
	_ =	strace $0x80000051  }
0xb2: {  	_ =	swait.ge [sflag:s29], $0x1  }
0xb3: {  	[sflag:s29] =	ssyncadd.s32 $0xFFFFFFFF  }
0xb4: {  	_ =	strace $0x90000051  }
0xb5: {  	_ =	sfence  }
0xb6: {  	s30 =	sld [smem:$0x0];
	_ =	sdelay $0x2  }
0xb7: {  	s31 =	sshll.u32 s1, $0xD;
	s1 =	sshrl.u32 s1, $0x2  }
0xb8: {  	s3 =	sand.u32 $0x4000, s31;
	s1 =	sadd.s32 s1, s30  }
0xb9: {  	s0 =	sor.u32 s3, s0;
	s1 =	sshll.u32 s1, $0x11  }
0xba: {  	s0 =	sor.u32 s1, s0  }
0xbb: {  	s0 =	sadd.s32 $0x8F2B, s0  }
0xbc: {  	[sflag:s0] =	ssyncadd.remote.s32 $0x1  }
0xbd: {  	_ =	sfence.sel $0xFFFF  }
0xbe: {  	[dreg:$0x0] =	wrdreg $0xFFFFFFFF;
	(pc) =	sbr.abs _section_cstart, $3  }
0xbf: {  	[dreg:$0x1] =	wrdreg $0xFFFFFFFF  }
0xc0: {  	_ =	task.clear_ibuf [dreg:s6], $0x2FFFF;
	_ =	strace $0x9FFFFFFF  }
0xc1: {  	(tm) =	ssettm $0x7FFFFFFF  }
tec
execute0_lowered:
.L_overlay_start_1:
0x0: {  	(tag) =	ssettag $0x1  }
0x1: {  	s0 =	srdreg.scid  }
0x2: {  	s4 =	stileid.u32;
	s1 =	rddreg [dreg:$0x0]  }
0x3: {  	s2 =	simm.s32 $0x0;
	s8 =	simm.s32 $0xA00;
	s20 =	simm.s32 $0x6A00  }
0x4: {  	s21 =	simm.s32 $0x7200;
	s22 =	simm.s32 $0x7A00;
	s23 =	simm.s32 $0x8200  }
0x5: {  	s24 =	simm.s32 $0x8A00;
	s28 =	simm.s32 $0xA200;
	s29 =	simm.s32 $0xAA00  }
0x6: {  	s30 =	simm.s32 $0xB200;
	s31 =	simm.s32 $0xBA00;
	s9 =	simm.s32 $0xE200  }
0x7: {  	s10 =	simm.s32 $0xEA00;
	s11 =	simm.s32 $0xF200;
	s12 =	simm.s32 $0xFA00  }
0x8: {  	s13 =	simm.s32 $0x10200;
	s14 =	simm.s32 $0x1;
	s15 =	simm.s32 $0x2  }
0x9: {  	s17 =	simm.s32 $0x0;
	s0 =	sand.u32 $0x1, s0;
	s3 =	sshll.u32 s4, $0x1  }
0xa: {  	[smem:$0x7FF] =	sst s2;
	s4 =	smul.u32 $0x28000, s4;
	s3 =	sor.u32 s0, s3  }
0xb: {  	_ =	strace $0x80000050;
	s5 =	ssub.s32 $0x2, s0;
	s0 =	smul.u32 $0x14000, s0  }
0xc: {  	s3 =	smul.u32 $0xA00, s3;
	s4 =	sadd.s32 s4, s1;
	s7 =	sshrl.u32 s5, $0x1  }
0xd: {  	s25 =	ssub.s32 s5, s7;
	s0 =	sadd.s32 s0, s4;
	s7 =	simm.s32 $0x3  }
.Ltmp0:
0xe: {  	s4 =	simm.s32 $0xD200;
	s3 =	sshrl.u32 s3, $0x3;
	(pc) =	sbr.rel .LBB2_1-.Ltmp0, $4  }
0xf: {  	s5 =	simm.s32 $0xDA00;
	s6 =	sadd.s32 s3, s1;
	s3 =	sadd.s32 $0x5200, s1  }
0x10: {  	v2 =	vlaneseq.u32;
	s1 =	smax.u32 s25, $0x1;
	s25 =	simm.s32 $0x9200;
	s26 =	sadd.s32 $0x45200, s6  }
0x11: {  	vm0 =	vmmov $0xffff;
	v1 =	vshrl.u32 v2, $0x3;
	[dreg:$0x3] =	wrdreg s1;
	s6 =	sadd.s32 $0x47A00, s0;
	s1 =	simm.s32 $0xC200  }
0x12: {  	v0 =	vand.u32 $0x7, v2;
	v2 =	vor.u32 $0x8, v2;
	v1 =	vmul.u32 $0x8, v1;
	s0 =	simm.s32 $0xCA00;
	[dreg:$0x2] =	wrdreg s26;
	s26 =	simm.s32 $0x9A00  }
.LBB2_5:
0x13: {  	s17 =	rddreg [dreg:$0x4]  }
0x14: {  	s16 =	rddreg [dreg:$0x3];
	s17 =	sadd.s32 $0x1, s17  }
0x15: {  	p0 =	sne.s32 s17, s16  }
.Ltmp1:
0x16: {  	_ = 	snop;
	(pc) =	sbr.rel @!p0 .LBB2_6-.Ltmp1, $1  }
0x17: {  	_ =	sdelay $0x3  }
.LBB2_1:
0x18: {  	[dreg:$0x4] =	wrdreg s17  }
0x19: {  	s16 =	rddreg [dreg:$0x2]  }
0x1a: {  	[tilespmem:s2], [sflag:$0x3] =	stream.linear.gather [hbm4b:s16+s2], $0xA00, $0x38;
	[tilespmem:$0x10A00] =	vst v63  }
0x1b: {  	_ =	swait.ge [sflag:s7], $0xA00  }
0x1c: {  	[sflag:s7] =	ssyncset.done $0x0  }
0x1d: {  	[sflag:s7] =	ssyncadd.s32 $0xFFFFF600  }
0x1e: {  	v3 =	vld [tilespmem:$0x0];
	_ =	sdelay $0x4  }
0x1f: {  	v4 =	vshll.u32 v3, $0x1  }
0x20: {  	v3 =	vand.u32 $0x7, v3;
	v4 =	vand.u32 $0xFFFFFFF0, v4  }
0x21: {  	v3 =	vor.u32 v3, v4  }
0x22: {  	v4 =	vperm.xlane v3, v0;
	_ =	sdelay $0x1  }
0x23: {  	v3 =	vperm.xlane v3, v2;
	v4 =	vadd.s32 v1, v4;
	_ =	sdelay $0x1  }
0x24: {  	v3 =	vadd.s32 v1, v3;
	_ =	sdelay $0x2  }
0x25: {  	[tilespmem:s8], [sflag:$0x1] =	stream.indirect_vreg.gather [hbm4b:s3+s2], $0x80, v4, vm0, $0xb8;
	[tilespmem:$0x10A00] =	vst v63  }
0x26: {  	s18 =	simm.s32 $0x1200  }
0x27: {  	[tilespmem:s18], [sflag:$0x1] =	stream.indirect_vreg.gather [hbm4b:s3+s2], $0x80, v3, vm0, $0xb8;
	[tilespmem:$0x10A00] =	vst v63  }
0x28: {  	v3 =	vld [tilespmem:$0x10];
	_ =	sdelay $0x4  }
0x29: {  	v57 =	vshll.u32 v3, $0x1  }
0x2a: {  	v3 =	vand.u32 $0x7, v3;
	v4 =	vand.u32 $0xFFFFFFF0, v57  }
0x2b: {  	v3 =	vor.u32 v3, v4  }
0x2c: {  	v4 =	vperm.xlane v3, v0;
	_ =	sdelay $0x1  }
0x2d: {  	v3 =	vperm.xlane v3, v2;
	v4 =	vadd.s32 v1, v4;
	_ =	sdelay $0x1  }
0x2e: {  	v3 =	vadd.s32 v1, v3;
	_ =	sdelay $0x1  }
0x2f: {  	s19 =	simm.s32 $0x1A00  }
0x30: {  	[tilespmem:s19], [sflag:$0x1] =	stream.indirect_vreg.gather [hbm4b:s3+s2], $0x80, v4, vm0, $0xb8;
	[tilespmem:$0x10A00] =	vst v63  }
0x31: {  	s17 =	simm.s32 $0x2200  }
0x32: {  	[tilespmem:s17], [sflag:$0x1] =	stream.indirect_vreg.gather [hbm4b:s3+s2], $0x80, v3, vm0, $0xb8;
	[tilespmem:$0x10A00] =	vst v63  }
0x33: {  	v3 =	vld [tilespmem:$0x20];
	_ =	sdelay $0x4  }
0x34: {  	v58 =	vshll.u32 v3, $0x1  }
0x35: {  	v3 =	vand.u32 $0x7, v3;
	v4 =	vand.u32 $0xFFFFFFF0, v58  }
0x36: {  	v3 =	vor.u32 v3, v4  }
0x37: {  	v4 =	vperm.xlane v3, v0;
	_ =	sdelay $0x1  }
0x38: {  	v3 =	vperm.xlane v3, v2;
	v4 =	vadd.s32 v1, v4;
	_ =	sdelay $0x1  }
0x39: {  	v3 =	vadd.s32 v1, v3;
	_ =	sdelay $0x1  }
0x3a: {  	s18 =	simm.s32 $0x2A00  }
0x3b: {  	[tilespmem:s18], [sflag:$0x1] =	stream.indirect_vreg.gather [hbm4b:s3+s2], $0x80, v4, vm0, $0xb8;
	[tilespmem:$0x10A00] =	vst v63  }
0x3c: {  	s19 =	simm.s32 $0x3200  }
0x3d: {  	[tilespmem:s19], [sflag:$0x1] =	stream.indirect_vreg.gather [hbm4b:s3+s2], $0x80, v3, vm0, $0xb8;
	[tilespmem:$0x10A00] =	vst v63  }
0x3e: {  	v3 =	vld [tilespmem:$0x30];
	_ =	sdelay $0x4  }
0x3f: {  	v59 =	vshll.u32 v3, $0x1  }
0x40: {  	v3 =	vand.u32 $0x7, v3;
	v4 =	vand.u32 $0xFFFFFFF0, v59  }
0x41: {  	v3 =	vor.u32 v3, v4  }
0x42: {  	v4 =	vperm.xlane v3, v0;
	_ =	sdelay $0x1  }
0x43: {  	v3 =	vperm.xlane v3, v2;
	v4 =	vadd.s32 v1, v4;
	_ =	sdelay $0x1  }
0x44: {  	v3 =	vadd.s32 v1, v3;
	_ =	sdelay $0x1  }
0x45: {  	s17 =	simm.s32 $0x3A00  }
0x46: {  	[tilespmem:s17], [sflag:$0x1] =	stream.indirect_vreg.gather [hbm4b:s3+s2], $0x80, v4, vm0, $0xb8;
	[tilespmem:$0x10A00] =	vst v63  }
0x47: {  	s18 =	simm.s32 $0x4200  }
0x48: {  	[tilespmem:s18], [sflag:$0x1] =	stream.indirect_vreg.gather [hbm4b:s3+s2], $0x80, v3, vm0, $0xb8;
	[tilespmem:$0x10A00] =	vst v63  }
0x49: {  	v3 =	vld [tilespmem:$0x40];
	_ =	sdelay $0x4  }
0x4a: {  	v60 =	vshll.u32 v3, $0x1  }
0x4b: {  	v3 =	vand.u32 $0x7, v3;
	v4 =	vand.u32 $0xFFFFFFF0, v60  }
0x4c: {  	v3 =	vor.u32 v3, v4  }
0x4d: {  	v4 =	vperm.xlane v3, v0;
	_ =	sdelay $0x1  }
0x4e: {  	v3 =	vperm.xlane v3, v2;
	v4 =	vadd.s32 v1, v4;
	_ =	sdelay $0x1  }
0x4f: {  	v3 =	vadd.s32 v1, v3;
	_ =	sdelay $0x1  }
0x50: {  	s19 =	simm.s32 $0x4A00  }
0x51: {  	[tilespmem:s19], [sflag:$0x1] =	stream.indirect_vreg.gather [hbm4b:s3+s2], $0x80, v4, vm0, $0xb8;
	[tilespmem:$0x10A00] =	vst v63  }
0x52: {  	s17 =	simm.s32 $0x5200  }
0x53: {  	[tilespmem:s17], [sflag:$0x1] =	stream.indirect_vreg.gather [hbm4b:s3+s2], $0x80, v3, vm0, $0xb8;
	[tilespmem:$0x10A00] =	vst v63  }
0x54: {  	v3 =	vld [tilespmem:$0x50];
	_ =	sdelay $0x4  }
0x55: {  	v61 =	vshll.u32 v3, $0x1  }
0x56: {  	v3 =	vand.u32 $0x7, v3;
	v4 =	vand.u32 $0xFFFFFFF0, v61  }
0x57: {  	v3 =	vor.u32 v3, v4  }
0x58: {  	v4 =	vperm.xlane v3, v0;
	_ =	sdelay $0x1  }
0x59: {  	v3 =	vperm.xlane v3, v2;
	v4 =	vadd.s32 v1, v4;
	_ =	sdelay $0x1  }
0x5a: {  	v3 =	vadd.s32 v1, v3;
	_ =	sdelay $0x1  }
0x5b: {  	s18 =	simm.s32 $0x5A00  }
0x5c: {  	[tilespmem:s18], [sflag:$0x1] =	stream.indirect_vreg.gather [hbm4b:s3+s2], $0x80, v4, vm0, $0xb8;
	[tilespmem:$0x10A00] =	vst v63  }
0x5d: {  	s19 =	simm.s32 $0x6200  }
0x5e: {  	[tilespmem:s19], [sflag:$0x1] =	stream.indirect_vreg.gather [hbm4b:s3+s2], $0x80, v3, vm0, $0xb8;
	[tilespmem:$0x10A00] =	vst v63  }
0x5f: {  	v3 =	vld [tilespmem:$0x60];
	_ =	sdelay $0x4  }
0x60: {  	v62 =	vshll.u32 v3, $0x1  }
0x61: {  	v3 =	vand.u32 $0x7, v3;
	v4 =	vand.u32 $0xFFFFFFF0, v62  }
0x62: {  	v3 =	vor.u32 v3, v4  }
0x63: {  	v4 =	vperm.xlane v3, v0;
	_ =	sdelay $0x1  }
0x64: {  	v3 =	vperm.xlane v3, v2;
	v4 =	vadd.s32 v1, v4;
	_ =	sdelay $0x1  }
0x65: {  	v3 =	vadd.s32 v1, v3;
	_ =	sdelay $0x2  }
0x66: {  	[tilespmem:s20], [sflag:$0x1] =	stream.indirect_vreg.gather [hbm4b:s3+s2], $0x80, v4, vm0, $0xb8;
	[tilespmem:$0x10A00] =	vst v63  }
0x67: {  	_ = 	snop  }
0x68: {  	[tilespmem:s21], [sflag:$0x1] =	stream.indirect_vreg.gather [hbm4b:s3+s2], $0x80, v3, vm0, $0xb8;
	[tilespmem:$0x10A00] =	vst v63  }
0x69: {  	v3 =	vld [tilespmem:$0x70];
	_ =	sdelay $0x4  }
0x6a: {  	v63 =	vshll.u32 v3, $0x1  }
0x6b: {  	v3 =	vand.u32 $0x7, v3;
	v4 =	vand.u32 $0xFFFFFFF0, v63  }
0x6c: {  	v3 =	vor.u32 v3, v4  }
0x6d: {  	v4 =	vperm.xlane v3, v0;
	_ =	sdelay $0x1  }
0x6e: {  	v3 =	vperm.xlane v3, v2;
	v4 =	vadd.s32 v1, v4;
	_ =	sdelay $0x1  }
0x6f: {  	v3 =	vadd.s32 v1, v3  }
.Ltmp2:
0x70: {  	_ = 	snop;
	(pc) =	sbr.rel .LBB2_2-.Ltmp2, $4  }
0x71: {  	_ = 	snop  }
0x72: {  	[tilespmem:s22], [sflag:$0x1] =	stream.indirect_vreg.gather [hbm4b:s3+s2], $0x80, v4, vm0, $0xb8;
	[tilespmem:$0x10A00] =	vst v63  }
0x73: {  	s16 =	simm.s32 $0xC0;
	s17 =	simm.s32 $0x0  }
0x74: {  	[tilespmem:s23], [sflag:$0x1] =	stream.indirect_vreg.gather [hbm4b:s3+s2], $0x80, v3, vm0, $0xb8;
	[tilespmem:$0x10A00] =	vst v63  }
.LBB2_4:
0x75: {  	_ =	swait.ge [sflag:s15], $0x8000;
	s17 =	sadd.s32 $0x2000, s17  }
0x76: {  	[sflag:s15] =	ssyncset.done $0x0;
	p0 =	sne.s32 s17, $0x14000  }
.Ltmp3:
0x77: {  	s18 =	sadd.s32 $0x1000, s18;
	[sflag:s15] =	ssyncadd.s32 $0xFFFF8000;
	(pc) =	sbr.rel @!p0 .LBB2_5-.Ltmp3, $4  }
0x78: {  	[hbm4b:s18+s2] =	stream.linear.scatter [tilespmem:s24], [sflag:$0x3], $0x8000, $0x38;
	[tilespmem:$0x10A00] =	vst v63  }
0x79: {  	_ =	swait.ge [sflag:s7], $0x8000  }
0x7a: {  	[sflag:s7] =	ssyncset.done $0x0  }
0x7b: {  	s16 =	sadd.s32 $0x100, s16;
	[sflag:s7] =	ssyncadd.s32 $0xFFFF8000  }
.LBB2_2:
0x7c: {  	v3 =	vld [tilespmem:s16+$0xFFFFFFC0];
	_ =	sdelay $0x4  }
0x7d: {  	v4 =	vshll.u32 v3, $0x1  }
0x7e: {  	v3 =	vand.u32 $0x7, v3;
	v4 =	vand.u32 $0xFFFFFFF0, v4  }
0x7f: {  	v3 =	vor.u32 v3, v4  }
0x80: {  	v4 =	vperm.xlane v3, v0;
	_ =	sdelay $0x1  }
0x81: {  	v3 =	vperm.xlane v3, v2;
	v4 =	vadd.s32 v1, v4;
	_ =	sdelay $0x1  }
0x82: {  	v3 =	vadd.s32 v1, v3;
	_ =	sdelay $0x2  }
0x83: {  	[tilespmem:s24], [sflag:$0x2] =	stream.indirect_vreg.gather [hbm4b:s3+s2], $0x80, v4, vm0, $0xb8;
	[tilespmem:$0x10A00] =	vst v63  }
0x84: {  	_ = 	snop  }
0x85: {  	[tilespmem:s25], [sflag:$0x2] =	stream.indirect_vreg.gather [hbm4b:s3+s2], $0x80, v3, vm0, $0xb8;
	[tilespmem:$0x10A00] =	vst v63  }
0x86: {  	v3 =	vld [tilespmem:s16+$0xFFFFFFD0];
	_ =	sdelay $0x4  }
0x87: {  	v57 =	vshll.u32 v3, $0x1  }
0x88: {  	v3 =	vand.u32 $0x7, v3;
	v4 =	vand.u32 $0xFFFFFFF0, v57  }
0x89: {  	v3 =	vor.u32 v3, v4  }
0x8a: {  	v4 =	vperm.xlane v3, v0;
	_ =	sdelay $0x1  }
0x8b: {  	v3 =	vperm.xlane v3, v2;
	v4 =	vadd.s32 v1, v4;
	_ =	sdelay $0x1  }
0x8c: {  	v3 =	vadd.s32 v1, v3;
	_ =	sdelay $0x2  }
0x8d: {  	[tilespmem:s26], [sflag:$0x2] =	stream.indirect_vreg.gather [hbm4b:s3+s2], $0x80, v4, vm0, $0xb8;
	[tilespmem:$0x10A00] =	vst v63  }
0x8e: {  	_ = 	snop  }
0x8f: {  	[tilespmem:s28], [sflag:$0x2] =	stream.indirect_vreg.gather [hbm4b:s3+s2], $0x80, v3, vm0, $0xb8;
	[tilespmem:$0x10A00] =	vst v63  }
0x90: {  	v3 =	vld [tilespmem:s16+$0xFFFFFFE0];
	_ =	sdelay $0x4  }
0x91: {  	v58 =	vshll.u32 v3, $0x1  }
0x92: {  	v3 =	vand.u32 $0x7, v3;
	v4 =	vand.u32 $0xFFFFFFF0, v58  }
0x93: {  	v3 =	vor.u32 v3, v4  }
0x94: {  	v4 =	vperm.xlane v3, v0;
	_ =	sdelay $0x1  }
0x95: {  	v3 =	vperm.xlane v3, v2;
	v4 =	vadd.s32 v1, v4;
	_ =	sdelay $0x1  }
0x96: {  	v3 =	vadd.s32 v1, v3;
	_ =	sdelay $0x2  }
0x97: {  	[tilespmem:s29], [sflag:$0x2] =	stream.indirect_vreg.gather [hbm4b:s3+s2], $0x80, v4, vm0, $0xb8;
	[tilespmem:$0x10A00] =	vst v63  }
0x98: {  	_ = 	snop  }
0x99: {  	[tilespmem:s30], [sflag:$0x2] =	stream.indirect_vreg.gather [hbm4b:s3+s2], $0x80, v3, vm0, $0xb8;
	[tilespmem:$0x10A00] =	vst v63  }
0x9a: {  	v3 =	vld [tilespmem:s16+$0xFFFFFFF0];
	_ =	sdelay $0x4  }
0x9b: {  	v59 =	vshll.u32 v3, $0x1  }
0x9c: {  	v3 =	vand.u32 $0x7, v3;
	v4 =	vand.u32 $0xFFFFFFF0, v59  }
0x9d: {  	v3 =	vor.u32 v3, v4  }
0x9e: {  	v4 =	vperm.xlane v3, v0;
	_ =	sdelay $0x1  }
0x9f: {  	v3 =	vperm.xlane v3, v2;
	v4 =	vadd.s32 v1, v4;
	_ =	sdelay $0x1  }
0xa0: {  	v3 =	vadd.s32 v1, v3;
	_ =	sdelay $0x2  }
0xa1: {  	[tilespmem:s31], [sflag:$0x2] =	stream.indirect_vreg.gather [hbm4b:s3+s2], $0x80, v4, vm0, $0xb8;
	[tilespmem:$0x10A00] =	vst v63  }
0xa2: {  	_ = 	snop  }
0xa3: {  	[tilespmem:s1], [sflag:$0x2] =	stream.indirect_vreg.gather [hbm4b:s3+s2], $0x80, v3, vm0, $0xb8;
	[tilespmem:$0x10A00] =	vst v63  }
0xa4: {  	v3 =	vld [tilespmem:s16+$0x0];
	_ =	sdelay $0x4  }
0xa5: {  	v60 =	vshll.u32 v3, $0x1  }
0xa6: {  	v3 =	vand.u32 $0x7, v3;
	v4 =	vand.u32 $0xFFFFFFF0, v60  }
0xa7: {  	v3 =	vor.u32 v3, v4  }
0xa8: {  	v4 =	vperm.xlane v3, v0;
	_ =	sdelay $0x1  }
0xa9: {  	v3 =	vperm.xlane v3, v2;
	v4 =	vadd.s32 v1, v4;
	_ =	sdelay $0x1  }
0xaa: {  	v3 =	vadd.s32 v1, v3;
	_ =	sdelay $0x2  }
0xab: {  	[tilespmem:s0], [sflag:$0x2] =	stream.indirect_vreg.gather [hbm4b:s3+s2], $0x80, v4, vm0, $0xb8;
	[tilespmem:$0x10A00] =	vst v63  }
0xac: {  	_ = 	snop  }
0xad: {  	[tilespmem:s4], [sflag:$0x2] =	stream.indirect_vreg.gather [hbm4b:s3+s2], $0x80, v3, vm0, $0xb8;
	[tilespmem:$0x10A00] =	vst v63  }
0xae: {  	v3 =	vld [tilespmem:s16+$0x10];
	_ =	sdelay $0x4  }
0xaf: {  	v61 =	vshll.u32 v3, $0x1  }
0xb0: {  	v3 =	vand.u32 $0x7, v3;
	v4 =	vand.u32 $0xFFFFFFF0, v61  }
0xb1: {  	v3 =	vor.u32 v3, v4  }
0xb2: {  	v4 =	vperm.xlane v3, v0;
	_ =	sdelay $0x1  }
0xb3: {  	v3 =	vperm.xlane v3, v2;
	v4 =	vadd.s32 v1, v4;
	_ =	sdelay $0x1  }
0xb4: {  	v3 =	vadd.s32 v1, v3;
	_ =	sdelay $0x2  }
0xb5: {  	[tilespmem:s5], [sflag:$0x2] =	stream.indirect_vreg.gather [hbm4b:s3+s2], $0x80, v4, vm0, $0xb8;
	[tilespmem:$0x10A00] =	vst v63  }
0xb6: {  	_ = 	snop  }
0xb7: {  	[tilespmem:s9], [sflag:$0x2] =	stream.indirect_vreg.gather [hbm4b:s3+s2], $0x80, v3, vm0, $0xb8;
	[tilespmem:$0x10A00] =	vst v63  }
0xb8: {  	v3 =	vld [tilespmem:s16+$0x20];
	_ =	sdelay $0x4  }
0xb9: {  	v62 =	vshll.u32 v3, $0x1  }
0xba: {  	v3 =	vand.u32 $0x7, v3;
	v4 =	vand.u32 $0xFFFFFFF0, v62  }
0xbb: {  	v3 =	vor.u32 v3, v4  }
0xbc: {  	v4 =	vperm.xlane v3, v0;
	_ =	sdelay $0x1  }
0xbd: {  	v3 =	vperm.xlane v3, v2;
	v4 =	vadd.s32 v1, v4;
	_ =	sdelay $0x1  }
0xbe: {  	v3 =	vadd.s32 v1, v3;
	_ =	sdelay $0x2  }
0xbf: {  	[tilespmem:s10], [sflag:$0x2] =	stream.indirect_vreg.gather [hbm4b:s3+s2], $0x80, v4, vm0, $0xb8;
	[tilespmem:$0x10A00] =	vst v63  }
0xc0: {  	_ = 	snop  }
0xc1: {  	[tilespmem:s11], [sflag:$0x2] =	stream.indirect_vreg.gather [hbm4b:s3+s2], $0x80, v3, vm0, $0xb8;
	[tilespmem:$0x10A00] =	vst v63  }
0xc2: {  	v3 =	vld [tilespmem:s16+$0x30];
	_ =	sdelay $0x4  }
0xc3: {  	v63 =	vshll.u32 v3, $0x1  }
0xc4: {  	v3 =	vand.u32 $0x7, v3;
	v4 =	vand.u32 $0xFFFFFFF0, v63  }
0xc5: {  	v3 =	vor.u32 v3, v4  }
0xc6: {  	v4 =	vperm.xlane v3, v0;
	_ =	sdelay $0x1  }
0xc7: {  	v3 =	vperm.xlane v3, v2;
	v4 =	vadd.s32 v1, v4;
	_ =	sdelay $0x1  }
0xc8: {  	v3 =	vadd.s32 v1, v3;
	_ =	sdelay $0x2  }
0xc9: {  	[tilespmem:s12], [sflag:$0x2] =	stream.indirect_vreg.gather [hbm4b:s3+s2], $0x80, v4, vm0, $0xb8;
	[tilespmem:$0x10A00] =	vst v63  }
0xca: {  	_ = 	snop  }
0xcb: {  	[tilespmem:s13], [sflag:$0x2] =	stream.indirect_vreg.gather [hbm4b:s3+s2], $0x80, v3, vm0, $0xb8;
	[tilespmem:$0x10A00] =	vst v63  }
0xcc: {  	_ =	swait.ge [sflag:s14], $0x8000  }
0xcd: {  	p0 =	seq.s32 s17, $0x12000;
	[sflag:s14] =	ssyncset.done $0x0  }
.Ltmp4:
0xce: {  	s18 =	sadd.s32 s17, s6;
	[sflag:s14] =	ssyncadd.s32 $0xFFFF8000;
	(pc) =	sbr.rel @p0 .LBB2_4-.Ltmp4, $4  }
0xcf: {  	[hbm4b:s18+s2] =	stream.linear.scatter [tilespmem:s8], [sflag:$0x3], $0x8000, $0x38;
	[tilespmem:$0x10A00] =	vst v63  }
0xd0: {  	_ =	swait.ge [sflag:s7], $0x8000  }
0xd1: {  	[sflag:s7] =	ssyncset.done $0x0  }
0xd2: {  	[sflag:s7] =	ssyncadd.s32 $0xFFFF8000  }
0xd3: {  	v3 =	vld [tilespmem:s16+$0x40];
	_ =	sdelay $0x4  }
0xd4: {  	v4 =	vshll.u32 v3, $0x1  }
0xd5: {  	v3 =	vand.u32 $0x7, v3;
	v4 =	vand.u32 $0xFFFFFFF0, v4  }
0xd6: {  	v3 =	vor.u32 v3, v4  }
0xd7: {  	v4 =	vperm.xlane v3, v0;
	_ =	sdelay $0x1  }
0xd8: {  	v3 =	vperm.xlane v3, v2;
	v4 =	vadd.s32 v1, v4;
	_ =	sdelay $0x1  }
0xd9: {  	v3 =	vadd.s32 v1, v3;
	_ =	sdelay $0x2  }
0xda: {  	[tilespmem:s8], [sflag:$0x1] =	stream.indirect_vreg.gather [hbm4b:s3+s2], $0x80, v4, vm0, $0xb8;
	[tilespmem:$0x10A00] =	vst v63  }
0xdb: {  	s19 =	simm.s32 $0x1200  }
0xdc: {  	[tilespmem:s19], [sflag:$0x1] =	stream.indirect_vreg.gather [hbm4b:s3+s2], $0x80, v3, vm0, $0xb8;
	[tilespmem:$0x10A00] =	vst v63  }
0xdd: {  	v3 =	vld [tilespmem:s16+$0x50];
	_ =	sdelay $0x4  }
0xde: {  	v57 =	vshll.u32 v3, $0x1  }
0xdf: {  	v3 =	vand.u32 $0x7, v3;
	v4 =	vand.u32 $0xFFFFFFF0, v57  }
0xe0: {  	v3 =	vor.u32 v3, v4  }
0xe1: {  	v4 =	vperm.xlane v3, v0;
	_ =	sdelay $0x1  }
0xe2: {  	v3 =	vperm.xlane v3, v2;
	v4 =	vadd.s32 v1, v4;
	_ =	sdelay $0x1  }
0xe3: {  	v3 =	vadd.s32 v1, v3;
	_ =	sdelay $0x1  }
0xe4: {  	s19 =	simm.s32 $0x1A00  }
0xe5: {  	[tilespmem:s19], [sflag:$0x1] =	stream.indirect_vreg.gather [hbm4b:s3+s2], $0x80, v4, vm0, $0xb8;
	[tilespmem:$0x10A00] =	vst v63  }
0xe6: {  	s19 =	simm.s32 $0x2200  }
0xe7: {  	[tilespmem:s19], [sflag:$0x1] =	stream.indirect_vreg.gather [hbm4b:s3+s2], $0x80, v3, vm0, $0xb8;
	[tilespmem:$0x10A00] =	vst v63  }
0xe8: {  	v3 =	vld [tilespmem:s16+$0x60];
	_ =	sdelay $0x4  }
0xe9: {  	v58 =	vshll.u32 v3, $0x1  }
0xea: {  	v3 =	vand.u32 $0x7, v3;
	v4 =	vand.u32 $0xFFFFFFF0, v58  }
0xeb: {  	v3 =	vor.u32 v3, v4  }
0xec: {  	v4 =	vperm.xlane v3, v0;
	_ =	sdelay $0x1  }
0xed: {  	v3 =	vperm.xlane v3, v2;
	v4 =	vadd.s32 v1, v4;
	_ =	sdelay $0x1  }
0xee: {  	v3 =	vadd.s32 v1, v3;
	_ =	sdelay $0x1  }
0xef: {  	s19 =	simm.s32 $0x2A00  }
0xf0: {  	[tilespmem:s19], [sflag:$0x1] =	stream.indirect_vreg.gather [hbm4b:s3+s2], $0x80, v4, vm0, $0xb8;
	[tilespmem:$0x10A00] =	vst v63  }
0xf1: {  	s19 =	simm.s32 $0x3200  }
0xf2: {  	[tilespmem:s19], [sflag:$0x1] =	stream.indirect_vreg.gather [hbm4b:s3+s2], $0x80, v3, vm0, $0xb8;
	[tilespmem:$0x10A00] =	vst v63  }
0xf3: {  	v3 =	vld [tilespmem:s16+$0x70];
	_ =	sdelay $0x4  }
0xf4: {  	v59 =	vshll.u32 v3, $0x1  }
0xf5: {  	v3 =	vand.u32 $0x7, v3;
	v4 =	vand.u32 $0xFFFFFFF0, v59  }
0xf6: {  	v3 =	vor.u32 v3, v4  }
0xf7: {  	v4 =	vperm.xlane v3, v0;
	_ =	sdelay $0x1  }
0xf8: {  	v3 =	vperm.xlane v3, v2;
	v4 =	vadd.s32 v1, v4;
	_ =	sdelay $0x1  }
0xf9: {  	v3 =	vadd.s32 v1, v3;
	_ =	sdelay $0x1  }
0xfa: {  	s19 =	simm.s32 $0x3A00  }
0xfb: {  	[tilespmem:s19], [sflag:$0x1] =	stream.indirect_vreg.gather [hbm4b:s3+s2], $0x80, v4, vm0, $0xb8;
	[tilespmem:$0x10A00] =	vst v63  }
0xfc: {  	s19 =	simm.s32 $0x4200  }
0xfd: {  	[tilespmem:s19], [sflag:$0x1] =	stream.indirect_vreg.gather [hbm4b:s3+s2], $0x80, v3, vm0, $0xb8;
	[tilespmem:$0x10A00] =	vst v63  }
0xfe: {  	v3 =	vld [tilespmem:s16+$0x80];
	_ =	sdelay $0x4  }
0xff: {  	v60 =	vshll.u32 v3, $0x1  }
0x100: {  	v3 =	vand.u32 $0x7, v3;
	v4 =	vand.u32 $0xFFFFFFF0, v60  }
0x101: {  	v3 =	vor.u32 v3, v4  }
0x102: {  	v4 =	vperm.xlane v3, v0;
	_ =	sdelay $0x1  }
0x103: {  	v3 =	vperm.xlane v3, v2;
	v4 =	vadd.s32 v1, v4;
	_ =	sdelay $0x1  }
0x104: {  	v3 =	vadd.s32 v1, v3;
	_ =	sdelay $0x1  }
0x105: {  	s19 =	simm.s32 $0x4A00  }
0x106: {  	[tilespmem:s19], [sflag:$0x1] =	stream.indirect_vreg.gather [hbm4b:s3+s2], $0x80, v4, vm0, $0xb8;
	[tilespmem:$0x10A00] =	vst v63  }
0x107: {  	s19 =	simm.s32 $0x5200  }
0x108: {  	[tilespmem:s19], [sflag:$0x1] =	stream.indirect_vreg.gather [hbm4b:s3+s2], $0x80, v3, vm0, $0xb8;
	[tilespmem:$0x10A00] =	vst v63  }
0x109: {  	v3 =	vld [tilespmem:s16+$0x90];
	_ =	sdelay $0x4  }
0x10a: {  	v61 =	vshll.u32 v3, $0x1  }
0x10b: {  	v3 =	vand.u32 $0x7, v3;
	v4 =	vand.u32 $0xFFFFFFF0, v61  }
0x10c: {  	v3 =	vor.u32 v3, v4  }
0x10d: {  	v4 =	vperm.xlane v3, v0;
	_ =	sdelay $0x1  }
0x10e: {  	v3 =	vperm.xlane v3, v2;
	v4 =	vadd.s32 v1, v4;
	_ =	sdelay $0x1  }
0x10f: {  	v3 =	vadd.s32 v1, v3;
	_ =	sdelay $0x1  }
0x110: {  	s19 =	simm.s32 $0x5A00  }
0x111: {  	[tilespmem:s19], [sflag:$0x1] =	stream.indirect_vreg.gather [hbm4b:s3+s2], $0x80, v4, vm0, $0xb8;
	[tilespmem:$0x10A00] =	vst v63  }
0x112: {  	s19 =	simm.s32 $0x6200  }
0x113: {  	[tilespmem:s19], [sflag:$0x1] =	stream.indirect_vreg.gather [hbm4b:s3+s2], $0x80, v3, vm0, $0xb8;
	[tilespmem:$0x10A00] =	vst v63  }
0x114: {  	v3 =	vld [tilespmem:s16+$0xA0];
	_ =	sdelay $0x4  }
0x115: {  	v62 =	vshll.u32 v3, $0x1  }
0x116: {  	v3 =	vand.u32 $0x7, v3;
	v4 =	vand.u32 $0xFFFFFFF0, v62  }
0x117: {  	v3 =	vor.u32 v3, v4  }
0x118: {  	v4 =	vperm.xlane v3, v0;
	_ =	sdelay $0x1  }
0x119: {  	v3 =	vperm.xlane v3, v2;
	v4 =	vadd.s32 v1, v4;
	_ =	sdelay $0x1  }
0x11a: {  	v3 =	vadd.s32 v1, v3;
	_ =	sdelay $0x2  }
0x11b: {  	[tilespmem:s20], [sflag:$0x1] =	stream.indirect_vreg.gather [hbm4b:s3+s2], $0x80, v4, vm0, $0xb8;
	[tilespmem:$0x10A00] =	vst v63  }
0x11c: {  	_ = 	snop  }
0x11d: {  	[tilespmem:s21], [sflag:$0x1] =	stream.indirect_vreg.gather [hbm4b:s3+s2], $0x80, v3, vm0, $0xb8;
	[tilespmem:$0x10A00] =	vst v63  }
0x11e: {  	v3 =	vld [tilespmem:s16+$0xB0];
	_ =	sdelay $0x4  }
0x11f: {  	v63 =	vshll.u32 v3, $0x1  }
0x120: {  	v3 =	vand.u32 $0x7, v3;
	v4 =	vand.u32 $0xFFFFFFF0, v63  }
0x121: {  	v3 =	vor.u32 v3, v4  }
0x122: {  	v4 =	vperm.xlane v3, v0;
	_ =	sdelay $0x1  }
0x123: {  	v3 =	vperm.xlane v3, v2;
	v4 =	vadd.s32 v1, v4;
	_ =	sdelay $0x1  }
0x124: {  	v3 =	vadd.s32 v1, v3  }
.Ltmp5:
0x125: {  	_ = 	snop;
	(pc) =	sbr.rel .LBB2_4-.Ltmp5, $4  }
0x126: {  	_ = 	snop  }
0x127: {  	[tilespmem:s22], [sflag:$0x1] =	stream.indirect_vreg.gather [hbm4b:s3+s2], $0x80, v4, vm0, $0xb8;
	[tilespmem:$0x10A00] =	vst v63  }
0x128: {  	_ = 	snop  }
0x129: {  	[tilespmem:s23], [sflag:$0x1] =	stream.indirect_vreg.gather [hbm4b:s3+s2], $0x80, v3, vm0, $0xb8;
	[tilespmem:$0x10A00] =	vst v63  }
.LBB2_6:
0x12a: {  	_ =	sfence.sel $0x180000  }
0x12b: {  	[bflag:$0x0] =	sbarrier.arrive $0xFFFF  }
0x12c: {  	_ =	strace $0x90000050  }
0x12d: {  	s0 =	stileid.u32;
	[bflag:$0x2] =	sbarrier.arrive $0xFFFF  }
0x12e: {  	p0 =	sne.s32 s0, $0x0;
	s0 =	rddreg [dreg:$0x1]  }
0x12f: {  	s0 =	sadd.s32 @!p0 $0x100000, s0  }
0x130: {  	[sflag:s0] =	ssyncadd.tile.s32 @!p0 $0x1;
	_ =	shalt  }
.Lfunc_end2:
_tile_overlayer_lowered:
.L_overlay_start_2:
0x131: {  	(tag) =	ssettag $0x2  }
0x132: {  	s0 =	rddreg [dreg:$0x0];
	s2 =	stileid.u32  }
0x133: {  	s1 =	rddreg [dreg:$0x1];
	p0 =	sne.s32 s2, $0x0  }
0x134: {  	s3 =	rddreg [dreg:$0x2];
	[bflag:$0x3] =	sbarrier.arrive $0xFFFF;
	s2 =	simm.s32 @!p0 $0x1C03  }
0x135: {  	[timem:s3], [sflag:s2] =	dma.local @!p0 [hbm:s0], s1  }
0x136: {  	s0 =	simm.s32 @!p0 $0x3  }
0x137: {  	_ =	swait.ge @!p0 [sflag:s0], s1  }
0x138: {  	s1 =	ssub.s32 @!p0 $0x0, s1;
	[sflag:s0] =	ssyncset.done @!p0 $0x0  }
0x139: {  	[sflag:s0] =	ssyncadd.s32 @!p0 s1  }
0x13a: {  	[bflag:$0x3] =	sbarrier.arrive $0xFFFF  }
0x13b: {  	_ =	shalt  }

// kernel: kernel.30.cloned.1.call-start
scs
__scs_entry_jumppad:
0x0: {  	(pc) =	sbr.rel $0x88, $3  }
0x1: {  	(tag) =	ssettag $0x0;
	lr =	simm.s32 $0x1  }
0x2: {  	[smem:$0x3F90] =	sst lr;
	_ =	strace $0xD0000000  }
0x3: {  	_ = 	snop  }
0x4: {  	_ = 	snop  }
0x5: {  	_ = 	snop  }
0x6: {  	_ = 	snop  }
0x7: {  	_ = 	snop  }
__scs_overlays_trampoline_lowered:
0x8: {  	[smem:$0x3F9F] =	sst s0  }
0x9: {  	[smem:$0x3FA0] =	sst s1  }
0xa: {  	[smem:$0x3FA1] =	sst s2  }
0xb: {  	[smem:$0x3FA2] =	sst s3  }
0xc: {  	[smem:$0x3FA3] =	sst s4  }
0xd: {  	[smem:$0x3FA4] =	sst s5  }
0xe: {  	[smem:$0x3FA5] =	sst s6  }
0xf: {  	[smem:$0x3FA6] =	sst s7  }
0x10: {  	[smem:$0x3FA7] =	sst s8  }
0x11: {  	[smem:$0x3FA8] =	sst s9;
	s0 =	simm.s32 @!p0 $0x0  }
0x12: {  	s1 =	sld [smem:$0x3F8E];
	s0 =	simm.s32 @p0 $0x1  }
0x13: {  	[smem:$0x3FA9] =	sst s0;
	s0 =	simm.s32 @!p1 $0x0  }
0x14: {  	s2 =	sld [smem:$0x3F8D];
	s0 =	simm.s32 @p1 $0x1  }
0x15: {  	[smem:$0x3FAA] =	sst s0;
	s0 =	simm.s32 @!p2 $0x0  }
0x16: {  	s3 =	sld [smem:$0x3FDB];
	s0 =	simm.s32 @p2 $0x1  }
0x17: {  	s4 =	simm.s32 $0x1BF5;
	[smem:$0x3FAC] =	sst s0  }
0x18: {  	s0 =	sld [smem:$0x3F8F];
	_ =	swait.ge [sflag:s4], $0x0  }
0x19: {  	s7 =	sld [smem:$0x3F90]  }
0x1a: {  	s8 =	sadd.s32 $0xFFFFE003, lr  }
0x1b: {  	s9 =	sadd.s32 $0xFFFFFEF7, lr;
	s5 =	simm.s32 $0xFFFFFFFF;
	p2 =	slt.u32 s8, $0xFFFFF086  }
0x1c: {  	p1 =	slt.u32 s9, $0xF7A;
	s5 =	simm.s32 @!p2 $0x0  }
0x1d: {  	s5 =	simm.s32 @p1 $0x1;
	p0 =	seq.s32 s7, s2  }
0x1e: {  	s7 =	smul.u32 @!p0 $0xF7A, s2;
	p2 =	seq.s32 @!p0 s5, $0x0  }
0x1f: {  	s9 =	smul.u32 $0xF7A, s1;
	s8 =	simm.s32 @!p0 $0x1BF5;
	p2 =	por !p2, p0  }
0x20: {  	[sflag:s8] =	ssyncset.s32 @!p0 $0xFFFFF086;
	s6 =	sadd.s32 @!p0 s3, s7;
	s7 =	simm.s32 @!p0 $0x108  }
0x21: {  	s3 =	sadd.s32 s3, s9;
	s6 =	sadd.s32 @!p0 $0x88, s6;
	s7 =	simm.s32 @p2 $0x1082  }
0x22: {  	[simem:s7], [sflag:s8] =	dma.local @!p0 [hbm:s6], $0xF7A  }
0x23: {  	s9 =	sor.u32 $0xD0000000, s2;
	s6 =	simm.s32 $0x108;
	_ =	swait.ge @!p0 [sflag:s8], $0x0  }
0x24: {  	s3 =	sadd.s32 $0x88, s3;
	s6 =	simm.s32 @!p1 $0x1082;
	[sflag:s4] =	ssyncset.s32 $0xFFFFF086  }
0x25: {  	[simem:s6], [sflag:s4] =	dma.local [hbm:s3], $0xF7A  }
0x26: {  	[smem:$0x3F90] =	sst s1;
	(tag) =	ssettag s2;
	_ =	strace s9  }
0x27: {  	s1 =	sld [smem:$0x3FA0]  }
0x28: {  	s2 =	sld [smem:$0x3FA1]  }
0x29: {  	s4 =	sld [smem:$0x3FA3]  }
0x2a: {  	p0 =	seq.s32 s5, $0x0;
	s5 =	sld [smem:$0x3FA4]  }
0x2b: {  	s6 =	sld [smem:$0x3FA5]  }
0x2c: {  	s7 =	sld [smem:$0x3FA6]  }
0x2d: {  	s3 =	simm.s32 $0x108;
	s8 =	sld [smem:$0x3FA7]  }
0x2e: {  	s3 =	simm.s32 @!p0 $0x1082;
	s9 =	sld [smem:$0x3FA8]  }
0x2f: {  	lr =	sadd.s32 s0, s3;
	s0 =	sld [smem:$0x3F9F]  }
0x30: {  	s3 =	sld [smem:$0x3FA2]  }
0x31: {  	[smem:$0x3FAB] =	sst s10  }
0x32: {  	s10 =	sld [smem:$0x3FA9];
	_ =	sdelay $0x3  }
0x33: {  	p0 =	seq.s32 s10, $0x1;
	s10 =	sld [smem:$0x3FAB];
	_ =	sdelay $0x3  }
0x34: {  	[smem:$0x3FAB] =	sst s10  }
0x35: {  	s10 =	sld [smem:$0x3FAA];
	_ =	sdelay $0x3  }
0x36: {  	p1 =	seq.s32 s10, $0x1;
	s10 =	sld [smem:$0x3FAB];
	_ =	sdelay $0x3  }
0x37: {  	[smem:$0x3FAB] =	sst s10  }
0x38: {  	s10 =	sld [smem:$0x3FAC]  }
0x39: {  	_ = 	snop;
	(pc) =	sbr.ind lr, $3  }
0x3a: {  	_ = 	snop  }
0x3b: {  	_ = 	snop  }
0x3c: {  	p2 =	seq.s32 s10, $0x1;
	s10 =	sld [smem:$0x3FAB]  }
0x3d: {  	_ =	shalt  }
0x3e: {  	_ =	shalt  }
0x3f: {  	_ =	shalt  }
0x40: {  	_ =	shalt  }
0x41: {  	_ =	shalt  }
0x42: {  	_ =	shalt  }
0x43: {  	_ =	shalt  }
0x44: {  	_ =	shalt  }
0x45: {  	_ =	shalt  }
0x46: {  	_ =	shalt  }
0x47: {  	_ =	shalt  }
0x48: {  	_ =	shalt  }
0x49: {  	_ =	shalt  }
0x4a: {  	_ =	shalt  }
0x4b: {  	_ =	shalt  }
0x4c: {  	_ =	shalt  }
0x4d: {  	_ =	shalt  }
0x4e: {  	_ =	shalt  }
0x4f: {  	_ =	shalt  }
0x50: {  	_ =	shalt  }
0x51: {  	_ =	shalt  }
0x52: {  	_ =	shalt  }
0x53: {  	_ =	shalt  }
0x54: {  	_ =	shalt  }
0x55: {  	_ =	shalt  }
0x56: {  	_ =	shalt  }
0x57: {  	_ =	shalt  }
0x58: {  	_ =	shalt  }
0x59: {  	_ =	shalt  }
0x5a: {  	_ =	shalt  }
0x5b: {  	_ =	shalt  }
0x5c: {  	_ =	shalt  }
0x5d: {  	_ =	shalt  }
0x5e: {  	_ =	shalt  }
0x5f: {  	_ =	shalt  }
0x60: {  	_ =	shalt  }
0x61: {  	_ =	shalt  }
0x62: {  	_ =	shalt  }
0x63: {  	_ =	shalt  }
0x64: {  	_ =	shalt  }
0x65: {  	_ =	shalt  }
0x66: {  	_ =	shalt  }
0x67: {  	_ =	shalt  }
0x68: {  	_ =	shalt  }
0x69: {  	_ =	shalt  }
0x6a: {  	_ =	shalt  }
0x6b: {  	_ =	shalt  }
0x6c: {  	_ =	shalt  }
0x6d: {  	_ =	shalt  }
0x6e: {  	_ =	shalt  }
0x6f: {  	_ =	shalt  }
0x70: {  	_ =	shalt  }
0x71: {  	_ =	shalt  }
0x72: {  	_ =	shalt  }
0x73: {  	_ =	shalt  }
0x74: {  	_ =	shalt  }
0x75: {  	_ =	shalt  }
0x76: {  	_ =	shalt  }
0x77: {  	_ =	shalt  }
0x78: {  	_ =	shalt  }
0x79: {  	_ =	shalt  }
0x7a: {  	_ =	shalt  }
0x7b: {  	_ =	shalt  }
0x7c: {  	_ =	shalt  }
0x7d: {  	_ =	shalt  }
0x7e: {  	_ =	shalt  }
0x7f: {  	_ =	shalt  }
0x80: {  	_ =	shalt  }
0x81: {  	_ =	shalt  }
0x82: {  	_ =	shalt  }
0x83: {  	_ =	shalt  }
0x84: {  	_ =	shalt  }
0x85: {  	_ =	shalt  }
0x86: {  	_ =	shalt  }
0x87: {  	_ =	shalt  }
.Lfunc_end0:
.L_simem_size_0:
called_computation.4_lowered:
.L_overlay_start_0:
0x88: {  	s2 =	sld [smem:$0x3FD9]  }
0x89: {  	s3 =	sld [smem:$0x3FFE];
	_ =	sdelay $0x1  }
0x8a: {  	s1 =	srdreg.scid  }
0x8b: {  	s0 =	sand.u32 $0x1, s1  }
0x8c: {  	s16 =	sshll.u32 s0, $0xA;
	s2 =	sadd.s32 s3, s2  }
0x8d: {  	s2 =	sadd.s32 s2, s16  }
0x8e: {  	[smem:$0x3FB7] =	sst s2  }
0x8f: {  	_ = 	snop  }
0x90: {  	(tm) =	ssettm $0x1  }
0x91: {  	s17 =	sld [smem:$0x3FFB];
	_ =	sdelay $0x3  }
0x92: {  	_ =	strace s17  }
0x93: {  	s2 =	sld [smem:$0x3FFC];
	_ =	sdelay $0x3  }
0x94: {  	_ =	strace s2  }
0x95: {  	s2 =	sld [smem:$0x3FFD];
	_ =	sdelay $0x3  }
0x96: {  	_ =	strace s2  }
0x97: {  	_ =	strace $0x8FFFFFFF  }
0x98: {  	s18 =	sld [smem:$0x3FDB];
	_ =	sdelay $0x1  }
0x99: {  	s19 =	simm.s32 $_scs_section_size  }
0x9a: {  	s4 =	simm.s32 $_size__tile_overlayer_lowered;
	s5 =	simm.s32 $_tile_overlayer_lowered  }
0x9b: {  	s22 =	simm.s32 $0x1BFF;
	s21 =	sshll.u32 s5, $0x1;
	s2 =	sadd.s32 s19, s18  }
0x9c: {  	s6 =	simm.s32 $0x0;
	s20 =	sshll.u32 s4, $0x1;
	s4 =	sadd.s32 s21, s2  }
0x9d: {  	[timem:s6], [sflag:s22] =	dma.local [hbm:s4], s20  }
0x9e: {  	_ =	swait.ge [sflag:s22], s20  }
0x9f: {  	s3 =	ssub.s32 $0x0, s20;
	[sflag:s22] =	ssyncset.done $0x0  }
0xa0: {  	[sflag:s22] =	ssyncadd.s32 s3;
	_ =	sdelay $0x1  }
0xa1: {  	s23 =	simm.s32 $0x1B8B  }
0xa2: {  	_ =	swait.ge [sflag:s23], $0x1  }
0xa3: {  	[sflag:s23] =	ssyncset.done $0x0  }
0xa4: {  	s25 =	simm.s32 $0x1B8E;
	s24 =	sld [smem:$0x3FFE];
	[sflag:s23] =	ssyncadd.s32 $0xFFFFFFFF  }
0xa5: {  	s26 =	simm.s32 $execute0_lowered;
	[smem:$0x3FD2] =	sst s25  }
0xa6: {  	s4 =	sshll.u32 s26, $0x1;
	_ =	strace $0x80000052;
	[dreg:$0x1] =	wrdreg $0xFFFFFFFF  }
0xa7: {  	s28 =	simm.s32 $_size_execute0_lowered;
	s2 =	sadd.s32 s2, s4;
	[dreg:$0x0] =	wrdreg $0x0  }
0xa8: {  	s4 =	sshll.u32 s28, $0x1;
	[dreg:$0x2] =	wrdreg s2  }
0xa9: {  	[dreg:$0x3] =	wrdreg s4  }
0xaa: {  	[dreg:$0x4] =	wrdreg $0xC0  }
0xab: {  	_ =	task [dreg:s6], $0x5FFFF  }
0xac: {  	[dreg:$0x1] =	wrdreg $0xFFFFFFFF  }
0xad: {  	[dreg:$0x0] =	wrdreg $0x60  }
0xae: {  	[dreg:$0x2] =	wrdreg s24  }
0xaf: {  	[dreg:$0x3] =	wrdreg $0x9  }
0xb0: {  	_ =	task.clear_ibuf [dreg:s6], $0x4FFFF;
	_ =	strace $0x90000052  }
0xb1: {  	s29 =	simm.s32 $0x9;
	_ =	strace $0x80000054  }
0xb2: {  	_ =	swait.ge [sflag:s29], $0x1  }
0xb3: {  	[sflag:s29] =	ssyncadd.s32 $0xFFFFFFFF  }
0xb4: {  	_ =	strace $0x90000054  }
0xb5: {  	_ =	sfence  }
0xb6: {  	s30 =	sld [smem:$0x0];
	_ =	sdelay $0x2  }
0xb7: {  	s31 =	sshll.u32 s1, $0xD;
	s1 =	sshrl.u32 s1, $0x2  }
0xb8: {  	s3 =	sand.u32 $0x4000, s31;
	s1 =	sadd.s32 s1, s30  }
0xb9: {  	s0 =	sor.u32 s3, s0;
	s1 =	sshll.u32 s1, $0x11  }
0xba: {  	s0 =	sor.u32 s1, s0  }
0xbb: {  	s0 =	sadd.s32 $0x8F2B, s0  }
0xbc: {  	[sflag:s0] =	ssyncadd.remote.s32 $0x1  }
0xbd: {  	_ =	sfence.sel $0xFFFF  }
0xbe: {  	[dreg:$0x0] =	wrdreg $0xFFFFFFFF;
	(pc) =	sbr.abs _section_cstart, $3  }
0xbf: {  	[dreg:$0x1] =	wrdreg $0xFFFFFFFF  }
0xc0: {  	_ =	task.clear_ibuf [dreg:s6], $0x2FFFF;
	_ =	strace $0x9FFFFFFF  }
0xc1: {  	(tm) =	ssettm $0x7FFFFFFF  }
tec
execute0_lowered:
.L_overlay_start_1:
0x0: {  	(tag) =	ssettag $0x1  }
0x1: {  	s0 =	srdreg.scid  }
0x2: {  	s3 =	stileid.u32;
	s4 =	rddreg [dreg:$0x0]  }
0x3: {  	s2 =	simm.s32 $0x0;
	s8 =	simm.s32 $0x3;
	s9 =	simm.s32 $0xA00  }
0x4: {  	s22 =	simm.s32 $0x7200;
	s23 =	simm.s32 $0x7A00;
	s24 =	simm.s32 $0x8200  }
0x5: {  	s25 =	simm.s32 $0x8A00;
	s28 =	simm.s32 $0x9A00;
	s29 =	simm.s32 $0xA200  }
0x6: {  	s30 =	simm.s32 $0xAA00;
	s31 =	simm.s32 $0xB200;
	s10 =	simm.s32 $0xDA00  }
0x7: {  	s11 =	simm.s32 $0xE200;
	s12 =	simm.s32 $0xEA00;
	s13 =	simm.s32 $0xF200  }
0x8: {  	s14 =	simm.s32 $0xFA00;
	s15 =	simm.s32 $0x10200;
	s16 =	simm.s32 $0x1  }
0x9: {  	s17 =	simm.s32 $0x2;
	s19 =	simm.s32 $0x0;
	s0 =	sand.u32 $0x1, s0  }
0xa: {  	s1 =	sshll.u32 s3, $0x1;
	[smem:$0x7FF] =	sst s2;
	s5 =	smul.u32 $0x50000, s3  }
0xb: {  	s3 =	sadd.s32 $0x2C7A00, s4;
	s1 =	sor.u32 s0, s1;
	s6 =	ssub.s32 $0x2, s0  }
0xc: {  	_ =	strace $0x80000053;
	s0 =	smul.u32 $0x28000, s0;
	s7 =	sshrl.u32 s6, $0x1  }
0xd: {  	s1 =	smul.u32 $0xA00, s1;
	s5 =	sadd.s32 s5, s4;
	s6 =	ssub.s32 s6, s7  }
.Ltmp0:
0xe: {  	s0 =	sadd.s32 s0, s5;
	s5 =	sadd.s32 $0x2C7B00, s4;
	(pc) =	sbr.rel .LBB2_1-.Ltmp0, $4  }
0xf: {  	s1 =	sshrl.u32 s1, $0x3;
	s26 =	smax.u32 s6, $0x1;
	s7 =	sadd.s32 $0x347A00, s0  }
0x10: {  	v2 =	vlaneseq.u32;
	s0 =	simm.s32 $0xC200;
	s6 =	simm.s32 $0xD200;
	s1 =	sadd.s32 s1, s4  }
0x11: {  	vm0 =	vmmov $0xffff;
	v1 =	vshrl.u32 v2, $0x3;
	[dreg:$0x3] =	wrdreg s26;
	s26 =	simm.s32 $0x9200;
	s1 =	sadd.s32 $0x5200, s1  }
0x12: {  	v0 =	vand.u32 $0x7, v2;
	v2 =	vor.u32 $0x8, v2;
	v1 =	vmul.u32 $0x8, v1;
	s4 =	simm.s32 $0xCA00;
	[dreg:$0x2] =	wrdreg s1;
	s1 =	simm.s32 $0xBA00  }
.LBB2_5:
0x13: {  	s19 =	rddreg [dreg:$0x4]  }
0x14: {  	s18 =	rddreg [dreg:$0x3];
	s19 =	sadd.s32 $0x1, s19  }
0x15: {  	p0 =	sne.s32 s19, s18  }
.Ltmp1:
0x16: {  	_ = 	snop;
	(pc) =	sbr.rel @!p0 .LBB2_6-.Ltmp1, $1  }
0x17: {  	_ =	sdelay $0x3  }
.LBB2_1:
0x18: {  	[dreg:$0x4] =	wrdreg s19  }
0x19: {  	s18 =	rddreg [dreg:$0x2]  }
0x1a: {  	[tilespmem:s2], [sflag:$0x3] =	stream.linear.gather [hbm4b:s18+s2], $0xA00, $0x38;
	[tilespmem:$0x10A00] =	vst v63  }
0x1b: {  	_ =	swait.ge [sflag:s8], $0xA00  }
0x1c: {  	[sflag:s8] =	ssyncset.done $0x0  }
0x1d: {  	[sflag:s8] =	ssyncadd.s32 $0xFFFFF600  }
0x1e: {  	v3 =	vld [tilespmem:$0x0];
	_ =	sdelay $0x4  }
0x1f: {  	v4 =	vshll.u32 v3, $0x2  }
0x20: {  	v3 =	vand.u32 $0x7, v3;
	v4 =	vand.u32 $0xFFFFFFE0, v4  }
0x21: {  	v3 =	vor.u32 v3, v4  }
0x22: {  	v4 =	vperm.xlane v3, v0;
	_ =	sdelay $0x1  }
0x23: {  	v4 =	vadd.s32 v1, v4;
	_ =	sdelay $0x1  }
0x24: {  	v3 =	vperm.xlane v3, v2;
	_ =	sdelay $0x1  }
0x25: {  	v3 =	vadd.s32 v1, v3  }
0x26: {  	[tilespmem:s9], [sflag:$0x1] =	stream.indirect_vreg.gather [hbm4b:s3+s2], $0x80, v4, vm0, $0xb8;
	[tilespmem:$0x10A00] =	vst v63  }
0x27: {  	s19 =	simm.s32 $0x1200  }
0x28: {  	[tilespmem:s19], [sflag:$0x1] =	stream.indirect_vreg.gather [hbm4b:s5+s2], $0x80, v4, vm0, $0xb8;
	[tilespmem:$0x10A00] =	vst v63  }
0x29: {  	s20 =	simm.s32 $0x1A00  }
0x2a: {  	[tilespmem:s20], [sflag:$0x1] =	stream.indirect_vreg.gather [hbm4b:s3+s2], $0x80, v3, vm0, $0xb8;
	[tilespmem:$0x10A00] =	vst v63  }
0x2b: {  	s21 =	simm.s32 $0x2200  }
0x2c: {  	[tilespmem:s21], [sflag:$0x1] =	stream.indirect_vreg.gather [hbm4b:s5+s2], $0x80, v3, vm0, $0xb8;
	[tilespmem:$0x10A00] =	vst v63  }
0x2d: {  	v3 =	vld [tilespmem:$0x10];
	_ =	sdelay $0x4  }
0x2e: {  	v61 =	vshll.u32 v3, $0x2  }
0x2f: {  	v3 =	vand.u32 $0x7, v3;
	v4 =	vand.u32 $0xFFFFFFE0, v61  }
0x30: {  	v3 =	vor.u32 v3, v4  }
0x31: {  	v4 =	vperm.xlane v3, v0;
	_ =	sdelay $0x1  }
0x32: {  	v4 =	vadd.s32 v1, v4;
	_ =	sdelay $0x1  }
0x33: {  	v3 =	vperm.xlane v3, v2;
	_ =	sdelay $0x1  }
0x34: {  	s19 =	simm.s32 $0x2A00;
	v3 =	vadd.s32 v1, v3  }
0x35: {  	[tilespmem:s19], [sflag:$0x1] =	stream.indirect_vreg.gather [hbm4b:s3+s2], $0x80, v4, vm0, $0xb8;
	[tilespmem:$0x10A00] =	vst v63  }
0x36: {  	s20 =	simm.s32 $0x3200  }
0x37: {  	[tilespmem:s20], [sflag:$0x1] =	stream.indirect_vreg.gather [hbm4b:s5+s2], $0x80, v4, vm0, $0xb8;
	[tilespmem:$0x10A00] =	vst v63  }
0x38: {  	s21 =	simm.s32 $0x3A00  }
0x39: {  	[tilespmem:s21], [sflag:$0x1] =	stream.indirect_vreg.gather [hbm4b:s3+s2], $0x80, v3, vm0, $0xb8;
	[tilespmem:$0x10A00] =	vst v63  }
0x3a: {  	s19 =	simm.s32 $0x4200  }
0x3b: {  	[tilespmem:s19], [sflag:$0x1] =	stream.indirect_vreg.gather [hbm4b:s5+s2], $0x80, v3, vm0, $0xb8;
	[tilespmem:$0x10A00] =	vst v63  }
0x3c: {  	v3 =	vld [tilespmem:$0x20];
	_ =	sdelay $0x4  }
0x3d: {  	v62 =	vshll.u32 v3, $0x2  }
0x3e: {  	v3 =	vand.u32 $0x7, v3;
	v4 =	vand.u32 $0xFFFFFFE0, v62  }
0x3f: {  	v3 =	vor.u32 v3, v4  }
0x40: {  	v4 =	vperm.xlane v3, v0;
	_ =	sdelay $0x1  }
0x41: {  	v4 =	vadd.s32 v1, v4;
	_ =	sdelay $0x1  }
0x42: {  	v3 =	vperm.xlane v3, v2;
	_ =	sdelay $0x1  }
0x43: {  	s20 =	simm.s32 $0x4A00;
	v3 =	vadd.s32 v1, v3  }
0x44: {  	[tilespmem:s20], [sflag:$0x1] =	stream.indirect_vreg.gather [hbm4b:s3+s2], $0x80, v4, vm0, $0xb8;
	[tilespmem:$0x10A00] =	vst v63  }
0x45: {  	s21 =	simm.s32 $0x5200  }
0x46: {  	[tilespmem:s21], [sflag:$0x1] =	stream.indirect_vreg.gather [hbm4b:s5+s2], $0x80, v4, vm0, $0xb8;
	[tilespmem:$0x10A00] =	vst v63  }
0x47: {  	s19 =	simm.s32 $0x5A00  }
0x48: {  	[tilespmem:s19], [sflag:$0x1] =	stream.indirect_vreg.gather [hbm4b:s3+s2], $0x80, v3, vm0, $0xb8;
	[tilespmem:$0x10A00] =	vst v63  }
0x49: {  	s20 =	simm.s32 $0x6200  }
0x4a: {  	[tilespmem:s20], [sflag:$0x1] =	stream.indirect_vreg.gather [hbm4b:s5+s2], $0x80, v3, vm0, $0xb8;
	[tilespmem:$0x10A00] =	vst v63  }
0x4b: {  	v3 =	vld [tilespmem:$0x30];
	_ =	sdelay $0x4  }
0x4c: {  	v63 =	vshll.u32 v3, $0x2  }
0x4d: {  	v3 =	vand.u32 $0x7, v3;
	v4 =	vand.u32 $0xFFFFFFE0, v63  }
0x4e: {  	v3 =	vor.u32 v3, v4  }
0x4f: {  	v4 =	vperm.xlane v3, v0;
	_ =	sdelay $0x1  }
0x50: {  	v4 =	vadd.s32 v1, v4;
	_ =	sdelay $0x2  }
0x51: {  	v3 =	vperm.xlane v3, v2  }
0x52: {  	s21 =	simm.s32 $0x6A00  }
0x53: {  	v3 =	vadd.s32 v1, v3;
	[tilespmem:s21], [sflag:$0x1] =	stream.indirect_vreg.gather [hbm4b:s3+s2], $0x80, v4, vm0, $0xb8;
	[tilespmem:$0x10A00] =	vst v63  }
0x54: {  	_ = 	snop  }
0x55: {  	[tilespmem:s22], [sflag:$0x1] =	stream.indirect_vreg.gather [hbm4b:s5+s2], $0x80, v4, vm0, $0xb8;
	[tilespmem:$0x10A00] =	vst v63  }
.Ltmp2:
0x56: {  	_ = 	snop;
	(pc) =	sbr.rel .LBB2_2-.Ltmp2, $4  }
0x57: {  	_ = 	snop  }
0x58: {  	[tilespmem:s23], [sflag:$0x1] =	stream.indirect_vreg.gather [hbm4b:s3+s2], $0x80, v3, vm0, $0xb8;
	[tilespmem:$0x10A00] =	vst v63  }
0x59: {  	s18 =	simm.s32 $0x60;
	s19 =	simm.s32 $0x0  }
0x5a: {  	[tilespmem:s24], [sflag:$0x1] =	stream.indirect_vreg.gather [hbm4b:s5+s2], $0x80, v3, vm0, $0xb8;
	[tilespmem:$0x10A00] =	vst v63  }
.LBB2_4:
0x5b: {  	_ =	swait.ge [sflag:s17], $0x8000;
	s19 =	sadd.s32 $0x2000, s19  }
0x5c: {  	[sflag:s17] =	ssyncset.done $0x0;
	p0 =	sne.s32 s19, $0x28000  }
.Ltmp3:
0x5d: {  	s20 =	sadd.s32 $0x1000, s20;
	[sflag:s17] =	ssyncadd.s32 $0xFFFF8000;
	(pc) =	sbr.rel @!p0 .LBB2_5-.Ltmp3, $4  }
0x5e: {  	[hbm4b:s20+s2] =	stream.linear.scatter [tilespmem:s25], [sflag:$0x3], $0x8000, $0x38;
	[tilespmem:$0x10A00] =	vst v63  }
0x5f: {  	_ =	swait.ge [sflag:s8], $0x8000  }
0x60: {  	[sflag:s8] =	ssyncset.done $0x0  }
0x61: {  	s18 =	sadd.s32 $0x80, s18;
	[sflag:s8] =	ssyncadd.s32 $0xFFFF8000  }
.LBB2_2:
0x62: {  	v3 =	vld [tilespmem:s18+$0xFFFFFFE0];
	_ =	sdelay $0x4  }
0x63: {  	v4 =	vshll.u32 v3, $0x2  }
0x64: {  	v3 =	vand.u32 $0x7, v3;
	v4 =	vand.u32 $0xFFFFFFE0, v4  }
0x65: {  	v3 =	vor.u32 v3, v4  }
0x66: {  	v4 =	vperm.xlane v3, v0;
	_ =	sdelay $0x1  }
0x67: {  	v4 =	vadd.s32 v1, v4;
	_ =	sdelay $0x1  }
0x68: {  	v3 =	vperm.xlane v3, v2;
	_ =	sdelay $0x1  }
0x69: {  	v3 =	vadd.s32 v1, v3  }
0x6a: {  	[tilespmem:s25], [sflag:$0x2] =	stream.indirect_vreg.gather [hbm4b:s3+s2], $0x80, v4, vm0, $0xb8;
	[tilespmem:$0x10A00] =	vst v63  }
0x6b: {  	_ = 	snop  }
0x6c: {  	[tilespmem:s26], [sflag:$0x2] =	stream.indirect_vreg.gather [hbm4b:s5+s2], $0x80, v4, vm0, $0xb8;
	[tilespmem:$0x10A00] =	vst v63  }
0x6d: {  	_ = 	snop  }
0x6e: {  	[tilespmem:s28], [sflag:$0x2] =	stream.indirect_vreg.gather [hbm4b:s3+s2], $0x80, v3, vm0, $0xb8;
	[tilespmem:$0x10A00] =	vst v63  }
0x6f: {  	_ = 	snop  }
0x70: {  	[tilespmem:s29], [sflag:$0x2] =	stream.indirect_vreg.gather [hbm4b:s5+s2], $0x80, v3, vm0, $0xb8;
	[tilespmem:$0x10A00] =	vst v63  }
0x71: {  	v3 =	vld [tilespmem:s18+$0xFFFFFFF0];
	_ =	sdelay $0x4  }
0x72: {  	v61 =	vshll.u32 v3, $0x2  }
0x73: {  	v3 =	vand.u32 $0x7, v3;
	v4 =	vand.u32 $0xFFFFFFE0, v61  }
0x74: {  	v3 =	vor.u32 v3, v4  }
0x75: {  	v4 =	vperm.xlane v3, v0;
	_ =	sdelay $0x1  }
0x76: {  	v4 =	vadd.s32 v1, v4;
	_ =	sdelay $0x1  }
0x77: {  	v3 =	vperm.xlane v3, v2;
	_ =	sdelay $0x1  }
0x78: {  	v3 =	vadd.s32 v1, v3  }
0x79: {  	[tilespmem:s30], [sflag:$0x2] =	stream.indirect_vreg.gather [hbm4b:s3+s2], $0x80, v4, vm0, $0xb8;
	[tilespmem:$0x10A00] =	vst v63  }
0x7a: {  	_ = 	snop  }
0x7b: {  	[tilespmem:s31], [sflag:$0x2] =	stream.indirect_vreg.gather [hbm4b:s5+s2], $0x80, v4, vm0, $0xb8;
	[tilespmem:$0x10A00] =	vst v63  }
0x7c: {  	_ = 	snop  }
0x7d: {  	[tilespmem:s1], [sflag:$0x2] =	stream.indirect_vreg.gather [hbm4b:s3+s2], $0x80, v3, vm0, $0xb8;
	[tilespmem:$0x10A00] =	vst v63  }
0x7e: {  	_ = 	snop  }
0x7f: {  	[tilespmem:s0], [sflag:$0x2] =	stream.indirect_vreg.gather [hbm4b:s5+s2], $0x80, v3, vm0, $0xb8;
	[tilespmem:$0x10A00] =	vst v63  }
0x80: {  	v3 =	vld [tilespmem:s18+$0x0];
	_ =	sdelay $0x4  }
0x81: {  	v62 =	vshll.u32 v3, $0x2  }
0x82: {  	v3 =	vand.u32 $0x7, v3;
	v4 =	vand.u32 $0xFFFFFFE0, v62  }
0x83: {  	v3 =	vor.u32 v3, v4  }
0x84: {  	v4 =	vperm.xlane v3, v0;
	_ =	sdelay $0x1  }
0x85: {  	v4 =	vadd.s32 v1, v4;
	_ =	sdelay $0x1  }
0x86: {  	v3 =	vperm.xlane v3, v2;
	_ =	sdelay $0x1  }
0x87: {  	v3 =	vadd.s32 v1, v3  }
0x88: {  	[tilespmem:s4], [sflag:$0x2] =	stream.indirect_vreg.gather [hbm4b:s3+s2], $0x80, v4, vm0, $0xb8;
	[tilespmem:$0x10A00] =	vst v63  }
0x89: {  	_ = 	snop  }
0x8a: {  	[tilespmem:s6], [sflag:$0x2] =	stream.indirect_vreg.gather [hbm4b:s5+s2], $0x80, v4, vm0, $0xb8;
	[tilespmem:$0x10A00] =	vst v63  }
0x8b: {  	_ = 	snop  }
0x8c: {  	[tilespmem:s10], [sflag:$0x2] =	stream.indirect_vreg.gather [hbm4b:s3+s2], $0x80, v3, vm0, $0xb8;
	[tilespmem:$0x10A00] =	vst v63  }
0x8d: {  	_ = 	snop  }
0x8e: {  	[tilespmem:s11], [sflag:$0x2] =	stream.indirect_vreg.gather [hbm4b:s5+s2], $0x80, v3, vm0, $0xb8;
	[tilespmem:$0x10A00] =	vst v63  }
0x8f: {  	v3 =	vld [tilespmem:s18+$0x10];
	_ =	sdelay $0x4  }
0x90: {  	v63 =	vshll.u32 v3, $0x2  }
0x91: {  	v3 =	vand.u32 $0x7, v3;
	v4 =	vand.u32 $0xFFFFFFE0, v63  }
0x92: {  	v3 =	vor.u32 v3, v4  }
0x93: {  	v4 =	vperm.xlane v3, v0;
	_ =	sdelay $0x1  }
0x94: {  	v4 =	vadd.s32 v1, v4;
	_ =	sdelay $0x1  }
0x95: {  	v3 =	vperm.xlane v3, v2;
	_ =	sdelay $0x1  }
0x96: {  	v3 =	vadd.s32 v1, v3  }
0x97: {  	[tilespmem:s12], [sflag:$0x2] =	stream.indirect_vreg.gather [hbm4b:s3+s2], $0x80, v4, vm0, $0xb8;
	[tilespmem:$0x10A00] =	vst v63  }
0x98: {  	_ = 	snop  }
0x99: {  	[tilespmem:s13], [sflag:$0x2] =	stream.indirect_vreg.gather [hbm4b:s5+s2], $0x80, v4, vm0, $0xb8;
	[tilespmem:$0x10A00] =	vst v63  }
0x9a: {  	_ = 	snop  }
0x9b: {  	[tilespmem:s14], [sflag:$0x2] =	stream.indirect_vreg.gather [hbm4b:s3+s2], $0x80, v3, vm0, $0xb8;
	[tilespmem:$0x10A00] =	vst v63  }
0x9c: {  	_ = 	snop  }
0x9d: {  	[tilespmem:s15], [sflag:$0x2] =	stream.indirect_vreg.gather [hbm4b:s5+s2], $0x80, v3, vm0, $0xb8;
	[tilespmem:$0x10A00] =	vst v63  }
0x9e: {  	_ =	swait.ge [sflag:s16], $0x8000  }
0x9f: {  	p0 =	seq.s32 s19, $0x26000;
	[sflag:s16] =	ssyncset.done $0x0  }
.Ltmp4:
0xa0: {  	s20 =	sadd.s32 s19, s7;
	[sflag:s16] =	ssyncadd.s32 $0xFFFF8000;
	(pc) =	sbr.rel @p0 .LBB2_4-.Ltmp4, $4  }
0xa1: {  	[hbm4b:s20+s2] =	stream.linear.scatter [tilespmem:s9], [sflag:$0x3], $0x8000, $0x38;
	[tilespmem:$0x10A00] =	vst v63  }
0xa2: {  	_ =	swait.ge [sflag:s8], $0x8000  }
0xa3: {  	[sflag:s8] =	ssyncset.done $0x0  }
0xa4: {  	[sflag:s8] =	ssyncadd.s32 $0xFFFF8000  }
0xa5: {  	v3 =	vld [tilespmem:s18+$0x20];
	_ =	sdelay $0x4  }
0xa6: {  	v4 =	vshll.u32 v3, $0x2  }
0xa7: {  	v3 =	vand.u32 $0x7, v3;
	v4 =	vand.u32 $0xFFFFFFE0, v4  }
0xa8: {  	v3 =	vor.u32 v3, v4  }
0xa9: {  	v4 =	vperm.xlane v3, v0;
	_ =	sdelay $0x1  }
0xaa: {  	v4 =	vadd.s32 v1, v4;
	_ =	sdelay $0x1  }
0xab: {  	v3 =	vperm.xlane v3, v2;
	_ =	sdelay $0x1  }
0xac: {  	v3 =	vadd.s32 v1, v3  }
0xad: {  	[tilespmem:s9], [sflag:$0x1] =	stream.indirect_vreg.gather [hbm4b:s3+s2], $0x80, v4, vm0, $0xb8;
	[tilespmem:$0x10A00] =	vst v63  }
0xae: {  	s21 =	simm.s32 $0x1200  }
0xaf: {  	[tilespmem:s21], [sflag:$0x1] =	stream.indirect_vreg.gather [hbm4b:s5+s2], $0x80, v4, vm0, $0xb8;
	[tilespmem:$0x10A00] =	vst v63  }
0xb0: {  	s21 =	simm.s32 $0x1A00  }
0xb1: {  	[tilespmem:s21], [sflag:$0x1] =	stream.indirect_vreg.gather [hbm4b:s3+s2], $0x80, v3, vm0, $0xb8;
	[tilespmem:$0x10A00] =	vst v63  }
0xb2: {  	s21 =	simm.s32 $0x2200  }
0xb3: {  	[tilespmem:s21], [sflag:$0x1] =	stream.indirect_vreg.gather [hbm4b:s5+s2], $0x80, v3, vm0, $0xb8;
	[tilespmem:$0x10A00] =	vst v63  }
0xb4: {  	v3 =	vld [tilespmem:s18+$0x30];
	_ =	sdelay $0x4  }
0xb5: {  	v61 =	vshll.u32 v3, $0x2  }
0xb6: {  	v3 =	vand.u32 $0x7, v3;
	v4 =	vand.u32 $0xFFFFFFE0, v61  }
0xb7: {  	v3 =	vor.u32 v3, v4  }
0xb8: {  	v4 =	vperm.xlane v3, v0;
	_ =	sdelay $0x1  }
0xb9: {  	v4 =	vadd.s32 v1, v4;
	_ =	sdelay $0x1  }
0xba: {  	v3 =	vperm.xlane v3, v2;
	_ =	sdelay $0x1  }
0xbb: {  	s21 =	simm.s32 $0x2A00;
	v3 =	vadd.s32 v1, v3  }
0xbc: {  	[tilespmem:s21], [sflag:$0x1] =	stream.indirect_vreg.gather [hbm4b:s3+s2], $0x80, v4, vm0, $0xb8;
	[tilespmem:$0x10A00] =	vst v63  }
0xbd: {  	s21 =	simm.s32 $0x3200  }
0xbe: {  	[tilespmem:s21], [sflag:$0x1] =	stream.indirect_vreg.gather [hbm4b:s5+s2], $0x80, v4, vm0, $0xb8;
	[tilespmem:$0x10A00] =	vst v63  }
0xbf: {  	s21 =	simm.s32 $0x3A00  }
0xc0: {  	[tilespmem:s21], [sflag:$0x1] =	stream.indirect_vreg.gather [hbm4b:s3+s2], $0x80, v3, vm0, $0xb8;
	[tilespmem:$0x10A00] =	vst v63  }
0xc1: {  	s21 =	simm.s32 $0x4200  }
0xc2: {  	[tilespmem:s21], [sflag:$0x1] =	stream.indirect_vreg.gather [hbm4b:s5+s2], $0x80, v3, vm0, $0xb8;
	[tilespmem:$0x10A00] =	vst v63  }
0xc3: {  	v3 =	vld [tilespmem:s18+$0x40];
	_ =	sdelay $0x4  }
0xc4: {  	v62 =	vshll.u32 v3, $0x2  }
0xc5: {  	v3 =	vand.u32 $0x7, v3;
	v4 =	vand.u32 $0xFFFFFFE0, v62  }
0xc6: {  	v3 =	vor.u32 v3, v4  }
0xc7: {  	v4 =	vperm.xlane v3, v0;
	_ =	sdelay $0x1  }
0xc8: {  	v4 =	vadd.s32 v1, v4;
	_ =	sdelay $0x1  }
0xc9: {  	v3 =	vperm.xlane v3, v2;
	_ =	sdelay $0x1  }
0xca: {  	s21 =	simm.s32 $0x4A00;
	v3 =	vadd.s32 v1, v3  }
0xcb: {  	[tilespmem:s21], [sflag:$0x1] =	stream.indirect_vreg.gather [hbm4b:s3+s2], $0x80, v4, vm0, $0xb8;
	[tilespmem:$0x10A00] =	vst v63  }
0xcc: {  	s21 =	simm.s32 $0x5200  }
0xcd: {  	[tilespmem:s21], [sflag:$0x1] =	stream.indirect_vreg.gather [hbm4b:s5+s2], $0x80, v4, vm0, $0xb8;
	[tilespmem:$0x10A00] =	vst v63  }
0xce: {  	s21 =	simm.s32 $0x5A00  }
0xcf: {  	[tilespmem:s21], [sflag:$0x1] =	stream.indirect_vreg.gather [hbm4b:s3+s2], $0x80, v3, vm0, $0xb8;
	[tilespmem:$0x10A00] =	vst v63  }
0xd0: {  	s21 =	simm.s32 $0x6200  }
0xd1: {  	[tilespmem:s21], [sflag:$0x1] =	stream.indirect_vreg.gather [hbm4b:s5+s2], $0x80, v3, vm0, $0xb8;
	[tilespmem:$0x10A00] =	vst v63  }
0xd2: {  	v3 =	vld [tilespmem:s18+$0x50];
	_ =	sdelay $0x4  }
0xd3: {  	v63 =	vshll.u32 v3, $0x2  }
0xd4: {  	v3 =	vand.u32 $0x7, v3;
	v4 =	vand.u32 $0xFFFFFFE0, v63  }
0xd5: {  	v3 =	vor.u32 v3, v4  }
0xd6: {  	v4 =	vperm.xlane v3, v0;
	_ =	sdelay $0x1  }
0xd7: {  	v4 =	vadd.s32 v1, v4;
	_ =	sdelay $0x2  }
0xd8: {  	v3 =	vperm.xlane v3, v2  }
0xd9: {  	s21 =	simm.s32 $0x6A00  }
0xda: {  	v3 =	vadd.s32 v1, v3;
	[tilespmem:s21], [sflag:$0x1] =	stream.indirect_vreg.gather [hbm4b:s3+s2], $0x80, v4, vm0, $0xb8;
	[tilespmem:$0x10A00] =	vst v63  }
0xdb: {  	_ = 	snop  }
0xdc: {  	[tilespmem:s22], [sflag:$0x1] =	stream.indirect_vreg.gather [hbm4b:s5+s2], $0x80, v4, vm0, $0xb8;
	[tilespmem:$0x10A00] =	vst v63  }
.Ltmp5:
0xdd: {  	_ = 	snop;
	(pc) =	sbr.rel .LBB2_4-.Ltmp5, $4  }
0xde: {  	_ = 	snop  }
0xdf: {  	[tilespmem:s23], [sflag:$0x1] =	stream.indirect_vreg.gather [hbm4b:s3+s2], $0x80, v3, vm0, $0xb8;
	[tilespmem:$0x10A00] =	vst v63  }
0xe0: {  	_ = 	snop  }
0xe1: {  	[tilespmem:s24], [sflag:$0x1] =	stream.indirect_vreg.gather [hbm4b:s5+s2], $0x80, v3, vm0, $0xb8;
	[tilespmem:$0x10A00] =	vst v63  }
.LBB2_6:
0xe2: {  	_ =	sfence.sel $0x180000  }
0xe3: {  	[bflag:$0x0] =	sbarrier.arrive $0xFFFF  }
0xe4: {  	_ =	strace $0x90000053  }
0xe5: {  	s0 =	stileid.u32;
	[bflag:$0x2] =	sbarrier.arrive $0xFFFF  }
0xe6: {  	p0 =	sne.s32 s0, $0x0;
	s0 =	rddreg [dreg:$0x1]  }
0xe7: {  	s0 =	sadd.s32 @!p0 $0x100000, s0  }
0xe8: {  	[sflag:s0] =	ssyncadd.tile.s32 @!p0 $0x1;
	_ =	shalt  }
.Lfunc_end2:
_tile_overlayer_lowered:
.L_overlay_start_2:
0xe9: {  	(tag) =	ssettag $0x2  }
0xea: {  	s0 =	rddreg [dreg:$0x0];
	s2 =	stileid.u32  }
0xeb: {  	s1 =	rddreg [dreg:$0x1];
	p0 =	sne.s32 s2, $0x0  }
0xec: {  	s3 =	rddreg [dreg:$0x2];
	[bflag:$0x3] =	sbarrier.arrive $0xFFFF;
	s2 =	simm.s32 @!p0 $0x1C03  }
0xed: {  	[timem:s3], [sflag:s2] =	dma.local @!p0 [hbm:s0], s1  }
0xee: {  	s0 =	simm.s32 @!p0 $0x3  }
0xef: {  	_ =	swait.ge @!p0 [sflag:s0], s1  }
0xf0: {  	s1 =	ssub.s32 @!p0 $0x0, s1;
	[sflag:s0] =	ssyncset.done @!p0 $0x0  }
0xf1: {  	[sflag:s0] =	ssyncadd.s32 @!p0 s1  }
0xf2: {  	[bflag:$0x3] =	sbarrier.arrive $0xFFFF  }
0xf3: {  	_ =	shalt  }

</sc_bundles>
